<compile_context>
chip_gen: v7x
topology: tpu7x:2x2x1
jax: 0.10.2.dev20260603
libtpu: 0.0.44.dev20260713+nightly
codegen_flags: <defaults>
</compile_context>

<pallas_src>
import jax
import jax.numpy as jnp
from jax import lax
from jax.experimental import pallas as pl
from jax.experimental.pallas import tpu as pltpu
from jax.experimental.pallas import tpu_sc as plsc

N_NODES = 10000
C = 128
B = 200
NPG = 50
T_STEPS = 2 * NPG
M_EDGES = 320000

SC_TILES = 16
EDGES_PAD = 327680
EDGES_PER_TILE = EDGES_PAD // SC_TILES
CHUNK = 4096
CHUNK_ROWS = CHUNK // 128
N_CHUNKS = EDGES_PER_TILE // CHUNK
PLANE = 50 * 256
TABLE_LIVE = NPG * PLANE
TABLE_SIZE = 655360
ZBUF = 5120
OUT_BLK = 5000


def _sc_hist_body(edges_ref, out_ref, table, ebuf, idxbuf, ones, zbuf, cbuf):
    c = lax.axis_index("c")
    s = lax.axis_index("s")
    lanes = lax.iota(jnp.int32, 16)

    def fill_z(i, carry):
        zbuf[pl.ds(i * 16, 16)] = jnp.zeros((16,), jnp.float32)
        return carry

    lax.fori_loop(0, ZBUF // 16, fill_z, 0)

    def fill_o(i, carry):
        ones[pl.ds(i * 16, 16)] = jnp.full((16,), 1.0, jnp.float32)
        return carry

    lax.fori_loop(0, 128 // 16, fill_o, 0)

    stripe = TABLE_SIZE // SC_TILES
    for k in range(stripe // ZBUF):
        pltpu.sync_copy(zbuf, table.at[pl.ds(s * stripe + k * ZBUF, ZBUF)])
    plsc.subcore_barrier()

    def chunk_step(k, carry):
        cb = s * EDGES_PER_TILE + k * CHUNK
        for r in range(4):
            pltpu.sync_copy(edges_ref.at[r, pl.ds(cb, CHUNK)], ebuf.at[r])
        for j in range(CHUNK_ROWS):
            def lane_step(l, carry2):
                off = j * 128 + l * 16
                src = ebuf[0, pl.ds(off, 16)]
                dst = ebuf[1, pl.ds(off, 16)]
                dis = ebuf[2, pl.ds(off, 16)]
                g = ebuf[3, pl.ds(off, 16)]
                p = jnp.where(c == 0, dst, NPG - 1 - src)
                sn = jnp.where(c == 0, src, dst)
                idx = p * PLANE + sn * 256 + g
                dead = TABLE_LIVE + ((off + cb) & 4080) + lanes
                idx = jnp.where(dis == 1, idx, dead)
                idxbuf[j, pl.ds(l * 16, 16)] = idx
                return carry2

            lax.fori_loop(0, 128 // 16, lane_step, 0)
        def scat(j, carry2):
            pltpu.sync_copy(ones, table.at[idxbuf.at[j]], add=True)
            return carry2

        lax.fori_loop(0, CHUNK_ROWS, scat, 0)
        return carry

    lax.fori_loop(0, N_CHUNKS, chunk_step, 0)
    plsc.subcore_barrier()

    n_blocks = TABLE_LIVE // OUT_BLK

    def out_step(i, carry):
        q = s + i * SC_TILES

        @pl.when(q < n_blocks)
        def _():
            pltpu.sync_copy(table.at[pl.ds(q * OUT_BLK, OUT_BLK)], cbuf)
            pltpu.sync_copy(cbuf, out_ref.at[pl.ds(c * TABLE_LIVE + q * OUT_BLK, OUT_BLK)])

        return carry

    lax.fori_loop(0, (n_blocks + SC_TILES - 1) // SC_TILES, out_step, 0)


def _sc_histogram(edges):
    et = jnp.pad(edges.T.astype(jnp.int32), ((0, 0), (0, EDGES_PAD - M_EDGES)))
    mesh = plsc.VectorSubcoreMesh(core_axis_name="c", subcore_axis_name="s")
    hist = pl.kernel(
        _sc_hist_body,
        out_type=jax.ShapeDtypeStruct((2 * TABLE_LIVE,), jnp.float32),
        mesh=mesh,
        scratch_types=[
            pltpu.VMEM_SHARED((TABLE_SIZE,), jnp.float32),
            pltpu.VMEM((4, CHUNK), jnp.int32),
            pltpu.VMEM((CHUNK_ROWS, 128), jnp.int32),
            pltpu.VMEM((128,), jnp.float32),
            pltpu.VMEM((ZBUF,), jnp.float32),
            pltpu.VMEM((OUT_BLK,), jnp.float32),
        ],
    )(et)
    return hist.reshape(T_STEPS, NPG, 256)


def _gnn_tc_kernel(n_ref, x_ref, cnt_ref, w1_ref, b1_ref, w2_ref, b2_ref,
                   wg_ref, bg_ref, out_ref, msg_ref):
    out_ref[...] = x_ref[...]

    w1 = w1_ref[...]
    b1 = b1_ref[...]
    w2 = w2_ref[...]
    b2 = b2_ref[...]
    wg = wg_ref[...]
    bg = bg_ref[...]
    n_local_t = n_ref[0]

    def _mlp(h):
        h = jnp.maximum(jnp.dot(w1, h, preferred_element_type=jnp.float32) + b1, 0.0)
        return jnp.maximum(jnp.dot(w2, h, preferred_element_type=jnp.float32) + b2, 0.0)

    for i in range(NPG):
        msg_ref[i] = _mlp(x_ref[i])

    def step(t, carry):
        node = jnp.where(t < NPG, t, (T_STEPS - 1) - t)
        cnt = cnt_ref[pl.ds(t, 1)][0]
        m = cnt[0:1, 0:B] * msg_ref[0]
        for s in range(1, NPG):
            m = m + cnt[s:s + 1, 0:B] * msg_ref[s]
        hprev = out_ref[pl.ds(node, 1)][0]
        mh = jnp.concatenate([m, hprev], axis=0)
        g = jnp.dot(wg, mh, preferred_element_type=jnp.float32) + bg
        r = jax.nn.sigmoid(g[0:C])
        z = jax.nn.sigmoid(g[C:2 * C])
        n = jnp.tanh(g[2 * C:3 * C] + r * g[3 * C:4 * C])
        hnew = (1.0 - z) * n + z * hprev
        hsel = jnp.where(node < n_local_t, hnew, hprev)
        out_ref[pl.ds(node, 1)] = hsel[None]
        msg_ref[pl.ds(node, 1)] = _mlp(hsel)[None]
        return carry

    jax.lax.fori_loop(0, T_STEPS, step, 0)


def kernel(x, edges, node_graph_ind, mlp_w1, mlp_b1, mlp_w2, mlp_b2,
           gru_w_ih, gru_w_hh, gru_b_ih, gru_b_hh):
    del node_graph_ind
    cnt = _sc_histogram(edges)
    n_local_t = (jnp.max(edges[:, 1]) + 1).astype(jnp.int32).reshape(1)
    x_cm = x.reshape(B, NPG, C).transpose(1, 2, 0)

    zeros_cc = jnp.zeros((C, C), jnp.float32)
    wg = jnp.concatenate([
        jnp.concatenate([gru_w_ih[0:2 * C], gru_w_hh[0:2 * C]], axis=1),
        jnp.concatenate([gru_w_ih[2 * C:3 * C], zeros_cc], axis=1),
        jnp.concatenate([zeros_cc, gru_w_hh[2 * C:3 * C]], axis=1),
    ], axis=0)
    bgv = jnp.concatenate([gru_b_ih[0:2 * C] + gru_b_hh[0:2 * C],
                           gru_b_ih[2 * C:3 * C], gru_b_hh[2 * C:3 * C]])

    vmem = pl.BlockSpec(memory_space=pltpu.VMEM)
    out = pl.pallas_call(
        _gnn_tc_kernel,
        out_shape=jax.ShapeDtypeStruct((NPG, C, B), jnp.float32),
        in_specs=[pl.BlockSpec(memory_space=pltpu.SMEM)] + [vmem] * 8,
        out_specs=vmem,
        scratch_shapes=[pltpu.VMEM((NPG, C, B), jnp.float32)],
    )(n_local_t, x_cm, cnt,
      mlp_w1, jnp.broadcast_to(mlp_b1[:, None], (C, B)),
      mlp_w2, jnp.broadcast_to(mlp_b2[:, None], (C, B)),
      wg, jnp.broadcast_to(bgv[:, None], (4 * C, B)))

    return out.transpose(2, 0, 1).reshape(N_NODES, C)

# --- scband reference (transcript-rebuilt; emitter-appended) ---
"""Pipeline reference for scband-gated-gnn-67199058313551 (READ-ONLY COPY).

The authoritative reference and input builder live on the scoring server;
editing this copy changes nothing except your own understanding.
"""

import jax, jax.numpy as jnp
import numpy as np


def _mlp(h, w1, b1, w2, b2):
    h = jax.nn.relu(h @ w1.T + b1)
    return jax.nn.relu(h @ w2.T + b2)


def _gru_cell(x, h, w_ih, w_hh, b_ih, b_hh):
    gi = x @ w_ih.T + b_ih
    gh = h @ w_hh.T + b_hh
    i_r, i_z, i_n = jnp.split(gi, 3, axis=1)
    h_r, h_z, h_n = jnp.split(gh, 3, axis=1)
    r = jax.nn.sigmoid(i_r + h_r)
    z = jax.nn.sigmoid(i_z + h_z)
    n = jnp.tanh(i_n + r * h_n)
    return (1.0 - z) * n + z * h


def _gated_gnn_forward(x, edges, node_graph_ind, mlp_w1, mlp_b1, mlp_w2, mlp_b2,
                       gru_w_ih, gru_w_hh, gru_b_ih, gru_b_hh, T=1):
    B = 200
    n_nodes = jnp.zeros((B,), dtype=jnp.int32).at[node_graph_ind].add(1)
    C = x.shape[1]
    ve = edges[:, 2]
    edge_graph_ind = edges[:, 3]
    is_1hop = ve == 1
    offset_base = jnp.concatenate([jnp.zeros((1,), dtype=n_nodes.dtype), jnp.cumsum(n_nodes[:-1])])
    edge_offset = offset_base[edge_graph_ind]
    node_inds = (jnp.arange(x.shape[0]) - offset_base[node_graph_ind]).reshape(-1, 1)
    n_local = x.shape[0] // B
    n_local_t = jnp.max(edges[:, 1]) + 1
    all_nodes = np.arange(n_local)
    loc = jnp.arange(n_local)
    masks_all, masks_1hop = {}, {}
    for order in (1, 0):
        ma = edges[:, order].reshape(1, -1) == loc.reshape(-1, 1)
        masks_all[order] = ma
        masks_1hop[order] = ma & is_1hop.reshape(1, -1)
    mask2d = node_inds == loc.reshape(1, -1)
    hx = x
    for _ in range(T):
        for order in (1, 0):
            start = edges[:, 1 - order] + edge_offset
            node_order = all_nodes if order else all_nodes[::-1]
            for node in node_order:
                node = int(node)
                emask = masks_1hop[order][node, :]
                msg = _mlp(hx, mlp_w1, mlp_b1, mlp_w2, mlp_b2)
                contrib = jnp.where(emask.reshape(-1, 1), msg[start], jnp.zeros((1, C), dtype=msg.dtype))
                m = jnp.zeros((B, C), dtype=msg.dtype).at[edge_graph_ind].add(contrib)
                ind = jnp.nonzero(mask2d[:, node], size=B)[0]
                if B > 1:
                    m = m[node_graph_ind[ind]]
                upd = hx.at[ind].set(_gru_cell(m, hx[ind], gru_w_ih, gru_w_hh, gru_b_ih, gru_b_hh))
                hx = jnp.where(node < n_local_t, upd, hx)
    return hx


def setup_inputs(seed: int = 0):
    key = jax.random.key(seed)
    ks = jax.random.split(key, 16)
    N, C, B, NPG, M = 10000, 128, 200, 50, 320000
    x = jax.random.normal(ks[0], (N, C), dtype=jnp.float32)
    src = jax.random.randint(ks[1], (M,), 0, NPG)
    dst = jax.random.randint(ks[2], (M,), 0, NPG)
    dist = jax.random.randint(ks[3], (M,), 1, 4)
    gidx = jax.random.randint(ks[4], (M,), 0, B)
    edges = jnp.stack([src, dst, dist, gidx], axis=1)
    node_graph_ind = jnp.repeat(jnp.arange(B), NPG)
    s = 0.05
    mlp_w1 = jax.random.normal(ks[5], (C, C), jnp.float32) * s
    mlp_b1 = jnp.zeros((C,), jnp.float32)
    mlp_w2 = jax.random.normal(ks[6], (C, C), jnp.float32) * s
    mlp_b2 = jnp.zeros((C,), jnp.float32)
    gru_w_ih = jax.random.normal(ks[7], (3 * C, C), jnp.float32) * s
    gru_w_hh = jax.random.normal(ks[8], (3 * C, C), jnp.float32) * s
    gru_b_ih = jnp.zeros((3 * C,), jnp.float32)
    gru_b_hh = jnp.zeros((3 * C,), jnp.float32)
    return {"x": x, "edges": edges, "node_graph_ind": node_graph_ind,
            "mlp_w1": mlp_w1, "mlp_b1": mlp_b1, "mlp_w2": mlp_w2, "mlp_b2": mlp_b2,
            "gru_w_ih": gru_w_ih, "gru_w_hh": gru_w_hh,
            "gru_b_ih": gru_b_ih, "gru_b_hh": gru_b_hh}


def reference(x, edges, node_graph_ind, mlp_w1, mlp_b1, mlp_w2, mlp_b2,
              gru_w_ih, gru_w_hh, gru_b_ih, gru_b_hh):
    return _gated_gnn_forward(x, edges, node_graph_ind, mlp_w1, mlp_b1, mlp_w2, mlp_b2,
                              gru_w_ih, gru_w_hh, gru_b_ih, gru_b_hh, T=1)

if __name__ == "__main__":
    import jax
    _d = setup_inputs()
    print(jax.jit(kernel)(*tuple(_d.values())))

</pallas_src>

<mosaic_0001>
#map = affine_map<(d0, d1) -> (0, 0)>
#map1 = affine_map<(d0, d1) -> (0)>
module attributes {stable_mosaic.version = 14 : i64} {
  func.func @_sc_hist_body(%arg0: i32, %arg1: i32, %arg2: memref<4x327680xi32, #tpu.memory_space<hbm>>, %arg3: memref<1280000xf32, #tpu.memory_space<hbm>>, %arg4: memref<655360xf32, #tpu.memory_space<vmem_shared>>, %arg5: memref<4x4096xi32, #tpu.memory_space<vmem>>, %arg6: memref<32x128xi32, #tpu.memory_space<vmem>>, %arg7: memref<128xf32, #tpu.memory_space<vmem>>, %arg8: memref<5120xf32, #tpu.memory_space<vmem>>, %arg9: memref<5000xf32, #tpu.memory_space<vmem>>) attributes {dimension_semantics = [#tpu.dimension_semantics<core_parallel>, #tpu.dimension_semantics<subcore_parallel>], iteration_bounds = array<i64: 2, 16>, scalar_prefetch = 0 : i64, scratch_operands = 6 : i64, tpu.core_type = #tpu.core_type<sc_vector_subcore>, window_params = [{transform_indices = #map}, {transform_indices = #map1}]} {
    %iota3A = tpu.iota {dimensions = array<i32: 0>} : vector<16xi32>
    %scan3A = arith.constant 0 : i32
    %scan3A_0 = arith.constant 0 : i32
    %scan3A_1 = arith.constant 320 : i32
    %scan3A_2 = arith.addi %scan3A_0, %scan3A_1 : i32
    %scan3A_3 = arith.constant 1 : i32
    scf.for %scan3A_54 = %scan3A_0 to %scan3A_2 step %scan3A_3  : i32 {
      %broadcast_in_dim3A = arith.constant 0.000000e+00 : f32
      %broadcast_in_dim3A_55 = vector.broadcast %broadcast_in_dim3A : f32 to vector<16xf32>
      %mul3A_56 = arith.constant 16 : i32
      %mul3A_57 = arith.muli %scan3A_54, %mul3A_56 : i32
      %swap3A = arith.index_cast %mul3A_57 : i32 to index
      %swap3A_58 = tpu.vector_load %arg8[%swap3A] {strides = array<i32>} : memref<5120xf32, #tpu.memory_space<vmem>>, vector<16xf32>,
      %swap3A_59 = vector.shape_cast %swap3A_58 : vector<16xf32> to vector<16xf32>
      %swap3A_60 = vector.shape_cast %broadcast_in_dim3A_55 : vector<16xf32> to vector<16xf32>
      tpu.vector_store %arg8[%swap3A], %swap3A_60 {strides = array<i32>} : memref<5120xf32, #tpu.memory_space<vmem>>, vector<16xf32>,
    }
    %scan3A_4 = arith.constant 320 : i32
    %scan3A_5 = arith.constant 0 : i32
    %scan3A_6 = arith.constant 0 : i32
    %scan3A_7 = arith.constant 8 : i32
    %scan3A_8 = arith.addi %scan3A_6, %scan3A_7 : i32
    %scan3A_9 = arith.constant 1 : i32
    scf.for %scan3A_54 = %scan3A_6 to %scan3A_8 step %scan3A_9  : i32 {
      %broadcast_in_dim3A = arith.constant 1.000000e+00 : f32
      %broadcast_in_dim3A_55 = vector.broadcast %broadcast_in_dim3A : f32 to vector<16xf32>
      %mul3A_56 = arith.constant 16 : i32
      %mul3A_57 = arith.muli %scan3A_54, %mul3A_56 : i32
      %swap3A = arith.index_cast %mul3A_57 : i32 to index
      %swap3A_58 = tpu.vector_load %arg7[%swap3A] {strides = array<i32>} : memref<128xf32, #tpu.memory_space<vmem>>, vector<16xf32>,
      %swap3A_59 = vector.shape_cast %swap3A_58 : vector<16xf32> to vector<16xf32>
      %swap3A_60 = vector.shape_cast %broadcast_in_dim3A_55 : vector<16xf32> to vector<16xf32>
      tpu.vector_store %arg7[%swap3A], %swap3A_60 {strides = array<i32>} : memref<128xf32, #tpu.memory_space<vmem>>, vector<16xf32>,
    }
    %scan3A_10 = arith.constant 8 : i32
    %mul3A = arith.constant 40960 : i32
    %mul3A_11 = arith.muli %arg1, %mul3A : i32
    %add3A = arith.constant 0 : i32
    %add3A_12 = arith.addi %mul3A_11, %add3A : i32
    "tpu.region"() ({
      %run_scoped3A = tpu.sem_alloc : memref<!tpu.dma_semaphore, #tpu.memory_space<semaphore_mem>>
      %dma_start3A = tpu.memref_slice %arg4[%add3A_12] : memref<655360xf32, #tpu.memory_space<vmem_shared>> -> memref<5120xf32, #tpu.memory_space<vmem_shared>>
      %dma_start3A_54 = tpu.memref_slice %arg4[%add3A_12] : memref<655360xf32, #tpu.memory_space<vmem_shared>> -> memref<5120xf32, #tpu.memory_space<vmem_shared>>
      tpu.enqueue_dma source(%arg8 : memref<5120xf32, #tpu.memory_space<vmem>>) target(%dma_start3A_54 : memref<5120xf32, #tpu.memory_space<vmem_shared>>) target_semaphore(%run_scoped3A : memref<!tpu.dma_semaphore, #tpu.memory_space<semaphore_mem>>)
      %dma_wait3A = tpu.memref_slice %arg4[%add3A_12] : memref<655360xf32, #tpu.memory_space<vmem_shared>> -> memref<5120xf32, #tpu.memory_space<vmem_shared>>
      %dma_wait3A_55 = tpu.memref_slice %arg4[%add3A_12] : memref<655360xf32, #tpu.memory_space<vmem_shared>> -> memref<5120xf32, #tpu.memory_space<vmem_shared>>
      tpu.wait_dma2 semaphore(%run_scoped3A : memref<!tpu.dma_semaphore, #tpu.memory_space<semaphore_mem>>) src(%arg8 : memref<5120xf32, #tpu.memory_space<vmem>>) dst(%dma_wait3A_55 : memref<5120xf32, #tpu.memory_space<vmem_shared>>)
      tpu.yield
    }) : () -> ()
    %mul3A_13 = arith.constant 40960 : i32
    %mul3A_14 = arith.muli %arg1, %mul3A_13 : i32
    %add3A_15 = arith.constant 5120 : i32
    %add3A_16 = arith.addi %mul3A_14, %add3A_15 : i32
    "tpu.region"() ({
      %run_scoped3A = tpu.sem_alloc : memref<!tpu.dma_semaphore, #tpu.memory_space<semaphore_mem>>
      %dma_start3A = tpu.memref_slice %arg4[%add3A_16] : memref<655360xf32, #tpu.memory_space<vmem_shared>> -> memref<5120xf32, #tpu.memory_space<vmem_shared>>
      %dma_start3A_54 = tpu.memref_slice %arg4[%add3A_16] : memref<655360xf32, #tpu.memory_space<vmem_shared>> -> memref<5120xf32, #tpu.memory_space<vmem_shared>>
      tpu.enqueue_dma source(%arg8 : memref<5120xf32, #tpu.memory_space<vmem>>) target(%dma_start3A_54 : memref<5120xf32, #tpu.memory_space<vmem_shared>>) target_semaphore(%run_scoped3A : memref<!tpu.dma_semaphore, #tpu.memory_space<semaphore_mem>>)
      %dma_wait3A = tpu.memref_slice %arg4[%add3A_16] : memref<655360xf32, #tpu.memory_space<vmem_shared>> -> memref<5120xf32, #tpu.memory_space<vmem_shared>>
      %dma_wait3A_55 = tpu.memref_slice %arg4[%add3A_16] : memref<655360xf32, #tpu.memory_space<vmem_shared>> -> memref<5120xf32, #tpu.memory_space<vmem_shared>>
      tpu.wait_dma2 semaphore(%run_scoped3A : memref<!tpu.dma_semaphore, #tpu.memory_space<semaphore_mem>>) src(%arg8 : memref<5120xf32, #tpu.memory_space<vmem>>) dst(%dma_wait3A_55 : memref<5120xf32, #tpu.memory_space<vmem_shared>>)
      tpu.yield
    }) : () -> ()
    %mul3A_17 = arith.constant 40960 : i32
    %mul3A_18 = arith.muli %arg1, %mul3A_17 : i32
    %add3A_19 = arith.constant 10240 : i32
    %add3A_20 = arith.addi %mul3A_18, %add3A_19 : i32
    "tpu.region"() ({
      %run_scoped3A = tpu.sem_alloc : memref<!tpu.dma_semaphore, #tpu.memory_space<semaphore_mem>>
      %dma_start3A = tpu.memref_slice %arg4[%add3A_20] : memref<655360xf32, #tpu.memory_space<vmem_shared>> -> memref<5120xf32, #tpu.memory_space<vmem_shared>>
      %dma_start3A_54 = tpu.memref_slice %arg4[%add3A_20] : memref<655360xf32, #tpu.memory_space<vmem_shared>> -> memref<5120xf32, #tpu.memory_space<vmem_shared>>
      tpu.enqueue_dma source(%arg8 : memref<5120xf32, #tpu.memory_space<vmem>>) target(%dma_start3A_54 : memref<5120xf32, #tpu.memory_space<vmem_shared>>) target_semaphore(%run_scoped3A : memref<!tpu.dma_semaphore, #tpu.memory_space<semaphore_mem>>)
      %dma_wait3A = tpu.memref_slice %arg4[%add3A_20] : memref<655360xf32, #tpu.memory_space<vmem_shared>> -> memref<5120xf32, #tpu.memory_space<vmem_shared>>
      %dma_wait3A_55 = tpu.memref_slice %arg4[%add3A_20] : memref<655360xf32, #tpu.memory_space<vmem_shared>> -> memref<5120xf32, #tpu.memory_space<vmem_shared>>
      tpu.wait_dma2 semaphore(%run_scoped3A : memref<!tpu.dma_semaphore, #tpu.memory_space<semaphore_mem>>) src(%arg8 : memref<5120xf32, #tpu.memory_space<vmem>>) dst(%dma_wait3A_55 : memref<5120xf32, #tpu.memory_space<vmem_shared>>)
      tpu.yield
    }) : () -> ()
    %mul3A_21 = arith.constant 40960 : i32
    %mul3A_22 = arith.muli %arg1, %mul3A_21 : i32
    %add3A_23 = arith.constant 15360 : i32
    %add3A_24 = arith.addi %mul3A_22, %add3A_23 : i32
    "tpu.region"() ({
      %run_scoped3A = tpu.sem_alloc : memref<!tpu.dma_semaphore, #tpu.memory_space<semaphore_mem>>
      %dma_start3A = tpu.memref_slice %arg4[%add3A_24] : memref<655360xf32, #tpu.memory_space<vmem_shared>> -> memref<5120xf32, #tpu.memory_space<vmem_shared>>
      %dma_start3A_54 = tpu.memref_slice %arg4[%add3A_24] : memref<655360xf32, #tpu.memory_space<vmem_shared>> -> memref<5120xf32, #tpu.memory_space<vmem_shared>>
      tpu.enqueue_dma source(%arg8 : memref<5120xf32, #tpu.memory_space<vmem>>) target(%dma_start3A_54 : memref<5120xf32, #tpu.memory_space<vmem_shared>>) target_semaphore(%run_scoped3A : memref<!tpu.dma_semaphore, #tpu.memory_space<semaphore_mem>>)
      %dma_wait3A = tpu.memref_slice %arg4[%add3A_24] : memref<655360xf32, #tpu.memory_space<vmem_shared>> -> memref<5120xf32, #tpu.memory_space<vmem_shared>>
      %dma_wait3A_55 = tpu.memref_slice %arg4[%add3A_24] : memref<655360xf32, #tpu.memory_space<vmem_shared>> -> memref<5120xf32, #tpu.memory_space<vmem_shared>>
      tpu.wait_dma2 semaphore(%run_scoped3A : memref<!tpu.dma_semaphore, #tpu.memory_space<semaphore_mem>>) src(%arg8 : memref<5120xf32, #tpu.memory_space<vmem>>) dst(%dma_wait3A_55 : memref<5120xf32, #tpu.memory_space<vmem_shared>>)
      tpu.yield
    }) : () -> ()
    %mul3A_25 = arith.constant 40960 : i32
    %mul3A_26 = arith.muli %arg1, %mul3A_25 : i32
    %add3A_27 = arith.constant 20480 : i32
    %add3A_28 = arith.addi %mul3A_26, %add3A_27 : i32
    "tpu.region"() ({
      %run_scoped3A = tpu.sem_alloc : memref<!tpu.dma_semaphore, #tpu.memory_space<semaphore_mem>>
      %dma_start3A = tpu.memref_slice %arg4[%add3A_28] : memref<655360xf32, #tpu.memory_space<vmem_shared>> -> memref<5120xf32, #tpu.memory_space<vmem_shared>>
      %dma_start3A_54 = tpu.memref_slice %arg4[%add3A_28] : memref<655360xf32, #tpu.memory_space<vmem_shared>> -> memref<5120xf32, #tpu.memory_space<vmem_shared>>
      tpu.enqueue_dma source(%arg8 : memref<5120xf32, #tpu.memory_space<vmem>>) target(%dma_start3A_54 : memref<5120xf32, #tpu.memory_space<vmem_shared>>) target_semaphore(%run_scoped3A : memref<!tpu.dma_semaphore, #tpu.memory_space<semaphore_mem>>)
      %dma_wait3A = tpu.memref_slice %arg4[%add3A_28] : memref<655360xf32, #tpu.memory_space<vmem_shared>> -> memref<5120xf32, #tpu.memory_space<vmem_shared>>
      %dma_wait3A_55 = tpu.memref_slice %arg4[%add3A_28] : memref<655360xf32, #tpu.memory_space<vmem_shared>> -> memref<5120xf32, #tpu.memory_space<vmem_shared>>
      tpu.wait_dma2 semaphore(%run_scoped3A : memref<!tpu.dma_semaphore, #tpu.memory_space<semaphore_mem>>) src(%arg8 : memref<5120xf32, #tpu.memory_space<vmem>>) dst(%dma_wait3A_55 : memref<5120xf32, #tpu.memory_space<vmem_shared>>)
      tpu.yield
    }) : () -> ()
    %mul3A_29 = arith.constant 40960 : i32
    %mul3A_30 = arith.muli %arg1, %mul3A_29 : i32
    %add3A_31 = arith.constant 25600 : i32
    %add3A_32 = arith.addi %mul3A_30, %add3A_31 : i32
    "tpu.region"() ({
      %run_scoped3A = tpu.sem_alloc : memref<!tpu.dma_semaphore, #tpu.memory_space<semaphore_mem>>
      %dma_start3A = tpu.memref_slice %arg4[%add3A_32] : memref<655360xf32, #tpu.memory_space<vmem_shared>> -> memref<5120xf32, #tpu.memory_space<vmem_shared>>
      %dma_start3A_54 = tpu.memref_slice %arg4[%add3A_32] : memref<655360xf32, #tpu.memory_space<vmem_shared>> -> memref<5120xf32, #tpu.memory_space<vmem_shared>>
      tpu.enqueue_dma source(%arg8 : memref<5120xf32, #tpu.memory_space<vmem>>) target(%dma_start3A_54 : memref<5120xf32, #tpu.memory_space<vmem_shared>>) target_semaphore(%run_scoped3A : memref<!tpu.dma_semaphore, #tpu.memory_space<semaphore_mem>>)
      %dma_wait3A = tpu.memref_slice %arg4[%add3A_32] : memref<655360xf32, #tpu.memory_space<vmem_shared>> -> memref<5120xf32, #tpu.memory_space<vmem_shared>>
      %dma_wait3A_55 = tpu.memref_slice %arg4[%add3A_32] : memref<655360xf32, #tpu.memory_space<vmem_shared>> -> memref<5120xf32, #tpu.memory_space<vmem_shared>>
      tpu.wait_dma2 semaphore(%run_scoped3A : memref<!tpu.dma_semaphore, #tpu.memory_space<semaphore_mem>>) src(%arg8 : memref<5120xf32, #tpu.memory_space<vmem>>) dst(%dma_wait3A_55 : memref<5120xf32, #tpu.memory_space<vmem_shared>>)
      tpu.yield
    }) : () -> ()
    %mul3A_33 = arith.constant 40960 : i32
    %mul3A_34 = arith.muli %arg1, %mul3A_33 : i32
    %add3A_35 = arith.constant 30720 : i32
    %add3A_36 = arith.addi %mul3A_34, %add3A_35 : i32
    "tpu.region"() ({
      %run_scoped3A = tpu.sem_alloc : memref<!tpu.dma_semaphore, #tpu.memory_space<semaphore_mem>>
      %dma_start3A = tpu.memref_slice %arg4[%add3A_36] : memref<655360xf32, #tpu.memory_space<vmem_shared>> -> memref<5120xf32, #tpu.memory_space<vmem_shared>>
      %dma_start3A_54 = tpu.memref_slice %arg4[%add3A_36] : memref<655360xf32, #tpu.memory_space<vmem_shared>> -> memref<5120xf32, #tpu.memory_space<vmem_shared>>
      tpu.enqueue_dma source(%arg8 : memref<5120xf32, #tpu.memory_space<vmem>>) target(%dma_start3A_54 : memref<5120xf32, #tpu.memory_space<vmem_shared>>) target_semaphore(%run_scoped3A : memref<!tpu.dma_semaphore, #tpu.memory_space<semaphore_mem>>)
      %dma_wait3A = tpu.memref_slice %arg4[%add3A_36] : memref<655360xf32, #tpu.memory_space<vmem_shared>> -> memref<5120xf32, #tpu.memory_space<vmem_shared>>
      %dma_wait3A_55 = tpu.memref_slice %arg4[%add3A_36] : memref<655360xf32, #tpu.memory_space<vmem_shared>> -> memref<5120xf32, #tpu.memory_space<vmem_shared>>
      tpu.wait_dma2 semaphore(%run_scoped3A : memref<!tpu.dma_semaphore, #tpu.memory_space<semaphore_mem>>) src(%arg8 : memref<5120xf32, #tpu.memory_space<vmem>>) dst(%dma_wait3A_55 : memref<5120xf32, #tpu.memory_space<vmem_shared>>)
      tpu.yield
    }) : () -> ()
    %mul3A_37 = arith.constant 40960 : i32
    %mul3A_38 = arith.muli %arg1, %mul3A_37 : i32
    %add3A_39 = arith.constant 35840 : i32
    %add3A_40 = arith.addi %mul3A_38, %add3A_39 : i32
    "tpu.region"() ({
      %run_scoped3A = tpu.sem_alloc : memref<!tpu.dma_semaphore, #tpu.memory_space<semaphore_mem>>
      %dma_start3A = tpu.memref_slice %arg4[%add3A_40] : memref<655360xf32, #tpu.memory_space<vmem_shared>> -> memref<5120xf32, #tpu.memory_space<vmem_shared>>
      %dma_start3A_54 = tpu.memref_slice %arg4[%add3A_40] : memref<655360xf32, #tpu.memory_space<vmem_shared>> -> memref<5120xf32, #tpu.memory_space<vmem_shared>>
      tpu.enqueue_dma source(%arg8 : memref<5120xf32, #tpu.memory_space<vmem>>) target(%dma_start3A_54 : memref<5120xf32, #tpu.memory_space<vmem_shared>>) target_semaphore(%run_scoped3A : memref<!tpu.dma_semaphore, #tpu.memory_space<semaphore_mem>>)
      %dma_wait3A = tpu.memref_slice %arg4[%add3A_40] : memref<655360xf32, #tpu.memory_space<vmem_shared>> -> memref<5120xf32, #tpu.memory_space<vmem_shared>>
      %dma_wait3A_55 = tpu.memref_slice %arg4[%add3A_40] : memref<655360xf32, #tpu.memory_space<vmem_shared>> -> memref<5120xf32, #tpu.memory_space<vmem_shared>>
      tpu.wait_dma2 semaphore(%run_scoped3A : memref<!tpu.dma_semaphore, #tpu.memory_space<semaphore_mem>>) src(%arg8 : memref<5120xf32, #tpu.memory_space<vmem>>) dst(%dma_wait3A_55 : memref<5120xf32, #tpu.memory_space<vmem_shared>>)
      tpu.yield
    }) : () -> ()
    %barrier3A = arith.constant 0 : index
    tpu.barrier barrier_id(%barrier3A)
    %scan3A_41 = arith.constant 0 : i32
    %scan3A_42 = arith.constant 0 : i32
    %scan3A_43 = arith.constant 5 : i32
    %scan3A_44 = arith.addi %scan3A_42, %scan3A_43 : i32
    %scan3A_45 = arith.constant 1 : i32
    scf.for %scan3A_54 = %scan3A_42 to %scan3A_44 step %scan3A_45  : i32 {
      %mul3A_55 = arith.constant 20480 : i32
      %mul3A_56 = arith.muli %arg1, %mul3A_55 : i32
      %mul3A_57 = arith.constant 4096 : i32
      %mul3A_58 = arith.muli %scan3A_54, %mul3A_57 : i32
      %add3A_59 = arith.addi %mul3A_56, %mul3A_58 : i32
      %run_scoped3A = arith.constant 0 : i32
      %run_scoped3A_60 = arith.constant 0 : i32
      "tpu.region"() ({
        %run_scoped3A_265 = tpu.sem_alloc : memref<!tpu.dma_semaphore, #tpu.memory_space<semaphore_mem>>
        %dma_start3A = arith.constant 0 : i32
        %dma_start3A_266 = tpu.memref_slice %arg5[%run_scoped3A_60, %dma_start3A] : memref<4x4096xi32, #tpu.memory_space<vmem>> -> memref<1x4096xi32, #tpu.memory_space<vmem>>
        %dma_start3A_267 = tpu.memref_squeeze %dma_start3A_266 : memref<1x4096xi32, #tpu.memory_space<vmem>> -> memref<4096xi32, #tpu.memory_space<vmem>>
        %dma_start3A_268 = tpu.memref_slice %arg2[%run_scoped3A, %add3A_59] : memref<4x327680xi32, #tpu.memory_space<hbm>> -> memref<1x4096xi32, #tpu.memory_space<hbm>>
        %dma_start3A_269 = tpu.memref_squeeze %dma_start3A_268 : memref<1x4096xi32, #tpu.memory_space<hbm>> -> memref<4096xi32, #tpu.memory_space<hbm>>
        %dma_start3A_270 = arith.constant 0 : i32
        %dma_start3A_271 = tpu.memref_slice %arg5[%run_scoped3A_60, %dma_start3A_270] : memref<4x4096xi32, #tpu.memory_space<vmem>> -> memref<1x4096xi32, #tpu.memory_space<vmem>>
        %dma_start3A_272 = tpu.memref_squeeze %dma_start3A_271 : memref<1x4096xi32, #tpu.memory_space<vmem>> -> memref<4096xi32, #tpu.memory_space<vmem>>
        %dma_start3A_273 = tpu.memref_slice %arg2[%run_scoped3A, %add3A_59] : memref<4x327680xi32, #tpu.memory_space<hbm>> -> memref<1x4096xi32, #tpu.memory_space<hbm>>
        %dma_start3A_274 = tpu.memref_squeeze %dma_start3A_273 : memref<1x4096xi32, #tpu.memory_space<hbm>> -> memref<4096xi32, #tpu.memory_space<hbm>>
        tpu.enqueue_dma source(%dma_start3A_274 : memref<4096xi32, #tpu.memory_space<hbm>>) target(%dma_start3A_272 : memref<4096xi32, #tpu.memory_space<vmem>>) target_semaphore(%run_scoped3A_265 : memref<!tpu.dma_semaphore, #tpu.memory_space<semaphore_mem>>)
        %dma_wait3A = arith.constant 0 : i32
        %dma_wait3A_275 = tpu.memref_slice %arg5[%run_scoped3A_60, %dma_wait3A] : memref<4x4096xi32, #tpu.memory_space<vmem>> -> memref<1x4096xi32, #tpu.memory_space<vmem>>
        %dma_wait3A_276 = tpu.memref_squeeze %dma_wait3A_275 : memref<1x4096xi32, #tpu.memory_space<vmem>> -> memref<4096xi32, #tpu.memory_space<vmem>>
        %dma_wait3A_277 = tpu.memref_slice %arg2[%run_scoped3A, %add3A_59] : memref<4x327680xi32, #tpu.memory_space<hbm>> -> memref<1x4096xi32, #tpu.memory_space<hbm>>
        %dma_wait3A_278 = tpu.memref_squeeze %dma_wait3A_277 : memref<1x4096xi32, #tpu.memory_space<hbm>> -> memref<4096xi32, #tpu.memory_space<hbm>>
        %dma_wait3A_279 = arith.constant 0 : i32
        %dma_wait3A_280 = tpu.memref_slice %arg5[%run_scoped3A_60, %dma_wait3A_279] : memref<4x4096xi32, #tpu.memory_space<vmem>> -> memref<1x4096xi32, #tpu.memory_space<vmem>>
        %dma_wait3A_281 = tpu.memref_squeeze %dma_wait3A_280 : memref<1x4096xi32, #tpu.memory_space<vmem>> -> memref<4096xi32, #tpu.memory_space<vmem>>
        %dma_wait3A_282 = tpu.memref_slice %arg2[%run_scoped3A, %add3A_59] : memref<4x327680xi32, #tpu.memory_space<hbm>> -> memref<1x4096xi32, #tpu.memory_space<hbm>>
        %dma_wait3A_283 = tpu.memref_squeeze %dma_wait3A_282 : memref<1x4096xi32, #tpu.memory_space<hbm>> -> memref<4096xi32, #tpu.memory_space<hbm>>
        tpu.wait_dma2 semaphore(%run_scoped3A_265 : memref<!tpu.dma_semaphore, #tpu.memory_space<semaphore_mem>>) src(%dma_wait3A_283 : memref<4096xi32, #tpu.memory_space<hbm>>) dst(%dma_wait3A_281 : memref<4096xi32, #tpu.memory_space<vmem>>)
        tpu.yield
      }) : () -> ()
      %run_scoped3A_61 = arith.constant 1 : i32
      %run_scoped3A_62 = arith.constant 1 : i32
      "tpu.region"() ({
        %run_scoped3A_265 = tpu.sem_alloc : memref<!tpu.dma_semaphore, #tpu.memory_space<semaphore_mem>>
        %dma_start3A = arith.constant 0 : i32
        %dma_start3A_266 = tpu.memref_slice %arg5[%run_scoped3A_62, %dma_start3A] : memref<4x4096xi32, #tpu.memory_space<vmem>> -> memref<1x4096xi32, #tpu.memory_space<vmem>>
        %dma_start3A_267 = tpu.memref_squeeze %dma_start3A_266 : memref<1x4096xi32, #tpu.memory_space<vmem>> -> memref<4096xi32, #tpu.memory_space<vmem>>
        %dma_start3A_268 = tpu.memref_slice %arg2[%run_scoped3A_61, %add3A_59] : memref<4x327680xi32, #tpu.memory_space<hbm>> -> memref<1x4096xi32, #tpu.memory_space<hbm>>
        %dma_start3A_269 = tpu.memref_squeeze %dma_start3A_268 : memref<1x4096xi32, #tpu.memory_space<hbm>> -> memref<4096xi32, #tpu.memory_space<hbm>>
        %dma_start3A_270 = arith.constant 0 : i32
        %dma_start3A_271 = tpu.memref_slice %arg5[%run_scoped3A_62, %dma_start3A_270] : memref<4x4096xi32, #tpu.memory_space<vmem>> -> memref<1x4096xi32, #tpu.memory_space<vmem>>
        %dma_start3A_272 = tpu.memref_squeeze %dma_start3A_271 : memref<1x4096xi32, #tpu.memory_space<vmem>> -> memref<4096xi32, #tpu.memory_space<vmem>>
        %dma_start3A_273 = tpu.memref_slice %arg2[%run_scoped3A_61, %add3A_59] : memref<4x327680xi32, #tpu.memory_space<hbm>> -> memref<1x4096xi32, #tpu.memory_space<hbm>>
        %dma_start3A_274 = tpu.memref_squeeze %dma_start3A_273 : memref<1x4096xi32, #tpu.memory_space<hbm>> -> memref<4096xi32, #tpu.memory_space<hbm>>
        tpu.enqueue_dma source(%dma_start3A_274 : memref<4096xi32, #tpu.memory_space<hbm>>) target(%dma_start3A_272 : memref<4096xi32, #tpu.memory_space<vmem>>) target_semaphore(%run_scoped3A_265 : memref<!tpu.dma_semaphore, #tpu.memory_space<semaphore_mem>>)
        %dma_wait3A = arith.constant 0 : i32
        %dma_wait3A_275 = tpu.memref_slice %arg5[%run_scoped3A_62, %dma_wait3A] : memref<4x4096xi32, #tpu.memory_space<vmem>> -> memref<1x4096xi32, #tpu.memory_space<vmem>>
        %dma_wait3A_276 = tpu.memref_squeeze %dma_wait3A_275 : memref<1x4096xi32, #tpu.memory_space<vmem>> -> memref<4096xi32, #tpu.memory_space<vmem>>
        %dma_wait3A_277 = tpu.memref_slice %arg2[%run_scoped3A_61, %add3A_59] : memref<4x327680xi32, #tpu.memory_space<hbm>> -> memref<1x4096xi32, #tpu.memory_space<hbm>>
        %dma_wait3A_278 = tpu.memref_squeeze %dma_wait3A_277 : memref<1x4096xi32, #tpu.memory_space<hbm>> -> memref<4096xi32, #tpu.memory_space<hbm>>
        %dma_wait3A_279 = arith.constant 0 : i32
        %dma_wait3A_280 = tpu.memref_slice %arg5[%run_scoped3A_62, %dma_wait3A_279] : memref<4x4096xi32, #tpu.memory_space<vmem>> -> memref<1x4096xi32, #tpu.memory_space<vmem>>
        %dma_wait3A_281 = tpu.memref_squeeze %dma_wait3A_280 : memref<1x4096xi32, #tpu.memory_space<vmem>> -> memref<4096xi32, #tpu.memory_space<vmem>>
        %dma_wait3A_282 = tpu.memref_slice %arg2[%run_scoped3A_61, %add3A_59] : memref<4x327680xi32, #tpu.memory_space<hbm>> -> memref<1x4096xi32, #tpu.memory_space<hbm>>
        %dma_wait3A_283 = tpu.memref_squeeze %dma_wait3A_282 : memref<1x4096xi32, #tpu.memory_space<hbm>> -> memref<4096xi32, #tpu.memory_space<hbm>>
        tpu.wait_dma2 semaphore(%run_scoped3A_265 : memref<!tpu.dma_semaphore, #tpu.memory_space<semaphore_mem>>) src(%dma_wait3A_283 : memref<4096xi32, #tpu.memory_space<hbm>>) dst(%dma_wait3A_281 : memref<4096xi32, #tpu.memory_space<vmem>>)
        tpu.yield
      }) : () -> ()
      %run_scoped3A_63 = arith.constant 2 : i32
      %run_scoped3A_64 = arith.constant 2 : i32
      "tpu.region"() ({
        %run_scoped3A_265 = tpu.sem_alloc : memref<!tpu.dma_semaphore, #tpu.memory_space<semaphore_mem>>
        %dma_start3A = arith.constant 0 : i32
        %dma_start3A_266 = tpu.memref_slice %arg5[%run_scoped3A_64, %dma_start3A] : memref<4x4096xi32, #tpu.memory_space<vmem>> -> memref<1x4096xi32, #tpu.memory_space<vmem>>
        %dma_start3A_267 = tpu.memref_squeeze %dma_start3A_266 : memref<1x4096xi32, #tpu.memory_space<vmem>> -> memref<4096xi32, #tpu.memory_space<vmem>>
        %dma_start3A_268 = tpu.memref_slice %arg2[%run_scoped3A_63, %add3A_59] : memref<4x327680xi32, #tpu.memory_space<hbm>> -> memref<1x4096xi32, #tpu.memory_space<hbm>>
        %dma_start3A_269 = tpu.memref_squeeze %dma_start3A_268 : memref<1x4096xi32, #tpu.memory_space<hbm>> -> memref<4096xi32, #tpu.memory_space<hbm>>
        %dma_start3A_270 = arith.constant 0 : i32
        %dma_start3A_271 = tpu.memref_slice %arg5[%run_scoped3A_64, %dma_start3A_270] : memref<4x4096xi32, #tpu.memory_space<vmem>> -> memref<1x4096xi32, #tpu.memory_space<vmem>>
        %dma_start3A_272 = tpu.memref_squeeze %dma_start3A_271 : memref<1x4096xi32, #tpu.memory_space<vmem>> -> memref<4096xi32, #tpu.memory_space<vmem>>
        %dma_start3A_273 = tpu.memref_slice %arg2[%run_scoped3A_63, %add3A_59] : memref<4x327680xi32, #tpu.memory_space<hbm>> -> memref<1x4096xi32, #tpu.memory_space<hbm>>
        %dma_start3A_274 = tpu.memref_squeeze %dma_start3A_273 : memref<1x4096xi32, #tpu.memory_space<hbm>> -> memref<4096xi32, #tpu.memory_space<hbm>>
        tpu.enqueue_dma source(%dma_start3A_274 : memref<4096xi32, #tpu.memory_space<hbm>>) target(%dma_start3A_272 : memref<4096xi32, #tpu.memory_space<vmem>>) target_semaphore(%run_scoped3A_265 : memref<!tpu.dma_semaphore, #tpu.memory_space<semaphore_mem>>)
        %dma_wait3A = arith.constant 0 : i32
        %dma_wait3A_275 = tpu.memref_slice %arg5[%run_scoped3A_64, %dma_wait3A] : memref<4x4096xi32, #tpu.memory_space<vmem>> -> memref<1x4096xi32, #tpu.memory_space<vmem>>
        %dma_wait3A_276 = tpu.memref_squeeze %dma_wait3A_275 : memref<1x4096xi32, #tpu.memory_space<vmem>> -> memref<4096xi32, #tpu.memory_space<vmem>>
        %dma_wait3A_277 = tpu.memref_slice %arg2[%run_scoped3A_63, %add3A_59] : memref<4x327680xi32, #tpu.memory_space<hbm>> -> memref<1x4096xi32, #tpu.memory_space<hbm>>
        %dma_wait3A_278 = tpu.memref_squeeze %dma_wait3A_277 : memref<1x4096xi32, #tpu.memory_space<hbm>> -> memref<4096xi32, #tpu.memory_space<hbm>>
        %dma_wait3A_279 = arith.constant 0 : i32
        %dma_wait3A_280 = tpu.memref_slice %arg5[%run_scoped3A_64, %dma_wait3A_279] : memref<4x4096xi32, #tpu.memory_space<vmem>> -> memref<1x4096xi32, #tpu.memory_space<vmem>>
        %dma_wait3A_281 = tpu.memref_squeeze %dma_wait3A_280 : memref<1x4096xi32, #tpu.memory_space<vmem>> -> memref<4096xi32, #tpu.memory_space<vmem>>
        %dma_wait3A_282 = tpu.memref_slice %arg2[%run_scoped3A_63, %add3A_59] : memref<4x327680xi32, #tpu.memory_space<hbm>> -> memref<1x4096xi32, #tpu.memory_space<hbm>>
        %dma_wait3A_283 = tpu.memref_squeeze %dma_wait3A_282 : memref<1x4096xi32, #tpu.memory_space<hbm>> -> memref<4096xi32, #tpu.memory_space<hbm>>
        tpu.wait_dma2 semaphore(%run_scoped3A_265 : memref<!tpu.dma_semaphore, #tpu.memory_space<semaphore_mem>>) src(%dma_wait3A_283 : memref<4096xi32, #tpu.memory_space<hbm>>) dst(%dma_wait3A_281 : memref<4096xi32, #tpu.memory_space<vmem>>)
        tpu.yield
      }) : () -> ()
      %run_scoped3A_65 = arith.constant 3 : i32
      %run_scoped3A_66 = arith.constant 3 : i32
      "tpu.region"() ({
        %run_scoped3A_265 = tpu.sem_alloc : memref<!tpu.dma_semaphore, #tpu.memory_space<semaphore_mem>>
        %dma_start3A = arith.constant 0 : i32
        %dma_start3A_266 = tpu.memref_slice %arg5[%run_scoped3A_66, %dma_start3A] : memref<4x4096xi32, #tpu.memory_space<vmem>> -> memref<1x4096xi32, #tpu.memory_space<vmem>>
        %dma_start3A_267 = tpu.memref_squeeze %dma_start3A_266 : memref<1x4096xi32, #tpu.memory_space<vmem>> -> memref<4096xi32, #tpu.memory_space<vmem>>
        %dma_start3A_268 = tpu.memref_slice %arg2[%run_scoped3A_65, %add3A_59] : memref<4x327680xi32, #tpu.memory_space<hbm>> -> memref<1x4096xi32, #tpu.memory_space<hbm>>
        %dma_start3A_269 = tpu.memref_squeeze %dma_start3A_268 : memref<1x4096xi32, #tpu.memory_space<hbm>> -> memref<4096xi32, #tpu.memory_space<hbm>>
        %dma_start3A_270 = arith.constant 0 : i32
        %dma_start3A_271 = tpu.memref_slice %arg5[%run_scoped3A_66, %dma_start3A_270] : memref<4x4096xi32, #tpu.memory_space<vmem>> -> memref<1x4096xi32, #tpu.memory_space<vmem>>
        %dma_start3A_272 = tpu.memref_squeeze %dma_start3A_271 : memref<1x4096xi32, #tpu.memory_space<vmem>> -> memref<4096xi32, #tpu.memory_space<vmem>>
        %dma_start3A_273 = tpu.memref_slice %arg2[%run_scoped3A_65, %add3A_59] : memref<4x327680xi32, #tpu.memory_space<hbm>> -> memref<1x4096xi32, #tpu.memory_space<hbm>>
        %dma_start3A_274 = tpu.memref_squeeze %dma_start3A_273 : memref<1x4096xi32, #tpu.memory_space<hbm>> -> memref<4096xi32, #tpu.memory_space<hbm>>
        tpu.enqueue_dma source(%dma_start3A_274 : memref<4096xi32, #tpu.memory_space<hbm>>) target(%dma_start3A_272 : memref<4096xi32, #tpu.memory_space<vmem>>) target_semaphore(%run_scoped3A_265 : memref<!tpu.dma_semaphore, #tpu.memory_space<semaphore_mem>>)
        %dma_wait3A = arith.constant 0 : i32
        %dma_wait3A_275 = tpu.memref_slice %arg5[%run_scoped3A_66, %dma_wait3A] : memref<4x4096xi32, #tpu.memory_space<vmem>> -> memref<1x4096xi32, #tpu.memory_space<vmem>>
        %dma_wait3A_276 = tpu.memref_squeeze %dma_wait3A_275 : memref<1x4096xi32, #tpu.memory_space<vmem>> -> memref<4096xi32, #tpu.memory_space<vmem>>
        %dma_wait3A_277 = tpu.memref_slice %arg2[%run_scoped3A_65, %add3A_59] : memref<4x327680xi32, #tpu.memory_space<hbm>> -> memref<1x4096xi32, #tpu.memory_space<hbm>>
        %dma_wait3A_278 = tpu.memref_squeeze %dma_wait3A_277 : memref<1x4096xi32, #tpu.memory_space<hbm>> -> memref<4096xi32, #tpu.memory_space<hbm>>
        %dma_wait3A_279 = arith.constant 0 : i32
        %dma_wait3A_280 = tpu.memref_slice %arg5[%run_scoped3A_66, %dma_wait3A_279] : memref<4x4096xi32, #tpu.memory_space<vmem>> -> memref<1x4096xi32, #tpu.memory_space<vmem>>
        %dma_wait3A_281 = tpu.memref_squeeze %dma_wait3A_280 : memref<1x4096xi32, #tpu.memory_space<vmem>> -> memref<4096xi32, #tpu.memory_space<vmem>>
        %dma_wait3A_282 = tpu.memref_slice %arg2[%run_scoped3A_65, %add3A_59] : memref<4x327680xi32, #tpu.memory_space<hbm>> -> memref<1x4096xi32, #tpu.memory_space<hbm>>
        %dma_wait3A_283 = tpu.memref_squeeze %dma_wait3A_282 : memref<1x4096xi32, #tpu.memory_space<hbm>> -> memref<4096xi32, #tpu.memory_space<hbm>>
        tpu.wait_dma2 semaphore(%run_scoped3A_265 : memref<!tpu.dma_semaphore, #tpu.memory_space<semaphore_mem>>) src(%dma_wait3A_283 : memref<4096xi32, #tpu.memory_space<hbm>>) dst(%dma_wait3A_281 : memref<4096xi32, #tpu.memory_space<vmem>>)
        tpu.yield
      }) : () -> ()
      %scan3A_67 = arith.constant 0 : i32
      %scan3A_68 = arith.constant 0 : i32
      %scan3A_69 = arith.constant 8 : i32
      %scan3A_70 = arith.addi %scan3A_68, %scan3A_69 : i32
      %scan3A_71 = arith.constant 1 : i32
      scf.for %scan3A_265 = %scan3A_68 to %scan3A_70 step %scan3A_71  : i32 {
        %mul3A_266 = arith.constant 16 : i32
        %mul3A_267 = arith.muli %scan3A_265, %mul3A_266 : i32
        %add3A_268 = arith.constant 0 : i32
        %add3A_269 = arith.addi %add3A_268, %mul3A_267 : i32
        %get3A = arith.constant 0 : i32
        %get3A_270 = arith.index_cast %get3A : i32 to index
        %get3A_271 = arith.index_cast %add3A_269 : i32 to index
        %get3A_272 = tpu.vector_load %arg5[%get3A_270, %get3A_271] {strides = array<i32>} : memref<4x4096xi32, #tpu.memory_space<vmem>>, vector<1x16xi32>,
        %get3A_273 = vector.shape_cast %get3A_272 : vector<1x16xi32> to vector<16xi32>
        %get3A_274 = arith.constant 1 : i32
        %get3A_275 = arith.index_cast %get3A_274 : i32 to index
        %get3A_276 = arith.index_cast %add3A_269 : i32 to index
        %get3A_277 = tpu.vector_load %arg5[%get3A_275, %get3A_276] {strides = array<i32>} : memref<4x4096xi32, #tpu.memory_space<vmem>>, vector<1x16xi32>,
        %get3A_278 = vector.shape_cast %get3A_277 : vector<1x16xi32> to vector<16xi32>
        %get3A_279 = arith.constant 2 : i32
        %get3A_280 = arith.index_cast %get3A_279 : i32 to index
        %get3A_281 = arith.index_cast %add3A_269 : i32 to index
        %get3A_282 = tpu.vector_load %arg5[%get3A_280, %get3A_281] {strides = array<i32>} : memref<4x4096xi32, #tpu.memory_space<vmem>>, vector<1x16xi32>,
        %get3A_283 = vector.shape_cast %get3A_282 : vector<1x16xi32> to vector<16xi32>
        %get3A_284 = arith.constant 3 : i32
        %get3A_285 = arith.index_cast %get3A_284 : i32 to index
        %get3A_286 = arith.index_cast %add3A_269 : i32 to index
        %get3A_287 = tpu.vector_load %arg5[%get3A_285, %get3A_286] {strides = array<i32>} : memref<4x4096xi32, #tpu.memory_space<vmem>>, vector<1x16xi32>,
        %get3A_288 = vector.shape_cast %get3A_287 : vector<1x16xi32> to vector<16xi32>
        %eq3A = arith.constant 0 : i32
        %eq3A_289 = arith.cmpi eq, %arg0, %eq3A : i32
        %sub3A = arith.constant 49 : i32
        %sub3A_290 = vector.broadcast %sub3A : i32 to vector<16xi32>
        %sub3A_291 = arith.subi %sub3A_290, %get3A_273 : vector<16xi32>
        %select_n3A = arith.select %eq3A_289, %get3A_278, %sub3A_291 : vector<16xi32>
        %eq3A_292 = arith.constant 0 : i32
        %eq3A_293 = arith.cmpi eq, %arg0, %eq3A_292 : i32
        %select_n3A_294 = arith.select %eq3A_293, %get3A_273, %get3A_278 : vector<16xi32>
        %mul3A_295 = arith.constant 12800 : i32
        %mul3A_296 = vector.broadcast %mul3A_295 : i32 to vector<16xi32>
        %mul3A_297 = arith.muli %select_n3A, %mul3A_296 : vector<16xi32>
        %mul3A_298 = arith.constant 256 : i32
        %mul3A_299 = vector.broadcast %mul3A_298 : i32 to vector<16xi32>
        %mul3A_300 = arith.muli %select_n3A_294, %mul3A_299 : vector<16xi32>
        %add3A_301 = arith.addi %mul3A_297, %mul3A_300 : vector<16xi32>
        %add3A_302 = arith.addi %add3A_301, %get3A_288 : vector<16xi32>
        %add3A_303 = arith.addi %add3A_269, %add3A_59 : i32
        %and3A = arith.constant 4080 : i32
        %and3A_304 = arith.andi %add3A_303, %and3A : i32
        %add3A_305 = arith.constant 640000 : i32
        %add3A_306 = arith.addi %add3A_305, %and3A_304 : i32
        %add3A_307 = vector.broadcast %add3A_306 : i32 to vector<16xi32>
        %add3A_308 = arith.addi %add3A_307, %iota3A : vector<16xi32>
        %eq3A_309 = arith.constant 1 : i32
        %eq3A_310 = vector.broadcast %eq3A_309 : i32 to vector<16xi32>
        %eq3A_311 = arith.cmpi eq, %get3A_283, %eq3A_310 : vector<16xi32>
        %select_n3A_312 = arith.select %eq3A_311, %add3A_302, %add3A_308 : vector<16xi1>, vector<16xi32>
        %mul3A_313 = arith.constant 16 : i32
        %mul3A_314 = arith.muli %scan3A_265, %mul3A_313 : i32
        %swap3A = arith.constant 0 : i32
        %swap3A_315 = arith.index_cast %swap3A : i32 to index
        %swap3A_316 = arith.index_cast %mul3A_314 : i32 to index
        %swap3A_317 = tpu.vector_load %arg6[%swap3A_315, %swap3A_316] {strides = array<i32>} : memref<32x128xi32, #tpu.memory_space<vmem>>, vector<1x16xi32>,
        %swap3A_318 = vector.shape_cast %swap3A_317 : vector<1x16xi32> to vector<16xi32>
        %swap3A_319 = vector.shape_cast %select_n3A_312 : vector<16xi32> to vector<1x16xi32>
        tpu.vector_store %arg6[%swap3A_315, %swap3A_316], %swap3A_319 {strides = array<i32>} : memref<32x128xi32, #tpu.memory_space<vmem>>, vector<1x16xi32>,
      }
      %scan3A_72 = arith.constant 8 : i32
      %scan3A_73 = arith.constant 0 : i32
      %scan3A_74 = arith.constant 0 : i32
      %scan3A_75 = arith.constant 8 : i32
      %scan3A_76 = arith.addi %scan3A_74, %scan3A_75 : i32
      %scan3A_77 = arith.constant 1 : i32
      scf.for %scan3A_265 = %scan3A_74 to %scan3A_76 step %scan3A_77  : i32 {
        %mul3A_266 = arith.constant 16 : i32
        %mul3A_267 = arith.muli %scan3A_265, %mul3A_266 : i32
        %add3A_268 = arith.constant 128 : i32
        %add3A_269 = arith.addi %add3A_268, %mul3A_267 : i32
        %get3A = arith.constant 0 : i32
        %get3A_270 = arith.index_cast %get3A : i32 to index
        %get3A_271 = arith.index_cast %add3A_269 : i32 to index
        %get3A_272 = tpu.vector_load %arg5[%get3A_270, %get3A_271] {strides = array<i32>} : memref<4x4096xi32, #tpu.memory_space<vmem>>, vector<1x16xi32>,
        %get3A_273 = vector.shape_cast %get3A_272 : vector<1x16xi32> to vector<16xi32>
        %get3A_274 = arith.constant 1 : i32
        %get3A_275 = arith.index_cast %get3A_274 : i32 to index
        %get3A_276 = arith.index_cast %add3A_269 : i32 to index
        %get3A_277 = tpu.vector_load %arg5[%get3A_275, %get3A_276] {strides = array<i32>} : memref<4x4096xi32, #tpu.memory_space<vmem>>, vector<1x16xi32>,
        %get3A_278 = vector.shape_cast %get3A_277 : vector<1x16xi32> to vector<16xi32>
        %get3A_279 = arith.constant 2 : i32
        %get3A_280 = arith.index_cast %get3A_279 : i32 to index
        %get3A_281 = arith.index_cast %add3A_269 : i32 to index
        %get3A_282 = tpu.vector_load %arg5[%get3A_280, %get3A_281] {strides = array<i32>} : memref<4x4096xi32, #tpu.memory_space<vmem>>, vector<1x16xi32>,
        %get3A_283 = vector.shape_cast %get3A_282 : vector<1x16xi32> to vector<16xi32>
        %get3A_284 = arith.constant 3 : i32
        %get3A_285 = arith.index_cast %get3A_284 : i32 to index
        %get3A_286 = arith.index_cast %add3A_269 : i32 to index
        %get3A_287 = tpu.vector_load %arg5[%get3A_285, %get3A_286] {strides = array<i32>} : memref<4x4096xi32, #tpu.memory_space<vmem>>, vector<1x16xi32>,
        %get3A_288 = vector.shape_cast %get3A_287 : vector<1x16xi32> to vector<16xi32>
        %eq3A = arith.constant 0 : i32
        %eq3A_289 = arith.cmpi eq, %arg0, %eq3A : i32
        %sub3A = arith.constant 49 : i32
        %sub3A_290 = vector.broadcast %sub3A : i32 to vector<16xi32>
        %sub3A_291 = arith.subi %sub3A_290, %get3A_273 : vector<16xi32>
        %select_n3A = arith.select %eq3A_289, %get3A_278, %sub3A_291 : vector<16xi32>
        %eq3A_292 = arith.constant 0 : i32
        %eq3A_293 = arith.cmpi eq, %arg0, %eq3A_292 : i32
        %select_n3A_294 = arith.select %eq3A_293, %get3A_273, %get3A_278 : vector<16xi32>
        %mul3A_295 = arith.constant 12800 : i32
        %mul3A_296 = vector.broadcast %mul3A_295 : i32 to vector<16xi32>
        %mul3A_297 = arith.muli %select_n3A, %mul3A_296 : vector<16xi32>
        %mul3A_298 = arith.constant 256 : i32
        %mul3A_299 = vector.broadcast %mul3A_298 : i32 to vector<16xi32>
        %mul3A_300 = arith.muli %select_n3A_294, %mul3A_299 : vector<16xi32>
        %add3A_301 = arith.addi %mul3A_297, %mul3A_300 : vector<16xi32>
        %add3A_302 = arith.addi %add3A_301, %get3A_288 : vector<16xi32>
        %add3A_303 = arith.addi %add3A_269, %add3A_59 : i32
        %and3A = arith.constant 4080 : i32
        %and3A_304 = arith.andi %add3A_303, %and3A : i32
        %add3A_305 = arith.constant 640000 : i32
        %add3A_306 = arith.addi %add3A_305, %and3A_304 : i32
        %add3A_307 = vector.broadcast %add3A_306 : i32 to vector<16xi32>
        %add3A_308 = arith.addi %add3A_307, %iota3A : vector<16xi32>
        %eq3A_309 = arith.constant 1 : i32
        %eq3A_310 = vector.broadcast %eq3A_309 : i32 to vector<16xi32>
        %eq3A_311 = arith.cmpi eq, %get3A_283, %eq3A_310 : vector<16xi32>
        %select_n3A_312 = arith.select %eq3A_311, %add3A_302, %add3A_308 : vector<16xi1>, vector<16xi32>
        %mul3A_313 = arith.constant 16 : i32
        %mul3A_314 = arith.muli %scan3A_265, %mul3A_313 : i32
        %swap3A = arith.constant 1 : i32
        %swap3A_315 = arith.index_cast %swap3A : i32 to index
        %swap3A_316 = arith.index_cast %mul3A_314 : i32 to index
        %swap3A_317 = tpu.vector_load %arg6[%swap3A_315, %swap3A_316] {strides = array<i32>} : memref<32x128xi32, #tpu.memory_space<vmem>>, vector<1x16xi32>,
        %swap3A_318 = vector.shape_cast %swap3A_317 : vector<1x16xi32> to vector<16xi32>
        %swap3A_319 = vector.shape_cast %select_n3A_312 : vector<16xi32> to vector<1x16xi32>
        tpu.vector_store %arg6[%swap3A_315, %swap3A_316], %swap3A_319 {strides = array<i32>} : memref<32x128xi32, #tpu.memory_space<vmem>>, vector<1x16xi32>,
      }
      %scan3A_78 = arith.constant 8 : i32
      %scan3A_79 = arith.constant 0 : i32
      %scan3A_80 = arith.constant 0 : i32
      %scan3A_81 = arith.constant 8 : i32
      %scan3A_82 = arith.addi %scan3A_80, %scan3A_81 : i32
      %scan3A_83 = arith.constant 1 : i32
      scf.for %scan3A_265 = %scan3A_80 to %scan3A_82 step %scan3A_83  : i32 {
        %mul3A_266 = arith.constant 16 : i32
        %mul3A_267 = arith.muli %scan3A_265, %mul3A_266 : i32
        %add3A_268 = arith.constant 256 : i32
        %add3A_269 = arith.addi %add3A_268, %mul3A_267 : i32
        %get3A = arith.constant 0 : i32
        %get3A_270 = arith.index_cast %get3A : i32 to index
        %get3A_271 = arith.index_cast %add3A_269 : i32 to index
        %get3A_272 = tpu.vector_load %arg5[%get3A_270, %get3A_271] {strides = array<i32>} : memref<4x4096xi32, #tpu.memory_space<vmem>>, vector<1x16xi32>,
        %get3A_273 = vector.shape_cast %get3A_272 : vector<1x16xi32> to vector<16xi32>
        %get3A_274 = arith.constant 1 : i32
        %get3A_275 = arith.index_cast %get3A_274 : i32 to index
        %get3A_276 = arith.index_cast %add3A_269 : i32 to index
        %get3A_277 = tpu.vector_load %arg5[%get3A_275, %get3A_276] {strides = array<i32>} : memref<4x4096xi32, #tpu.memory_space<vmem>>, vector<1x16xi32>,
        %get3A_278 = vector.shape_cast %get3A_277 : vector<1x16xi32> to vector<16xi32>
        %get3A_279 = arith.constant 2 : i32
        %get3A_280 = arith.index_cast %get3A_279 : i32 to index
        %get3A_281 = arith.index_cast %add3A_269 : i32 to index
        %get3A_282 = tpu.vector_load %arg5[%get3A_280, %get3A_281] {strides = array<i32>} : memref<4x4096xi32, #tpu.memory_space<vmem>>, vector<1x16xi32>,
        %get3A_283 = vector.shape_cast %get3A_282 : vector<1x16xi32> to vector<16xi32>
        %get3A_284 = arith.constant 3 : i32
        %get3A_285 = arith.index_cast %get3A_284 : i32 to index
        %get3A_286 = arith.index_cast %add3A_269 : i32 to index
        %get3A_287 = tpu.vector_load %arg5[%get3A_285, %get3A_286] {strides = array<i32>} : memref<4x4096xi32, #tpu.memory_space<vmem>>, vector<1x16xi32>,
        %get3A_288 = vector.shape_cast %get3A_287 : vector<1x16xi32> to vector<16xi32>
        %eq3A = arith.constant 0 : i32
        %eq3A_289 = arith.cmpi eq, %arg0, %eq3A : i32
        %sub3A = arith.constant 49 : i32
        %sub3A_290 = vector.broadcast %sub3A : i32 to vector<16xi32>
        %sub3A_291 = arith.subi %sub3A_290, %get3A_273 : vector<16xi32>
        %select_n3A = arith.select %eq3A_289, %get3A_278, %sub3A_291 : vector<16xi32>
        %eq3A_292 = arith.constant 0 : i32
        %eq3A_293 = arith.cmpi eq, %arg0, %eq3A_292 : i32
        %select_n3A_294 = arith.select %eq3A_293, %get3A_273, %get3A_278 : vector<16xi32>
        %mul3A_295 = arith.constant 12800 : i32
        %mul3A_296 = vector.broadcast %mul3A_295 : i32 to vector<16xi32>
        %mul3A_297 = arith.muli %select_n3A, %mul3A_296 : vector<16xi32>
        %mul3A_298 = arith.constant 256 : i32
        %mul3A_299 = vector.broadcast %mul3A_298 : i32 to vector<16xi32>
        %mul3A_300 = arith.muli %select_n3A_294, %mul3A_299 : vector<16xi32>
        %add3A_301 = arith.addi %mul3A_297, %mul3A_300 : vector<16xi32>
        %add3A_302 = arith.addi %add3A_301, %get3A_288 : vector<16xi32>
        %add3A_303 = arith.addi %add3A_269, %add3A_59 : i32
        %and3A = arith.constant 4080 : i32
        %and3A_304 = arith.andi %add3A_303, %and3A : i32
        %add3A_305 = arith.constant 640000 : i32
        %add3A_306 = arith.addi %add3A_305, %and3A_304 : i32
        %add3A_307 = vector.broadcast %add3A_306 : i32 to vector<16xi32>
        %add3A_308 = arith.addi %add3A_307, %iota3A : vector<16xi32>
        %eq3A_309 = arith.constant 1 : i32
        %eq3A_310 = vector.broadcast %eq3A_309 : i32 to vector<16xi32>
        %eq3A_311 = arith.cmpi eq, %get3A_283, %eq3A_310 : vector<16xi32>
        %select_n3A_312 = arith.select %eq3A_311, %add3A_302, %add3A_308 : vector<16xi1>, vector<16xi32>
        %mul3A_313 = arith.constant 16 : i32
        %mul3A_314 = arith.muli %scan3A_265, %mul3A_313 : i32
        %swap3A = arith.constant 2 : i32
        %swap3A_315 = arith.index_cast %swap3A : i32 to index
        %swap3A_316 = arith.index_cast %mul3A_314 : i32 to index
        %swap3A_317 = tpu.vector_load %arg6[%swap3A_315, %swap3A_316] {strides = array<i32>} : memref<32x128xi32, #tpu.memory_space<vmem>>, vector<1x16xi32>,
        %swap3A_318 = vector.shape_cast %swap3A_317 : vector<1x16xi32> to vector<16xi32>
        %swap3A_319 = vector.shape_cast %select_n3A_312 : vector<16xi32> to vector<1x16xi32>
        tpu.vector_store %arg6[%swap3A_315, %swap3A_316], %swap3A_319 {strides = array<i32>} : memref<32x128xi32, #tpu.memory_space<vmem>>, vector<1x16xi32>,
      }
      %scan3A_84 = arith.constant 8 : i32
      %scan3A_85 = arith.constant 0 : i32
      %scan3A_86 = arith.constant 0 : i32
      %scan3A_87 = arith.constant 8 : i32
      %scan3A_88 = arith.addi %scan3A_86, %scan3A_87 : i32
      %scan3A_89 = arith.constant 1 : i32
      scf.for %scan3A_265 = %scan3A_86 to %scan3A_88 step %scan3A_89  : i32 {
        %mul3A_266 = arith.constant 16 : i32
        %mul3A_267 = arith.muli %scan3A_265, %mul3A_266 : i32
        %add3A_268 = arith.constant 384 : i32
        %add3A_269 = arith.addi %add3A_268, %mul3A_267 : i32
        %get3A = arith.constant 0 : i32
        %get3A_270 = arith.index_cast %get3A : i32 to index
        %get3A_271 = arith.index_cast %add3A_269 : i32 to index
        %get3A_272 = tpu.vector_load %arg5[%get3A_270, %get3A_271] {strides = array<i32>} : memref<4x4096xi32, #tpu.memory_space<vmem>>, vector<1x16xi32>,
        %get3A_273 = vector.shape_cast %get3A_272 : vector<1x16xi32> to vector<16xi32>
        %get3A_274 = arith.constant 1 : i32
        %get3A_275 = arith.index_cast %get3A_274 : i32 to index
        %get3A_276 = arith.index_cast %add3A_269 : i32 to index
        %get3A_277 = tpu.vector_load %arg5[%get3A_275, %get3A_276] {strides = array<i32>} : memref<4x4096xi32, #tpu.memory_space<vmem>>, vector<1x16xi32>,
        %get3A_278 = vector.shape_cast %get3A_277 : vector<1x16xi32> to vector<16xi32>
        %get3A_279 = arith.constant 2 : i32
        %get3A_280 = arith.index_cast %get3A_279 : i32 to index
        %get3A_281 = arith.index_cast %add3A_269 : i32 to index
        %get3A_282 = tpu.vector_load %arg5[%get3A_280, %get3A_281] {strides = array<i32>} : memref<4x4096xi32, #tpu.memory_space<vmem>>, vector<1x16xi32>,
        %get3A_283 = vector.shape_cast %get3A_282 : vector<1x16xi32> to vector<16xi32>
        %get3A_284 = arith.constant 3 : i32
        %get3A_285 = arith.index_cast %get3A_284 : i32 to index
        %get3A_286 = arith.index_cast %add3A_269 : i32 to index
        %get3A_287 = tpu.vector_load %arg5[%get3A_285, %get3A_286] {strides = array<i32>} : memref<4x4096xi32, #tpu.memory_space<vmem>>, vector<1x16xi32>,
        %get3A_288 = vector.shape_cast %get3A_287 : vector<1x16xi32> to vector<16xi32>
        %eq3A = arith.constant 0 : i32
        %eq3A_289 = arith.cmpi eq, %arg0, %eq3A : i32
        %sub3A = arith.constant 49 : i32
        %sub3A_290 = vector.broadcast %sub3A : i32 to vector<16xi32>
        %sub3A_291 = arith.subi %sub3A_290, %get3A_273 : vector<16xi32>
        %select_n3A = arith.select %eq3A_289, %get3A_278, %sub3A_291 : vector<16xi32>
        %eq3A_292 = arith.constant 0 : i32
        %eq3A_293 = arith.cmpi eq, %arg0, %eq3A_292 : i32
        %select_n3A_294 = arith.select %eq3A_293, %get3A_273, %get3A_278 : vector<16xi32>
        %mul3A_295 = arith.constant 12800 : i32
        %mul3A_296 = vector.broadcast %mul3A_295 : i32 to vector<16xi32>
        %mul3A_297 = arith.muli %select_n3A, %mul3A_296 : vector<16xi32>
        %mul3A_298 = arith.constant 256 : i32
        %mul3A_299 = vector.broadcast %mul3A_298 : i32 to vector<16xi32>
        %mul3A_300 = arith.muli %select_n3A_294, %mul3A_299 : vector<16xi32>
        %add3A_301 = arith.addi %mul3A_297, %mul3A_300 : vector<16xi32>
        %add3A_302 = arith.addi %add3A_301, %get3A_288 : vector<16xi32>
        %add3A_303 = arith.addi %add3A_269, %add3A_59 : i32
        %and3A = arith.constant 4080 : i32
        %and3A_304 = arith.andi %add3A_303, %and3A : i32
        %add3A_305 = arith.constant 640000 : i32
        %add3A_306 = arith.addi %add3A_305, %and3A_304 : i32
        %add3A_307 = vector.broadcast %add3A_306 : i32 to vector<16xi32>
        %add3A_308 = arith.addi %add3A_307, %iota3A : vector<16xi32>
        %eq3A_309 = arith.constant 1 : i32
        %eq3A_310 = vector.broadcast %eq3A_309 : i32 to vector<16xi32>
        %eq3A_311 = arith.cmpi eq, %get3A_283, %eq3A_310 : vector<16xi32>
        %select_n3A_312 = arith.select %eq3A_311, %add3A_302, %add3A_308 : vector<16xi1>, vector<16xi32>
        %mul3A_313 = arith.constant 16 : i32
        %mul3A_314 = arith.muli %scan3A_265, %mul3A_313 : i32
        %swap3A = arith.constant 3 : i32
        %swap3A_315 = arith.index_cast %swap3A : i32 to index
        %swap3A_316 = arith.index_cast %mul3A_314 : i32 to index
        %swap3A_317 = tpu.vector_load %arg6[%swap3A_315, %swap3A_316] {strides = array<i32>} : memref<32x128xi32, #tpu.memory_space<vmem>>, vector<1x16xi32>,
        %swap3A_318 = vector.shape_cast %swap3A_317 : vector<1x16xi32> to vector<16xi32>
        %swap3A_319 = vector.shape_cast %select_n3A_312 : vector<16xi32> to vector<1x16xi32>
        tpu.vector_store %arg6[%swap3A_315, %swap3A_316], %swap3A_319 {strides = array<i32>} : memref<32x128xi32, #tpu.memory_space<vmem>>, vector<1x16xi32>,
      }
      %scan3A_90 = arith.constant 8 : i32
      %scan3A_91 = arith.constant 0 : i32
      %scan3A_92 = arith.constant 0 : i32
      %scan3A_93 = arith.constant 8 : i32
      %scan3A_94 = arith.addi %scan3A_92, %scan3A_93 : i32
      %scan3A_95 = arith.constant 1 : i32
      scf.for %scan3A_265 = %scan3A_92 to %scan3A_94 step %scan3A_95  : i32 {
        %mul3A_266 = arith.constant 16 : i32
        %mul3A_267 = arith.muli %scan3A_265, %mul3A_266 : i32
        %add3A_268 = arith.constant 512 : i32
        %add3A_269 = arith.addi %add3A_268, %mul3A_267 : i32
        %get3A = arith.constant 0 : i32
        %get3A_270 = arith.index_cast %get3A : i32 to index
        %get3A_271 = arith.index_cast %add3A_269 : i32 to index
        %get3A_272 = tpu.vector_load %arg5[%get3A_270, %get3A_271] {strides = array<i32>} : memref<4x4096xi32, #tpu.memory_space<vmem>>, vector<1x16xi32>,
        %get3A_273 = vector.shape_cast %get3A_272 : vector<1x16xi32> to vector<16xi32>
        %get3A_274 = arith.constant 1 : i32
        %get3A_275 = arith.index_cast %get3A_274 : i32 to index
        %get3A_276 = arith.index_cast %add3A_269 : i32 to index
        %get3A_277 = tpu.vector_load %arg5[%get3A_275, %get3A_276] {strides = array<i32>} : memref<4x4096xi32, #tpu.memory_space<vmem>>, vector<1x16xi32>,
        %get3A_278 = vector.shape_cast %get3A_277 : vector<1x16xi32> to vector<16xi32>
        %get3A_279 = arith.constant 2 : i32
        %get3A_280 = arith.index_cast %get3A_279 : i32 to index
        %get3A_281 = arith.index_cast %add3A_269 : i32 to index
        %get3A_282 = tpu.vector_load %arg5[%get3A_280, %get3A_281] {strides = array<i32>} : memref<4x4096xi32, #tpu.memory_space<vmem>>, vector<1x16xi32>,
        %get3A_283 = vector.shape_cast %get3A_282 : vector<1x16xi32> to vector<16xi32>
        %get3A_284 = arith.constant 3 : i32
        %get3A_285 = arith.index_cast %get3A_284 : i32 to index
        %get3A_286 = arith.index_cast %add3A_269 : i32 to index
        %get3A_287 = tpu.vector_load %arg5[%get3A_285, %get3A_286] {strides = array<i32>} : memref<4x4096xi32, #tpu.memory_space<vmem>>, vector<1x16xi32>,
        %get3A_288 = vector.shape_cast %get3A_287 : vector<1x16xi32> to vector<16xi32>
        %eq3A = arith.constant 0 : i32
        %eq3A_289 = arith.cmpi eq, %arg0, %eq3A : i32
        %sub3A = arith.constant 49 : i32
        %sub3A_290 = vector.broadcast %sub3A : i32 to vector<16xi32>
        %sub3A_291 = arith.subi %sub3A_290, %get3A_273 : vector<16xi32>
        %select_n3A = arith.select %eq3A_289, %get3A_278, %sub3A_291 : vector<16xi32>
        %eq3A_292 = arith.constant 0 : i32
        %eq3A_293 = arith.cmpi eq, %arg0, %eq3A_292 : i32
        %select_n3A_294 = arith.select %eq3A_293, %get3A_273, %get3A_278 : vector<16xi32>
        %mul3A_295 = arith.constant 12800 : i32
        %mul3A_296 = vector.broadcast %mul3A_295 : i32 to vector<16xi32>
        %mul3A_297 = arith.muli %select_n3A, %mul3A_296 : vector<16xi32>
        %mul3A_298 = arith.constant 256 : i32
        %mul3A_299 = vector.broadcast %mul3A_298 : i32 to vector<16xi32>
        %mul3A_300 = arith.muli %select_n3A_294, %mul3A_299 : vector<16xi32>
        %add3A_301 = arith.addi %mul3A_297, %mul3A_300 : vector<16xi32>
        %add3A_302 = arith.addi %add3A_301, %get3A_288 : vector<16xi32>
        %add3A_303 = arith.addi %add3A_269, %add3A_59 : i32
        %and3A = arith.constant 4080 : i32
        %and3A_304 = arith.andi %add3A_303, %and3A : i32
        %add3A_305 = arith.constant 640000 : i32
        %add3A_306 = arith.addi %add3A_305, %and3A_304 : i32
        %add3A_307 = vector.broadcast %add3A_306 : i32 to vector<16xi32>
        %add3A_308 = arith.addi %add3A_307, %iota3A : vector<16xi32>
        %eq3A_309 = arith.constant 1 : i32
        %eq3A_310 = vector.broadcast %eq3A_309 : i32 to vector<16xi32>
        %eq3A_311 = arith.cmpi eq, %get3A_283, %eq3A_310 : vector<16xi32>
        %select_n3A_312 = arith.select %eq3A_311, %add3A_302, %add3A_308 : vector<16xi1>, vector<16xi32>
        %mul3A_313 = arith.constant 16 : i32
        %mul3A_314 = arith.muli %scan3A_265, %mul3A_313 : i32
        %swap3A = arith.constant 4 : i32
        %swap3A_315 = arith.index_cast %swap3A : i32 to index
        %swap3A_316 = arith.index_cast %mul3A_314 : i32 to index
        %swap3A_317 = tpu.vector_load %arg6[%swap3A_315, %swap3A_316] {strides = array<i32>} : memref<32x128xi32, #tpu.memory_space<vmem>>, vector<1x16xi32>,
        %swap3A_318 = vector.shape_cast %swap3A_317 : vector<1x16xi32> to vector<16xi32>
        %swap3A_319 = vector.shape_cast %select_n3A_312 : vector<16xi32> to vector<1x16xi32>
        tpu.vector_store %arg6[%swap3A_315, %swap3A_316], %swap3A_319 {strides = array<i32>} : memref<32x128xi32, #tpu.memory_space<vmem>>, vector<1x16xi32>,
      }
      %scan3A_96 = arith.constant 8 : i32
      %scan3A_97 = arith.constant 0 : i32
      %scan3A_98 = arith.constant 0 : i32
      %scan3A_99 = arith.constant 8 : i32
      %scan3A_100 = arith.addi %scan3A_98, %scan3A_99 : i32
      %scan3A_101 = arith.constant 1 : i32
      scf.for %scan3A_265 = %scan3A_98 to %scan3A_100 step %scan3A_101  : i32 {
        %mul3A_266 = arith.constant 16 : i32
        %mul3A_267 = arith.muli %scan3A_265, %mul3A_266 : i32
        %add3A_268 = arith.constant 640 : i32
        %add3A_269 = arith.addi %add3A_268, %mul3A_267 : i32
        %get3A = arith.constant 0 : i32
        %get3A_270 = arith.index_cast %get3A : i32 to index
        %get3A_271 = arith.index_cast %add3A_269 : i32 to index
        %get3A_272 = tpu.vector_load %arg5[%get3A_270, %get3A_271] {strides = array<i32>} : memref<4x4096xi32, #tpu.memory_space<vmem>>, vector<1x16xi32>,
        %get3A_273 = vector.shape_cast %get3A_272 : vector<1x16xi32> to vector<16xi32>
        %get3A_274 = arith.constant 1 : i32
        %get3A_275 = arith.index_cast %get3A_274 : i32 to index
        %get3A_276 = arith.index_cast %add3A_269 : i32 to index
        %get3A_277 = tpu.vector_load %arg5[%get3A_275, %get3A_276] {strides = array<i32>} : memref<4x4096xi32, #tpu.memory_space<vmem>>, vector<1x16xi32>,
        %get3A_278 = vector.shape_cast %get3A_277 : vector<1x16xi32> to vector<16xi32>
        %get3A_279 = arith.constant 2 : i32
        %get3A_280 = arith.index_cast %get3A_279 : i32 to index
        %get3A_281 = arith.index_cast %add3A_269 : i32 to index
        %get3A_282 = tpu.vector_load %arg5[%get3A_280, %get3A_281] {strides = array<i32>} : memref<4x4096xi32, #tpu.memory_space<vmem>>, vector<1x16xi32>,
        %get3A_283 = vector.shape_cast %get3A_282 : vector<1x16xi32> to vector<16xi32>
        %get3A_284 = arith.constant 3 : i32
        %get3A_285 = arith.index_cast %get3A_284 : i32 to index
        %get3A_286 = arith.index_cast %add3A_269 : i32 to index
        %get3A_287 = tpu.vector_load %arg5[%get3A_285, %get3A_286] {strides = array<i32>} : memref<4x4096xi32, #tpu.memory_space<vmem>>, vector<1x16xi32>,
        %get3A_288 = vector.shape_cast %get3A_287 : vector<1x16xi32> to vector<16xi32>
        %eq3A = arith.constant 0 : i32
        %eq3A_289 = arith.cmpi eq, %arg0, %eq3A : i32
        %sub3A = arith.constant 49 : i32
        %sub3A_290 = vector.broadcast %sub3A : i32 to vector<16xi32>
        %sub3A_291 = arith.subi %sub3A_290, %get3A_273 : vector<16xi32>
        %select_n3A = arith.select %eq3A_289, %get3A_278, %sub3A_291 : vector<16xi32>
        %eq3A_292 = arith.constant 0 : i32
        %eq3A_293 = arith.cmpi eq, %arg0, %eq3A_292 : i32
        %select_n3A_294 = arith.select %eq3A_293, %get3A_273, %get3A_278 : vector<16xi32>
        %mul3A_295 = arith.constant 12800 : i32
        %mul3A_296 = vector.broadcast %mul3A_295 : i32 to vector<16xi32>
        %mul3A_297 = arith.muli %select_n3A, %mul3A_296 : vector<16xi32>
        %mul3A_298 = arith.constant 256 : i32
        %mul3A_299 = vector.broadcast %mul3A_298 : i32 to vector<16xi32>
        %mul3A_300 = arith.muli %select_n3A_294, %mul3A_299 : vector<16xi32>
        %add3A_301 = arith.addi %mul3A_297, %mul3A_300 : vector<16xi32>
        %add3A_302 = arith.addi %add3A_301, %get3A_288 : vector<16xi32>
        %add3A_303 = arith.addi %add3A_269, %add3A_59 : i32
        %and3A = arith.constant 4080 : i32
        %and3A_304 = arith.andi %add3A_303, %and3A : i32
        %add3A_305 = arith.constant 640000 : i32
        %add3A_306 = arith.addi %add3A_305, %and3A_304 : i32
        %add3A_307 = vector.broadcast %add3A_306 : i32 to vector<16xi32>
        %add3A_308 = arith.addi %add3A_307, %iota3A : vector<16xi32>
        %eq3A_309 = arith.constant 1 : i32
        %eq3A_310 = vector.broadcast %eq3A_309 : i32 to vector<16xi32>
        %eq3A_311 = arith.cmpi eq, %get3A_283, %eq3A_310 : vector<16xi32>
        %select_n3A_312 = arith.select %eq3A_311, %add3A_302, %add3A_308 : vector<16xi1>, vector<16xi32>
        %mul3A_313 = arith.constant 16 : i32
        %mul3A_314 = arith.muli %scan3A_265, %mul3A_313 : i32
        %swap3A = arith.constant 5 : i32
        %swap3A_315 = arith.index_cast %swap3A : i32 to index
        %swap3A_316 = arith.index_cast %mul3A_314 : i32 to index
        %swap3A_317 = tpu.vector_load %arg6[%swap3A_315, %swap3A_316] {strides = array<i32>} : memref<32x128xi32, #tpu.memory_space<vmem>>, vector<1x16xi32>,
        %swap3A_318 = vector.shape_cast %swap3A_317 : vector<1x16xi32> to vector<16xi32>
        %swap3A_319 = vector.shape_cast %select_n3A_312 : vector<16xi32> to vector<1x16xi32>
        tpu.vector_store %arg6[%swap3A_315, %swap3A_316], %swap3A_319 {strides = array<i32>} : memref<32x128xi32, #tpu.memory_space<vmem>>, vector<1x16xi32>,
      }
      %scan3A_102 = arith.constant 8 : i32
      %scan3A_103 = arith.constant 0 : i32
      %scan3A_104 = arith.constant 0 : i32
      %scan3A_105 = arith.constant 8 : i32
      %scan3A_106 = arith.addi %scan3A_104, %scan3A_105 : i32
      %scan3A_107 = arith.constant 1 : i32
      scf.for %scan3A_265 = %scan3A_104 to %scan3A_106 step %scan3A_107  : i32 {
        %mul3A_266 = arith.constant 16 : i32
        %mul3A_267 = arith.muli %scan3A_265, %mul3A_266 : i32
        %add3A_268 = arith.constant 768 : i32
        %add3A_269 = arith.addi %add3A_268, %mul3A_267 : i32
        %get3A = arith.constant 0 : i32
        %get3A_270 = arith.index_cast %get3A : i32 to index
        %get3A_271 = arith.index_cast %add3A_269 : i32 to index
        %get3A_272 = tpu.vector_load %arg5[%get3A_270, %get3A_271] {strides = array<i32>} : memref<4x4096xi32, #tpu.memory_space<vmem>>, vector<1x16xi32>,
        %get3A_273 = vector.shape_cast %get3A_272 : vector<1x16xi32> to vector<16xi32>
        %get3A_274 = arith.constant 1 : i32
        %get3A_275 = arith.index_cast %get3A_274 : i32 to index
        %get3A_276 = arith.index_cast %add3A_269 : i32 to index
        %get3A_277 = tpu.vector_load %arg5[%get3A_275, %get3A_276] {strides = array<i32>} : memref<4x4096xi32, #tpu.memory_space<vmem>>, vector<1x16xi32>,
        %get3A_278 = vector.shape_cast %get3A_277 : vector<1x16xi32> to vector<16xi32>
        %get3A_279 = arith.constant 2 : i32
        %get3A_280 = arith.index_cast %get3A_279 : i32 to index
        %get3A_281 = arith.index_cast %add3A_269 : i32 to index
        %get3A_282 = tpu.vector_load %arg5[%get3A_280, %get3A_281] {strides = array<i32>} : memref<4x4096xi32, #tpu.memory_space<vmem>>, vector<1x16xi32>,
        %get3A_283 = vector.shape_cast %get3A_282 : vector<1x16xi32> to vector<16xi32>
        %get3A_284 = arith.constant 3 : i32
        %get3A_285 = arith.index_cast %get3A_284 : i32 to index
        %get3A_286 = arith.index_cast %add3A_269 : i32 to index
        %get3A_287 = tpu.vector_load %arg5[%get3A_285, %get3A_286] {strides = array<i32>} : memref<4x4096xi32, #tpu.memory_space<vmem>>, vector<1x16xi32>,
        %get3A_288 = vector.shape_cast %get3A_287 : vector<1x16xi32> to vector<16xi32>
        %eq3A = arith.constant 0 : i32
        %eq3A_289 = arith.cmpi eq, %arg0, %eq3A : i32
        %sub3A = arith.constant 49 : i32
        %sub3A_290 = vector.broadcast %sub3A : i32 to vector<16xi32>
        %sub3A_291 = arith.subi %sub3A_290, %get3A_273 : vector<16xi32>
        %select_n3A = arith.select %eq3A_289, %get3A_278, %sub3A_291 : vector<16xi32>
        %eq3A_292 = arith.constant 0 : i32
        %eq3A_293 = arith.cmpi eq, %arg0, %eq3A_292 : i32
        %select_n3A_294 = arith.select %eq3A_293, %get3A_273, %get3A_278 : vector<16xi32>
        %mul3A_295 = arith.constant 12800 : i32
        %mul3A_296 = vector.broadcast %mul3A_295 : i32 to vector<16xi32>
        %mul3A_297 = arith.muli %select_n3A, %mul3A_296 : vector<16xi32>
        %mul3A_298 = arith.constant 256 : i32
        %mul3A_299 = vector.broadcast %mul3A_298 : i32 to vector<16xi32>
        %mul3A_300 = arith.muli %select_n3A_294, %mul3A_299 : vector<16xi32>
        %add3A_301 = arith.addi %mul3A_297, %mul3A_300 : vector<16xi32>
        %add3A_302 = arith.addi %add3A_301, %get3A_288 : vector<16xi32>
        %add3A_303 = arith.addi %add3A_269, %add3A_59 : i32
        %and3A = arith.constant 4080 : i32
        %and3A_304 = arith.andi %add3A_303, %and3A : i32
        %add3A_305 = arith.constant 640000 : i32
        %add3A_306 = arith.addi %add3A_305, %and3A_304 : i32
        %add3A_307 = vector.broadcast %add3A_306 : i32 to vector<16xi32>
        %add3A_308 = arith.addi %add3A_307, %iota3A : vector<16xi32>
        %eq3A_309 = arith.constant 1 : i32
        %eq3A_310 = vector.broadcast %eq3A_309 : i32 to vector<16xi32>
        %eq3A_311 = arith.cmpi eq, %get3A_283, %eq3A_310 : vector<16xi32>
        %select_n3A_312 = arith.select %eq3A_311, %add3A_302, %add3A_308 : vector<16xi1>, vector<16xi32>
        %mul3A_313 = arith.constant 16 : i32
        %mul3A_314 = arith.muli %scan3A_265, %mul3A_313 : i32
        %swap3A = arith.constant 6 : i32
        %swap3A_315 = arith.index_cast %swap3A : i32 to index
        %swap3A_316 = arith.index_cast %mul3A_314 : i32 to index
        %swap3A_317 = tpu.vector_load %arg6[%swap3A_315, %swap3A_316] {strides = array<i32>} : memref<32x128xi32, #tpu.memory_space<vmem>>, vector<1x16xi32>,
        %swap3A_318 = vector.shape_cast %swap3A_317 : vector<1x16xi32> to vector<16xi32>
        %swap3A_319 = vector.shape_cast %select_n3A_312 : vector<16xi32> to vector<1x16xi32>
        tpu.vector_store %arg6[%swap3A_315, %swap3A_316], %swap3A_319 {strides = array<i32>} : memref<32x128xi32, #tpu.memory_space<vmem>>, vector<1x16xi32>,
      }
      %scan3A_108 = arith.constant 8 : i32
      %scan3A_109 = arith.constant 0 : i32
      %scan3A_110 = arith.constant 0 : i32
      %scan3A_111 = arith.constant 8 : i32
      %scan3A_112 = arith.addi %scan3A_110, %scan3A_111 : i32
      %scan3A_113 = arith.constant 1 : i32
      scf.for %scan3A_265 = %scan3A_110 to %scan3A_112 step %scan3A_113  : i32 {
        %mul3A_266 = arith.constant 16 : i32
        %mul3A_267 = arith.muli %scan3A_265, %mul3A_266 : i32
        %add3A_268 = arith.constant 896 : i32
        %add3A_269 = arith.addi %add3A_268, %mul3A_267 : i32
        %get3A = arith.constant 0 : i32
        %get3A_270 = arith.index_cast %get3A : i32 to index
        %get3A_271 = arith.index_cast %add3A_269 : i32 to index
        %get3A_272 = tpu.vector_load %arg5[%get3A_270, %get3A_271] {strides = array<i32>} : memref<4x4096xi32, #tpu.memory_space<vmem>>, vector<1x16xi32>,
        %get3A_273 = vector.shape_cast %get3A_272 : vector<1x16xi32> to vector<16xi32>
        %get3A_274 = arith.constant 1 : i32
        %get3A_275 = arith.index_cast %get3A_274 : i32 to index
        %get3A_276 = arith.index_cast %add3A_269 : i32 to index
        %get3A_277 = tpu.vector_load %arg5[%get3A_275, %get3A_276] {strides = array<i32>} : memref<4x4096xi32, #tpu.memory_space<vmem>>, vector<1x16xi32>,
        %get3A_278 = vector.shape_cast %get3A_277 : vector<1x16xi32> to vector<16xi32>
        %get3A_279 = arith.constant 2 : i32
        %get3A_280 = arith.index_cast %get3A_279 : i32 to index
        %get3A_281 = arith.index_cast %add3A_269 : i32 to index
        %get3A_282 = tpu.vector_load %arg5[%get3A_280, %get3A_281] {strides = array<i32>} : memref<4x4096xi32, #tpu.memory_space<vmem>>, vector<1x16xi32>,
        %get3A_283 = vector.shape_cast %get3A_282 : vector<1x16xi32> to vector<16xi32>
        %get3A_284 = arith.constant 3 : i32
        %get3A_285 = arith.index_cast %get3A_284 : i32 to index
        %get3A_286 = arith.index_cast %add3A_269 : i32 to index
        %get3A_287 = tpu.vector_load %arg5[%get3A_285, %get3A_286] {strides = array<i32>} : memref<4x4096xi32, #tpu.memory_space<vmem>>, vector<1x16xi32>,
        %get3A_288 = vector.shape_cast %get3A_287 : vector<1x16xi32> to vector<16xi32>
        %eq3A = arith.constant 0 : i32
        %eq3A_289 = arith.cmpi eq, %arg0, %eq3A : i32
        %sub3A = arith.constant 49 : i32
        %sub3A_290 = vector.broadcast %sub3A : i32 to vector<16xi32>
        %sub3A_291 = arith.subi %sub3A_290, %get3A_273 : vector<16xi32>
        %select_n3A = arith.select %eq3A_289, %get3A_278, %sub3A_291 : vector<16xi32>
        %eq3A_292 = arith.constant 0 : i32
        %eq3A_293 = arith.cmpi eq, %arg0, %eq3A_292 : i32
        %select_n3A_294 = arith.select %eq3A_293, %get3A_273, %get3A_278 : vector<16xi32>
        %mul3A_295 = arith.constant 12800 : i32
        %mul3A_296 = vector.broadcast %mul3A_295 : i32 to vector<16xi32>
        %mul3A_297 = arith.muli %select_n3A, %mul3A_296 : vector<16xi32>
        %mul3A_298 = arith.constant 256 : i32
        %mul3A_299 = vector.broadcast %mul3A_298 : i32 to vector<16xi32>
        %mul3A_300 = arith.muli %select_n3A_294, %mul3A_299 : vector<16xi32>
        %add3A_301 = arith.addi %mul3A_297, %mul3A_300 : vector<16xi32>
        %add3A_302 = arith.addi %add3A_301, %get3A_288 : vector<16xi32>
        %add3A_303 = arith.addi %add3A_269, %add3A_59 : i32
        %and3A = arith.constant 4080 : i32
        %and3A_304 = arith.andi %add3A_303, %and3A : i32
        %add3A_305 = arith.constant 640000 : i32
        %add3A_306 = arith.addi %add3A_305, %and3A_304 : i32
        %add3A_307 = vector.broadcast %add3A_306 : i32 to vector<16xi32>
        %add3A_308 = arith.addi %add3A_307, %iota3A : vector<16xi32>
        %eq3A_309 = arith.constant 1 : i32
        %eq3A_310 = vector.broadcast %eq3A_309 : i32 to vector<16xi32>
        %eq3A_311 = arith.cmpi eq, %get3A_283, %eq3A_310 : vector<16xi32>
        %select_n3A_312 = arith.select %eq3A_311, %add3A_302, %add3A_308 : vector<16xi1>, vector<16xi32>
        %mul3A_313 = arith.constant 16 : i32
        %mul3A_314 = arith.muli %scan3A_265, %mul3A_313 : i32
        %swap3A = arith.constant 7 : i32
        %swap3A_315 = arith.index_cast %swap3A : i32 to index
        %swap3A_316 = arith.index_cast %mul3A_314 : i32 to index
        %swap3A_317 = tpu.vector_load %arg6[%swap3A_315, %swap3A_316] {strides = array<i32>} : memref<32x128xi32, #tpu.memory_space<vmem>>, vector<1x16xi32>,
        %swap3A_318 = vector.shape_cast %swap3A_317 : vector<1x16xi32> to vector<16xi32>
        %swap3A_319 = vector.shape_cast %select_n3A_312 : vector<16xi32> to vector<1x16xi32>
        tpu.vector_store %arg6[%swap3A_315, %swap3A_316], %swap3A_319 {strides = array<i32>} : memref<32x128xi32, #tpu.memory_space<vmem>>, vector<1x16xi32>,
      }
      %scan3A_114 = arith.constant 8 : i32
      %scan3A_115 = arith.constant 0 : i32
      %scan3A_116 = arith.constant 0 : i32
      %scan3A_117 = arith.constant 8 : i32
      %scan3A_118 = arith.addi %scan3A_116, %scan3A_117 : i32
      %scan3A_119 = arith.constant 1 : i32
      scf.for %scan3A_265 = %scan3A_116 to %scan3A_118 step %scan3A_119  : i32 {
        %mul3A_266 = arith.constant 16 : i32
        %mul3A_267 = arith.muli %scan3A_265, %mul3A_266 : i32
        %add3A_268 = arith.constant 1024 : i32
        %add3A_269 = arith.addi %add3A_268, %mul3A_267 : i32
        %get3A = arith.constant 0 : i32
        %get3A_270 = arith.index_cast %get3A : i32 to index
        %get3A_271 = arith.index_cast %add3A_269 : i32 to index
        %get3A_272 = tpu.vector_load %arg5[%get3A_270, %get3A_271] {strides = array<i32>} : memref<4x4096xi32, #tpu.memory_space<vmem>>, vector<1x16xi32>,
        %get3A_273 = vector.shape_cast %get3A_272 : vector<1x16xi32> to vector<16xi32>
        %get3A_274 = arith.constant 1 : i32
        %get3A_275 = arith.index_cast %get3A_274 : i32 to index
        %get3A_276 = arith.index_cast %add3A_269 : i32 to index
        %get3A_277 = tpu.vector_load %arg5[%get3A_275, %get3A_276] {strides = array<i32>} : memref<4x4096xi32, #tpu.memory_space<vmem>>, vector<1x16xi32>,
        %get3A_278 = vector.shape_cast %get3A_277 : vector<1x16xi32> to vector<16xi32>
        %get3A_279 = arith.constant 2 : i32
        %get3A_280 = arith.index_cast %get3A_279 : i32 to index
        %get3A_281 = arith.index_cast %add3A_269 : i32 to index
        %get3A_282 = tpu.vector_load %arg5[%get3A_280, %get3A_281] {strides = array<i32>} : memref<4x4096xi32, #tpu.memory_space<vmem>>, vector<1x16xi32>,
        %get3A_283 = vector.shape_cast %get3A_282 : vector<1x16xi32> to vector<16xi32>
        %get3A_284 = arith.constant 3 : i32
        %get3A_285 = arith.index_cast %get3A_284 : i32 to index
        %get3A_286 = arith.index_cast %add3A_269 : i32 to index
        %get3A_287 = tpu.vector_load %arg5[%get3A_285, %get3A_286] {strides = array<i32>} : memref<4x4096xi32, #tpu.memory_space<vmem>>, vector<1x16xi32>,
        %get3A_288 = vector.shape_cast %get3A_287 : vector<1x16xi32> to vector<16xi32>
        %eq3A = arith.constant 0 : i32
        %eq3A_289 = arith.cmpi eq, %arg0, %eq3A : i32
        %sub3A = arith.constant 49 : i32
        %sub3A_290 = vector.broadcast %sub3A : i32 to vector<16xi32>
        %sub3A_291 = arith.subi %sub3A_290, %get3A_273 : vector<16xi32>
        %select_n3A = arith.select %eq3A_289, %get3A_278, %sub3A_291 : vector<16xi32>
        %eq3A_292 = arith.constant 0 : i32
        %eq3A_293 = arith.cmpi eq, %arg0, %eq3A_292 : i32
        %select_n3A_294 = arith.select %eq3A_293, %get3A_273, %get3A_278 : vector<16xi32>
        %mul3A_295 = arith.constant 12800 : i32
        %mul3A_296 = vector.broadcast %mul3A_295 : i32 to vector<16xi32>
        %mul3A_297 = arith.muli %select_n3A, %mul3A_296 : vector<16xi32>
        %mul3A_298 = arith.constant 256 : i32
        %mul3A_299 = vector.broadcast %mul3A_298 : i32 to vector<16xi32>
        %mul3A_300 = arith.muli %select_n3A_294, %mul3A_299 : vector<16xi32>
        %add3A_301 = arith.addi %mul3A_297, %mul3A_300 : vector<16xi32>
        %add3A_302 = arith.addi %add3A_301, %get3A_288 : vector<16xi32>
        %add3A_303 = arith.addi %add3A_269, %add3A_59 : i32
        %and3A = arith.constant 4080 : i32
        %and3A_304 = arith.andi %add3A_303, %and3A : i32
        %add3A_305 = arith.constant 640000 : i32
        %add3A_306 = arith.addi %add3A_305, %and3A_304 : i32
        %add3A_307 = vector.broadcast %add3A_306 : i32 to vector<16xi32>
        %add3A_308 = arith.addi %add3A_307, %iota3A : vector<16xi32>
        %eq3A_309 = arith.constant 1 : i32
        %eq3A_310 = vector.broadcast %eq3A_309 : i32 to vector<16xi32>
        %eq3A_311 = arith.cmpi eq, %get3A_283, %eq3A_310 : vector<16xi32>
        %select_n3A_312 = arith.select %eq3A_311, %add3A_302, %add3A_308 : vector<16xi1>, vector<16xi32>
        %mul3A_313 = arith.constant 16 : i32
        %mul3A_314 = arith.muli %scan3A_265, %mul3A_313 : i32
        %swap3A = arith.constant 8 : i32
        %swap3A_315 = arith.index_cast %swap3A : i32 to index
        %swap3A_316 = arith.index_cast %mul3A_314 : i32 to index
        %swap3A_317 = tpu.vector_load %arg6[%swap3A_315, %swap3A_316] {strides = array<i32>} : memref<32x128xi32, #tpu.memory_space<vmem>>, vector<1x16xi32>,
        %swap3A_318 = vector.shape_cast %swap3A_317 : vector<1x16xi32> to vector<16xi32>
        %swap3A_319 = vector.shape_cast %select_n3A_312 : vector<16xi32> to vector<1x16xi32>
        tpu.vector_store %arg6[%swap3A_315, %swap3A_316], %swap3A_319 {strides = array<i32>} : memref<32x128xi32, #tpu.memory_space<vmem>>, vector<1x16xi32>,
      }
      %scan3A_120 = arith.constant 8 : i32
      %scan3A_121 = arith.constant 0 : i32
      %scan3A_122 = arith.constant 0 : i32
      %scan3A_123 = arith.constant 8 : i32
      %scan3A_124 = arith.addi %scan3A_122, %scan3A_123 : i32
      %scan3A_125 = arith.constant 1 : i32
      scf.for %scan3A_265 = %scan3A_122 to %scan3A_124 step %scan3A_125  : i32 {
        %mul3A_266 = arith.constant 16 : i32
        %mul3A_267 = arith.muli %scan3A_265, %mul3A_266 : i32
        %add3A_268 = arith.constant 1152 : i32
        %add3A_269 = arith.addi %add3A_268, %mul3A_267 : i32
        %get3A = arith.constant 0 : i32
        %get3A_270 = arith.index_cast %get3A : i32 to index
        %get3A_271 = arith.index_cast %add3A_269 : i32 to index
        %get3A_272 = tpu.vector_load %arg5[%get3A_270, %get3A_271] {strides = array<i32>} : memref<4x4096xi32, #tpu.memory_space<vmem>>, vector<1x16xi32>,
        %get3A_273 = vector.shape_cast %get3A_272 : vector<1x16xi32> to vector<16xi32>
        %get3A_274 = arith.constant 1 : i32
        %get3A_275 = arith.index_cast %get3A_274 : i32 to index
        %get3A_276 = arith.index_cast %add3A_269 : i32 to index
        %get3A_277 = tpu.vector_load %arg5[%get3A_275, %get3A_276] {strides = array<i32>} : memref<4x4096xi32, #tpu.memory_space<vmem>>, vector<1x16xi32>,
        %get3A_278 = vector.shape_cast %get3A_277 : vector<1x16xi32> to vector<16xi32>
        %get3A_279 = arith.constant 2 : i32
        %get3A_280 = arith.index_cast %get3A_279 : i32 to index
        %get3A_281 = arith.index_cast %add3A_269 : i32 to index
        %get3A_282 = tpu.vector_load %arg5[%get3A_280, %get3A_281] {strides = array<i32>} : memref<4x4096xi32, #tpu.memory_space<vmem>>, vector<1x16xi32>,
        %get3A_283 = vector.shape_cast %get3A_282 : vector<1x16xi32> to vector<16xi32>
        %get3A_284 = arith.constant 3 : i32
        %get3A_285 = arith.index_cast %get3A_284 : i32 to index
        %get3A_286 = arith.index_cast %add3A_269 : i32 to index
        %get3A_287 = tpu.vector_load %arg5[%get3A_285, %get3A_286] {strides = array<i32>} : memref<4x4096xi32, #tpu.memory_space<vmem>>, vector<1x16xi32>,
        %get3A_288 = vector.shape_cast %get3A_287 : vector<1x16xi32> to vector<16xi32>
        %eq3A = arith.constant 0 : i32
        %eq3A_289 = arith.cmpi eq, %arg0, %eq3A : i32
        %sub3A = arith.constant 49 : i32
        %sub3A_290 = vector.broadcast %sub3A : i32 to vector<16xi32>
        %sub3A_291 = arith.subi %sub3A_290, %get3A_273 : vector<16xi32>
        %select_n3A = arith.select %eq3A_289, %get3A_278, %sub3A_291 : vector<16xi32>
        %eq3A_292 = arith.constant 0 : i32
        %eq3A_293 = arith.cmpi eq, %arg0, %eq3A_292 : i32
        %select_n3A_294 = arith.select %eq3A_293, %get3A_273, %get3A_278 : vector<16xi32>
        %mul3A_295 = arith.constant 12800 : i32
        %mul3A_296 = vector.broadcast %mul3A_295 : i32 to vector<16xi32>
        %mul3A_297 = arith.muli %select_n3A, %mul3A_296 : vector<16xi32>
        %mul3A_298 = arith.constant 256 : i32
        %mul3A_299 = vector.broadcast %mul3A_298 : i32 to vector<16xi32>
        %mul3A_300 = arith.muli %select_n3A_294, %mul3A_299 : vector<16xi32>
        %add3A_301 = arith.addi %mul3A_297, %mul3A_300 : vector<16xi32>
        %add3A_302 = arith.addi %add3A_301, %get3A_288 : vector<16xi32>
        %add3A_303 = arith.addi %add3A_269, %add3A_59 : i32
        %and3A = arith.constant 4080 : i32
        %and3A_304 = arith.andi %add3A_303, %and3A : i32
        %add3A_305 = arith.constant 640000 : i32
        %add3A_306 = arith.addi %add3A_305, %and3A_304 : i32
        %add3A_307 = vector.broadcast %add3A_306 : i32 to vector<16xi32>
        %add3A_308 = arith.addi %add3A_307, %iota3A : vector<16xi32>
        %eq3A_309 = arith.constant 1 : i32
        %eq3A_310 = vector.broadcast %eq3A_309 : i32 to vector<16xi32>
        %eq3A_311 = arith.cmpi eq, %get3A_283, %eq3A_310 : vector<16xi32>
        %select_n3A_312 = arith.select %eq3A_311, %add3A_302, %add3A_308 : vector<16xi1>, vector<16xi32>
        %mul3A_313 = arith.constant 16 : i32
        %mul3A_314 = arith.muli %scan3A_265, %mul3A_313 : i32
        %swap3A = arith.constant 9 : i32
        %swap3A_315 = arith.index_cast %swap3A : i32 to index
        %swap3A_316 = arith.index_cast %mul3A_314 : i32 to index
        %swap3A_317 = tpu.vector_load %arg6[%swap3A_315, %swap3A_316] {strides = array<i32>} : memref<32x128xi32, #tpu.memory_space<vmem>>, vector<1x16xi32>,
        %swap3A_318 = vector.shape_cast %swap3A_317 : vector<1x16xi32> to vector<16xi32>
        %swap3A_319 = vector.shape_cast %select_n3A_312 : vector<16xi32> to vector<1x16xi32>
        tpu.vector_store %arg6[%swap3A_315, %swap3A_316], %swap3A_319 {strides = array<i32>} : memref<32x128xi32, #tpu.memory_space<vmem>>, vector<1x16xi32>,
      }
      %scan3A_126 = arith.constant 8 : i32
      %scan3A_127 = arith.constant 0 : i32
      %scan3A_128 = arith.constant 0 : i32
      %scan3A_129 = arith.constant 8 : i32
      %scan3A_130 = arith.addi %scan3A_128, %scan3A_129 : i32
      %scan3A_131 = arith.constant 1 : i32
      scf.for %scan3A_265 = %scan3A_128 to %scan3A_130 step %scan3A_131  : i32 {
        %mul3A_266 = arith.constant 16 : i32
        %mul3A_267 = arith.muli %scan3A_265, %mul3A_266 : i32
        %add3A_268 = arith.constant 1280 : i32
        %add3A_269 = arith.addi %add3A_268, %mul3A_267 : i32
        %get3A = arith.constant 0 : i32
        %get3A_270 = arith.index_cast %get3A : i32 to index
        %get3A_271 = arith.index_cast %add3A_269 : i32 to index
        %get3A_272 = tpu.vector_load %arg5[%get3A_270, %get3A_271] {strides = array<i32>} : memref<4x4096xi32, #tpu.memory_space<vmem>>, vector<1x16xi32>,
        %get3A_273 = vector.shape_cast %get3A_272 : vector<1x16xi32> to vector<16xi32>
        %get3A_274 = arith.constant 1 : i32
        %get3A_275 = arith.index_cast %get3A_274 : i32 to index
        %get3A_276 = arith.index_cast %add3A_269 : i32 to index
        %get3A_277 = tpu.vector_load %arg5[%get3A_275, %get3A_276] {strides = array<i32>} : memref<4x4096xi32, #tpu.memory_space<vmem>>, vector<1x16xi32>,
        %get3A_278 = vector.shape_cast %get3A_277 : vector<1x16xi32> to vector<16xi32>
        %get3A_279 = arith.constant 2 : i32
        %get3A_280 = arith.index_cast %get3A_279 : i32 to index
        %get3A_281 = arith.index_cast %add3A_269 : i32 to index
        %get3A_282 = tpu.vector_load %arg5[%get3A_280, %get3A_281] {strides = array<i32>} : memref<4x4096xi32, #tpu.memory_space<vmem>>, vector<1x16xi32>,
        %get3A_283 = vector.shape_cast %get3A_282 : vector<1x16xi32> to vector<16xi32>
        %get3A_284 = arith.constant 3 : i32
        %get3A_285 = arith.index_cast %get3A_284 : i32 to index
        %get3A_286 = arith.index_cast %add3A_269 : i32 to index
        %get3A_287 = tpu.vector_load %arg5[%get3A_285, %get3A_286] {strides = array<i32>} : memref<4x4096xi32, #tpu.memory_space<vmem>>, vector<1x16xi32>,
        %get3A_288 = vector.shape_cast %get3A_287 : vector<1x16xi32> to vector<16xi32>
        %eq3A = arith.constant 0 : i32
        %eq3A_289 = arith.cmpi eq, %arg0, %eq3A : i32
        %sub3A = arith.constant 49 : i32
        %sub3A_290 = vector.broadcast %sub3A : i32 to vector<16xi32>
        %sub3A_291 = arith.subi %sub3A_290, %get3A_273 : vector<16xi32>
        %select_n3A = arith.select %eq3A_289, %get3A_278, %sub3A_291 : vector<16xi32>
        %eq3A_292 = arith.constant 0 : i32
        %eq3A_293 = arith.cmpi eq, %arg0, %eq3A_292 : i32
        %select_n3A_294 = arith.select %eq3A_293, %get3A_273, %get3A_278 : vector<16xi32>
        %mul3A_295 = arith.constant 12800 : i32
        %mul3A_296 = vector.broadcast %mul3A_295 : i32 to vector<16xi32>
        %mul3A_297 = arith.muli %select_n3A, %mul3A_296 : vector<16xi32>
        %mul3A_298 = arith.constant 256 : i32
        %mul3A_299 = vector.broadcast %mul3A_298 : i32 to vector<16xi32>
        %mul3A_300 = arith.muli %select_n3A_294, %mul3A_299 : vector<16xi32>
        %add3A_301 = arith.addi %mul3A_297, %mul3A_300 : vector<16xi32>
        %add3A_302 = arith.addi %add3A_301, %get3A_288 : vector<16xi32>
        %add3A_303 = arith.addi %add3A_269, %add3A_59 : i32
        %and3A = arith.constant 4080 : i32
        %and3A_304 = arith.andi %add3A_303, %and3A : i32
        %add3A_305 = arith.constant 640000 : i32
        %add3A_306 = arith.addi %add3A_305, %and3A_304 : i32
        %add3A_307 = vector.broadcast %add3A_306 : i32 to vector<16xi32>
        %add3A_308 = arith.addi %add3A_307, %iota3A : vector<16xi32>
        %eq3A_309 = arith.constant 1 : i32
        %eq3A_310 = vector.broadcast %eq3A_309 : i32 to vector<16xi32>
        %eq3A_311 = arith.cmpi eq, %get3A_283, %eq3A_310 : vector<16xi32>
        %select_n3A_312 = arith.select %eq3A_311, %add3A_302, %add3A_308 : vector<16xi1>, vector<16xi32>
        %mul3A_313 = arith.constant 16 : i32
        %mul3A_314 = arith.muli %scan3A_265, %mul3A_313 : i32
        %swap3A = arith.constant 10 : i32
        %swap3A_315 = arith.index_cast %swap3A : i32 to index
        %swap3A_316 = arith.index_cast %mul3A_314 : i32 to index
        %swap3A_317 = tpu.vector_load %arg6[%swap3A_315, %swap3A_316] {strides = array<i32>} : memref<32x128xi32, #tpu.memory_space<vmem>>, vector<1x16xi32>,
        %swap3A_318 = vector.shape_cast %swap3A_317 : vector<1x16xi32> to vector<16xi32>
        %swap3A_319 = vector.shape_cast %select_n3A_312 : vector<16xi32> to vector<1x16xi32>
        tpu.vector_store %arg6[%swap3A_315, %swap3A_316], %swap3A_319 {strides = array<i32>} : memref<32x128xi32, #tpu.memory_space<vmem>>, vector<1x16xi32>,
      }
      %scan3A_132 = arith.constant 8 : i32
      %scan3A_133 = arith.constant 0 : i32
      %scan3A_134 = arith.constant 0 : i32
      %scan3A_135 = arith.constant 8 : i32
      %scan3A_136 = arith.addi %scan3A_134, %scan3A_135 : i32
      %scan3A_137 = arith.constant 1 : i32
      scf.for %scan3A_265 = %scan3A_134 to %scan3A_136 step %scan3A_137  : i32 {
        %mul3A_266 = arith.constant 16 : i32
        %mul3A_267 = arith.muli %scan3A_265, %mul3A_266 : i32
        %add3A_268 = arith.constant 1408 : i32
        %add3A_269 = arith.addi %add3A_268, %mul3A_267 : i32
        %get3A = arith.constant 0 : i32
        %get3A_270 = arith.index_cast %get3A : i32 to index
        %get3A_271 = arith.index_cast %add3A_269 : i32 to index
        %get3A_272 = tpu.vector_load %arg5[%get3A_270, %get3A_271] {strides = array<i32>} : memref<4x4096xi32, #tpu.memory_space<vmem>>, vector<1x16xi32>,
        %get3A_273 = vector.shape_cast %get3A_272 : vector<1x16xi32> to vector<16xi32>
        %get3A_274 = arith.constant 1 : i32
        %get3A_275 = arith.index_cast %get3A_274 : i32 to index
        %get3A_276 = arith.index_cast %add3A_269 : i32 to index
        %get3A_277 = tpu.vector_load %arg5[%get3A_275, %get3A_276] {strides = array<i32>} : memref<4x4096xi32, #tpu.memory_space<vmem>>, vector<1x16xi32>,
        %get3A_278 = vector.shape_cast %get3A_277 : vector<1x16xi32> to vector<16xi32>
        %get3A_279 = arith.constant 2 : i32
        %get3A_280 = arith.index_cast %get3A_279 : i32 to index
        %get3A_281 = arith.index_cast %add3A_269 : i32 to index
        %get3A_282 = tpu.vector_load %arg5[%get3A_280, %get3A_281] {strides = array<i32>} : memref<4x4096xi32, #tpu.memory_space<vmem>>, vector<1x16xi32>,
        %get3A_283 = vector.shape_cast %get3A_282 : vector<1x16xi32> to vector<16xi32>
        %get3A_284 = arith.constant 3 : i32
        %get3A_285 = arith.index_cast %get3A_284 : i32 to index
        %get3A_286 = arith.index_cast %add3A_269 : i32 to index
        %get3A_287 = tpu.vector_load %arg5[%get3A_285, %get3A_286] {strides = array<i32>} : memref<4x4096xi32, #tpu.memory_space<vmem>>, vector<1x16xi32>,
        %get3A_288 = vector.shape_cast %get3A_287 : vector<1x16xi32> to vector<16xi32>
        %eq3A = arith.constant 0 : i32
        %eq3A_289 = arith.cmpi eq, %arg0, %eq3A : i32
        %sub3A = arith.constant 49 : i32
        %sub3A_290 = vector.broadcast %sub3A : i32 to vector<16xi32>
        %sub3A_291 = arith.subi %sub3A_290, %get3A_273 : vector<16xi32>
        %select_n3A = arith.select %eq3A_289, %get3A_278, %sub3A_291 : vector<16xi32>
        %eq3A_292 = arith.constant 0 : i32
        %eq3A_293 = arith.cmpi eq, %arg0, %eq3A_292 : i32
        %select_n3A_294 = arith.select %eq3A_293, %get3A_273, %get3A_278 : vector<16xi32>
        %mul3A_295 = arith.constant 12800 : i32
        %mul3A_296 = vector.broadcast %mul3A_295 : i32 to vector<16xi32>
        %mul3A_297 = arith.muli %select_n3A, %mul3A_296 : vector<16xi32>
        %mul3A_298 = arith.constant 256 : i32
        %mul3A_299 = vector.broadcast %mul3A_298 : i32 to vector<16xi32>
        %mul3A_300 = arith.muli %select_n3A_294, %mul3A_299 : vector<16xi32>
        %add3A_301 = arith.addi %mul3A_297, %mul3A_300 : vector<16xi32>
        %add3A_302 = arith.addi %add3A_301, %get3A_288 : vector<16xi32>
        %add3A_303 = arith.addi %add3A_269, %add3A_59 : i32
        %and3A = arith.constant 4080 : i32
        %and3A_304 = arith.andi %add3A_303, %and3A : i32
        %add3A_305 = arith.constant 640000 : i32
        %add3A_306 = arith.addi %add3A_305, %and3A_304 : i32
        %add3A_307 = vector.broadcast %add3A_306 : i32 to vector<16xi32>
        %add3A_308 = arith.addi %add3A_307, %iota3A : vector<16xi32>
        %eq3A_309 = arith.constant 1 : i32
        %eq3A_310 = vector.broadcast %eq3A_309 : i32 to vector<16xi32>
        %eq3A_311 = arith.cmpi eq, %get3A_283, %eq3A_310 : vector<16xi32>
        %select_n3A_312 = arith.select %eq3A_311, %add3A_302, %add3A_308 : vector<16xi1>, vector<16xi32>
        %mul3A_313 = arith.constant 16 : i32
        %mul3A_314 = arith.muli %scan3A_265, %mul3A_313 : i32
        %swap3A = arith.constant 11 : i32
        %swap3A_315 = arith.index_cast %swap3A : i32 to index
        %swap3A_316 = arith.index_cast %mul3A_314 : i32 to index
        %swap3A_317 = tpu.vector_load %arg6[%swap3A_315, %swap3A_316] {strides = array<i32>} : memref<32x128xi32, #tpu.memory_space<vmem>>, vector<1x16xi32>,
        %swap3A_318 = vector.shape_cast %swap3A_317 : vector<1x16xi32> to vector<16xi32>
        %swap3A_319 = vector.shape_cast %select_n3A_312 : vector<16xi32> to vector<1x16xi32>
        tpu.vector_store %arg6[%swap3A_315, %swap3A_316], %swap3A_319 {strides = array<i32>} : memref<32x128xi32, #tpu.memory_space<vmem>>, vector<1x16xi32>,
      }
      %scan3A_138 = arith.constant 8 : i32
      %scan3A_139 = arith.constant 0 : i32
      %scan3A_140 = arith.constant 0 : i32
      %scan3A_141 = arith.constant 8 : i32
      %scan3A_142 = arith.addi %scan3A_140, %scan3A_141 : i32
      %scan3A_143 = arith.constant 1 : i32
      scf.for %scan3A_265 = %scan3A_140 to %scan3A_142 step %scan3A_143  : i32 {
        %mul3A_266 = arith.constant 16 : i32
        %mul3A_267 = arith.muli %scan3A_265, %mul3A_266 : i32
        %add3A_268 = arith.constant 1536 : i32
        %add3A_269 = arith.addi %add3A_268, %mul3A_267 : i32
        %get3A = arith.constant 0 : i32
        %get3A_270 = arith.index_cast %get3A : i32 to index
        %get3A_271 = arith.index_cast %add3A_269 : i32 to index
        %get3A_272 = tpu.vector_load %arg5[%get3A_270, %get3A_271] {strides = array<i32>} : memref<4x4096xi32, #tpu.memory_space<vmem>>, vector<1x16xi32>,
        %get3A_273 = vector.shape_cast %get3A_272 : vector<1x16xi32> to vector<16xi32>
        %get3A_274 = arith.constant 1 : i32
        %get3A_275 = arith.index_cast %get3A_274 : i32 to index
        %get3A_276 = arith.index_cast %add3A_269 : i32 to index
        %get3A_277 = tpu.vector_load %arg5[%get3A_275, %get3A_276] {strides = array<i32>} : memref<4x4096xi32, #tpu.memory_space<vmem>>, vector<1x16xi32>,
        %get3A_278 = vector.shape_cast %get3A_277 : vector<1x16xi32> to vector<16xi32>
        %get3A_279 = arith.constant 2 : i32
        %get3A_280 = arith.index_cast %get3A_279 : i32 to index
        %get3A_281 = arith.index_cast %add3A_269 : i32 to index
        %get3A_282 = tpu.vector_load %arg5[%get3A_280, %get3A_281] {strides = array<i32>} : memref<4x4096xi32, #tpu.memory_space<vmem>>, vector<1x16xi32>,
        %get3A_283 = vector.shape_cast %get3A_282 : vector<1x16xi32> to vector<16xi32>
        %get3A_284 = arith.constant 3 : i32
        %get3A_285 = arith.index_cast %get3A_284 : i32 to index
        %get3A_286 = arith.index_cast %add3A_269 : i32 to index
        %get3A_287 = tpu.vector_load %arg5[%get3A_285, %get3A_286] {strides = array<i32>} : memref<4x4096xi32, #tpu.memory_space<vmem>>, vector<1x16xi32>,
        %get3A_288 = vector.shape_cast %get3A_287 : vector<1x16xi32> to vector<16xi32>
        %eq3A = arith.constant 0 : i32
        %eq3A_289 = arith.cmpi eq, %arg0, %eq3A : i32
        %sub3A = arith.constant 49 : i32
        %sub3A_290 = vector.broadcast %sub3A : i32 to vector<16xi32>
        %sub3A_291 = arith.subi %sub3A_290, %get3A_273 : vector<16xi32>
        %select_n3A = arith.select %eq3A_289, %get3A_278, %sub3A_291 : vector<16xi32>
        %eq3A_292 = arith.constant 0 : i32
        %eq3A_293 = arith.cmpi eq, %arg0, %eq3A_292 : i32
        %select_n3A_294 = arith.select %eq3A_293, %get3A_273, %get3A_278 : vector<16xi32>
        %mul3A_295 = arith.constant 12800 : i32
        %mul3A_296 = vector.broadcast %mul3A_295 : i32 to vector<16xi32>
        %mul3A_297 = arith.muli %select_n3A, %mul3A_296 : vector<16xi32>
        %mul3A_298 = arith.constant 256 : i32
        %mul3A_299 = vector.broadcast %mul3A_298 : i32 to vector<16xi32>
        %mul3A_300 = arith.muli %select_n3A_294, %mul3A_299 : vector<16xi32>
        %add3A_301 = arith.addi %mul3A_297, %mul3A_300 : vector<16xi32>
        %add3A_302 = arith.addi %add3A_301, %get3A_288 : vector<16xi32>
        %add3A_303 = arith.addi %add3A_269, %add3A_59 : i32
        %and3A = arith.constant 4080 : i32
        %and3A_304 = arith.andi %add3A_303, %and3A : i32
        %add3A_305 = arith.constant 640000 : i32
        %add3A_306 = arith.addi %add3A_305, %and3A_304 : i32
        %add3A_307 = vector.broadcast %add3A_306 : i32 to vector<16xi32>
        %add3A_308 = arith.addi %add3A_307, %iota3A : vector<16xi32>
        %eq3A_309 = arith.constant 1 : i32
        %eq3A_310 = vector.broadcast %eq3A_309 : i32 to vector<16xi32>
        %eq3A_311 = arith.cmpi eq, %get3A_283, %eq3A_310 : vector<16xi32>
        %select_n3A_312 = arith.select %eq3A_311, %add3A_302, %add3A_308 : vector<16xi1>, vector<16xi32>
        %mul3A_313 = arith.constant 16 : i32
        %mul3A_314 = arith.muli %scan3A_265, %mul3A_313 : i32
        %swap3A = arith.constant 12 : i32
        %swap3A_315 = arith.index_cast %swap3A : i32 to index
        %swap3A_316 = arith.index_cast %mul3A_314 : i32 to index
        %swap3A_317 = tpu.vector_load %arg6[%swap3A_315, %swap3A_316] {strides = array<i32>} : memref<32x128xi32, #tpu.memory_space<vmem>>, vector<1x16xi32>,
        %swap3A_318 = vector.shape_cast %swap3A_317 : vector<1x16xi32> to vector<16xi32>
        %swap3A_319 = vector.shape_cast %select_n3A_312 : vector<16xi32> to vector<1x16xi32>
        tpu.vector_store %arg6[%swap3A_315, %swap3A_316], %swap3A_319 {strides = array<i32>} : memref<32x128xi32, #tpu.memory_space<vmem>>, vector<1x16xi32>,
      }
      %scan3A_144 = arith.constant 8 : i32
      %scan3A_145 = arith.constant 0 : i32
      %scan3A_146 = arith.constant 0 : i32
      %scan3A_147 = arith.constant 8 : i32
      %scan3A_148 = arith.addi %scan3A_146, %scan3A_147 : i32
      %scan3A_149 = arith.constant 1 : i32
      scf.for %scan3A_265 = %scan3A_146 to %scan3A_148 step %scan3A_149  : i32 {
        %mul3A_266 = arith.constant 16 : i32
        %mul3A_267 = arith.muli %scan3A_265, %mul3A_266 : i32
        %add3A_268 = arith.constant 1664 : i32
        %add3A_269 = arith.addi %add3A_268, %mul3A_267 : i32
        %get3A = arith.constant 0 : i32
        %get3A_270 = arith.index_cast %get3A : i32 to index
        %get3A_271 = arith.index_cast %add3A_269 : i32 to index
        %get3A_272 = tpu.vector_load %arg5[%get3A_270, %get3A_271] {strides = array<i32>} : memref<4x4096xi32, #tpu.memory_space<vmem>>, vector<1x16xi32>,
        %get3A_273 = vector.shape_cast %get3A_272 : vector<1x16xi32> to vector<16xi32>
        %get3A_274 = arith.constant 1 : i32
        %get3A_275 = arith.index_cast %get3A_274 : i32 to index
        %get3A_276 = arith.index_cast %add3A_269 : i32 to index
        %get3A_277 = tpu.vector_load %arg5[%get3A_275, %get3A_276] {strides = array<i32>} : memref<4x4096xi32, #tpu.memory_space<vmem>>, vector<1x16xi32>,
        %get3A_278 = vector.shape_cast %get3A_277 : vector<1x16xi32> to vector<16xi32>
        %get3A_279 = arith.constant 2 : i32
        %get3A_280 = arith.index_cast %get3A_279 : i32 to index
        %get3A_281 = arith.index_cast %add3A_269 : i32 to index
        %get3A_282 = tpu.vector_load %arg5[%get3A_280, %get3A_281] {strides = array<i32>} : memref<4x4096xi32, #tpu.memory_space<vmem>>, vector<1x16xi32>,
        %get3A_283 = vector.shape_cast %get3A_282 : vector<1x16xi32> to vector<16xi32>
        %get3A_284 = arith.constant 3 : i32
        %get3A_285 = arith.index_cast %get3A_284 : i32 to index
        %get3A_286 = arith.index_cast %add3A_269 : i32 to index
        %get3A_287 = tpu.vector_load %arg5[%get3A_285, %get3A_286] {strides = array<i32>} : memref<4x4096xi32, #tpu.memory_space<vmem>>, vector<1x16xi32>,
        %get3A_288 = vector.shape_cast %get3A_287 : vector<1x16xi32> to vector<16xi32>
        %eq3A = arith.constant 0 : i32
        %eq3A_289 = arith.cmpi eq, %arg0, %eq3A : i32
        %sub3A = arith.constant 49 : i32
        %sub3A_290 = vector.broadcast %sub3A : i32 to vector<16xi32>
        %sub3A_291 = arith.subi %sub3A_290, %get3A_273 : vector<16xi32>
        %select_n3A = arith.select %eq3A_289, %get3A_278, %sub3A_291 : vector<16xi32>
        %eq3A_292 = arith.constant 0 : i32
        %eq3A_293 = arith.cmpi eq, %arg0, %eq3A_292 : i32
        %select_n3A_294 = arith.select %eq3A_293, %get3A_273, %get3A_278 : vector<16xi32>
        %mul3A_295 = arith.constant 12800 : i32
        %mul3A_296 = vector.broadcast %mul3A_295 : i32 to vector<16xi32>
        %mul3A_297 = arith.muli %select_n3A, %mul3A_296 : vector<16xi32>
        %mul3A_298 = arith.constant 256 : i32
        %mul3A_299 = vector.broadcast %mul3A_298 : i32 to vector<16xi32>
        %mul3A_300 = arith.muli %select_n3A_294, %mul3A_299 : vector<16xi32>
        %add3A_301 = arith.addi %mul3A_297, %mul3A_300 : vector<16xi32>
        %add3A_302 = arith.addi %add3A_301, %get3A_288 : vector<16xi32>
        %add3A_303 = arith.addi %add3A_269, %add3A_59 : i32
        %and3A = arith.constant 4080 : i32
        %and3A_304 = arith.andi %add3A_303, %and3A : i32
        %add3A_305 = arith.constant 640000 : i32
        %add3A_306 = arith.addi %add3A_305, %and3A_304 : i32
        %add3A_307 = vector.broadcast %add3A_306 : i32 to vector<16xi32>
        %add3A_308 = arith.addi %add3A_307, %iota3A : vector<16xi32>
        %eq3A_309 = arith.constant 1 : i32
        %eq3A_310 = vector.broadcast %eq3A_309 : i32 to vector<16xi32>
        %eq3A_311 = arith.cmpi eq, %get3A_283, %eq3A_310 : vector<16xi32>
        %select_n3A_312 = arith.select %eq3A_311, %add3A_302, %add3A_308 : vector<16xi1>, vector<16xi32>
        %mul3A_313 = arith.constant 16 : i32
        %mul3A_314 = arith.muli %scan3A_265, %mul3A_313 : i32
        %swap3A = arith.constant 13 : i32
        %swap3A_315 = arith.index_cast %swap3A : i32 to index
        %swap3A_316 = arith.index_cast %mul3A_314 : i32 to index
        %swap3A_317 = tpu.vector_load %arg6[%swap3A_315, %swap3A_316] {strides = array<i32>} : memref<32x128xi32, #tpu.memory_space<vmem>>, vector<1x16xi32>,
        %swap3A_318 = vector.shape_cast %swap3A_317 : vector<1x16xi32> to vector<16xi32>
        %swap3A_319 = vector.shape_cast %select_n3A_312 : vector<16xi32> to vector<1x16xi32>
        tpu.vector_store %arg6[%swap3A_315, %swap3A_316], %swap3A_319 {strides = array<i32>} : memref<32x128xi32, #tpu.memory_space<vmem>>, vector<1x16xi32>,
      }
      %scan3A_150 = arith.constant 8 : i32
      %scan3A_151 = arith.constant 0 : i32
      %scan3A_152 = arith.constant 0 : i32
      %scan3A_153 = arith.constant 8 : i32
      %scan3A_154 = arith.addi %scan3A_152, %scan3A_153 : i32
      %scan3A_155 = arith.constant 1 : i32
      scf.for %scan3A_265 = %scan3A_152 to %scan3A_154 step %scan3A_155  : i32 {
        %mul3A_266 = arith.constant 16 : i32
        %mul3A_267 = arith.muli %scan3A_265, %mul3A_266 : i32
        %add3A_268 = arith.constant 1792 : i32
        %add3A_269 = arith.addi %add3A_268, %mul3A_267 : i32
        %get3A = arith.constant 0 : i32
        %get3A_270 = arith.index_cast %get3A : i32 to index
        %get3A_271 = arith.index_cast %add3A_269 : i32 to index
        %get3A_272 = tpu.vector_load %arg5[%get3A_270, %get3A_271] {strides = array<i32>} : memref<4x4096xi32, #tpu.memory_space<vmem>>, vector<1x16xi32>,
        %get3A_273 = vector.shape_cast %get3A_272 : vector<1x16xi32> to vector<16xi32>
        %get3A_274 = arith.constant 1 : i32
        %get3A_275 = arith.index_cast %get3A_274 : i32 to index
        %get3A_276 = arith.index_cast %add3A_269 : i32 to index
        %get3A_277 = tpu.vector_load %arg5[%get3A_275, %get3A_276] {strides = array<i32>} : memref<4x4096xi32, #tpu.memory_space<vmem>>, vector<1x16xi32>,
        %get3A_278 = vector.shape_cast %get3A_277 : vector<1x16xi32> to vector<16xi32>
        %get3A_279 = arith.constant 2 : i32
        %get3A_280 = arith.index_cast %get3A_279 : i32 to index
        %get3A_281 = arith.index_cast %add3A_269 : i32 to index
        %get3A_282 = tpu.vector_load %arg5[%get3A_280, %get3A_281] {strides = array<i32>} : memref<4x4096xi32, #tpu.memory_space<vmem>>, vector<1x16xi32>,
        %get3A_283 = vector.shape_cast %get3A_282 : vector<1x16xi32> to vector<16xi32>
        %get3A_284 = arith.constant 3 : i32
        %get3A_285 = arith.index_cast %get3A_284 : i32 to index
        %get3A_286 = arith.index_cast %add3A_269 : i32 to index
        %get3A_287 = tpu.vector_load %arg5[%get3A_285, %get3A_286] {strides = array<i32>} : memref<4x4096xi32, #tpu.memory_space<vmem>>, vector<1x16xi32>,
        %get3A_288 = vector.shape_cast %get3A_287 : vector<1x16xi32> to vector<16xi32>
        %eq3A = arith.constant 0 : i32
        %eq3A_289 = arith.cmpi eq, %arg0, %eq3A : i32
        %sub3A = arith.constant 49 : i32
        %sub3A_290 = vector.broadcast %sub3A : i32 to vector<16xi32>
        %sub3A_291 = arith.subi %sub3A_290, %get3A_273 : vector<16xi32>
        %select_n3A = arith.select %eq3A_289, %get3A_278, %sub3A_291 : vector<16xi32>
        %eq3A_292 = arith.constant 0 : i32
        %eq3A_293 = arith.cmpi eq, %arg0, %eq3A_292 : i32
        %select_n3A_294 = arith.select %eq3A_293, %get3A_273, %get3A_278 : vector<16xi32>
        %mul3A_295 = arith.constant 12800 : i32
        %mul3A_296 = vector.broadcast %mul3A_295 : i32 to vector<16xi32>
        %mul3A_297 = arith.muli %select_n3A, %mul3A_296 : vector<16xi32>
        %mul3A_298 = arith.constant 256 : i32
        %mul3A_299 = vector.broadcast %mul3A_298 : i32 to vector<16xi32>
        %mul3A_300 = arith.muli %select_n3A_294, %mul3A_299 : vector<16xi32>
        %add3A_301 = arith.addi %mul3A_297, %mul3A_300 : vector<16xi32>
        %add3A_302 = arith.addi %add3A_301, %get3A_288 : vector<16xi32>
        %add3A_303 = arith.addi %add3A_269, %add3A_59 : i32
        %and3A = arith.constant 4080 : i32
        %and3A_304 = arith.andi %add3A_303, %and3A : i32
        %add3A_305 = arith.constant 640000 : i32
        %add3A_306 = arith.addi %add3A_305, %and3A_304 : i32
        %add3A_307 = vector.broadcast %add3A_306 : i32 to vector<16xi32>
        %add3A_308 = arith.addi %add3A_307, %iota3A : vector<16xi32>
        %eq3A_309 = arith.constant 1 : i32
        %eq3A_310 = vector.broadcast %eq3A_309 : i32 to vector<16xi32>
        %eq3A_311 = arith.cmpi eq, %get3A_283, %eq3A_310 : vector<16xi32>
        %select_n3A_312 = arith.select %eq3A_311, %add3A_302, %add3A_308 : vector<16xi1>, vector<16xi32>
        %mul3A_313 = arith.constant 16 : i32
        %mul3A_314 = arith.muli %scan3A_265, %mul3A_313 : i32
        %swap3A = arith.constant 14 : i32
        %swap3A_315 = arith.index_cast %swap3A : i32 to index
        %swap3A_316 = arith.index_cast %mul3A_314 : i32 to index
        %swap3A_317 = tpu.vector_load %arg6[%swap3A_315, %swap3A_316] {strides = array<i32>} : memref<32x128xi32, #tpu.memory_space<vmem>>, vector<1x16xi32>,
        %swap3A_318 = vector.shape_cast %swap3A_317 : vector<1x16xi32> to vector<16xi32>
        %swap3A_319 = vector.shape_cast %select_n3A_312 : vector<16xi32> to vector<1x16xi32>
        tpu.vector_store %arg6[%swap3A_315, %swap3A_316], %swap3A_319 {strides = array<i32>} : memref<32x128xi32, #tpu.memory_space<vmem>>, vector<1x16xi32>,
      }
      %scan3A_156 = arith.constant 8 : i32
      %scan3A_157 = arith.constant 0 : i32
      %scan3A_158 = arith.constant 0 : i32
      %scan3A_159 = arith.constant 8 : i32
      %scan3A_160 = arith.addi %scan3A_158, %scan3A_159 : i32
      %scan3A_161 = arith.constant 1 : i32
      scf.for %scan3A_265 = %scan3A_158 to %scan3A_160 step %scan3A_161  : i32 {
        %mul3A_266 = arith.constant 16 : i32
        %mul3A_267 = arith.muli %scan3A_265, %mul3A_266 : i32
        %add3A_268 = arith.constant 1920 : i32
        %add3A_269 = arith.addi %add3A_268, %mul3A_267 : i32
        %get3A = arith.constant 0 : i32
        %get3A_270 = arith.index_cast %get3A : i32 to index
        %get3A_271 = arith.index_cast %add3A_269 : i32 to index
        %get3A_272 = tpu.vector_load %arg5[%get3A_270, %get3A_271] {strides = array<i32>} : memref<4x4096xi32, #tpu.memory_space<vmem>>, vector<1x16xi32>,
        %get3A_273 = vector.shape_cast %get3A_272 : vector<1x16xi32> to vector<16xi32>
        %get3A_274 = arith.constant 1 : i32
        %get3A_275 = arith.index_cast %get3A_274 : i32 to index
        %get3A_276 = arith.index_cast %add3A_269 : i32 to index
        %get3A_277 = tpu.vector_load %arg5[%get3A_275, %get3A_276] {strides = array<i32>} : memref<4x4096xi32, #tpu.memory_space<vmem>>, vector<1x16xi32>,
        %get3A_278 = vector.shape_cast %get3A_277 : vector<1x16xi32> to vector<16xi32>
        %get3A_279 = arith.constant 2 : i32
        %get3A_280 = arith.index_cast %get3A_279 : i32 to index
        %get3A_281 = arith.index_cast %add3A_269 : i32 to index
        %get3A_282 = tpu.vector_load %arg5[%get3A_280, %get3A_281] {strides = array<i32>} : memref<4x4096xi32, #tpu.memory_space<vmem>>, vector<1x16xi32>,
        %get3A_283 = vector.shape_cast %get3A_282 : vector<1x16xi32> to vector<16xi32>
        %get3A_284 = arith.constant 3 : i32
        %get3A_285 = arith.index_cast %get3A_284 : i32 to index
        %get3A_286 = arith.index_cast %add3A_269 : i32 to index
        %get3A_287 = tpu.vector_load %arg5[%get3A_285, %get3A_286] {strides = array<i32>} : memref<4x4096xi32, #tpu.memory_space<vmem>>, vector<1x16xi32>,
        %get3A_288 = vector.shape_cast %get3A_287 : vector<1x16xi32> to vector<16xi32>
        %eq3A = arith.constant 0 : i32
        %eq3A_289 = arith.cmpi eq, %arg0, %eq3A : i32
        %sub3A = arith.constant 49 : i32
        %sub3A_290 = vector.broadcast %sub3A : i32 to vector<16xi32>
        %sub3A_291 = arith.subi %sub3A_290, %get3A_273 : vector<16xi32>
        %select_n3A = arith.select %eq3A_289, %get3A_278, %sub3A_291 : vector<16xi32>
        %eq3A_292 = arith.constant 0 : i32
        %eq3A_293 = arith.cmpi eq, %arg0, %eq3A_292 : i32
        %select_n3A_294 = arith.select %eq3A_293, %get3A_273, %get3A_278 : vector<16xi32>
        %mul3A_295 = arith.constant 12800 : i32
        %mul3A_296 = vector.broadcast %mul3A_295 : i32 to vector<16xi32>
        %mul3A_297 = arith.muli %select_n3A, %mul3A_296 : vector<16xi32>
        %mul3A_298 = arith.constant 256 : i32
        %mul3A_299 = vector.broadcast %mul3A_298 : i32 to vector<16xi32>
        %mul3A_300 = arith.muli %select_n3A_294, %mul3A_299 : vector<16xi32>
        %add3A_301 = arith.addi %mul3A_297, %mul3A_300 : vector<16xi32>
        %add3A_302 = arith.addi %add3A_301, %get3A_288 : vector<16xi32>
        %add3A_303 = arith.addi %add3A_269, %add3A_59 : i32
        %and3A = arith.constant 4080 : i32
        %and3A_304 = arith.andi %add3A_303, %and3A : i32
        %add3A_305 = arith.constant 640000 : i32
        %add3A_306 = arith.addi %add3A_305, %and3A_304 : i32
        %add3A_307 = vector.broadcast %add3A_306 : i32 to vector<16xi32>
        %add3A_308 = arith.addi %add3A_307, %iota3A : vector<16xi32>
        %eq3A_309 = arith.constant 1 : i32
        %eq3A_310 = vector.broadcast %eq3A_309 : i32 to vector<16xi32>
        %eq3A_311 = arith.cmpi eq, %get3A_283, %eq3A_310 : vector<16xi32>
        %select_n3A_312 = arith.select %eq3A_311, %add3A_302, %add3A_308 : vector<16xi1>, vector<16xi32>
        %mul3A_313 = arith.constant 16 : i32
        %mul3A_314 = arith.muli %scan3A_265, %mul3A_313 : i32
        %swap3A = arith.constant 15 : i32
        %swap3A_315 = arith.index_cast %swap3A : i32 to index
        %swap3A_316 = arith.index_cast %mul3A_314 : i32 to index
        %swap3A_317 = tpu.vector_load %arg6[%swap3A_315, %swap3A_316] {strides = array<i32>} : memref<32x128xi32, #tpu.memory_space<vmem>>, vector<1x16xi32>,
        %swap3A_318 = vector.shape_cast %swap3A_317 : vector<1x16xi32> to vector<16xi32>
        %swap3A_319 = vector.shape_cast %select_n3A_312 : vector<16xi32> to vector<1x16xi32>
        tpu.vector_store %arg6[%swap3A_315, %swap3A_316], %swap3A_319 {strides = array<i32>} : memref<32x128xi32, #tpu.memory_space<vmem>>, vector<1x16xi32>,
      }
      %scan3A_162 = arith.constant 8 : i32
      %scan3A_163 = arith.constant 0 : i32
      %scan3A_164 = arith.constant 0 : i32
      %scan3A_165 = arith.constant 8 : i32
      %scan3A_166 = arith.addi %scan3A_164, %scan3A_165 : i32
      %scan3A_167 = arith.constant 1 : i32
      scf.for %scan3A_265 = %scan3A_164 to %scan3A_166 step %scan3A_167  : i32 {
        %mul3A_266 = arith.constant 16 : i32
        %mul3A_267 = arith.muli %scan3A_265, %mul3A_266 : i32
        %add3A_268 = arith.constant 2048 : i32
        %add3A_269 = arith.addi %add3A_268, %mul3A_267 : i32
        %get3A = arith.constant 0 : i32
        %get3A_270 = arith.index_cast %get3A : i32 to index
        %get3A_271 = arith.index_cast %add3A_269 : i32 to index
        %get3A_272 = tpu.vector_load %arg5[%get3A_270, %get3A_271] {strides = array<i32>} : memref<4x4096xi32, #tpu.memory_space<vmem>>, vector<1x16xi32>,
        %get3A_273 = vector.shape_cast %get3A_272 : vector<1x16xi32> to vector<16xi32>
        %get3A_274 = arith.constant 1 : i32
        %get3A_275 = arith.index_cast %get3A_274 : i32 to index
        %get3A_276 = arith.index_cast %add3A_269 : i32 to index
        %get3A_277 = tpu.vector_load %arg5[%get3A_275, %get3A_276] {strides = array<i32>} : memref<4x4096xi32, #tpu.memory_space<vmem>>, vector<1x16xi32>,
        %get3A_278 = vector.shape_cast %get3A_277 : vector<1x16xi32> to vector<16xi32>
        %get3A_279 = arith.constant 2 : i32
        %get3A_280 = arith.index_cast %get3A_279 : i32 to index
        %get3A_281 = arith.index_cast %add3A_269 : i32 to index
        %get3A_282 = tpu.vector_load %arg5[%get3A_280, %get3A_281] {strides = array<i32>} : memref<4x4096xi32, #tpu.memory_space<vmem>>, vector<1x16xi32>,
        %get3A_283 = vector.shape_cast %get3A_282 : vector<1x16xi32> to vector<16xi32>
        %get3A_284 = arith.constant 3 : i32
        %get3A_285 = arith.index_cast %get3A_284 : i32 to index
        %get3A_286 = arith.index_cast %add3A_269 : i32 to index
        %get3A_287 = tpu.vector_load %arg5[%get3A_285, %get3A_286] {strides = array<i32>} : memref<4x4096xi32, #tpu.memory_space<vmem>>, vector<1x16xi32>,
        %get3A_288 = vector.shape_cast %get3A_287 : vector<1x16xi32> to vector<16xi32>
        %eq3A = arith.constant 0 : i32
        %eq3A_289 = arith.cmpi eq, %arg0, %eq3A : i32
        %sub3A = arith.constant 49 : i32
        %sub3A_290 = vector.broadcast %sub3A : i32 to vector<16xi32>
        %sub3A_291 = arith.subi %sub3A_290, %get3A_273 : vector<16xi32>
        %select_n3A = arith.select %eq3A_289, %get3A_278, %sub3A_291 : vector<16xi32>
        %eq3A_292 = arith.constant 0 : i32
        %eq3A_293 = arith.cmpi eq, %arg0, %eq3A_292 : i32
        %select_n3A_294 = arith.select %eq3A_293, %get3A_273, %get3A_278 : vector<16xi32>
        %mul3A_295 = arith.constant 12800 : i32
        %mul3A_296 = vector.broadcast %mul3A_295 : i32 to vector<16xi32>
        %mul3A_297 = arith.muli %select_n3A, %mul3A_296 : vector<16xi32>
        %mul3A_298 = arith.constant 256 : i32
        %mul3A_299 = vector.broadcast %mul3A_298 : i32 to vector<16xi32>
        %mul3A_300 = arith.muli %select_n3A_294, %mul3A_299 : vector<16xi32>
        %add3A_301 = arith.addi %mul3A_297, %mul3A_300 : vector<16xi32>
        %add3A_302 = arith.addi %add3A_301, %get3A_288 : vector<16xi32>
        %add3A_303 = arith.addi %add3A_269, %add3A_59 : i32
        %and3A = arith.constant 4080 : i32
        %and3A_304 = arith.andi %add3A_303, %and3A : i32
        %add3A_305 = arith.constant 640000 : i32
        %add3A_306 = arith.addi %add3A_305, %and3A_304 : i32
        %add3A_307 = vector.broadcast %add3A_306 : i32 to vector<16xi32>
        %add3A_308 = arith.addi %add3A_307, %iota3A : vector<16xi32>
        %eq3A_309 = arith.constant 1 : i32
        %eq3A_310 = vector.broadcast %eq3A_309 : i32 to vector<16xi32>
        %eq3A_311 = arith.cmpi eq, %get3A_283, %eq3A_310 : vector<16xi32>
        %select_n3A_312 = arith.select %eq3A_311, %add3A_302, %add3A_308 : vector<16xi1>, vector<16xi32>
        %mul3A_313 = arith.constant 16 : i32
        %mul3A_314 = arith.muli %scan3A_265, %mul3A_313 : i32
        %swap3A = arith.constant 16 : i32
        %swap3A_315 = arith.index_cast %swap3A : i32 to index
        %swap3A_316 = arith.index_cast %mul3A_314 : i32 to index
        %swap3A_317 = tpu.vector_load %arg6[%swap3A_315, %swap3A_316] {strides = array<i32>} : memref<32x128xi32, #tpu.memory_space<vmem>>, vector<1x16xi32>,
        %swap3A_318 = vector.shape_cast %swap3A_317 : vector<1x16xi32> to vector<16xi32>
        %swap3A_319 = vector.shape_cast %select_n3A_312 : vector<16xi32> to vector<1x16xi32>
        tpu.vector_store %arg6[%swap3A_315, %swap3A_316], %swap3A_319 {strides = array<i32>} : memref<32x128xi32, #tpu.memory_space<vmem>>, vector<1x16xi32>,
      }
      %scan3A_168 = arith.constant 8 : i32
      %scan3A_169 = arith.constant 0 : i32
      %scan3A_170 = arith.constant 0 : i32
      %scan3A_171 = arith.constant 8 : i32
      %scan3A_172 = arith.addi %scan3A_170, %scan3A_171 : i32
      %scan3A_173 = arith.constant 1 : i32
      scf.for %scan3A_265 = %scan3A_170 to %scan3A_172 step %scan3A_173  : i32 {
        %mul3A_266 = arith.constant 16 : i32
        %mul3A_267 = arith.muli %scan3A_265, %mul3A_266 : i32
        %add3A_268 = arith.constant 2176 : i32
        %add3A_269 = arith.addi %add3A_268, %mul3A_267 : i32
        %get3A = arith.constant 0 : i32
        %get3A_270 = arith.index_cast %get3A : i32 to index
        %get3A_271 = arith.index_cast %add3A_269 : i32 to index
        %get3A_272 = tpu.vector_load %arg5[%get3A_270, %get3A_271] {strides = array<i32>} : memref<4x4096xi32, #tpu.memory_space<vmem>>, vector<1x16xi32>,
        %get3A_273 = vector.shape_cast %get3A_272 : vector<1x16xi32> to vector<16xi32>
        %get3A_274 = arith.constant 1 : i32
        %get3A_275 = arith.index_cast %get3A_274 : i32 to index
        %get3A_276 = arith.index_cast %add3A_269 : i32 to index
        %get3A_277 = tpu.vector_load %arg5[%get3A_275, %get3A_276] {strides = array<i32>} : memref<4x4096xi32, #tpu.memory_space<vmem>>, vector<1x16xi32>,
        %get3A_278 = vector.shape_cast %get3A_277 : vector<1x16xi32> to vector<16xi32>
        %get3A_279 = arith.constant 2 : i32
        %get3A_280 = arith.index_cast %get3A_279 : i32 to index
        %get3A_281 = arith.index_cast %add3A_269 : i32 to index
        %get3A_282 = tpu.vector_load %arg5[%get3A_280, %get3A_281] {strides = array<i32>} : memref<4x4096xi32, #tpu.memory_space<vmem>>, vector<1x16xi32>,
        %get3A_283 = vector.shape_cast %get3A_282 : vector<1x16xi32> to vector<16xi32>
        %get3A_284 = arith.constant 3 : i32
        %get3A_285 = arith.index_cast %get3A_284 : i32 to index
        %get3A_286 = arith.index_cast %add3A_269 : i32 to index
        %get3A_287 = tpu.vector_load %arg5[%get3A_285, %get3A_286] {strides = array<i32>} : memref<4x4096xi32, #tpu.memory_space<vmem>>, vector<1x16xi32>,
        %get3A_288 = vector.shape_cast %get3A_287 : vector<1x16xi32> to vector<16xi32>
        %eq3A = arith.constant 0 : i32
        %eq3A_289 = arith.cmpi eq, %arg0, %eq3A : i32
        %sub3A = arith.constant 49 : i32
        %sub3A_290 = vector.broadcast %sub3A : i32 to vector<16xi32>
        %sub3A_291 = arith.subi %sub3A_290, %get3A_273 : vector<16xi32>
        %select_n3A = arith.select %eq3A_289, %get3A_278, %sub3A_291 : vector<16xi32>
        %eq3A_292 = arith.constant 0 : i32
        %eq3A_293 = arith.cmpi eq, %arg0, %eq3A_292 : i32
        %select_n3A_294 = arith.select %eq3A_293, %get3A_273, %get3A_278 : vector<16xi32>
        %mul3A_295 = arith.constant 12800 : i32
        %mul3A_296 = vector.broadcast %mul3A_295 : i32 to vector<16xi32>
        %mul3A_297 = arith.muli %select_n3A, %mul3A_296 : vector<16xi32>
        %mul3A_298 = arith.constant 256 : i32
        %mul3A_299 = vector.broadcast %mul3A_298 : i32 to vector<16xi32>
        %mul3A_300 = arith.muli %select_n3A_294, %mul3A_299 : vector<16xi32>
        %add3A_301 = arith.addi %mul3A_297, %mul3A_300 : vector<16xi32>
        %add3A_302 = arith.addi %add3A_301, %get3A_288 : vector<16xi32>
        %add3A_303 = arith.addi %add3A_269, %add3A_59 : i32
        %and3A = arith.constant 4080 : i32
        %and3A_304 = arith.andi %add3A_303, %and3A : i32
        %add3A_305 = arith.constant 640000 : i32
        %add3A_306 = arith.addi %add3A_305, %and3A_304 : i32
        %add3A_307 = vector.broadcast %add3A_306 : i32 to vector<16xi32>
        %add3A_308 = arith.addi %add3A_307, %iota3A : vector<16xi32>
        %eq3A_309 = arith.constant 1 : i32
        %eq3A_310 = vector.broadcast %eq3A_309 : i32 to vector<16xi32>
        %eq3A_311 = arith.cmpi eq, %get3A_283, %eq3A_310 : vector<16xi32>
        %select_n3A_312 = arith.select %eq3A_311, %add3A_302, %add3A_308 : vector<16xi1>, vector<16xi32>
        %mul3A_313 = arith.constant 16 : i32
        %mul3A_314 = arith.muli %scan3A_265, %mul3A_313 : i32
        %swap3A = arith.constant 17 : i32
        %swap3A_315 = arith.index_cast %swap3A : i32 to index
        %swap3A_316 = arith.index_cast %mul3A_314 : i32 to index
        %swap3A_317 = tpu.vector_load %arg6[%swap3A_315, %swap3A_316] {strides = array<i32>} : memref<32x128xi32, #tpu.memory_space<vmem>>, vector<1x16xi32>,
        %swap3A_318 = vector.shape_cast %swap3A_317 : vector<1x16xi32> to vector<16xi32>
        %swap3A_319 = vector.shape_cast %select_n3A_312 : vector<16xi32> to vector<1x16xi32>
        tpu.vector_store %arg6[%swap3A_315, %swap3A_316], %swap3A_319 {strides = array<i32>} : memref<32x128xi32, #tpu.memory_space<vmem>>, vector<1x16xi32>,
      }
      %scan3A_174 = arith.constant 8 : i32
      %scan3A_175 = arith.constant 0 : i32
      %scan3A_176 = arith.constant 0 : i32
      %scan3A_177 = arith.constant 8 : i32
      %scan3A_178 = arith.addi %scan3A_176, %scan3A_177 : i32
      %scan3A_179 = arith.constant 1 : i32
      scf.for %scan3A_265 = %scan3A_176 to %scan3A_178 step %scan3A_179  : i32 {
        %mul3A_266 = arith.constant 16 : i32
        %mul3A_267 = arith.muli %scan3A_265, %mul3A_266 : i32
        %add3A_268 = arith.constant 2304 : i32
        %add3A_269 = arith.addi %add3A_268, %mul3A_267 : i32
        %get3A = arith.constant 0 : i32
        %get3A_270 = arith.index_cast %get3A : i32 to index
        %get3A_271 = arith.index_cast %add3A_269 : i32 to index
        %get3A_272 = tpu.vector_load %arg5[%get3A_270, %get3A_271] {strides = array<i32>} : memref<4x4096xi32, #tpu.memory_space<vmem>>, vector<1x16xi32>,
        %get3A_273 = vector.shape_cast %get3A_272 : vector<1x16xi32> to vector<16xi32>
        %get3A_274 = arith.constant 1 : i32
        %get3A_275 = arith.index_cast %get3A_274 : i32 to index
        %get3A_276 = arith.index_cast %add3A_269 : i32 to index
        %get3A_277 = tpu.vector_load %arg5[%get3A_275, %get3A_276] {strides = array<i32>} : memref<4x4096xi32, #tpu.memory_space<vmem>>, vector<1x16xi32>,
        %get3A_278 = vector.shape_cast %get3A_277 : vector<1x16xi32> to vector<16xi32>
        %get3A_279 = arith.constant 2 : i32
        %get3A_280 = arith.index_cast %get3A_279 : i32 to index
        %get3A_281 = arith.index_cast %add3A_269 : i32 to index
        %get3A_282 = tpu.vector_load %arg5[%get3A_280, %get3A_281] {strides = array<i32>} : memref<4x4096xi32, #tpu.memory_space<vmem>>, vector<1x16xi32>,
        %get3A_283 = vector.shape_cast %get3A_282 : vector<1x16xi32> to vector<16xi32>
        %get3A_284 = arith.constant 3 : i32
        %get3A_285 = arith.index_cast %get3A_284 : i32 to index
        %get3A_286 = arith.index_cast %add3A_269 : i32 to index
        %get3A_287 = tpu.vector_load %arg5[%get3A_285, %get3A_286] {strides = array<i32>} : memref<4x4096xi32, #tpu.memory_space<vmem>>, vector<1x16xi32>,
        %get3A_288 = vector.shape_cast %get3A_287 : vector<1x16xi32> to vector<16xi32>
        %eq3A = arith.constant 0 : i32
        %eq3A_289 = arith.cmpi eq, %arg0, %eq3A : i32
        %sub3A = arith.constant 49 : i32
        %sub3A_290 = vector.broadcast %sub3A : i32 to vector<16xi32>
        %sub3A_291 = arith.subi %sub3A_290, %get3A_273 : vector<16xi32>
        %select_n3A = arith.select %eq3A_289, %get3A_278, %sub3A_291 : vector<16xi32>
        %eq3A_292 = arith.constant 0 : i32
        %eq3A_293 = arith.cmpi eq, %arg0, %eq3A_292 : i32
        %select_n3A_294 = arith.select %eq3A_293, %get3A_273, %get3A_278 : vector<16xi32>
        %mul3A_295 = arith.constant 12800 : i32
        %mul3A_296 = vector.broadcast %mul3A_295 : i32 to vector<16xi32>
        %mul3A_297 = arith.muli %select_n3A, %mul3A_296 : vector<16xi32>
        %mul3A_298 = arith.constant 256 : i32
        %mul3A_299 = vector.broadcast %mul3A_298 : i32 to vector<16xi32>
        %mul3A_300 = arith.muli %select_n3A_294, %mul3A_299 : vector<16xi32>
        %add3A_301 = arith.addi %mul3A_297, %mul3A_300 : vector<16xi32>
        %add3A_302 = arith.addi %add3A_301, %get3A_288 : vector<16xi32>
        %add3A_303 = arith.addi %add3A_269, %add3A_59 : i32
        %and3A = arith.constant 4080 : i32
        %and3A_304 = arith.andi %add3A_303, %and3A : i32
        %add3A_305 = arith.constant 640000 : i32
        %add3A_306 = arith.addi %add3A_305, %and3A_304 : i32
        %add3A_307 = vector.broadcast %add3A_306 : i32 to vector<16xi32>
        %add3A_308 = arith.addi %add3A_307, %iota3A : vector<16xi32>
        %eq3A_309 = arith.constant 1 : i32
        %eq3A_310 = vector.broadcast %eq3A_309 : i32 to vector<16xi32>
        %eq3A_311 = arith.cmpi eq, %get3A_283, %eq3A_310 : vector<16xi32>
        %select_n3A_312 = arith.select %eq3A_311, %add3A_302, %add3A_308 : vector<16xi1>, vector<16xi32>
        %mul3A_313 = arith.constant 16 : i32
        %mul3A_314 = arith.muli %scan3A_265, %mul3A_313 : i32
        %swap3A = arith.constant 18 : i32
        %swap3A_315 = arith.index_cast %swap3A : i32 to index
        %swap3A_316 = arith.index_cast %mul3A_314 : i32 to index
        %swap3A_317 = tpu.vector_load %arg6[%swap3A_315, %swap3A_316] {strides = array<i32>} : memref<32x128xi32, #tpu.memory_space<vmem>>, vector<1x16xi32>,
        %swap3A_318 = vector.shape_cast %swap3A_317 : vector<1x16xi32> to vector<16xi32>
        %swap3A_319 = vector.shape_cast %select_n3A_312 : vector<16xi32> to vector<1x16xi32>
        tpu.vector_store %arg6[%swap3A_315, %swap3A_316], %swap3A_319 {strides = array<i32>} : memref<32x128xi32, #tpu.memory_space<vmem>>, vector<1x16xi32>,
      }
      %scan3A_180 = arith.constant 8 : i32
      %scan3A_181 = arith.constant 0 : i32
      %scan3A_182 = arith.constant 0 : i32
      %scan3A_183 = arith.constant 8 : i32
      %scan3A_184 = arith.addi %scan3A_182, %scan3A_183 : i32
      %scan3A_185 = arith.constant 1 : i32
      scf.for %scan3A_265 = %scan3A_182 to %scan3A_184 step %scan3A_185  : i32 {
        %mul3A_266 = arith.constant 16 : i32
        %mul3A_267 = arith.muli %scan3A_265, %mul3A_266 : i32
        %add3A_268 = arith.constant 2432 : i32
        %add3A_269 = arith.addi %add3A_268, %mul3A_267 : i32
        %get3A = arith.constant 0 : i32
        %get3A_270 = arith.index_cast %get3A : i32 to index
        %get3A_271 = arith.index_cast %add3A_269 : i32 to index
        %get3A_272 = tpu.vector_load %arg5[%get3A_270, %get3A_271] {strides = array<i32>} : memref<4x4096xi32, #tpu.memory_space<vmem>>, vector<1x16xi32>,
        %get3A_273 = vector.shape_cast %get3A_272 : vector<1x16xi32> to vector<16xi32>
        %get3A_274 = arith.constant 1 : i32
        %get3A_275 = arith.index_cast %get3A_274 : i32 to index
        %get3A_276 = arith.index_cast %add3A_269 : i32 to index
        %get3A_277 = tpu.vector_load %arg5[%get3A_275, %get3A_276] {strides = array<i32>} : memref<4x4096xi32, #tpu.memory_space<vmem>>, vector<1x16xi32>,
        %get3A_278 = vector.shape_cast %get3A_277 : vector<1x16xi32> to vector<16xi32>
        %get3A_279 = arith.constant 2 : i32
        %get3A_280 = arith.index_cast %get3A_279 : i32 to index
        %get3A_281 = arith.index_cast %add3A_269 : i32 to index
        %get3A_282 = tpu.vector_load %arg5[%get3A_280, %get3A_281] {strides = array<i32>} : memref<4x4096xi32, #tpu.memory_space<vmem>>, vector<1x16xi32>,
        %get3A_283 = vector.shape_cast %get3A_282 : vector<1x16xi32> to vector<16xi32>
        %get3A_284 = arith.constant 3 : i32
        %get3A_285 = arith.index_cast %get3A_284 : i32 to index
        %get3A_286 = arith.index_cast %add3A_269 : i32 to index
        %get3A_287 = tpu.vector_load %arg5[%get3A_285, %get3A_286] {strides = array<i32>} : memref<4x4096xi32, #tpu.memory_space<vmem>>, vector<1x16xi32>,
        %get3A_288 = vector.shape_cast %get3A_287 : vector<1x16xi32> to vector<16xi32>
        %eq3A = arith.constant 0 : i32
        %eq3A_289 = arith.cmpi eq, %arg0, %eq3A : i32
        %sub3A = arith.constant 49 : i32
        %sub3A_290 = vector.broadcast %sub3A : i32 to vector<16xi32>
        %sub3A_291 = arith.subi %sub3A_290, %get3A_273 : vector<16xi32>
        %select_n3A = arith.select %eq3A_289, %get3A_278, %sub3A_291 : vector<16xi32>
        %eq3A_292 = arith.constant 0 : i32
        %eq3A_293 = arith.cmpi eq, %arg0, %eq3A_292 : i32
        %select_n3A_294 = arith.select %eq3A_293, %get3A_273, %get3A_278 : vector<16xi32>
        %mul3A_295 = arith.constant 12800 : i32
        %mul3A_296 = vector.broadcast %mul3A_295 : i32 to vector<16xi32>
        %mul3A_297 = arith.muli %select_n3A, %mul3A_296 : vector<16xi32>
        %mul3A_298 = arith.constant 256 : i32
        %mul3A_299 = vector.broadcast %mul3A_298 : i32 to vector<16xi32>
        %mul3A_300 = arith.muli %select_n3A_294, %mul3A_299 : vector<16xi32>
        %add3A_301 = arith.addi %mul3A_297, %mul3A_300 : vector<16xi32>
        %add3A_302 = arith.addi %add3A_301, %get3A_288 : vector<16xi32>
        %add3A_303 = arith.addi %add3A_269, %add3A_59 : i32
        %and3A = arith.constant 4080 : i32
        %and3A_304 = arith.andi %add3A_303, %and3A : i32
        %add3A_305 = arith.constant 640000 : i32
        %add3A_306 = arith.addi %add3A_305, %and3A_304 : i32
        %add3A_307 = vector.broadcast %add3A_306 : i32 to vector<16xi32>
        %add3A_308 = arith.addi %add3A_307, %iota3A : vector<16xi32>
        %eq3A_309 = arith.constant 1 : i32
        %eq3A_310 = vector.broadcast %eq3A_309 : i32 to vector<16xi32>
        %eq3A_311 = arith.cmpi eq, %get3A_283, %eq3A_310 : vector<16xi32>
        %select_n3A_312 = arith.select %eq3A_311, %add3A_302, %add3A_308 : vector<16xi1>, vector<16xi32>
        %mul3A_313 = arith.constant 16 : i32
        %mul3A_314 = arith.muli %scan3A_265, %mul3A_313 : i32
        %swap3A = arith.constant 19 : i32
        %swap3A_315 = arith.index_cast %swap3A : i32 to index
        %swap3A_316 = arith.index_cast %mul3A_314 : i32 to index
        %swap3A_317 = tpu.vector_load %arg6[%swap3A_315, %swap3A_316] {strides = array<i32>} : memref<32x128xi32, #tpu.memory_space<vmem>>, vector<1x16xi32>,
        %swap3A_318 = vector.shape_cast %swap3A_317 : vector<1x16xi32> to vector<16xi32>
        %swap3A_319 = vector.shape_cast %select_n3A_312 : vector<16xi32> to vector<1x16xi32>
        tpu.vector_store %arg6[%swap3A_315, %swap3A_316], %swap3A_319 {strides = array<i32>} : memref<32x128xi32, #tpu.memory_space<vmem>>, vector<1x16xi32>,
      }
      %scan3A_186 = arith.constant 8 : i32
      %scan3A_187 = arith.constant 0 : i32
      %scan3A_188 = arith.constant 0 : i32
      %scan3A_189 = arith.constant 8 : i32
      %scan3A_190 = arith.addi %scan3A_188, %scan3A_189 : i32
      %scan3A_191 = arith.constant 1 : i32
      scf.for %scan3A_265 = %scan3A_188 to %scan3A_190 step %scan3A_191  : i32 {
        %mul3A_266 = arith.constant 16 : i32
        %mul3A_267 = arith.muli %scan3A_265, %mul3A_266 : i32
        %add3A_268 = arith.constant 2560 : i32
        %add3A_269 = arith.addi %add3A_268, %mul3A_267 : i32
        %get3A = arith.constant 0 : i32
        %get3A_270 = arith.index_cast %get3A : i32 to index
        %get3A_271 = arith.index_cast %add3A_269 : i32 to index
        %get3A_272 = tpu.vector_load %arg5[%get3A_270, %get3A_271] {strides = array<i32>} : memref<4x4096xi32, #tpu.memory_space<vmem>>, vector<1x16xi32>,
        %get3A_273 = vector.shape_cast %get3A_272 : vector<1x16xi32> to vector<16xi32>
        %get3A_274 = arith.constant 1 : i32
        %get3A_275 = arith.index_cast %get3A_274 : i32 to index
        %get3A_276 = arith.index_cast %add3A_269 : i32 to index
        %get3A_277 = tpu.vector_load %arg5[%get3A_275, %get3A_276] {strides = array<i32>} : memref<4x4096xi32, #tpu.memory_space<vmem>>, vector<1x16xi32>,
        %get3A_278 = vector.shape_cast %get3A_277 : vector<1x16xi32> to vector<16xi32>
        %get3A_279 = arith.constant 2 : i32
        %get3A_280 = arith.index_cast %get3A_279 : i32 to index
        %get3A_281 = arith.index_cast %add3A_269 : i32 to index
        %get3A_282 = tpu.vector_load %arg5[%get3A_280, %get3A_281] {strides = array<i32>} : memref<4x4096xi32, #tpu.memory_space<vmem>>, vector<1x16xi32>,
        %get3A_283 = vector.shape_cast %get3A_282 : vector<1x16xi32> to vector<16xi32>
        %get3A_284 = arith.constant 3 : i32
        %get3A_285 = arith.index_cast %get3A_284 : i32 to index
        %get3A_286 = arith.index_cast %add3A_269 : i32 to index
        %get3A_287 = tpu.vector_load %arg5[%get3A_285, %get3A_286] {strides = array<i32>} : memref<4x4096xi32, #tpu.memory_space<vmem>>, vector<1x16xi32>,
        %get3A_288 = vector.shape_cast %get3A_287 : vector<1x16xi32> to vector<16xi32>
        %eq3A = arith.constant 0 : i32
        %eq3A_289 = arith.cmpi eq, %arg0, %eq3A : i32
        %sub3A = arith.constant 49 : i32
        %sub3A_290 = vector.broadcast %sub3A : i32 to vector<16xi32>
        %sub3A_291 = arith.subi %sub3A_290, %get3A_273 : vector<16xi32>
        %select_n3A = arith.select %eq3A_289, %get3A_278, %sub3A_291 : vector<16xi32>
        %eq3A_292 = arith.constant 0 : i32
        %eq3A_293 = arith.cmpi eq, %arg0, %eq3A_292 : i32
        %select_n3A_294 = arith.select %eq3A_293, %get3A_273, %get3A_278 : vector<16xi32>
        %mul3A_295 = arith.constant 12800 : i32
        %mul3A_296 = vector.broadcast %mul3A_295 : i32 to vector<16xi32>
        %mul3A_297 = arith.muli %select_n3A, %mul3A_296 : vector<16xi32>
        %mul3A_298 = arith.constant 256 : i32
        %mul3A_299 = vector.broadcast %mul3A_298 : i32 to vector<16xi32>
        %mul3A_300 = arith.muli %select_n3A_294, %mul3A_299 : vector<16xi32>
        %add3A_301 = arith.addi %mul3A_297, %mul3A_300 : vector<16xi32>
        %add3A_302 = arith.addi %add3A_301, %get3A_288 : vector<16xi32>
        %add3A_303 = arith.addi %add3A_269, %add3A_59 : i32
        %and3A = arith.constant 4080 : i32
        %and3A_304 = arith.andi %add3A_303, %and3A : i32
        %add3A_305 = arith.constant 640000 : i32
        %add3A_306 = arith.addi %add3A_305, %and3A_304 : i32
        %add3A_307 = vector.broadcast %add3A_306 : i32 to vector<16xi32>
        %add3A_308 = arith.addi %add3A_307, %iota3A : vector<16xi32>
        %eq3A_309 = arith.constant 1 : i32
        %eq3A_310 = vector.broadcast %eq3A_309 : i32 to vector<16xi32>
        %eq3A_311 = arith.cmpi eq, %get3A_283, %eq3A_310 : vector<16xi32>
        %select_n3A_312 = arith.select %eq3A_311, %add3A_302, %add3A_308 : vector<16xi1>, vector<16xi32>
        %mul3A_313 = arith.constant 16 : i32
        %mul3A_314 = arith.muli %scan3A_265, %mul3A_313 : i32
        %swap3A = arith.constant 20 : i32
        %swap3A_315 = arith.index_cast %swap3A : i32 to index
        %swap3A_316 = arith.index_cast %mul3A_314 : i32 to index
        %swap3A_317 = tpu.vector_load %arg6[%swap3A_315, %swap3A_316] {strides = array<i32>} : memref<32x128xi32, #tpu.memory_space<vmem>>, vector<1x16xi32>,
        %swap3A_318 = vector.shape_cast %swap3A_317 : vector<1x16xi32> to vector<16xi32>
        %swap3A_319 = vector.shape_cast %select_n3A_312 : vector<16xi32> to vector<1x16xi32>
        tpu.vector_store %arg6[%swap3A_315, %swap3A_316], %swap3A_319 {strides = array<i32>} : memref<32x128xi32, #tpu.memory_space<vmem>>, vector<1x16xi32>,
      }
      %scan3A_192 = arith.constant 8 : i32
      %scan3A_193 = arith.constant 0 : i32
      %scan3A_194 = arith.constant 0 : i32
      %scan3A_195 = arith.constant 8 : i32
      %scan3A_196 = arith.addi %scan3A_194, %scan3A_195 : i32
      %scan3A_197 = arith.constant 1 : i32
      scf.for %scan3A_265 = %scan3A_194 to %scan3A_196 step %scan3A_197  : i32 {
        %mul3A_266 = arith.constant 16 : i32
        %mul3A_267 = arith.muli %scan3A_265, %mul3A_266 : i32
        %add3A_268 = arith.constant 2688 : i32
        %add3A_269 = arith.addi %add3A_268, %mul3A_267 : i32
        %get3A = arith.constant 0 : i32
        %get3A_270 = arith.index_cast %get3A : i32 to index
        %get3A_271 = arith.index_cast %add3A_269 : i32 to index
        %get3A_272 = tpu.vector_load %arg5[%get3A_270, %get3A_271] {strides = array<i32>} : memref<4x4096xi32, #tpu.memory_space<vmem>>, vector<1x16xi32>,
        %get3A_273 = vector.shape_cast %get3A_272 : vector<1x16xi32> to vector<16xi32>
        %get3A_274 = arith.constant 1 : i32
        %get3A_275 = arith.index_cast %get3A_274 : i32 to index
        %get3A_276 = arith.index_cast %add3A_269 : i32 to index
        %get3A_277 = tpu.vector_load %arg5[%get3A_275, %get3A_276] {strides = array<i32>} : memref<4x4096xi32, #tpu.memory_space<vmem>>, vector<1x16xi32>,
        %get3A_278 = vector.shape_cast %get3A_277 : vector<1x16xi32> to vector<16xi32>
        %get3A_279 = arith.constant 2 : i32
        %get3A_280 = arith.index_cast %get3A_279 : i32 to index
        %get3A_281 = arith.index_cast %add3A_269 : i32 to index
        %get3A_282 = tpu.vector_load %arg5[%get3A_280, %get3A_281] {strides = array<i32>} : memref<4x4096xi32, #tpu.memory_space<vmem>>, vector<1x16xi32>,
        %get3A_283 = vector.shape_cast %get3A_282 : vector<1x16xi32> to vector<16xi32>
        %get3A_284 = arith.constant 3 : i32
        %get3A_285 = arith.index_cast %get3A_284 : i32 to index
        %get3A_286 = arith.index_cast %add3A_269 : i32 to index
        %get3A_287 = tpu.vector_load %arg5[%get3A_285, %get3A_286] {strides = array<i32>} : memref<4x4096xi32, #tpu.memory_space<vmem>>, vector<1x16xi32>,
        %get3A_288 = vector.shape_cast %get3A_287 : vector<1x16xi32> to vector<16xi32>
        %eq3A = arith.constant 0 : i32
        %eq3A_289 = arith.cmpi eq, %arg0, %eq3A : i32
        %sub3A = arith.constant 49 : i32
        %sub3A_290 = vector.broadcast %sub3A : i32 to vector<16xi32>
        %sub3A_291 = arith.subi %sub3A_290, %get3A_273 : vector<16xi32>
        %select_n3A = arith.select %eq3A_289, %get3A_278, %sub3A_291 : vector<16xi32>
        %eq3A_292 = arith.constant 0 : i32
        %eq3A_293 = arith.cmpi eq, %arg0, %eq3A_292 : i32
        %select_n3A_294 = arith.select %eq3A_293, %get3A_273, %get3A_278 : vector<16xi32>
        %mul3A_295 = arith.constant 12800 : i32
        %mul3A_296 = vector.broadcast %mul3A_295 : i32 to vector<16xi32>
        %mul3A_297 = arith.muli %select_n3A, %mul3A_296 : vector<16xi32>
        %mul3A_298 = arith.constant 256 : i32
        %mul3A_299 = vector.broadcast %mul3A_298 : i32 to vector<16xi32>
        %mul3A_300 = arith.muli %select_n3A_294, %mul3A_299 : vector<16xi32>
        %add3A_301 = arith.addi %mul3A_297, %mul3A_300 : vector<16xi32>
        %add3A_302 = arith.addi %add3A_301, %get3A_288 : vector<16xi32>
        %add3A_303 = arith.addi %add3A_269, %add3A_59 : i32
        %and3A = arith.constant 4080 : i32
        %and3A_304 = arith.andi %add3A_303, %and3A : i32
        %add3A_305 = arith.constant 640000 : i32
        %add3A_306 = arith.addi %add3A_305, %and3A_304 : i32
        %add3A_307 = vector.broadcast %add3A_306 : i32 to vector<16xi32>
        %add3A_308 = arith.addi %add3A_307, %iota3A : vector<16xi32>
        %eq3A_309 = arith.constant 1 : i32
        %eq3A_310 = vector.broadcast %eq3A_309 : i32 to vector<16xi32>
        %eq3A_311 = arith.cmpi eq, %get3A_283, %eq3A_310 : vector<16xi32>
        %select_n3A_312 = arith.select %eq3A_311, %add3A_302, %add3A_308 : vector<16xi1>, vector<16xi32>
        %mul3A_313 = arith.constant 16 : i32
        %mul3A_314 = arith.muli %scan3A_265, %mul3A_313 : i32
        %swap3A = arith.constant 21 : i32
        %swap3A_315 = arith.index_cast %swap3A : i32 to index
        %swap3A_316 = arith.index_cast %mul3A_314 : i32 to index
        %swap3A_317 = tpu.vector_load %arg6[%swap3A_315, %swap3A_316] {strides = array<i32>} : memref<32x128xi32, #tpu.memory_space<vmem>>, vector<1x16xi32>,
        %swap3A_318 = vector.shape_cast %swap3A_317 : vector<1x16xi32> to vector<16xi32>
        %swap3A_319 = vector.shape_cast %select_n3A_312 : vector<16xi32> to vector<1x16xi32>
        tpu.vector_store %arg6[%swap3A_315, %swap3A_316], %swap3A_319 {strides = array<i32>} : memref<32x128xi32, #tpu.memory_space<vmem>>, vector<1x16xi32>,
      }
      %scan3A_198 = arith.constant 8 : i32
      %scan3A_199 = arith.constant 0 : i32
      %scan3A_200 = arith.constant 0 : i32
      %scan3A_201 = arith.constant 8 : i32
      %scan3A_202 = arith.addi %scan3A_200, %scan3A_201 : i32
      %scan3A_203 = arith.constant 1 : i32
      scf.for %scan3A_265 = %scan3A_200 to %scan3A_202 step %scan3A_203  : i32 {
        %mul3A_266 = arith.constant 16 : i32
        %mul3A_267 = arith.muli %scan3A_265, %mul3A_266 : i32
        %add3A_268 = arith.constant 2816 : i32
        %add3A_269 = arith.addi %add3A_268, %mul3A_267 : i32
        %get3A = arith.constant 0 : i32
        %get3A_270 = arith.index_cast %get3A : i32 to index
        %get3A_271 = arith.index_cast %add3A_269 : i32 to index
        %get3A_272 = tpu.vector_load %arg5[%get3A_270, %get3A_271] {strides = array<i32>} : memref<4x4096xi32, #tpu.memory_space<vmem>>, vector<1x16xi32>,
        %get3A_273 = vector.shape_cast %get3A_272 : vector<1x16xi32> to vector<16xi32>
        %get3A_274 = arith.constant 1 : i32
        %get3A_275 = arith.index_cast %get3A_274 : i32 to index
        %get3A_276 = arith.index_cast %add3A_269 : i32 to index
        %get3A_277 = tpu.vector_load %arg5[%get3A_275, %get3A_276] {strides = array<i32>} : memref<4x4096xi32, #tpu.memory_space<vmem>>, vector<1x16xi32>,
        %get3A_278 = vector.shape_cast %get3A_277 : vector<1x16xi32> to vector<16xi32>
        %get3A_279 = arith.constant 2 : i32
        %get3A_280 = arith.index_cast %get3A_279 : i32 to index
        %get3A_281 = arith.index_cast %add3A_269 : i32 to index
        %get3A_282 = tpu.vector_load %arg5[%get3A_280, %get3A_281] {strides = array<i32>} : memref<4x4096xi32, #tpu.memory_space<vmem>>, vector<1x16xi32>,
        %get3A_283 = vector.shape_cast %get3A_282 : vector<1x16xi32> to vector<16xi32>
        %get3A_284 = arith.constant 3 : i32
        %get3A_285 = arith.index_cast %get3A_284 : i32 to index
        %get3A_286 = arith.index_cast %add3A_269 : i32 to index
        %get3A_287 = tpu.vector_load %arg5[%get3A_285, %get3A_286] {strides = array<i32>} : memref<4x4096xi32, #tpu.memory_space<vmem>>, vector<1x16xi32>,
        %get3A_288 = vector.shape_cast %get3A_287 : vector<1x16xi32> to vector<16xi32>
        %eq3A = arith.constant 0 : i32
        %eq3A_289 = arith.cmpi eq, %arg0, %eq3A : i32
        %sub3A = arith.constant 49 : i32
        %sub3A_290 = vector.broadcast %sub3A : i32 to vector<16xi32>
        %sub3A_291 = arith.subi %sub3A_290, %get3A_273 : vector<16xi32>
        %select_n3A = arith.select %eq3A_289, %get3A_278, %sub3A_291 : vector<16xi32>
        %eq3A_292 = arith.constant 0 : i32
        %eq3A_293 = arith.cmpi eq, %arg0, %eq3A_292 : i32
        %select_n3A_294 = arith.select %eq3A_293, %get3A_273, %get3A_278 : vector<16xi32>
        %mul3A_295 = arith.constant 12800 : i32
        %mul3A_296 = vector.broadcast %mul3A_295 : i32 to vector<16xi32>
        %mul3A_297 = arith.muli %select_n3A, %mul3A_296 : vector<16xi32>
        %mul3A_298 = arith.constant 256 : i32
        %mul3A_299 = vector.broadcast %mul3A_298 : i32 to vector<16xi32>
        %mul3A_300 = arith.muli %select_n3A_294, %mul3A_299 : vector<16xi32>
        %add3A_301 = arith.addi %mul3A_297, %mul3A_300 : vector<16xi32>
        %add3A_302 = arith.addi %add3A_301, %get3A_288 : vector<16xi32>
        %add3A_303 = arith.addi %add3A_269, %add3A_59 : i32
        %and3A = arith.constant 4080 : i32
        %and3A_304 = arith.andi %add3A_303, %and3A : i32
        %add3A_305 = arith.constant 640000 : i32
        %add3A_306 = arith.addi %add3A_305, %and3A_304 : i32
        %add3A_307 = vector.broadcast %add3A_306 : i32 to vector<16xi32>
        %add3A_308 = arith.addi %add3A_307, %iota3A : vector<16xi32>
        %eq3A_309 = arith.constant 1 : i32
        %eq3A_310 = vector.broadcast %eq3A_309 : i32 to vector<16xi32>
        %eq3A_311 = arith.cmpi eq, %get3A_283, %eq3A_310 : vector<16xi32>
        %select_n3A_312 = arith.select %eq3A_311, %add3A_302, %add3A_308 : vector<16xi1>, vector<16xi32>
        %mul3A_313 = arith.constant 16 : i32
        %mul3A_314 = arith.muli %scan3A_265, %mul3A_313 : i32
        %swap3A = arith.constant 22 : i32
        %swap3A_315 = arith.index_cast %swap3A : i32 to index
        %swap3A_316 = arith.index_cast %mul3A_314 : i32 to index
        %swap3A_317 = tpu.vector_load %arg6[%swap3A_315, %swap3A_316] {strides = array<i32>} : memref<32x128xi32, #tpu.memory_space<vmem>>, vector<1x16xi32>,
        %swap3A_318 = vector.shape_cast %swap3A_317 : vector<1x16xi32> to vector<16xi32>
        %swap3A_319 = vector.shape_cast %select_n3A_312 : vector<16xi32> to vector<1x16xi32>
        tpu.vector_store %arg6[%swap3A_315, %swap3A_316], %swap3A_319 {strides = array<i32>} : memref<32x128xi32, #tpu.memory_space<vmem>>, vector<1x16xi32>,
      }
      %scan3A_204 = arith.constant 8 : i32
      %scan3A_205 = arith.constant 0 : i32
      %scan3A_206 = arith.constant 0 : i32
      %scan3A_207 = arith.constant 8 : i32
      %scan3A_208 = arith.addi %scan3A_206, %scan3A_207 : i32
      %scan3A_209 = arith.constant 1 : i32
      scf.for %scan3A_265 = %scan3A_206 to %scan3A_208 step %scan3A_209  : i32 {
        %mul3A_266 = arith.constant 16 : i32
        %mul3A_267 = arith.muli %scan3A_265, %mul3A_266 : i32
        %add3A_268 = arith.constant 2944 : i32
        %add3A_269 = arith.addi %add3A_268, %mul3A_267 : i32
        %get3A = arith.constant 0 : i32
        %get3A_270 = arith.index_cast %get3A : i32 to index
        %get3A_271 = arith.index_cast %add3A_269 : i32 to index
        %get3A_272 = tpu.vector_load %arg5[%get3A_270, %get3A_271] {strides = array<i32>} : memref<4x4096xi32, #tpu.memory_space<vmem>>, vector<1x16xi32>,
        %get3A_273 = vector.shape_cast %get3A_272 : vector<1x16xi32> to vector<16xi32>
        %get3A_274 = arith.constant 1 : i32
        %get3A_275 = arith.index_cast %get3A_274 : i32 to index
        %get3A_276 = arith.index_cast %add3A_269 : i32 to index
        %get3A_277 = tpu.vector_load %arg5[%get3A_275, %get3A_276] {strides = array<i32>} : memref<4x4096xi32, #tpu.memory_space<vmem>>, vector<1x16xi32>,
        %get3A_278 = vector.shape_cast %get3A_277 : vector<1x16xi32> to vector<16xi32>
        %get3A_279 = arith.constant 2 : i32
        %get3A_280 = arith.index_cast %get3A_279 : i32 to index
        %get3A_281 = arith.index_cast %add3A_269 : i32 to index
        %get3A_282 = tpu.vector_load %arg5[%get3A_280, %get3A_281] {strides = array<i32>} : memref<4x4096xi32, #tpu.memory_space<vmem>>, vector<1x16xi32>,
        %get3A_283 = vector.shape_cast %get3A_282 : vector<1x16xi32> to vector<16xi32>
        %get3A_284 = arith.constant 3 : i32
        %get3A_285 = arith.index_cast %get3A_284 : i32 to index
        %get3A_286 = arith.index_cast %add3A_269 : i32 to index
        %get3A_287 = tpu.vector_load %arg5[%get3A_285, %get3A_286] {strides = array<i32>} : memref<4x4096xi32, #tpu.memory_space<vmem>>, vector<1x16xi32>,
        %get3A_288 = vector.shape_cast %get3A_287 : vector<1x16xi32> to vector<16xi32>
        %eq3A = arith.constant 0 : i32
        %eq3A_289 = arith.cmpi eq, %arg0, %eq3A : i32
        %sub3A = arith.constant 49 : i32
        %sub3A_290 = vector.broadcast %sub3A : i32 to vector<16xi32>
        %sub3A_291 = arith.subi %sub3A_290, %get3A_273 : vector<16xi32>
        %select_n3A = arith.select %eq3A_289, %get3A_278, %sub3A_291 : vector<16xi32>
        %eq3A_292 = arith.constant 0 : i32
        %eq3A_293 = arith.cmpi eq, %arg0, %eq3A_292 : i32
        %select_n3A_294 = arith.select %eq3A_293, %get3A_273, %get3A_278 : vector<16xi32>
        %mul3A_295 = arith.constant 12800 : i32
        %mul3A_296 = vector.broadcast %mul3A_295 : i32 to vector<16xi32>
        %mul3A_297 = arith.muli %select_n3A, %mul3A_296 : vector<16xi32>
        %mul3A_298 = arith.constant 256 : i32
        %mul3A_299 = vector.broadcast %mul3A_298 : i32 to vector<16xi32>
        %mul3A_300 = arith.muli %select_n3A_294, %mul3A_299 : vector<16xi32>
        %add3A_301 = arith.addi %mul3A_297, %mul3A_300 : vector<16xi32>
        %add3A_302 = arith.addi %add3A_301, %get3A_288 : vector<16xi32>
        %add3A_303 = arith.addi %add3A_269, %add3A_59 : i32
        %and3A = arith.constant 4080 : i32
        %and3A_304 = arith.andi %add3A_303, %and3A : i32
        %add3A_305 = arith.constant 640000 : i32
        %add3A_306 = arith.addi %add3A_305, %and3A_304 : i32
        %add3A_307 = vector.broadcast %add3A_306 : i32 to vector<16xi32>
        %add3A_308 = arith.addi %add3A_307, %iota3A : vector<16xi32>
        %eq3A_309 = arith.constant 1 : i32
        %eq3A_310 = vector.broadcast %eq3A_309 : i32 to vector<16xi32>
        %eq3A_311 = arith.cmpi eq, %get3A_283, %eq3A_310 : vector<16xi32>
        %select_n3A_312 = arith.select %eq3A_311, %add3A_302, %add3A_308 : vector<16xi1>, vector<16xi32>
        %mul3A_313 = arith.constant 16 : i32
        %mul3A_314 = arith.muli %scan3A_265, %mul3A_313 : i32
        %swap3A = arith.constant 23 : i32
        %swap3A_315 = arith.index_cast %swap3A : i32 to index
        %swap3A_316 = arith.index_cast %mul3A_314 : i32 to index
        %swap3A_317 = tpu.vector_load %arg6[%swap3A_315, %swap3A_316] {strides = array<i32>} : memref<32x128xi32, #tpu.memory_space<vmem>>, vector<1x16xi32>,
        %swap3A_318 = vector.shape_cast %swap3A_317 : vector<1x16xi32> to vector<16xi32>
        %swap3A_319 = vector.shape_cast %select_n3A_312 : vector<16xi32> to vector<1x16xi32>
        tpu.vector_store %arg6[%swap3A_315, %swap3A_316], %swap3A_319 {strides = array<i32>} : memref<32x128xi32, #tpu.memory_space<vmem>>, vector<1x16xi32>,
      }
      %scan3A_210 = arith.constant 8 : i32
      %scan3A_211 = arith.constant 0 : i32
      %scan3A_212 = arith.constant 0 : i32
      %scan3A_213 = arith.constant 8 : i32
      %scan3A_214 = arith.addi %scan3A_212, %scan3A_213 : i32
      %scan3A_215 = arith.constant 1 : i32
      scf.for %scan3A_265 = %scan3A_212 to %scan3A_214 step %scan3A_215  : i32 {
        %mul3A_266 = arith.constant 16 : i32
        %mul3A_267 = arith.muli %scan3A_265, %mul3A_266 : i32
        %add3A_268 = arith.constant 3072 : i32
        %add3A_269 = arith.addi %add3A_268, %mul3A_267 : i32
        %get3A = arith.constant 0 : i32
        %get3A_270 = arith.index_cast %get3A : i32 to index
        %get3A_271 = arith.index_cast %add3A_269 : i32 to index
        %get3A_272 = tpu.vector_load %arg5[%get3A_270, %get3A_271] {strides = array<i32>} : memref<4x4096xi32, #tpu.memory_space<vmem>>, vector<1x16xi32>,
        %get3A_273 = vector.shape_cast %get3A_272 : vector<1x16xi32> to vector<16xi32>
        %get3A_274 = arith.constant 1 : i32
        %get3A_275 = arith.index_cast %get3A_274 : i32 to index
        %get3A_276 = arith.index_cast %add3A_269 : i32 to index
        %get3A_277 = tpu.vector_load %arg5[%get3A_275, %get3A_276] {strides = array<i32>} : memref<4x4096xi32, #tpu.memory_space<vmem>>, vector<1x16xi32>,
        %get3A_278 = vector.shape_cast %get3A_277 : vector<1x16xi32> to vector<16xi32>
        %get3A_279 = arith.constant 2 : i32
        %get3A_280 = arith.index_cast %get3A_279 : i32 to index
        %get3A_281 = arith.index_cast %add3A_269 : i32 to index
        %get3A_282 = tpu.vector_load %arg5[%get3A_280, %get3A_281] {strides = array<i32>} : memref<4x4096xi32, #tpu.memory_space<vmem>>, vector<1x16xi32>,
        %get3A_283 = vector.shape_cast %get3A_282 : vector<1x16xi32> to vector<16xi32>
        %get3A_284 = arith.constant 3 : i32
        %get3A_285 = arith.index_cast %get3A_284 : i32 to index
        %get3A_286 = arith.index_cast %add3A_269 : i32 to index
        %get3A_287 = tpu.vector_load %arg5[%get3A_285, %get3A_286] {strides = array<i32>} : memref<4x4096xi32, #tpu.memory_space<vmem>>, vector<1x16xi32>,
        %get3A_288 = vector.shape_cast %get3A_287 : vector<1x16xi32> to vector<16xi32>
        %eq3A = arith.constant 0 : i32
        %eq3A_289 = arith.cmpi eq, %arg0, %eq3A : i32
        %sub3A = arith.constant 49 : i32
        %sub3A_290 = vector.broadcast %sub3A : i32 to vector<16xi32>
        %sub3A_291 = arith.subi %sub3A_290, %get3A_273 : vector<16xi32>
        %select_n3A = arith.select %eq3A_289, %get3A_278, %sub3A_291 : vector<16xi32>
        %eq3A_292 = arith.constant 0 : i32
        %eq3A_293 = arith.cmpi eq, %arg0, %eq3A_292 : i32
        %select_n3A_294 = arith.select %eq3A_293, %get3A_273, %get3A_278 : vector<16xi32>
        %mul3A_295 = arith.constant 12800 : i32
        %mul3A_296 = vector.broadcast %mul3A_295 : i32 to vector<16xi32>
        %mul3A_297 = arith.muli %select_n3A, %mul3A_296 : vector<16xi32>
        %mul3A_298 = arith.constant 256 : i32
        %mul3A_299 = vector.broadcast %mul3A_298 : i32 to vector<16xi32>
        %mul3A_300 = arith.muli %select_n3A_294, %mul3A_299 : vector<16xi32>
        %add3A_301 = arith.addi %mul3A_297, %mul3A_300 : vector<16xi32>
        %add3A_302 = arith.addi %add3A_301, %get3A_288 : vector<16xi32>
        %add3A_303 = arith.addi %add3A_269, %add3A_59 : i32
        %and3A = arith.constant 4080 : i32
        %and3A_304 = arith.andi %add3A_303, %and3A : i32
        %add3A_305 = arith.constant 640000 : i32
        %add3A_306 = arith.addi %add3A_305, %and3A_304 : i32
        %add3A_307 = vector.broadcast %add3A_306 : i32 to vector<16xi32>
        %add3A_308 = arith.addi %add3A_307, %iota3A : vector<16xi32>
        %eq3A_309 = arith.constant 1 : i32
        %eq3A_310 = vector.broadcast %eq3A_309 : i32 to vector<16xi32>
        %eq3A_311 = arith.cmpi eq, %get3A_283, %eq3A_310 : vector<16xi32>
        %select_n3A_312 = arith.select %eq3A_311, %add3A_302, %add3A_308 : vector<16xi1>, vector<16xi32>
        %mul3A_313 = arith.constant 16 : i32
        %mul3A_314 = arith.muli %scan3A_265, %mul3A_313 : i32
        %swap3A = arith.constant 24 : i32
        %swap3A_315 = arith.index_cast %swap3A : i32 to index
        %swap3A_316 = arith.index_cast %mul3A_314 : i32 to index
        %swap3A_317 = tpu.vector_load %arg6[%swap3A_315, %swap3A_316] {strides = array<i32>} : memref<32x128xi32, #tpu.memory_space<vmem>>, vector<1x16xi32>,
        %swap3A_318 = vector.shape_cast %swap3A_317 : vector<1x16xi32> to vector<16xi32>
        %swap3A_319 = vector.shape_cast %select_n3A_312 : vector<16xi32> to vector<1x16xi32>
        tpu.vector_store %arg6[%swap3A_315, %swap3A_316], %swap3A_319 {strides = array<i32>} : memref<32x128xi32, #tpu.memory_space<vmem>>, vector<1x16xi32>,
      }
      %scan3A_216 = arith.constant 8 : i32
      %scan3A_217 = arith.constant 0 : i32
      %scan3A_218 = arith.constant 0 : i32
      %scan3A_219 = arith.constant 8 : i32
      %scan3A_220 = arith.addi %scan3A_218, %scan3A_219 : i32
      %scan3A_221 = arith.constant 1 : i32
      scf.for %scan3A_265 = %scan3A_218 to %scan3A_220 step %scan3A_221  : i32 {
        %mul3A_266 = arith.constant 16 : i32
        %mul3A_267 = arith.muli %scan3A_265, %mul3A_266 : i32
        %add3A_268 = arith.constant 3200 : i32
        %add3A_269 = arith.addi %add3A_268, %mul3A_267 : i32
        %get3A = arith.constant 0 : i32
        %get3A_270 = arith.index_cast %get3A : i32 to index
        %get3A_271 = arith.index_cast %add3A_269 : i32 to index
        %get3A_272 = tpu.vector_load %arg5[%get3A_270, %get3A_271] {strides = array<i32>} : memref<4x4096xi32, #tpu.memory_space<vmem>>, vector<1x16xi32>,
        %get3A_273 = vector.shape_cast %get3A_272 : vector<1x16xi32> to vector<16xi32>
        %get3A_274 = arith.constant 1 : i32
        %get3A_275 = arith.index_cast %get3A_274 : i32 to index
        %get3A_276 = arith.index_cast %add3A_269 : i32 to index
        %get3A_277 = tpu.vector_load %arg5[%get3A_275, %get3A_276] {strides = array<i32>} : memref<4x4096xi32, #tpu.memory_space<vmem>>, vector<1x16xi32>,
        %get3A_278 = vector.shape_cast %get3A_277 : vector<1x16xi32> to vector<16xi32>
        %get3A_279 = arith.constant 2 : i32
        %get3A_280 = arith.index_cast %get3A_279 : i32 to index
        %get3A_281 = arith.index_cast %add3A_269 : i32 to index
        %get3A_282 = tpu.vector_load %arg5[%get3A_280, %get3A_281] {strides = array<i32>} : memref<4x4096xi32, #tpu.memory_space<vmem>>, vector<1x16xi32>,
        %get3A_283 = vector.shape_cast %get3A_282 : vector<1x16xi32> to vector<16xi32>
        %get3A_284 = arith.constant 3 : i32
        %get3A_285 = arith.index_cast %get3A_284 : i32 to index
        %get3A_286 = arith.index_cast %add3A_269 : i32 to index
        %get3A_287 = tpu.vector_load %arg5[%get3A_285, %get3A_286] {strides = array<i32>} : memref<4x4096xi32, #tpu.memory_space<vmem>>, vector<1x16xi32>,
        %get3A_288 = vector.shape_cast %get3A_287 : vector<1x16xi32> to vector<16xi32>
        %eq3A = arith.constant 0 : i32
        %eq3A_289 = arith.cmpi eq, %arg0, %eq3A : i32
        %sub3A = arith.constant 49 : i32
        %sub3A_290 = vector.broadcast %sub3A : i32 to vector<16xi32>
        %sub3A_291 = arith.subi %sub3A_290, %get3A_273 : vector<16xi32>
        %select_n3A = arith.select %eq3A_289, %get3A_278, %sub3A_291 : vector<16xi32>
        %eq3A_292 = arith.constant 0 : i32
        %eq3A_293 = arith.cmpi eq, %arg0, %eq3A_292 : i32
        %select_n3A_294 = arith.select %eq3A_293, %get3A_273, %get3A_278 : vector<16xi32>
        %mul3A_295 = arith.constant 12800 : i32
        %mul3A_296 = vector.broadcast %mul3A_295 : i32 to vector<16xi32>
        %mul3A_297 = arith.muli %select_n3A, %mul3A_296 : vector<16xi32>
        %mul3A_298 = arith.constant 256 : i32
        %mul3A_299 = vector.broadcast %mul3A_298 : i32 to vector<16xi32>
        %mul3A_300 = arith.muli %select_n3A_294, %mul3A_299 : vector<16xi32>
        %add3A_301 = arith.addi %mul3A_297, %mul3A_300 : vector<16xi32>
        %add3A_302 = arith.addi %add3A_301, %get3A_288 : vector<16xi32>
        %add3A_303 = arith.addi %add3A_269, %add3A_59 : i32
        %and3A = arith.constant 4080 : i32
        %and3A_304 = arith.andi %add3A_303, %and3A : i32
        %add3A_305 = arith.constant 640000 : i32
        %add3A_306 = arith.addi %add3A_305, %and3A_304 : i32
        %add3A_307 = vector.broadcast %add3A_306 : i32 to vector<16xi32>
        %add3A_308 = arith.addi %add3A_307, %iota3A : vector<16xi32>
        %eq3A_309 = arith.constant 1 : i32
        %eq3A_310 = vector.broadcast %eq3A_309 : i32 to vector<16xi32>
        %eq3A_311 = arith.cmpi eq, %get3A_283, %eq3A_310 : vector<16xi32>
        %select_n3A_312 = arith.select %eq3A_311, %add3A_302, %add3A_308 : vector<16xi1>, vector<16xi32>
        %mul3A_313 = arith.constant 16 : i32
        %mul3A_314 = arith.muli %scan3A_265, %mul3A_313 : i32
        %swap3A = arith.constant 25 : i32
        %swap3A_315 = arith.index_cast %swap3A : i32 to index
        %swap3A_316 = arith.index_cast %mul3A_314 : i32 to index
        %swap3A_317 = tpu.vector_load %arg6[%swap3A_315, %swap3A_316] {strides = array<i32>} : memref<32x128xi32, #tpu.memory_space<vmem>>, vector<1x16xi32>,
        %swap3A_318 = vector.shape_cast %swap3A_317 : vector<1x16xi32> to vector<16xi32>
        %swap3A_319 = vector.shape_cast %select_n3A_312 : vector<16xi32> to vector<1x16xi32>
        tpu.vector_store %arg6[%swap3A_315, %swap3A_316], %swap3A_319 {strides = array<i32>} : memref<32x128xi32, #tpu.memory_space<vmem>>, vector<1x16xi32>,
      }
      %scan3A_222 = arith.constant 8 : i32
      %scan3A_223 = arith.constant 0 : i32
      %scan3A_224 = arith.constant 0 : i32
      %scan3A_225 = arith.constant 8 : i32
      %scan3A_226 = arith.addi %scan3A_224, %scan3A_225 : i32
      %scan3A_227 = arith.constant 1 : i32
      scf.for %scan3A_265 = %scan3A_224 to %scan3A_226 step %scan3A_227  : i32 {
        %mul3A_266 = arith.constant 16 : i32
        %mul3A_267 = arith.muli %scan3A_265, %mul3A_266 : i32
        %add3A_268 = arith.constant 3328 : i32
        %add3A_269 = arith.addi %add3A_268, %mul3A_267 : i32
        %get3A = arith.constant 0 : i32
        %get3A_270 = arith.index_cast %get3A : i32 to index
        %get3A_271 = arith.index_cast %add3A_269 : i32 to index
        %get3A_272 = tpu.vector_load %arg5[%get3A_270, %get3A_271] {strides = array<i32>} : memref<4x4096xi32, #tpu.memory_space<vmem>>, vector<1x16xi32>,
        %get3A_273 = vector.shape_cast %get3A_272 : vector<1x16xi32> to vector<16xi32>
        %get3A_274 = arith.constant 1 : i32
        %get3A_275 = arith.index_cast %get3A_274 : i32 to index
        %get3A_276 = arith.index_cast %add3A_269 : i32 to index
        %get3A_277 = tpu.vector_load %arg5[%get3A_275, %get3A_276] {strides = array<i32>} : memref<4x4096xi32, #tpu.memory_space<vmem>>, vector<1x16xi32>,
        %get3A_278 = vector.shape_cast %get3A_277 : vector<1x16xi32> to vector<16xi32>
        %get3A_279 = arith.constant 2 : i32
        %get3A_280 = arith.index_cast %get3A_279 : i32 to index
        %get3A_281 = arith.index_cast %add3A_269 : i32 to index
        %get3A_282 = tpu.vector_load %arg5[%get3A_280, %get3A_281] {strides = array<i32>} : memref<4x4096xi32, #tpu.memory_space<vmem>>, vector<1x16xi32>,
        %get3A_283 = vector.shape_cast %get3A_282 : vector<1x16xi32> to vector<16xi32>
        %get3A_284 = arith.constant 3 : i32
        %get3A_285 = arith.index_cast %get3A_284 : i32 to index
        %get3A_286 = arith.index_cast %add3A_269 : i32 to index
        %get3A_287 = tpu.vector_load %arg5[%get3A_285, %get3A_286] {strides = array<i32>} : memref<4x4096xi32, #tpu.memory_space<vmem>>, vector<1x16xi32>,
        %get3A_288 = vector.shape_cast %get3A_287 : vector<1x16xi32> to vector<16xi32>
        %eq3A = arith.constant 0 : i32
        %eq3A_289 = arith.cmpi eq, %arg0, %eq3A : i32
        %sub3A = arith.constant 49 : i32
        %sub3A_290 = vector.broadcast %sub3A : i32 to vector<16xi32>
        %sub3A_291 = arith.subi %sub3A_290, %get3A_273 : vector<16xi32>
        %select_n3A = arith.select %eq3A_289, %get3A_278, %sub3A_291 : vector<16xi32>
        %eq3A_292 = arith.constant 0 : i32
        %eq3A_293 = arith.cmpi eq, %arg0, %eq3A_292 : i32
        %select_n3A_294 = arith.select %eq3A_293, %get3A_273, %get3A_278 : vector<16xi32>
        %mul3A_295 = arith.constant 12800 : i32
        %mul3A_296 = vector.broadcast %mul3A_295 : i32 to vector<16xi32>
        %mul3A_297 = arith.muli %select_n3A, %mul3A_296 : vector<16xi32>
        %mul3A_298 = arith.constant 256 : i32
        %mul3A_299 = vector.broadcast %mul3A_298 : i32 to vector<16xi32>
        %mul3A_300 = arith.muli %select_n3A_294, %mul3A_299 : vector<16xi32>
        %add3A_301 = arith.addi %mul3A_297, %mul3A_300 : vector<16xi32>
        %add3A_302 = arith.addi %add3A_301, %get3A_288 : vector<16xi32>
        %add3A_303 = arith.addi %add3A_269, %add3A_59 : i32
        %and3A = arith.constant 4080 : i32
        %and3A_304 = arith.andi %add3A_303, %and3A : i32
        %add3A_305 = arith.constant 640000 : i32
        %add3A_306 = arith.addi %add3A_305, %and3A_304 : i32
        %add3A_307 = vector.broadcast %add3A_306 : i32 to vector<16xi32>
        %add3A_308 = arith.addi %add3A_307, %iota3A : vector<16xi32>
        %eq3A_309 = arith.constant 1 : i32
        %eq3A_310 = vector.broadcast %eq3A_309 : i32 to vector<16xi32>
        %eq3A_311 = arith.cmpi eq, %get3A_283, %eq3A_310 : vector<16xi32>
        %select_n3A_312 = arith.select %eq3A_311, %add3A_302, %add3A_308 : vector<16xi1>, vector<16xi32>
        %mul3A_313 = arith.constant 16 : i32
        %mul3A_314 = arith.muli %scan3A_265, %mul3A_313 : i32
        %swap3A = arith.constant 26 : i32
        %swap3A_315 = arith.index_cast %swap3A : i32 to index
        %swap3A_316 = arith.index_cast %mul3A_314 : i32 to index
        %swap3A_317 = tpu.vector_load %arg6[%swap3A_315, %swap3A_316] {strides = array<i32>} : memref<32x128xi32, #tpu.memory_space<vmem>>, vector<1x16xi32>,
        %swap3A_318 = vector.shape_cast %swap3A_317 : vector<1x16xi32> to vector<16xi32>
        %swap3A_319 = vector.shape_cast %select_n3A_312 : vector<16xi32> to vector<1x16xi32>
        tpu.vector_store %arg6[%swap3A_315, %swap3A_316], %swap3A_319 {strides = array<i32>} : memref<32x128xi32, #tpu.memory_space<vmem>>, vector<1x16xi32>,
      }
      %scan3A_228 = arith.constant 8 : i32
      %scan3A_229 = arith.constant 0 : i32
      %scan3A_230 = arith.constant 0 : i32
      %scan3A_231 = arith.constant 8 : i32
      %scan3A_232 = arith.addi %scan3A_230, %scan3A_231 : i32
      %scan3A_233 = arith.constant 1 : i32
      scf.for %scan3A_265 = %scan3A_230 to %scan3A_232 step %scan3A_233  : i32 {
        %mul3A_266 = arith.constant 16 : i32
        %mul3A_267 = arith.muli %scan3A_265, %mul3A_266 : i32
        %add3A_268 = arith.constant 3456 : i32
        %add3A_269 = arith.addi %add3A_268, %mul3A_267 : i32
        %get3A = arith.constant 0 : i32
        %get3A_270 = arith.index_cast %get3A : i32 to index
        %get3A_271 = arith.index_cast %add3A_269 : i32 to index
        %get3A_272 = tpu.vector_load %arg5[%get3A_270, %get3A_271] {strides = array<i32>} : memref<4x4096xi32, #tpu.memory_space<vmem>>, vector<1x16xi32>,
        %get3A_273 = vector.shape_cast %get3A_272 : vector<1x16xi32> to vector<16xi32>
        %get3A_274 = arith.constant 1 : i32
        %get3A_275 = arith.index_cast %get3A_274 : i32 to index
        %get3A_276 = arith.index_cast %add3A_269 : i32 to index
        %get3A_277 = tpu.vector_load %arg5[%get3A_275, %get3A_276] {strides = array<i32>} : memref<4x4096xi32, #tpu.memory_space<vmem>>, vector<1x16xi32>,
        %get3A_278 = vector.shape_cast %get3A_277 : vector<1x16xi32> to vector<16xi32>
        %get3A_279 = arith.constant 2 : i32
        %get3A_280 = arith.index_cast %get3A_279 : i32 to index
        %get3A_281 = arith.index_cast %add3A_269 : i32 to index
        %get3A_282 = tpu.vector_load %arg5[%get3A_280, %get3A_281] {strides = array<i32>} : memref<4x4096xi32, #tpu.memory_space<vmem>>, vector<1x16xi32>,
        %get3A_283 = vector.shape_cast %get3A_282 : vector<1x16xi32> to vector<16xi32>
        %get3A_284 = arith.constant 3 : i32
        %get3A_285 = arith.index_cast %get3A_284 : i32 to index
        %get3A_286 = arith.index_cast %add3A_269 : i32 to index
        %get3A_287 = tpu.vector_load %arg5[%get3A_285, %get3A_286] {strides = array<i32>} : memref<4x4096xi32, #tpu.memory_space<vmem>>, vector<1x16xi32>,
        %get3A_288 = vector.shape_cast %get3A_287 : vector<1x16xi32> to vector<16xi32>
        %eq3A = arith.constant 0 : i32
        %eq3A_289 = arith.cmpi eq, %arg0, %eq3A : i32
        %sub3A = arith.constant 49 : i32
        %sub3A_290 = vector.broadcast %sub3A : i32 to vector<16xi32>
        %sub3A_291 = arith.subi %sub3A_290, %get3A_273 : vector<16xi32>
        %select_n3A = arith.select %eq3A_289, %get3A_278, %sub3A_291 : vector<16xi32>
        %eq3A_292 = arith.constant 0 : i32
        %eq3A_293 = arith.cmpi eq, %arg0, %eq3A_292 : i32
        %select_n3A_294 = arith.select %eq3A_293, %get3A_273, %get3A_278 : vector<16xi32>
        %mul3A_295 = arith.constant 12800 : i32
        %mul3A_296 = vector.broadcast %mul3A_295 : i32 to vector<16xi32>
        %mul3A_297 = arith.muli %select_n3A, %mul3A_296 : vector<16xi32>
        %mul3A_298 = arith.constant 256 : i32
        %mul3A_299 = vector.broadcast %mul3A_298 : i32 to vector<16xi32>
        %mul3A_300 = arith.muli %select_n3A_294, %mul3A_299 : vector<16xi32>
        %add3A_301 = arith.addi %mul3A_297, %mul3A_300 : vector<16xi32>
        %add3A_302 = arith.addi %add3A_301, %get3A_288 : vector<16xi32>
        %add3A_303 = arith.addi %add3A_269, %add3A_59 : i32
        %and3A = arith.constant 4080 : i32
        %and3A_304 = arith.andi %add3A_303, %and3A : i32
        %add3A_305 = arith.constant 640000 : i32
        %add3A_306 = arith.addi %add3A_305, %and3A_304 : i32
        %add3A_307 = vector.broadcast %add3A_306 : i32 to vector<16xi32>
        %add3A_308 = arith.addi %add3A_307, %iota3A : vector<16xi32>
        %eq3A_309 = arith.constant 1 : i32
        %eq3A_310 = vector.broadcast %eq3A_309 : i32 to vector<16xi32>
        %eq3A_311 = arith.cmpi eq, %get3A_283, %eq3A_310 : vector<16xi32>
        %select_n3A_312 = arith.select %eq3A_311, %add3A_302, %add3A_308 : vector<16xi1>, vector<16xi32>
        %mul3A_313 = arith.constant 16 : i32
        %mul3A_314 = arith.muli %scan3A_265, %mul3A_313 : i32
        %swap3A = arith.constant 27 : i32
        %swap3A_315 = arith.index_cast %swap3A : i32 to index
        %swap3A_316 = arith.index_cast %mul3A_314 : i32 to index
        %swap3A_317 = tpu.vector_load %arg6[%swap3A_315, %swap3A_316] {strides = array<i32>} : memref<32x128xi32, #tpu.memory_space<vmem>>, vector<1x16xi32>,
        %swap3A_318 = vector.shape_cast %swap3A_317 : vector<1x16xi32> to vector<16xi32>
        %swap3A_319 = vector.shape_cast %select_n3A_312 : vector<16xi32> to vector<1x16xi32>
        tpu.vector_store %arg6[%swap3A_315, %swap3A_316], %swap3A_319 {strides = array<i32>} : memref<32x128xi32, #tpu.memory_space<vmem>>, vector<1x16xi32>,
      }
      %scan3A_234 = arith.constant 8 : i32
      %scan3A_235 = arith.constant 0 : i32
      %scan3A_236 = arith.constant 0 : i32
      %scan3A_237 = arith.constant 8 : i32
      %scan3A_238 = arith.addi %scan3A_236, %scan3A_237 : i32
      %scan3A_239 = arith.constant 1 : i32
      scf.for %scan3A_265 = %scan3A_236 to %scan3A_238 step %scan3A_239  : i32 {
        %mul3A_266 = arith.constant 16 : i32
        %mul3A_267 = arith.muli %scan3A_265, %mul3A_266 : i32
        %add3A_268 = arith.constant 3584 : i32
        %add3A_269 = arith.addi %add3A_268, %mul3A_267 : i32
        %get3A = arith.constant 0 : i32
        %get3A_270 = arith.index_cast %get3A : i32 to index
        %get3A_271 = arith.index_cast %add3A_269 : i32 to index
        %get3A_272 = tpu.vector_load %arg5[%get3A_270, %get3A_271] {strides = array<i32>} : memref<4x4096xi32, #tpu.memory_space<vmem>>, vector<1x16xi32>,
        %get3A_273 = vector.shape_cast %get3A_272 : vector<1x16xi32> to vector<16xi32>
        %get3A_274 = arith.constant 1 : i32
        %get3A_275 = arith.index_cast %get3A_274 : i32 to index
        %get3A_276 = arith.index_cast %add3A_269 : i32 to index
        %get3A_277 = tpu.vector_load %arg5[%get3A_275, %get3A_276] {strides = array<i32>} : memref<4x4096xi32, #tpu.memory_space<vmem>>, vector<1x16xi32>,
        %get3A_278 = vector.shape_cast %get3A_277 : vector<1x16xi32> to vector<16xi32>
        %get3A_279 = arith.constant 2 : i32
        %get3A_280 = arith.index_cast %get3A_279 : i32 to index
        %get3A_281 = arith.index_cast %add3A_269 : i32 to index
        %get3A_282 = tpu.vector_load %arg5[%get3A_280, %get3A_281] {strides = array<i32>} : memref<4x4096xi32, #tpu.memory_space<vmem>>, vector<1x16xi32>,
        %get3A_283 = vector.shape_cast %get3A_282 : vector<1x16xi32> to vector<16xi32>
        %get3A_284 = arith.constant 3 : i32
        %get3A_285 = arith.index_cast %get3A_284 : i32 to index
        %get3A_286 = arith.index_cast %add3A_269 : i32 to index
        %get3A_287 = tpu.vector_load %arg5[%get3A_285, %get3A_286] {strides = array<i32>} : memref<4x4096xi32, #tpu.memory_space<vmem>>, vector<1x16xi32>,
        %get3A_288 = vector.shape_cast %get3A_287 : vector<1x16xi32> to vector<16xi32>
        %eq3A = arith.constant 0 : i32
        %eq3A_289 = arith.cmpi eq, %arg0, %eq3A : i32
        %sub3A = arith.constant 49 : i32
        %sub3A_290 = vector.broadcast %sub3A : i32 to vector<16xi32>
        %sub3A_291 = arith.subi %sub3A_290, %get3A_273 : vector<16xi32>
        %select_n3A = arith.select %eq3A_289, %get3A_278, %sub3A_291 : vector<16xi32>
        %eq3A_292 = arith.constant 0 : i32
        %eq3A_293 = arith.cmpi eq, %arg0, %eq3A_292 : i32
        %select_n3A_294 = arith.select %eq3A_293, %get3A_273, %get3A_278 : vector<16xi32>
        %mul3A_295 = arith.constant 12800 : i32
        %mul3A_296 = vector.broadcast %mul3A_295 : i32 to vector<16xi32>
        %mul3A_297 = arith.muli %select_n3A, %mul3A_296 : vector<16xi32>
        %mul3A_298 = arith.constant 256 : i32
        %mul3A_299 = vector.broadcast %mul3A_298 : i32 to vector<16xi32>
        %mul3A_300 = arith.muli %select_n3A_294, %mul3A_299 : vector<16xi32>
        %add3A_301 = arith.addi %mul3A_297, %mul3A_300 : vector<16xi32>
        %add3A_302 = arith.addi %add3A_301, %get3A_288 : vector<16xi32>
        %add3A_303 = arith.addi %add3A_269, %add3A_59 : i32
        %and3A = arith.constant 4080 : i32
        %and3A_304 = arith.andi %add3A_303, %and3A : i32
        %add3A_305 = arith.constant 640000 : i32
        %add3A_306 = arith.addi %add3A_305, %and3A_304 : i32
        %add3A_307 = vector.broadcast %add3A_306 : i32 to vector<16xi32>
        %add3A_308 = arith.addi %add3A_307, %iota3A : vector<16xi32>
        %eq3A_309 = arith.constant 1 : i32
        %eq3A_310 = vector.broadcast %eq3A_309 : i32 to vector<16xi32>
        %eq3A_311 = arith.cmpi eq, %get3A_283, %eq3A_310 : vector<16xi32>
        %select_n3A_312 = arith.select %eq3A_311, %add3A_302, %add3A_308 : vector<16xi1>, vector<16xi32>
        %mul3A_313 = arith.constant 16 : i32
        %mul3A_314 = arith.muli %scan3A_265, %mul3A_313 : i32
        %swap3A = arith.constant 28 : i32
        %swap3A_315 = arith.index_cast %swap3A : i32 to index
        %swap3A_316 = arith.index_cast %mul3A_314 : i32 to index
        %swap3A_317 = tpu.vector_load %arg6[%swap3A_315, %swap3A_316] {strides = array<i32>} : memref<32x128xi32, #tpu.memory_space<vmem>>, vector<1x16xi32>,
        %swap3A_318 = vector.shape_cast %swap3A_317 : vector<1x16xi32> to vector<16xi32>
        %swap3A_319 = vector.shape_cast %select_n3A_312 : vector<16xi32> to vector<1x16xi32>
        tpu.vector_store %arg6[%swap3A_315, %swap3A_316], %swap3A_319 {strides = array<i32>} : memref<32x128xi32, #tpu.memory_space<vmem>>, vector<1x16xi32>,
      }
      %scan3A_240 = arith.constant 8 : i32
      %scan3A_241 = arith.constant 0 : i32
      %scan3A_242 = arith.constant 0 : i32
      %scan3A_243 = arith.constant 8 : i32
      %scan3A_244 = arith.addi %scan3A_242, %scan3A_243 : i32
      %scan3A_245 = arith.constant 1 : i32
      scf.for %scan3A_265 = %scan3A_242 to %scan3A_244 step %scan3A_245  : i32 {
        %mul3A_266 = arith.constant 16 : i32
        %mul3A_267 = arith.muli %scan3A_265, %mul3A_266 : i32
        %add3A_268 = arith.constant 3712 : i32
        %add3A_269 = arith.addi %add3A_268, %mul3A_267 : i32
        %get3A = arith.constant 0 : i32
        %get3A_270 = arith.index_cast %get3A : i32 to index
        %get3A_271 = arith.index_cast %add3A_269 : i32 to index
        %get3A_272 = tpu.vector_load %arg5[%get3A_270, %get3A_271] {strides = array<i32>} : memref<4x4096xi32, #tpu.memory_space<vmem>>, vector<1x16xi32>,
        %get3A_273 = vector.shape_cast %get3A_272 : vector<1x16xi32> to vector<16xi32>
        %get3A_274 = arith.constant 1 : i32
        %get3A_275 = arith.index_cast %get3A_274 : i32 to index
        %get3A_276 = arith.index_cast %add3A_269 : i32 to index
        %get3A_277 = tpu.vector_load %arg5[%get3A_275, %get3A_276] {strides = array<i32>} : memref<4x4096xi32, #tpu.memory_space<vmem>>, vector<1x16xi32>,
        %get3A_278 = vector.shape_cast %get3A_277 : vector<1x16xi32> to vector<16xi32>
        %get3A_279 = arith.constant 2 : i32
        %get3A_280 = arith.index_cast %get3A_279 : i32 to index
        %get3A_281 = arith.index_cast %add3A_269 : i32 to index
        %get3A_282 = tpu.vector_load %arg5[%get3A_280, %get3A_281] {strides = array<i32>} : memref<4x4096xi32, #tpu.memory_space<vmem>>, vector<1x16xi32>,
        %get3A_283 = vector.shape_cast %get3A_282 : vector<1x16xi32> to vector<16xi32>
        %get3A_284 = arith.constant 3 : i32
        %get3A_285 = arith.index_cast %get3A_284 : i32 to index
        %get3A_286 = arith.index_cast %add3A_269 : i32 to index
        %get3A_287 = tpu.vector_load %arg5[%get3A_285, %get3A_286] {strides = array<i32>} : memref<4x4096xi32, #tpu.memory_space<vmem>>, vector<1x16xi32>,
        %get3A_288 = vector.shape_cast %get3A_287 : vector<1x16xi32> to vector<16xi32>
        %eq3A = arith.constant 0 : i32
        %eq3A_289 = arith.cmpi eq, %arg0, %eq3A : i32
        %sub3A = arith.constant 49 : i32
        %sub3A_290 = vector.broadcast %sub3A : i32 to vector<16xi32>
        %sub3A_291 = arith.subi %sub3A_290, %get3A_273 : vector<16xi32>
        %select_n3A = arith.select %eq3A_289, %get3A_278, %sub3A_291 : vector<16xi32>
        %eq3A_292 = arith.constant 0 : i32
        %eq3A_293 = arith.cmpi eq, %arg0, %eq3A_292 : i32
        %select_n3A_294 = arith.select %eq3A_293, %get3A_273, %get3A_278 : vector<16xi32>
        %mul3A_295 = arith.constant 12800 : i32
        %mul3A_296 = vector.broadcast %mul3A_295 : i32 to vector<16xi32>
        %mul3A_297 = arith.muli %select_n3A, %mul3A_296 : vector<16xi32>
        %mul3A_298 = arith.constant 256 : i32
        %mul3A_299 = vector.broadcast %mul3A_298 : i32 to vector<16xi32>
        %mul3A_300 = arith.muli %select_n3A_294, %mul3A_299 : vector<16xi32>
        %add3A_301 = arith.addi %mul3A_297, %mul3A_300 : vector<16xi32>
        %add3A_302 = arith.addi %add3A_301, %get3A_288 : vector<16xi32>
        %add3A_303 = arith.addi %add3A_269, %add3A_59 : i32
        %and3A = arith.constant 4080 : i32
        %and3A_304 = arith.andi %add3A_303, %and3A : i32
        %add3A_305 = arith.constant 640000 : i32
        %add3A_306 = arith.addi %add3A_305, %and3A_304 : i32
        %add3A_307 = vector.broadcast %add3A_306 : i32 to vector<16xi32>
        %add3A_308 = arith.addi %add3A_307, %iota3A : vector<16xi32>
        %eq3A_309 = arith.constant 1 : i32
        %eq3A_310 = vector.broadcast %eq3A_309 : i32 to vector<16xi32>
        %eq3A_311 = arith.cmpi eq, %get3A_283, %eq3A_310 : vector<16xi32>
        %select_n3A_312 = arith.select %eq3A_311, %add3A_302, %add3A_308 : vector<16xi1>, vector<16xi32>
        %mul3A_313 = arith.constant 16 : i32
        %mul3A_314 = arith.muli %scan3A_265, %mul3A_313 : i32
        %swap3A = arith.constant 29 : i32
        %swap3A_315 = arith.index_cast %swap3A : i32 to index
        %swap3A_316 = arith.index_cast %mul3A_314 : i32 to index
        %swap3A_317 = tpu.vector_load %arg6[%swap3A_315, %swap3A_316] {strides = array<i32>} : memref<32x128xi32, #tpu.memory_space<vmem>>, vector<1x16xi32>,
        %swap3A_318 = vector.shape_cast %swap3A_317 : vector<1x16xi32> to vector<16xi32>
        %swap3A_319 = vector.shape_cast %select_n3A_312 : vector<16xi32> to vector<1x16xi32>
        tpu.vector_store %arg6[%swap3A_315, %swap3A_316], %swap3A_319 {strides = array<i32>} : memref<32x128xi32, #tpu.memory_space<vmem>>, vector<1x16xi32>,
      }
      %scan3A_246 = arith.constant 8 : i32
      %scan3A_247 = arith.constant 0 : i32
      %scan3A_248 = arith.constant 0 : i32
      %scan3A_249 = arith.constant 8 : i32
      %scan3A_250 = arith.addi %scan3A_248, %scan3A_249 : i32
      %scan3A_251 = arith.constant 1 : i32
      scf.for %scan3A_265 = %scan3A_248 to %scan3A_250 step %scan3A_251  : i32 {
        %mul3A_266 = arith.constant 16 : i32
        %mul3A_267 = arith.muli %scan3A_265, %mul3A_266 : i32
        %add3A_268 = arith.constant 3840 : i32
        %add3A_269 = arith.addi %add3A_268, %mul3A_267 : i32
        %get3A = arith.constant 0 : i32
        %get3A_270 = arith.index_cast %get3A : i32 to index
        %get3A_271 = arith.index_cast %add3A_269 : i32 to index
        %get3A_272 = tpu.vector_load %arg5[%get3A_270, %get3A_271] {strides = array<i32>} : memref<4x4096xi32, #tpu.memory_space<vmem>>, vector<1x16xi32>,
        %get3A_273 = vector.shape_cast %get3A_272 : vector<1x16xi32> to vector<16xi32>
        %get3A_274 = arith.constant 1 : i32
        %get3A_275 = arith.index_cast %get3A_274 : i32 to index
        %get3A_276 = arith.index_cast %add3A_269 : i32 to index
        %get3A_277 = tpu.vector_load %arg5[%get3A_275, %get3A_276] {strides = array<i32>} : memref<4x4096xi32, #tpu.memory_space<vmem>>, vector<1x16xi32>,
        %get3A_278 = vector.shape_cast %get3A_277 : vector<1x16xi32> to vector<16xi32>
        %get3A_279 = arith.constant 2 : i32
        %get3A_280 = arith.index_cast %get3A_279 : i32 to index
        %get3A_281 = arith.index_cast %add3A_269 : i32 to index
        %get3A_282 = tpu.vector_load %arg5[%get3A_280, %get3A_281] {strides = array<i32>} : memref<4x4096xi32, #tpu.memory_space<vmem>>, vector<1x16xi32>,
        %get3A_283 = vector.shape_cast %get3A_282 : vector<1x16xi32> to vector<16xi32>
        %get3A_284 = arith.constant 3 : i32
        %get3A_285 = arith.index_cast %get3A_284 : i32 to index
        %get3A_286 = arith.index_cast %add3A_269 : i32 to index
        %get3A_287 = tpu.vector_load %arg5[%get3A_285, %get3A_286] {strides = array<i32>} : memref<4x4096xi32, #tpu.memory_space<vmem>>, vector<1x16xi32>,
        %get3A_288 = vector.shape_cast %get3A_287 : vector<1x16xi32> to vector<16xi32>
        %eq3A = arith.constant 0 : i32
        %eq3A_289 = arith.cmpi eq, %arg0, %eq3A : i32
        %sub3A = arith.constant 49 : i32
        %sub3A_290 = vector.broadcast %sub3A : i32 to vector<16xi32>
        %sub3A_291 = arith.subi %sub3A_290, %get3A_273 : vector<16xi32>
        %select_n3A = arith.select %eq3A_289, %get3A_278, %sub3A_291 : vector<16xi32>
        %eq3A_292 = arith.constant 0 : i32
        %eq3A_293 = arith.cmpi eq, %arg0, %eq3A_292 : i32
        %select_n3A_294 = arith.select %eq3A_293, %get3A_273, %get3A_278 : vector<16xi32>
        %mul3A_295 = arith.constant 12800 : i32
        %mul3A_296 = vector.broadcast %mul3A_295 : i32 to vector<16xi32>
        %mul3A_297 = arith.muli %select_n3A, %mul3A_296 : vector<16xi32>
        %mul3A_298 = arith.constant 256 : i32
        %mul3A_299 = vector.broadcast %mul3A_298 : i32 to vector<16xi32>
        %mul3A_300 = arith.muli %select_n3A_294, %mul3A_299 : vector<16xi32>
        %add3A_301 = arith.addi %mul3A_297, %mul3A_300 : vector<16xi32>
        %add3A_302 = arith.addi %add3A_301, %get3A_288 : vector<16xi32>
        %add3A_303 = arith.addi %add3A_269, %add3A_59 : i32
        %and3A = arith.constant 4080 : i32
        %and3A_304 = arith.andi %add3A_303, %and3A : i32
        %add3A_305 = arith.constant 640000 : i32
        %add3A_306 = arith.addi %add3A_305, %and3A_304 : i32
        %add3A_307 = vector.broadcast %add3A_306 : i32 to vector<16xi32>
        %add3A_308 = arith.addi %add3A_307, %iota3A : vector<16xi32>
        %eq3A_309 = arith.constant 1 : i32
        %eq3A_310 = vector.broadcast %eq3A_309 : i32 to vector<16xi32>
        %eq3A_311 = arith.cmpi eq, %get3A_283, %eq3A_310 : vector<16xi32>
        %select_n3A_312 = arith.select %eq3A_311, %add3A_302, %add3A_308 : vector<16xi1>, vector<16xi32>
        %mul3A_313 = arith.constant 16 : i32
        %mul3A_314 = arith.muli %scan3A_265, %mul3A_313 : i32
        %swap3A = arith.constant 30 : i32
        %swap3A_315 = arith.index_cast %swap3A : i32 to index
        %swap3A_316 = arith.index_cast %mul3A_314 : i32 to index
        %swap3A_317 = tpu.vector_load %arg6[%swap3A_315, %swap3A_316] {strides = array<i32>} : memref<32x128xi32, #tpu.memory_space<vmem>>, vector<1x16xi32>,
        %swap3A_318 = vector.shape_cast %swap3A_317 : vector<1x16xi32> to vector<16xi32>
        %swap3A_319 = vector.shape_cast %select_n3A_312 : vector<16xi32> to vector<1x16xi32>
        tpu.vector_store %arg6[%swap3A_315, %swap3A_316], %swap3A_319 {strides = array<i32>} : memref<32x128xi32, #tpu.memory_space<vmem>>, vector<1x16xi32>,
      }
      %scan3A_252 = arith.constant 8 : i32
      %scan3A_253 = arith.constant 0 : i32
      %scan3A_254 = arith.constant 0 : i32
      %scan3A_255 = arith.constant 8 : i32
      %scan3A_256 = arith.addi %scan3A_254, %scan3A_255 : i32
      %scan3A_257 = arith.constant 1 : i32
      scf.for %scan3A_265 = %scan3A_254 to %scan3A_256 step %scan3A_257  : i32 {
        %mul3A_266 = arith.constant 16 : i32
        %mul3A_267 = arith.muli %scan3A_265, %mul3A_266 : i32
        %add3A_268 = arith.constant 3968 : i32
        %add3A_269 = arith.addi %add3A_268, %mul3A_267 : i32
        %get3A = arith.constant 0 : i32
        %get3A_270 = arith.index_cast %get3A : i32 to index
        %get3A_271 = arith.index_cast %add3A_269 : i32 to index
        %get3A_272 = tpu.vector_load %arg5[%get3A_270, %get3A_271] {strides = array<i32>} : memref<4x4096xi32, #tpu.memory_space<vmem>>, vector<1x16xi32>,
        %get3A_273 = vector.shape_cast %get3A_272 : vector<1x16xi32> to vector<16xi32>
        %get3A_274 = arith.constant 1 : i32
        %get3A_275 = arith.index_cast %get3A_274 : i32 to index
        %get3A_276 = arith.index_cast %add3A_269 : i32 to index
        %get3A_277 = tpu.vector_load %arg5[%get3A_275, %get3A_276] {strides = array<i32>} : memref<4x4096xi32, #tpu.memory_space<vmem>>, vector<1x16xi32>,
        %get3A_278 = vector.shape_cast %get3A_277 : vector<1x16xi32> to vector<16xi32>
        %get3A_279 = arith.constant 2 : i32
        %get3A_280 = arith.index_cast %get3A_279 : i32 to index
        %get3A_281 = arith.index_cast %add3A_269 : i32 to index
        %get3A_282 = tpu.vector_load %arg5[%get3A_280, %get3A_281] {strides = array<i32>} : memref<4x4096xi32, #tpu.memory_space<vmem>>, vector<1x16xi32>,
        %get3A_283 = vector.shape_cast %get3A_282 : vector<1x16xi32> to vector<16xi32>
        %get3A_284 = arith.constant 3 : i32
        %get3A_285 = arith.index_cast %get3A_284 : i32 to index
        %get3A_286 = arith.index_cast %add3A_269 : i32 to index
        %get3A_287 = tpu.vector_load %arg5[%get3A_285, %get3A_286] {strides = array<i32>} : memref<4x4096xi32, #tpu.memory_space<vmem>>, vector<1x16xi32>,
        %get3A_288 = vector.shape_cast %get3A_287 : vector<1x16xi32> to vector<16xi32>
        %eq3A = arith.constant 0 : i32
        %eq3A_289 = arith.cmpi eq, %arg0, %eq3A : i32
        %sub3A = arith.constant 49 : i32
        %sub3A_290 = vector.broadcast %sub3A : i32 to vector<16xi32>
        %sub3A_291 = arith.subi %sub3A_290, %get3A_273 : vector<16xi32>
        %select_n3A = arith.select %eq3A_289, %get3A_278, %sub3A_291 : vector<16xi32>
        %eq3A_292 = arith.constant 0 : i32
        %eq3A_293 = arith.cmpi eq, %arg0, %eq3A_292 : i32
        %select_n3A_294 = arith.select %eq3A_293, %get3A_273, %get3A_278 : vector<16xi32>
        %mul3A_295 = arith.constant 12800 : i32
        %mul3A_296 = vector.broadcast %mul3A_295 : i32 to vector<16xi32>
        %mul3A_297 = arith.muli %select_n3A, %mul3A_296 : vector<16xi32>
        %mul3A_298 = arith.constant 256 : i32
        %mul3A_299 = vector.broadcast %mul3A_298 : i32 to vector<16xi32>
        %mul3A_300 = arith.muli %select_n3A_294, %mul3A_299 : vector<16xi32>
        %add3A_301 = arith.addi %mul3A_297, %mul3A_300 : vector<16xi32>
        %add3A_302 = arith.addi %add3A_301, %get3A_288 : vector<16xi32>
        %add3A_303 = arith.addi %add3A_269, %add3A_59 : i32
        %and3A = arith.constant 4080 : i32
        %and3A_304 = arith.andi %add3A_303, %and3A : i32
        %add3A_305 = arith.constant 640000 : i32
        %add3A_306 = arith.addi %add3A_305, %and3A_304 : i32
        %add3A_307 = vector.broadcast %add3A_306 : i32 to vector<16xi32>
        %add3A_308 = arith.addi %add3A_307, %iota3A : vector<16xi32>
        %eq3A_309 = arith.constant 1 : i32
        %eq3A_310 = vector.broadcast %eq3A_309 : i32 to vector<16xi32>
        %eq3A_311 = arith.cmpi eq, %get3A_283, %eq3A_310 : vector<16xi32>
        %select_n3A_312 = arith.select %eq3A_311, %add3A_302, %add3A_308 : vector<16xi1>, vector<16xi32>
        %mul3A_313 = arith.constant 16 : i32
        %mul3A_314 = arith.muli %scan3A_265, %mul3A_313 : i32
        %swap3A = arith.constant 31 : i32
        %swap3A_315 = arith.index_cast %swap3A : i32 to index
        %swap3A_316 = arith.index_cast %mul3A_314 : i32 to index
        %swap3A_317 = tpu.vector_load %arg6[%swap3A_315, %swap3A_316] {strides = array<i32>} : memref<32x128xi32, #tpu.memory_space<vmem>>, vector<1x16xi32>,
        %swap3A_318 = vector.shape_cast %swap3A_317 : vector<1x16xi32> to vector<16xi32>
        %swap3A_319 = vector.shape_cast %select_n3A_312 : vector<16xi32> to vector<1x16xi32>
        tpu.vector_store %arg6[%swap3A_315, %swap3A_316], %swap3A_319 {strides = array<i32>} : memref<32x128xi32, #tpu.memory_space<vmem>>, vector<1x16xi32>,
      }
      %scan3A_258 = arith.constant 8 : i32
      %scan3A_259 = arith.constant 0 : i32
      %scan3A_260 = arith.constant 0 : i32
      %scan3A_261 = arith.constant 32 : i32
      %scan3A_262 = arith.addi %scan3A_260, %scan3A_261 : i32
      %scan3A_263 = arith.constant 1 : i32
      scf.for %scan3A_265 = %scan3A_260 to %scan3A_262 step %scan3A_263  : i32 {
        "tpu.region"() ({
          %run_scoped3A_266 = tpu.sem_alloc : memref<!tpu.dma_semaphore, #tpu.memory_space<semaphore_mem>>
          %dma_start3A = arith.constant 0 : i32
          %dma_start3A_267 = tpu.memref_slice %arg6[%scan3A_265, %dma_start3A] : memref<32x128xi32, #tpu.memory_space<vmem>> -> memref<1x128xi32, #tpu.memory_space<vmem>>
          %dma_start3A_268 = tpu.memref_squeeze %dma_start3A_267 : memref<1x128xi32, #tpu.memory_space<vmem>> -> memref<128xi32, #tpu.memory_space<vmem>>
          %dma_start3A_269 = arith.constant 0 : i32
          %dma_start3A_270 = tpu.memref_slice %arg4[%dma_start3A_269] : memref<655360xf32, #tpu.memory_space<vmem_shared>> -> memref<655360xf32, #tpu.memory_space<vmem_shared>>
          tpu.enqueue_indirect_dma source(%arg7 : memref<128xf32, #tpu.memory_space<vmem>>) target(%dma_start3A_270 : memref<655360xf32, #tpu.memory_space<vmem_shared>>) offsets(%dma_start3A_268 : memref<128xi32, #tpu.memory_space<vmem>>) semaphore(%run_scoped3A_266 : memref<!tpu.dma_semaphore, #tpu.memory_space<semaphore_mem>>) {add = true}
          %dma_wait3A = arith.constant 0 : i32
          %dma_wait3A_271 = tpu.memref_slice %arg6[%scan3A_265, %dma_wait3A] : memref<32x128xi32, #tpu.memory_space<vmem>> -> memref<1x128xi32, #tpu.memory_space<vmem>>
          %dma_wait3A_272 = tpu.memref_squeeze %dma_wait3A_271 : memref<1x128xi32, #tpu.memory_space<vmem>> -> memref<128xi32, #tpu.memory_space<vmem>>
          %dma_wait3A_273 = arith.constant 0 : i32
          %dma_wait3A_274 = tpu.memref_slice %arg4[%dma_wait3A_273] : memref<655360xf32, #tpu.memory_space<vmem_shared>> -> memref<655360xf32, #tpu.memory_space<vmem_shared>>
          tpu.wait_indirect_dma semaphore(%run_scoped3A_266 : memref<!tpu.dma_semaphore, #tpu.memory_space<semaphore_mem>>) src(%arg7 : memref<128xf32, #tpu.memory_space<vmem>>) dst(%dma_wait3A_274 : memref<655360xf32, #tpu.memory_space<vmem_shared>>)
          tpu.yield
        }) : () -> ()
      }
      %scan3A_264 = arith.constant 32 : i32
    }
    %scan3A_46 = arith.constant 5 : i32
    %barrier3A_47 = arith.constant 0 : index
    tpu.barrier barrier_id(%barrier3A_47)
    %scan3A_48 = arith.constant 0 : i32
    %scan3A_49 = arith.constant 0 : i32
    %scan3A_50 = arith.constant 8 : i32
    %scan3A_51 = arith.addi %scan3A_49, %scan3A_50 : i32
    %scan3A_52 = arith.constant 1 : i32
    scf.for %scan3A_54 = %scan3A_49 to %scan3A_51 step %scan3A_52  : i32 {
      %mul3A_55 = arith.constant 16 : i32
      %mul3A_56 = arith.muli %scan3A_54, %mul3A_55 : i32
      %add3A_57 = arith.addi %arg1, %mul3A_56 : i32
      %lt3A = arith.constant 128 : i32
      %lt3A_58 = arith.cmpi slt, %add3A_57, %lt3A : i32
      %convert_element_type3A = arith.extui %lt3A_58 : i1 to i32
      %cond3A = arith.constant 0 : i32
      %cond3A_59 = arith.cmpi ne, %convert_element_type3A, %cond3A : i32
      scf.if %cond3A_59 {
        %mul3A_60 = arith.constant 5000 : i32
        %mul3A_61 = arith.muli %add3A_57, %mul3A_60 : i32
        "tpu.region"() ({
          %run_scoped3A = tpu.sem_alloc : memref<!tpu.dma_semaphore, #tpu.memory_space<semaphore_mem>>
          %dma_start3A = tpu.memref_slice %arg4[%mul3A_61] : memref<655360xf32, #tpu.memory_space<vmem_shared>> -> memref<5000xf32, #tpu.memory_space<vmem_shared>>
          %dma_start3A_67 = tpu.memref_slice %arg4[%mul3A_61] : memref<655360xf32, #tpu.memory_space<vmem_shared>> -> memref<5000xf32, #tpu.memory_space<vmem_shared>>
          tpu.enqueue_dma source(%dma_start3A_67 : memref<5000xf32, #tpu.memory_space<vmem_shared>>) target(%arg9 : memref<5000xf32, #tpu.memory_space<vmem>>) target_semaphore(%run_scoped3A : memref<!tpu.dma_semaphore, #tpu.memory_space<semaphore_mem>>)
          %dma_wait3A = tpu.memref_slice %arg4[%mul3A_61] : memref<655360xf32, #tpu.memory_space<vmem_shared>> -> memref<5000xf32, #tpu.memory_space<vmem_shared>>
          %dma_wait3A_68 = tpu.memref_slice %arg4[%mul3A_61] : memref<655360xf32, #tpu.memory_space<vmem_shared>> -> memref<5000xf32, #tpu.memory_space<vmem_shared>>
          tpu.wait_dma2 semaphore(%run_scoped3A : memref<!tpu.dma_semaphore, #tpu.memory_space<semaphore_mem>>) src(%dma_wait3A_68 : memref<5000xf32, #tpu.memory_space<vmem_shared>>) dst(%arg9 : memref<5000xf32, #tpu.memory_space<vmem>>)
          tpu.yield
        }) : () -> ()
        %mul3A_62 = arith.constant 640000 : i32
        %mul3A_63 = arith.muli %arg0, %mul3A_62 : i32
        %mul3A_64 = arith.constant 5000 : i32
        %mul3A_65 = arith.muli %add3A_57, %mul3A_64 : i32
        %add3A_66 = arith.addi %mul3A_63, %mul3A_65 : i32
        "tpu.region"() ({
          %run_scoped3A = tpu.sem_alloc : memref<!tpu.dma_semaphore, #tpu.memory_space<semaphore_mem>>
          %dma_start3A = tpu.memref_slice %arg3[%add3A_66] : memref<1280000xf32, #tpu.memory_space<hbm>> -> memref<5000xf32, #tpu.memory_space<hbm>>
          %dma_start3A_67 = tpu.memref_slice %arg3[%add3A_66] : memref<1280000xf32, #tpu.memory_space<hbm>> -> memref<5000xf32, #tpu.memory_space<hbm>>
          tpu.enqueue_dma source(%arg9 : memref<5000xf32, #tpu.memory_space<vmem>>) target(%dma_start3A_67 : memref<5000xf32, #tpu.memory_space<hbm>>) target_semaphore(%run_scoped3A : memref<!tpu.dma_semaphore, #tpu.memory_space<semaphore_mem>>)
          %dma_wait3A = tpu.memref_slice %arg3[%add3A_66] : memref<1280000xf32, #tpu.memory_space<hbm>> -> memref<5000xf32, #tpu.memory_space<hbm>>
          %dma_wait3A_68 = tpu.memref_slice %arg3[%add3A_66] : memref<1280000xf32, #tpu.memory_space<hbm>> -> memref<5000xf32, #tpu.memory_space<hbm>>
          tpu.wait_dma2 semaphore(%run_scoped3A : memref<!tpu.dma_semaphore, #tpu.memory_space<semaphore_mem>>) src(%arg9 : memref<5000xf32, #tpu.memory_space<vmem>>) dst(%dma_wait3A_68 : memref<5000xf32, #tpu.memory_space<hbm>>)
          tpu.yield
        }) : () -> ()
      } else {
      }
    }
    %scan3A_53 = arith.constant 8 : i32
    return
  }
}

module attributes {stable_mosaic.version = 14 : i64} {
  func.func @_gnn_tc_kernel(%arg0: memref<1xi32, #tpu.memory_space<smem>>, %arg1: memref<50x128x200xf32, #tpu.memory_space<vmem>>, %arg2: memref<100x50x256xf32, #tpu.memory_space<vmem>>, %arg3: memref<128x128xf32, #tpu.memory_space<vmem>>, %arg4: memref<128x200xf32, #tpu.memory_space<vmem>>, %arg5: memref<128x128xf32, #tpu.memory_space<vmem>>, %arg6: memref<128x200xf32, #tpu.memory_space<vmem>>, %arg7: memref<512x256xf32, #tpu.memory_space<vmem>>, %arg8: memref<512x200xf32, #tpu.memory_space<vmem>>, %arg9: memref<50x128x200xf32, #tpu.memory_space<vmem>>, %arg10: memref<50x128x200xf32, #tpu.memory_space<vmem>>) attributes {dimension_semantics = [], scalar_prefetch = 0 : i64, scratch_operands = 1 : i64, tpu.core_type = #tpu.core_type<tc>} {
    %get3A = arith.constant 0 : index
    %get3A_0 = arith.constant 0 : index
    %get3A_1 = arith.constant 0 : index
    %get3A_2 = vector.load %arg1[%get3A, %get3A_0, %get3A_1] : memref<50x128x200xf32, #tpu.memory_space<vmem>>, vector<50x128x200xf32>
    %swap3A = arith.constant 0 : index
    %swap3A_3 = arith.constant 0 : index
    %swap3A_4 = arith.constant 0 : index
    %swap3A_5 = vector.load %arg9[%swap3A, %swap3A_3, %swap3A_4] : memref<50x128x200xf32, #tpu.memory_space<vmem>>, vector<50x128x200xf32>
    tpu.vector_store %arg9[%swap3A, %swap3A_3, %swap3A_4], %get3A_2 {strides = array<i32>} : memref<50x128x200xf32, #tpu.memory_space<vmem>>, vector<50x128x200xf32>,
    %get3A_6 = arith.constant 0 : index
    %get3A_7 = arith.constant 0 : index
    %get3A_8 = vector.load %arg3[%get3A_6, %get3A_7] : memref<128x128xf32, #tpu.memory_space<vmem>>, vector<128x128xf32>
    %get3A_9 = arith.constant 0 : index
    %get3A_10 = arith.constant 0 : index
    %get3A_11 = vector.load %arg4[%get3A_9, %get3A_10] : memref<128x200xf32, #tpu.memory_space<vmem>>, vector<128x200xf32>
    %get3A_12 = arith.constant 0 : index
    %get3A_13 = arith.constant 0 : index
    %get3A_14 = vector.load %arg5[%get3A_12, %get3A_13] : memref<128x128xf32, #tpu.memory_space<vmem>>, vector<128x128xf32>
    %get3A_15 = arith.constant 0 : index
    %get3A_16 = arith.constant 0 : index
    %get3A_17 = vector.load %arg6[%get3A_15, %get3A_16] : memref<128x200xf32, #tpu.memory_space<vmem>>, vector<128x200xf32>
    %get3A_18 = arith.constant 0 : index
    %get3A_19 = arith.constant 0 : index
    %get3A_20 = vector.load %arg7[%get3A_18, %get3A_19] : memref<512x256xf32, #tpu.memory_space<vmem>>, vector<512x256xf32>
    %get3A_21 = arith.constant 0 : index
    %get3A_22 = arith.constant 0 : index
    %get3A_23 = vector.load %arg8[%get3A_21, %get3A_22] : memref<512x200xf32, #tpu.memory_space<vmem>>, vector<512x200xf32>
    %get3A_24 = arith.constant 0 : index
    %get3A_25 = memref.load %arg0[%get3A_24] : memref<1xi32, #tpu.memory_space<smem>>
    %get3A_26 = arith.constant 0 : index
    %get3A_27 = arith.constant 0 : index
    %get3A_28 = arith.constant 0 : index
    %get3A_29 = vector.load %arg1[%get3A_26, %get3A_27, %get3A_28] : memref<50x128x200xf32, #tpu.memory_space<vmem>>, vector<1x128x200xf32>
    %get3A_30 = vector.shape_cast %get3A_29 : vector<1x128x200xf32> to vector<128x200xf32>
    %dot_general3A = arith.constant dense<0.000000e+00> : vector<128x200xf32>
    %dot_general3A_31 = tpu.matmul %get3A_8, %get3A_30, %dot_general3A {dimension_numbers = #tpu.dot_dimension_numbers<[1], [0], [0], [1], [0, 0, 1, 1], [], []>, transpose_lhs_hint = false} : vector<128x128xf32>, vector<128x200xf32>, vector<128x200xf32> -> vector<128x200xf32>
    %add3A = arith.addf %dot_general3A_31, %get3A_11 : vector<128x200xf32>
    %max3A = arith.constant 0.000000e+00 : f32
    %max3A_32 = vector.broadcast %max3A : f32 to vector<128x200xf32>
    %max3A_33 = arith.maximumf %add3A, %max3A_32 : vector<128x200xf32>
    %dot_general3A_34 = arith.constant dense<0.000000e+00> : vector<128x200xf32>
    %dot_general3A_35 = tpu.matmul %get3A_14, %max3A_33, %dot_general3A_34 {dimension_numbers = #tpu.dot_dimension_numbers<[1], [0], [0], [1], [0, 0, 1, 1], [], []>, transpose_lhs_hint = false} : vector<128x128xf32>, vector<128x200xf32>, vector<128x200xf32> -> vector<128x200xf32>
    %add3A_36 = arith.addf %dot_general3A_35, %get3A_17 : vector<128x200xf32>
    %max3A_37 = arith.constant 0.000000e+00 : f32
    %max3A_38 = vector.broadcast %max3A_37 : f32 to vector<128x200xf32>
    %max3A_39 = arith.maximumf %add3A_36, %max3A_38 : vector<128x200xf32>
    %swap3A_40 = arith.constant 0 : index
    %swap3A_41 = arith.constant 0 : index
    %swap3A_42 = arith.constant 0 : index
    %swap3A_43 = vector.load %arg10[%swap3A_40, %swap3A_41, %swap3A_42] : memref<50x128x200xf32, #tpu.memory_space<vmem>>, vector<1x128x200xf32>
    %swap3A_44 = vector.shape_cast %swap3A_43 : vector<1x128x200xf32> to vector<128x200xf32>
    %swap3A_45 = vector.shape_cast %max3A_39 : vector<128x200xf32> to vector<1x128x200xf32>
    tpu.vector_store %arg10[%swap3A_40, %swap3A_41, %swap3A_42], %swap3A_45 {strides = array<i32>} : memref<50x128x200xf32, #tpu.memory_space<vmem>>, vector<1x128x200xf32>,
    %get3A_46 = arith.constant 1 : index
    %get3A_47 = arith.constant 0 : index
    %get3A_48 = arith.constant 0 : index
    %get3A_49 = vector.load %arg1[%get3A_46, %get3A_47, %get3A_48] : memref<50x128x200xf32, #tpu.memory_space<vmem>>, vector<1x128x200xf32>
    %get3A_50 = vector.shape_cast %get3A_49 : vector<1x128x200xf32> to vector<128x200xf32>
    %dot_general3A_51 = arith.constant dense<0.000000e+00> : vector<128x200xf32>
    %dot_general3A_52 = tpu.matmul %get3A_8, %get3A_50, %dot_general3A_51 {dimension_numbers = #tpu.dot_dimension_numbers<[1], [0], [0], [1], [0, 0, 1, 1], [], []>, transpose_lhs_hint = false} : vector<128x128xf32>, vector<128x200xf32>, vector<128x200xf32> -> vector<128x200xf32>
    %add3A_53 = arith.addf %dot_general3A_52, %get3A_11 : vector<128x200xf32>
    %max3A_54 = arith.constant 0.000000e+00 : f32
    %max3A_55 = vector.broadcast %max3A_54 : f32 to vector<128x200xf32>
    %max3A_56 = arith.maximumf %add3A_53, %max3A_55 : vector<128x200xf32>
    %dot_general3A_57 = arith.constant dense<0.000000e+00> : vector<128x200xf32>
    %dot_general3A_58 = tpu.matmul %get3A_14, %max3A_56, %dot_general3A_57 {dimension_numbers = #tpu.dot_dimension_numbers<[1], [0], [0], [1], [0, 0, 1, 1], [], []>, transpose_lhs_hint = false} : vector<128x128xf32>, vector<128x200xf32>, vector<128x200xf32> -> vector<128x200xf32>
    %add3A_59 = arith.addf %dot_general3A_58, %get3A_17 : vector<128x200xf32>
    %max3A_60 = arith.constant 0.000000e+00 : f32
    %max3A_61 = vector.broadcast %max3A_60 : f32 to vector<128x200xf32>
    %max3A_62 = arith.maximumf %add3A_59, %max3A_61 : vector<128x200xf32>
    %swap3A_63 = arith.constant 1 : index
    %swap3A_64 = arith.constant 0 : index
    %swap3A_65 = arith.constant 0 : index
    %swap3A_66 = vector.load %arg10[%swap3A_63, %swap3A_64, %swap3A_65] : memref<50x128x200xf32, #tpu.memory_space<vmem>>, vector<1x128x200xf32>
    %swap3A_67 = vector.shape_cast %swap3A_66 : vector<1x128x200xf32> to vector<128x200xf32>
    %swap3A_68 = vector.shape_cast %max3A_62 : vector<128x200xf32> to vector<1x128x200xf32>
    tpu.vector_store %arg10[%swap3A_63, %swap3A_64, %swap3A_65], %swap3A_68 {strides = array<i32>} : memref<50x128x200xf32, #tpu.memory_space<vmem>>, vector<1x128x200xf32>,
    %get3A_69 = arith.constant 2 : index
    %get3A_70 = arith.constant 0 : index
    %get3A_71 = arith.constant 0 : index
    %get3A_72 = vector.load %arg1[%get3A_69, %get3A_70, %get3A_71] : memref<50x128x200xf32, #tpu.memory_space<vmem>>, vector<1x128x200xf32>
    %get3A_73 = vector.shape_cast %get3A_72 : vector<1x128x200xf32> to vector<128x200xf32>
    %dot_general3A_74 = arith.constant dense<0.000000e+00> : vector<128x200xf32>
    %dot_general3A_75 = tpu.matmul %get3A_8, %get3A_73, %dot_general3A_74 {dimension_numbers = #tpu.dot_dimension_numbers<[1], [0], [0], [1], [0, 0, 1, 1], [], []>, transpose_lhs_hint = false} : vector<128x128xf32>, vector<128x200xf32>, vector<128x200xf32> -> vector<128x200xf32>
    %add3A_76 = arith.addf %dot_general3A_75, %get3A_11 : vector<128x200xf32>
    %max3A_77 = arith.constant 0.000000e+00 : f32
    %max3A_78 = vector.broadcast %max3A_77 : f32 to vector<128x200xf32>
    %max3A_79 = arith.maximumf %add3A_76, %max3A_78 : vector<128x200xf32>
    %dot_general3A_80 = arith.constant dense<0.000000e+00> : vector<128x200xf32>
    %dot_general3A_81 = tpu.matmul %get3A_14, %max3A_79, %dot_general3A_80 {dimension_numbers = #tpu.dot_dimension_numbers<[1], [0], [0], [1], [0, 0, 1, 1], [], []>, transpose_lhs_hint = false} : vector<128x128xf32>, vector<128x200xf32>, vector<128x200xf32> -> vector<128x200xf32>
    %add3A_82 = arith.addf %dot_general3A_81, %get3A_17 : vector<128x200xf32>
    %max3A_83 = arith.constant 0.000000e+00 : f32
    %max3A_84 = vector.broadcast %max3A_83 : f32 to vector<128x200xf32>
    %max3A_85 = arith.maximumf %add3A_82, %max3A_84 : vector<128x200xf32>
    %swap3A_86 = arith.constant 2 : index
    %swap3A_87 = arith.constant 0 : index
    %swap3A_88 = arith.constant 0 : index
    %swap3A_89 = vector.load %arg10[%swap3A_86, %swap3A_87, %swap3A_88] : memref<50x128x200xf32, #tpu.memory_space<vmem>>, vector<1x128x200xf32>
    %swap3A_90 = vector.shape_cast %swap3A_89 : vector<1x128x200xf32> to vector<128x200xf32>
    %swap3A_91 = vector.shape_cast %max3A_85 : vector<128x200xf32> to vector<1x128x200xf32>
    tpu.vector_store %arg10[%swap3A_86, %swap3A_87, %swap3A_88], %swap3A_91 {strides = array<i32>} : memref<50x128x200xf32, #tpu.memory_space<vmem>>, vector<1x128x200xf32>,
    %get3A_92 = arith.constant 3 : index
    %get3A_93 = arith.constant 0 : index
    %get3A_94 = arith.constant 0 : index
    %get3A_95 = vector.load %arg1[%get3A_92, %get3A_93, %get3A_94] : memref<50x128x200xf32, #tpu.memory_space<vmem>>, vector<1x128x200xf32>
    %get3A_96 = vector.shape_cast %get3A_95 : vector<1x128x200xf32> to vector<128x200xf32>
    %dot_general3A_97 = arith.constant dense<0.000000e+00> : vector<128x200xf32>
    %dot_general3A_98 = tpu.matmul %get3A_8, %get3A_96, %dot_general3A_97 {dimension_numbers = #tpu.dot_dimension_numbers<[1], [0], [0], [1], [0, 0, 1, 1], [], []>, transpose_lhs_hint = false} : vector<128x128xf32>, vector<128x200xf32>, vector<128x200xf32> -> vector<128x200xf32>
    %add3A_99 = arith.addf %dot_general3A_98, %get3A_11 : vector<128x200xf32>
    %max3A_100 = arith.constant 0.000000e+00 : f32
    %max3A_101 = vector.broadcast %max3A_100 : f32 to vector<128x200xf32>
    %max3A_102 = arith.maximumf %add3A_99, %max3A_101 : vector<128x200xf32>
    %dot_general3A_103 = arith.constant dense<0.000000e+00> : vector<128x200xf32>
    %dot_general3A_104 = tpu.matmul %get3A_14, %max3A_102, %dot_general3A_103 {dimension_numbers = #tpu.dot_dimension_numbers<[1], [0], [0], [1], [0, 0, 1, 1], [], []>, transpose_lhs_hint = false} : vector<128x128xf32>, vector<128x200xf32>, vector<128x200xf32> -> vector<128x200xf32>
    %add3A_105 = arith.addf %dot_general3A_104, %get3A_17 : vector<128x200xf32>
    %max3A_106 = arith.constant 0.000000e+00 : f32
    %max3A_107 = vector.broadcast %max3A_106 : f32 to vector<128x200xf32>
    %max3A_108 = arith.maximumf %add3A_105, %max3A_107 : vector<128x200xf32>
    %swap3A_109 = arith.constant 3 : index
    %swap3A_110 = arith.constant 0 : index
    %swap3A_111 = arith.constant 0 : index
    %swap3A_112 = vector.load %arg10[%swap3A_109, %swap3A_110, %swap3A_111] : memref<50x128x200xf32, #tpu.memory_space<vmem>>, vector<1x128x200xf32>
    %swap3A_113 = vector.shape_cast %swap3A_112 : vector<1x128x200xf32> to vector<128x200xf32>
    %swap3A_114 = vector.shape_cast %max3A_108 : vector<128x200xf32> to vector<1x128x200xf32>
    tpu.vector_store %arg10[%swap3A_109, %swap3A_110, %swap3A_111], %swap3A_114 {strides = array<i32>} : memref<50x128x200xf32, #tpu.memory_space<vmem>>, vector<1x128x200xf32>,
    %get3A_115 = arith.constant 4 : index
    %get3A_116 = arith.constant 0 : index
    %get3A_117 = arith.constant 0 : index
    %get3A_118 = vector.load %arg1[%get3A_115, %get3A_116, %get3A_117] : memref<50x128x200xf32, #tpu.memory_space<vmem>>, vector<1x128x200xf32>
    %get3A_119 = vector.shape_cast %get3A_118 : vector<1x128x200xf32> to vector<128x200xf32>
    %dot_general3A_120 = arith.constant dense<0.000000e+00> : vector<128x200xf32>
    %dot_general3A_121 = tpu.matmul %get3A_8, %get3A_119, %dot_general3A_120 {dimension_numbers = #tpu.dot_dimension_numbers<[1], [0], [0], [1], [0, 0, 1, 1], [], []>, transpose_lhs_hint = false} : vector<128x128xf32>, vector<128x200xf32>, vector<128x200xf32> -> vector<128x200xf32>
    %add3A_122 = arith.addf %dot_general3A_121, %get3A_11 : vector<128x200xf32>
    %max3A_123 = arith.constant 0.000000e+00 : f32
    %max3A_124 = vector.broadcast %max3A_123 : f32 to vector<128x200xf32>
    %max3A_125 = arith.maximumf %add3A_122, %max3A_124 : vector<128x200xf32>
    %dot_general3A_126 = arith.constant dense<0.000000e+00> : vector<128x200xf32>
    %dot_general3A_127 = tpu.matmul %get3A_14, %max3A_125, %dot_general3A_126 {dimension_numbers = #tpu.dot_dimension_numbers<[1], [0], [0], [1], [0, 0, 1, 1], [], []>, transpose_lhs_hint = false} : vector<128x128xf32>, vector<128x200xf32>, vector<128x200xf32> -> vector<128x200xf32>
    %add3A_128 = arith.addf %dot_general3A_127, %get3A_17 : vector<128x200xf32>
    %max3A_129 = arith.constant 0.000000e+00 : f32
    %max3A_130 = vector.broadcast %max3A_129 : f32 to vector<128x200xf32>
    %max3A_131 = arith.maximumf %add3A_128, %max3A_130 : vector<128x200xf32>
    %swap3A_132 = arith.constant 4 : index
    %swap3A_133 = arith.constant 0 : index
    %swap3A_134 = arith.constant 0 : index
    %swap3A_135 = vector.load %arg10[%swap3A_132, %swap3A_133, %swap3A_134] : memref<50x128x200xf32, #tpu.memory_space<vmem>>, vector<1x128x200xf32>
    %swap3A_136 = vector.shape_cast %swap3A_135 : vector<1x128x200xf32> to vector<128x200xf32>
    %swap3A_137 = vector.shape_cast %max3A_131 : vector<128x200xf32> to vector<1x128x200xf32>
    tpu.vector_store %arg10[%swap3A_132, %swap3A_133, %swap3A_134], %swap3A_137 {strides = array<i32>} : memref<50x128x200xf32, #tpu.memory_space<vmem>>, vector<1x128x200xf32>,
    %get3A_138 = arith.constant 5 : index
    %get3A_139 = arith.constant 0 : index
    %get3A_140 = arith.constant 0 : index
    %get3A_141 = vector.load %arg1[%get3A_138, %get3A_139, %get3A_140] : memref<50x128x200xf32, #tpu.memory_space<vmem>>, vector<1x128x200xf32>
    %get3A_142 = vector.shape_cast %get3A_141 : vector<1x128x200xf32> to vector<128x200xf32>
    %dot_general3A_143 = arith.constant dense<0.000000e+00> : vector<128x200xf32>
    %dot_general3A_144 = tpu.matmul %get3A_8, %get3A_142, %dot_general3A_143 {dimension_numbers = #tpu.dot_dimension_numbers<[1], [0], [0], [1], [0, 0, 1, 1], [], []>, transpose_lhs_hint = false} : vector<128x128xf32>, vector<128x200xf32>, vector<128x200xf32> -> vector<128x200xf32>
    %add3A_145 = arith.addf %dot_general3A_144, %get3A_11 : vector<128x200xf32>
    %max3A_146 = arith.constant 0.000000e+00 : f32
    %max3A_147 = vector.broadcast %max3A_146 : f32 to vector<128x200xf32>
    %max3A_148 = arith.maximumf %add3A_145, %max3A_147 : vector<128x200xf32>
    %dot_general3A_149 = arith.constant dense<0.000000e+00> : vector<128x200xf32>
    %dot_general3A_150 = tpu.matmul %get3A_14, %max3A_148, %dot_general3A_149 {dimension_numbers = #tpu.dot_dimension_numbers<[1], [0], [0], [1], [0, 0, 1, 1], [], []>, transpose_lhs_hint = false} : vector<128x128xf32>, vector<128x200xf32>, vector<128x200xf32> -> vector<128x200xf32>
    %add3A_151 = arith.addf %dot_general3A_150, %get3A_17 : vector<128x200xf32>
    %max3A_152 = arith.constant 0.000000e+00 : f32
    %max3A_153 = vector.broadcast %max3A_152 : f32 to vector<128x200xf32>
    %max3A_154 = arith.maximumf %add3A_151, %max3A_153 : vector<128x200xf32>
    %swap3A_155 = arith.constant 5 : index
    %swap3A_156 = arith.constant 0 : index
    %swap3A_157 = arith.constant 0 : index
    %swap3A_158 = vector.load %arg10[%swap3A_155, %swap3A_156, %swap3A_157] : memref<50x128x200xf32, #tpu.memory_space<vmem>>, vector<1x128x200xf32>
    %swap3A_159 = vector.shape_cast %swap3A_158 : vector<1x128x200xf32> to vector<128x200xf32>
    %swap3A_160 = vector.shape_cast %max3A_154 : vector<128x200xf32> to vector<1x128x200xf32>
    tpu.vector_store %arg10[%swap3A_155, %swap3A_156, %swap3A_157], %swap3A_160 {strides = array<i32>} : memref<50x128x200xf32, #tpu.memory_space<vmem>>, vector<1x128x200xf32>,
    %get3A_161 = arith.constant 6 : index
    %get3A_162 = arith.constant 0 : index
    %get3A_163 = arith.constant 0 : index
    %get3A_164 = vector.load %arg1[%get3A_161, %get3A_162, %get3A_163] : memref<50x128x200xf32, #tpu.memory_space<vmem>>, vector<1x128x200xf32>
    %get3A_165 = vector.shape_cast %get3A_164 : vector<1x128x200xf32> to vector<128x200xf32>
    %dot_general3A_166 = arith.constant dense<0.000000e+00> : vector<128x200xf32>
    %dot_general3A_167 = tpu.matmul %get3A_8, %get3A_165, %dot_general3A_166 {dimension_numbers = #tpu.dot_dimension_numbers<[1], [0], [0], [1], [0, 0, 1, 1], [], []>, transpose_lhs_hint = false} : vector<128x128xf32>, vector<128x200xf32>, vector<128x200xf32> -> vector<128x200xf32>
    %add3A_168 = arith.addf %dot_general3A_167, %get3A_11 : vector<128x200xf32>
    %max3A_169 = arith.constant 0.000000e+00 : f32
    %max3A_170 = vector.broadcast %max3A_169 : f32 to vector<128x200xf32>
    %max3A_171 = arith.maximumf %add3A_168, %max3A_170 : vector<128x200xf32>
    %dot_general3A_172 = arith.constant dense<0.000000e+00> : vector<128x200xf32>
    %dot_general3A_173 = tpu.matmul %get3A_14, %max3A_171, %dot_general3A_172 {dimension_numbers = #tpu.dot_dimension_numbers<[1], [0], [0], [1], [0, 0, 1, 1], [], []>, transpose_lhs_hint = false} : vector<128x128xf32>, vector<128x200xf32>, vector<128x200xf32> -> vector<128x200xf32>
    %add3A_174 = arith.addf %dot_general3A_173, %get3A_17 : vector<128x200xf32>
    %max3A_175 = arith.constant 0.000000e+00 : f32
    %max3A_176 = vector.broadcast %max3A_175 : f32 to vector<128x200xf32>
    %max3A_177 = arith.maximumf %add3A_174, %max3A_176 : vector<128x200xf32>
    %swap3A_178 = arith.constant 6 : index
    %swap3A_179 = arith.constant 0 : index
    %swap3A_180 = arith.constant 0 : index
    %swap3A_181 = vector.load %arg10[%swap3A_178, %swap3A_179, %swap3A_180] : memref<50x128x200xf32, #tpu.memory_space<vmem>>, vector<1x128x200xf32>
    %swap3A_182 = vector.shape_cast %swap3A_181 : vector<1x128x200xf32> to vector<128x200xf32>
    %swap3A_183 = vector.shape_cast %max3A_177 : vector<128x200xf32> to vector<1x128x200xf32>
    tpu.vector_store %arg10[%swap3A_178, %swap3A_179, %swap3A_180], %swap3A_183 {strides = array<i32>} : memref<50x128x200xf32, #tpu.memory_space<vmem>>, vector<1x128x200xf32>,
    %get3A_184 = arith.constant 7 : index
    %get3A_185 = arith.constant 0 : index
    %get3A_186 = arith.constant 0 : index
    %get3A_187 = vector.load %arg1[%get3A_184, %get3A_185, %get3A_186] : memref<50x128x200xf32, #tpu.memory_space<vmem>>, vector<1x128x200xf32>
    %get3A_188 = vector.shape_cast %get3A_187 : vector<1x128x200xf32> to vector<128x200xf32>
    %dot_general3A_189 = arith.constant dense<0.000000e+00> : vector<128x200xf32>
    %dot_general3A_190 = tpu.matmul %get3A_8, %get3A_188, %dot_general3A_189 {dimension_numbers = #tpu.dot_dimension_numbers<[1], [0], [0], [1], [0, 0, 1, 1], [], []>, transpose_lhs_hint = false} : vector<128x128xf32>, vector<128x200xf32>, vector<128x200xf32> -> vector<128x200xf32>
    %add3A_191 = arith.addf %dot_general3A_190, %get3A_11 : vector<128x200xf32>
    %max3A_192 = arith.constant 0.000000e+00 : f32
    %max3A_193 = vector.broadcast %max3A_192 : f32 to vector<128x200xf32>
    %max3A_194 = arith.maximumf %add3A_191, %max3A_193 : vector<128x200xf32>
    %dot_general3A_195 = arith.constant dense<0.000000e+00> : vector<128x200xf32>
    %dot_general3A_196 = tpu.matmul %get3A_14, %max3A_194, %dot_general3A_195 {dimension_numbers = #tpu.dot_dimension_numbers<[1], [0], [0], [1], [0, 0, 1, 1], [], []>, transpose_lhs_hint = false} : vector<128x128xf32>, vector<128x200xf32>, vector<128x200xf32> -> vector<128x200xf32>
    %add3A_197 = arith.addf %dot_general3A_196, %get3A_17 : vector<128x200xf32>
    %max3A_198 = arith.constant 0.000000e+00 : f32
    %max3A_199 = vector.broadcast %max3A_198 : f32 to vector<128x200xf32>
    %max3A_200 = arith.maximumf %add3A_197, %max3A_199 : vector<128x200xf32>
    %swap3A_201 = arith.constant 7 : index
    %swap3A_202 = arith.constant 0 : index
    %swap3A_203 = arith.constant 0 : index
    %swap3A_204 = vector.load %arg10[%swap3A_201, %swap3A_202, %swap3A_203] : memref<50x128x200xf32, #tpu.memory_space<vmem>>, vector<1x128x200xf32>
    %swap3A_205 = vector.shape_cast %swap3A_204 : vector<1x128x200xf32> to vector<128x200xf32>
    %swap3A_206 = vector.shape_cast %max3A_200 : vector<128x200xf32> to vector<1x128x200xf32>
    tpu.vector_store %arg10[%swap3A_201, %swap3A_202, %swap3A_203], %swap3A_206 {strides = array<i32>} : memref<50x128x200xf32, #tpu.memory_space<vmem>>, vector<1x128x200xf32>,
    %get3A_207 = arith.constant 8 : index
    %get3A_208 = arith.constant 0 : index
    %get3A_209 = arith.constant 0 : index
    %get3A_210 = vector.load %arg1[%get3A_207, %get3A_208, %get3A_209] : memref<50x128x200xf32, #tpu.memory_space<vmem>>, vector<1x128x200xf32>
    %get3A_211 = vector.shape_cast %get3A_210 : vector<1x128x200xf32> to vector<128x200xf32>
    %dot_general3A_212 = arith.constant dense<0.000000e+00> : vector<128x200xf32>
    %dot_general3A_213 = tpu.matmul %get3A_8, %get3A_211, %dot_general3A_212 {dimension_numbers = #tpu.dot_dimension_numbers<[1], [0], [0], [1], [0, 0, 1, 1], [], []>, transpose_lhs_hint = false} : vector<128x128xf32>, vector<128x200xf32>, vector<128x200xf32> -> vector<128x200xf32>
    %add3A_214 = arith.addf %dot_general3A_213, %get3A_11 : vector<128x200xf32>
    %max3A_215 = arith.constant 0.000000e+00 : f32
    %max3A_216 = vector.broadcast %max3A_215 : f32 to vector<128x200xf32>
    %max3A_217 = arith.maximumf %add3A_214, %max3A_216 : vector<128x200xf32>
    %dot_general3A_218 = arith.constant dense<0.000000e+00> : vector<128x200xf32>
    %dot_general3A_219 = tpu.matmul %get3A_14, %max3A_217, %dot_general3A_218 {dimension_numbers = #tpu.dot_dimension_numbers<[1], [0], [0], [1], [0, 0, 1, 1], [], []>, transpose_lhs_hint = false} : vector<128x128xf32>, vector<128x200xf32>, vector<128x200xf32> -> vector<128x200xf32>
    %add3A_220 = arith.addf %dot_general3A_219, %get3A_17 : vector<128x200xf32>
    %max3A_221 = arith.constant 0.000000e+00 : f32
    %max3A_222 = vector.broadcast %max3A_221 : f32 to vector<128x200xf32>
    %max3A_223 = arith.maximumf %add3A_220, %max3A_222 : vector<128x200xf32>
    %swap3A_224 = arith.constant 8 : index
    %swap3A_225 = arith.constant 0 : index
    %swap3A_226 = arith.constant 0 : index
    %swap3A_227 = vector.load %arg10[%swap3A_224, %swap3A_225, %swap3A_226] : memref<50x128x200xf32, #tpu.memory_space<vmem>>, vector<1x128x200xf32>
    %swap3A_228 = vector.shape_cast %swap3A_227 : vector<1x128x200xf32> to vector<128x200xf32>
    %swap3A_229 = vector.shape_cast %max3A_223 : vector<128x200xf32> to vector<1x128x200xf32>
    tpu.vector_store %arg10[%swap3A_224, %swap3A_225, %swap3A_226], %swap3A_229 {strides = array<i32>} : memref<50x128x200xf32, #tpu.memory_space<vmem>>, vector<1x128x200xf32>,
    %get3A_230 = arith.constant 9 : index
    %get3A_231 = arith.constant 0 : index
    %get3A_232 = arith.constant 0 : index
    %get3A_233 = vector.load %arg1[%get3A_230, %get3A_231, %get3A_232] : memref<50x128x200xf32, #tpu.memory_space<vmem>>, vector<1x128x200xf32>
    %get3A_234 = vector.shape_cast %get3A_233 : vector<1x128x200xf32> to vector<128x200xf32>
    %dot_general3A_235 = arith.constant dense<0.000000e+00> : vector<128x200xf32>
    %dot_general3A_236 = tpu.matmul %get3A_8, %get3A_234, %dot_general3A_235 {dimension_numbers = #tpu.dot_dimension_numbers<[1], [0], [0], [1], [0, 0, 1, 1], [], []>, transpose_lhs_hint = false} : vector<128x128xf32>, vector<128x200xf32>, vector<128x200xf32> -> vector<128x200xf32>
    %add3A_237 = arith.addf %dot_general3A_236, %get3A_11 : vector<128x200xf32>
    %max3A_238 = arith.constant 0.000000e+00 : f32
    %max3A_239 = vector.broadcast %max3A_238 : f32 to vector<128x200xf32>
    %max3A_240 = arith.maximumf %add3A_237, %max3A_239 : vector<128x200xf32>
    %dot_general3A_241 = arith.constant dense<0.000000e+00> : vector<128x200xf32>
    %dot_general3A_242 = tpu.matmul %get3A_14, %max3A_240, %dot_general3A_241 {dimension_numbers = #tpu.dot_dimension_numbers<[1], [0], [0], [1], [0, 0, 1, 1], [], []>, transpose_lhs_hint = false} : vector<128x128xf32>, vector<128x200xf32>, vector<128x200xf32> -> vector<128x200xf32>
    %add3A_243 = arith.addf %dot_general3A_242, %get3A_17 : vector<128x200xf32>
    %max3A_244 = arith.constant 0.000000e+00 : f32
    %max3A_245 = vector.broadcast %max3A_244 : f32 to vector<128x200xf32>
    %max3A_246 = arith.maximumf %add3A_243, %max3A_245 : vector<128x200xf32>
    %swap3A_247 = arith.constant 9 : index
    %swap3A_248 = arith.constant 0 : index
    %swap3A_249 = arith.constant 0 : index
    %swap3A_250 = vector.load %arg10[%swap3A_247, %swap3A_248, %swap3A_249] : memref<50x128x200xf32, #tpu.memory_space<vmem>>, vector<1x128x200xf32>
    %swap3A_251 = vector.shape_cast %swap3A_250 : vector<1x128x200xf32> to vector<128x200xf32>
    %swap3A_252 = vector.shape_cast %max3A_246 : vector<128x200xf32> to vector<1x128x200xf32>
    tpu.vector_store %arg10[%swap3A_247, %swap3A_248, %swap3A_249], %swap3A_252 {strides = array<i32>} : memref<50x128x200xf32, #tpu.memory_space<vmem>>, vector<1x128x200xf32>,
    %get3A_253 = arith.constant 10 : index
    %get3A_254 = arith.constant 0 : index
    %get3A_255 = arith.constant 0 : index
    %get3A_256 = vector.load %arg1[%get3A_253, %get3A_254, %get3A_255] : memref<50x128x200xf32, #tpu.memory_space<vmem>>, vector<1x128x200xf32>
    %get3A_257 = vector.shape_cast %get3A_256 : vector<1x128x200xf32> to vector<128x200xf32>
    %dot_general3A_258 = arith.constant dense<0.000000e+00> : vector<128x200xf32>
    %dot_general3A_259 = tpu.matmul %get3A_8, %get3A_257, %dot_general3A_258 {dimension_numbers = #tpu.dot_dimension_numbers<[1], [0], [0], [1], [0, 0, 1, 1], [], []>, transpose_lhs_hint = false} : vector<128x128xf32>, vector<128x200xf32>, vector<128x200xf32> -> vector<128x200xf32>
    %add3A_260 = arith.addf %dot_general3A_259, %get3A_11 : vector<128x200xf32>
    %max3A_261 = arith.constant 0.000000e+00 : f32
    %max3A_262 = vector.broadcast %max3A_261 : f32 to vector<128x200xf32>
    %max3A_263 = arith.maximumf %add3A_260, %max3A_262 : vector<128x200xf32>
    %dot_general3A_264 = arith.constant dense<0.000000e+00> : vector<128x200xf32>
    %dot_general3A_265 = tpu.matmul %get3A_14, %max3A_263, %dot_general3A_264 {dimension_numbers = #tpu.dot_dimension_numbers<[1], [0], [0], [1], [0, 0, 1, 1], [], []>, transpose_lhs_hint = false} : vector<128x128xf32>, vector<128x200xf32>, vector<128x200xf32> -> vector<128x200xf32>
    %add3A_266 = arith.addf %dot_general3A_265, %get3A_17 : vector<128x200xf32>
    %max3A_267 = arith.constant 0.000000e+00 : f32
    %max3A_268 = vector.broadcast %max3A_267 : f32 to vector<128x200xf32>
    %max3A_269 = arith.maximumf %add3A_266, %max3A_268 : vector<128x200xf32>
    %swap3A_270 = arith.constant 10 : index
    %swap3A_271 = arith.constant 0 : index
    %swap3A_272 = arith.constant 0 : index
    %swap3A_273 = vector.load %arg10[%swap3A_270, %swap3A_271, %swap3A_272] : memref<50x128x200xf32, #tpu.memory_space<vmem>>, vector<1x128x200xf32>
    %swap3A_274 = vector.shape_cast %swap3A_273 : vector<1x128x200xf32> to vector<128x200xf32>
    %swap3A_275 = vector.shape_cast %max3A_269 : vector<128x200xf32> to vector<1x128x200xf32>
    tpu.vector_store %arg10[%swap3A_270, %swap3A_271, %swap3A_272], %swap3A_275 {strides = array<i32>} : memref<50x128x200xf32, #tpu.memory_space<vmem>>, vector<1x128x200xf32>,
    %get3A_276 = arith.constant 11 : index
    %get3A_277 = arith.constant 0 : index
    %get3A_278 = arith.constant 0 : index
    %get3A_279 = vector.load %arg1[%get3A_276, %get3A_277, %get3A_278] : memref<50x128x200xf32, #tpu.memory_space<vmem>>, vector<1x128x200xf32>
    %get3A_280 = vector.shape_cast %get3A_279 : vector<1x128x200xf32> to vector<128x200xf32>
    %dot_general3A_281 = arith.constant dense<0.000000e+00> : vector<128x200xf32>
    %dot_general3A_282 = tpu.matmul %get3A_8, %get3A_280, %dot_general3A_281 {dimension_numbers = #tpu.dot_dimension_numbers<[1], [0], [0], [1], [0, 0, 1, 1], [], []>, transpose_lhs_hint = false} : vector<128x128xf32>, vector<128x200xf32>, vector<128x200xf32> -> vector<128x200xf32>
    %add3A_283 = arith.addf %dot_general3A_282, %get3A_11 : vector<128x200xf32>
    %max3A_284 = arith.constant 0.000000e+00 : f32
    %max3A_285 = vector.broadcast %max3A_284 : f32 to vector<128x200xf32>
    %max3A_286 = arith.maximumf %add3A_283, %max3A_285 : vector<128x200xf32>
    %dot_general3A_287 = arith.constant dense<0.000000e+00> : vector<128x200xf32>
    %dot_general3A_288 = tpu.matmul %get3A_14, %max3A_286, %dot_general3A_287 {dimension_numbers = #tpu.dot_dimension_numbers<[1], [0], [0], [1], [0, 0, 1, 1], [], []>, transpose_lhs_hint = false} : vector<128x128xf32>, vector<128x200xf32>, vector<128x200xf32> -> vector<128x200xf32>
    %add3A_289 = arith.addf %dot_general3A_288, %get3A_17 : vector<128x200xf32>
    %max3A_290 = arith.constant 0.000000e+00 : f32
    %max3A_291 = vector.broadcast %max3A_290 : f32 to vector<128x200xf32>
    %max3A_292 = arith.maximumf %add3A_289, %max3A_291 : vector<128x200xf32>
    %swap3A_293 = arith.constant 11 : index
    %swap3A_294 = arith.constant 0 : index
    %swap3A_295 = arith.constant 0 : index
    %swap3A_296 = vector.load %arg10[%swap3A_293, %swap3A_294, %swap3A_295] : memref<50x128x200xf32, #tpu.memory_space<vmem>>, vector<1x128x200xf32>
    %swap3A_297 = vector.shape_cast %swap3A_296 : vector<1x128x200xf32> to vector<128x200xf32>
    %swap3A_298 = vector.shape_cast %max3A_292 : vector<128x200xf32> to vector<1x128x200xf32>
    tpu.vector_store %arg10[%swap3A_293, %swap3A_294, %swap3A_295], %swap3A_298 {strides = array<i32>} : memref<50x128x200xf32, #tpu.memory_space<vmem>>, vector<1x128x200xf32>,
    %get3A_299 = arith.constant 12 : index
    %get3A_300 = arith.constant 0 : index
    %get3A_301 = arith.constant 0 : index
    %get3A_302 = vector.load %arg1[%get3A_299, %get3A_300, %get3A_301] : memref<50x128x200xf32, #tpu.memory_space<vmem>>, vector<1x128x200xf32>
    %get3A_303 = vector.shape_cast %get3A_302 : vector<1x128x200xf32> to vector<128x200xf32>
    %dot_general3A_304 = arith.constant dense<0.000000e+00> : vector<128x200xf32>
    %dot_general3A_305 = tpu.matmul %get3A_8, %get3A_303, %dot_general3A_304 {dimension_numbers = #tpu.dot_dimension_numbers<[1], [0], [0], [1], [0, 0, 1, 1], [], []>, transpose_lhs_hint = false} : vector<128x128xf32>, vector<128x200xf32>, vector<128x200xf32> -> vector<128x200xf32>
    %add3A_306 = arith.addf %dot_general3A_305, %get3A_11 : vector<128x200xf32>
    %max3A_307 = arith.constant 0.000000e+00 : f32
    %max3A_308 = vector.broadcast %max3A_307 : f32 to vector<128x200xf32>
    %max3A_309 = arith.maximumf %add3A_306, %max3A_308 : vector<128x200xf32>
    %dot_general3A_310 = arith.constant dense<0.000000e+00> : vector<128x200xf32>
    %dot_general3A_311 = tpu.matmul %get3A_14, %max3A_309, %dot_general3A_310 {dimension_numbers = #tpu.dot_dimension_numbers<[1], [0], [0], [1], [0, 0, 1, 1], [], []>, transpose_lhs_hint = false} : vector<128x128xf32>, vector<128x200xf32>, vector<128x200xf32> -> vector<128x200xf32>
    %add3A_312 = arith.addf %dot_general3A_311, %get3A_17 : vector<128x200xf32>
    %max3A_313 = arith.constant 0.000000e+00 : f32
    %max3A_314 = vector.broadcast %max3A_313 : f32 to vector<128x200xf32>
    %max3A_315 = arith.maximumf %add3A_312, %max3A_314 : vector<128x200xf32>
    %swap3A_316 = arith.constant 12 : index
    %swap3A_317 = arith.constant 0 : index
    %swap3A_318 = arith.constant 0 : index
    %swap3A_319 = vector.load %arg10[%swap3A_316, %swap3A_317, %swap3A_318] : memref<50x128x200xf32, #tpu.memory_space<vmem>>, vector<1x128x200xf32>
    %swap3A_320 = vector.shape_cast %swap3A_319 : vector<1x128x200xf32> to vector<128x200xf32>
    %swap3A_321 = vector.shape_cast %max3A_315 : vector<128x200xf32> to vector<1x128x200xf32>
    tpu.vector_store %arg10[%swap3A_316, %swap3A_317, %swap3A_318], %swap3A_321 {strides = array<i32>} : memref<50x128x200xf32, #tpu.memory_space<vmem>>, vector<1x128x200xf32>,
    %get3A_322 = arith.constant 13 : index
    %get3A_323 = arith.constant 0 : index
    %get3A_324 = arith.constant 0 : index
    %get3A_325 = vector.load %arg1[%get3A_322, %get3A_323, %get3A_324] : memref<50x128x200xf32, #tpu.memory_space<vmem>>, vector<1x128x200xf32>
    %get3A_326 = vector.shape_cast %get3A_325 : vector<1x128x200xf32> to vector<128x200xf32>
    %dot_general3A_327 = arith.constant dense<0.000000e+00> : vector<128x200xf32>
    %dot_general3A_328 = tpu.matmul %get3A_8, %get3A_326, %dot_general3A_327 {dimension_numbers = #tpu.dot_dimension_numbers<[1], [0], [0], [1], [0, 0, 1, 1], [], []>, transpose_lhs_hint = false} : vector<128x128xf32>, vector<128x200xf32>, vector<128x200xf32> -> vector<128x200xf32>
    %add3A_329 = arith.addf %dot_general3A_328, %get3A_11 : vector<128x200xf32>
    %max3A_330 = arith.constant 0.000000e+00 : f32
    %max3A_331 = vector.broadcast %max3A_330 : f32 to vector<128x200xf32>
    %max3A_332 = arith.maximumf %add3A_329, %max3A_331 : vector<128x200xf32>
    %dot_general3A_333 = arith.constant dense<0.000000e+00> : vector<128x200xf32>
    %dot_general3A_334 = tpu.matmul %get3A_14, %max3A_332, %dot_general3A_333 {dimension_numbers = #tpu.dot_dimension_numbers<[1], [0], [0], [1], [0, 0, 1, 1], [], []>, transpose_lhs_hint = false} : vector<128x128xf32>, vector<128x200xf32>, vector<128x200xf32> -> vector<128x200xf32>
    %add3A_335 = arith.addf %dot_general3A_334, %get3A_17 : vector<128x200xf32>
    %max3A_336 = arith.constant 0.000000e+00 : f32
    %max3A_337 = vector.broadcast %max3A_336 : f32 to vector<128x200xf32>
    %max3A_338 = arith.maximumf %add3A_335, %max3A_337 : vector<128x200xf32>
    %swap3A_339 = arith.constant 13 : index
    %swap3A_340 = arith.constant 0 : index
    %swap3A_341 = arith.constant 0 : index
    %swap3A_342 = vector.load %arg10[%swap3A_339, %swap3A_340, %swap3A_341] : memref<50x128x200xf32, #tpu.memory_space<vmem>>, vector<1x128x200xf32>
    %swap3A_343 = vector.shape_cast %swap3A_342 : vector<1x128x200xf32> to vector<128x200xf32>
    %swap3A_344 = vector.shape_cast %max3A_338 : vector<128x200xf32> to vector<1x128x200xf32>
    tpu.vector_store %arg10[%swap3A_339, %swap3A_340, %swap3A_341], %swap3A_344 {strides = array<i32>} : memref<50x128x200xf32, #tpu.memory_space<vmem>>, vector<1x128x200xf32>,
    %get3A_345 = arith.constant 14 : index
    %get3A_346 = arith.constant 0 : index
    %get3A_347 = arith.constant 0 : index
    %get3A_348 = vector.load %arg1[%get3A_345, %get3A_346, %get3A_347] : memref<50x128x200xf32, #tpu.memory_space<vmem>>, vector<1x128x200xf32>
    %get3A_349 = vector.shape_cast %get3A_348 : vector<1x128x200xf32> to vector<128x200xf32>
    %dot_general3A_350 = arith.constant dense<0.000000e+00> : vector<128x200xf32>
    %dot_general3A_351 = tpu.matmul %get3A_8, %get3A_349, %dot_general3A_350 {dimension_numbers = #tpu.dot_dimension_numbers<[1], [0], [0], [1], [0, 0, 1, 1], [], []>, transpose_lhs_hint = false} : vector<128x128xf32>, vector<128x200xf32>, vector<128x200xf32> -> vector<128x200xf32>
    %add3A_352 = arith.addf %dot_general3A_351, %get3A_11 : vector<128x200xf32>
    %max3A_353 = arith.constant 0.000000e+00 : f32
    %max3A_354 = vector.broadcast %max3A_353 : f32 to vector<128x200xf32>
    %max3A_355 = arith.maximumf %add3A_352, %max3A_354 : vector<128x200xf32>
    %dot_general3A_356 = arith.constant dense<0.000000e+00> : vector<128x200xf32>
    %dot_general3A_357 = tpu.matmul %get3A_14, %max3A_355, %dot_general3A_356 {dimension_numbers = #tpu.dot_dimension_numbers<[1], [0], [0], [1], [0, 0, 1, 1], [], []>, transpose_lhs_hint = false} : vector<128x128xf32>, vector<128x200xf32>, vector<128x200xf32> -> vector<128x200xf32>
    %add3A_358 = arith.addf %dot_general3A_357, %get3A_17 : vector<128x200xf32>
    %max3A_359 = arith.constant 0.000000e+00 : f32
    %max3A_360 = vector.broadcast %max3A_359 : f32 to vector<128x200xf32>
    %max3A_361 = arith.maximumf %add3A_358, %max3A_360 : vector<128x200xf32>
    %swap3A_362 = arith.constant 14 : index
    %swap3A_363 = arith.constant 0 : index
    %swap3A_364 = arith.constant 0 : index
    %swap3A_365 = vector.load %arg10[%swap3A_362, %swap3A_363, %swap3A_364] : memref<50x128x200xf32, #tpu.memory_space<vmem>>, vector<1x128x200xf32>
    %swap3A_366 = vector.shape_cast %swap3A_365 : vector<1x128x200xf32> to vector<128x200xf32>
    %swap3A_367 = vector.shape_cast %max3A_361 : vector<128x200xf32> to vector<1x128x200xf32>
    tpu.vector_store %arg10[%swap3A_362, %swap3A_363, %swap3A_364], %swap3A_367 {strides = array<i32>} : memref<50x128x200xf32, #tpu.memory_space<vmem>>, vector<1x128x200xf32>,
    %get3A_368 = arith.constant 15 : index
    %get3A_369 = arith.constant 0 : index
    %get3A_370 = arith.constant 0 : index
    %get3A_371 = vector.load %arg1[%get3A_368, %get3A_369, %get3A_370] : memref<50x128x200xf32, #tpu.memory_space<vmem>>, vector<1x128x200xf32>
    %get3A_372 = vector.shape_cast %get3A_371 : vector<1x128x200xf32> to vector<128x200xf32>
    %dot_general3A_373 = arith.constant dense<0.000000e+00> : vector<128x200xf32>
    %dot_general3A_374 = tpu.matmul %get3A_8, %get3A_372, %dot_general3A_373 {dimension_numbers = #tpu.dot_dimension_numbers<[1], [0], [0], [1], [0, 0, 1, 1], [], []>, transpose_lhs_hint = false} : vector<128x128xf32>, vector<128x200xf32>, vector<128x200xf32> -> vector<128x200xf32>
    %add3A_375 = arith.addf %dot_general3A_374, %get3A_11 : vector<128x200xf32>
    %max3A_376 = arith.constant 0.000000e+00 : f32
    %max3A_377 = vector.broadcast %max3A_376 : f32 to vector<128x200xf32>
    %max3A_378 = arith.maximumf %add3A_375, %max3A_377 : vector<128x200xf32>
    %dot_general3A_379 = arith.constant dense<0.000000e+00> : vector<128x200xf32>
    %dot_general3A_380 = tpu.matmul %get3A_14, %max3A_378, %dot_general3A_379 {dimension_numbers = #tpu.dot_dimension_numbers<[1], [0], [0], [1], [0, 0, 1, 1], [], []>, transpose_lhs_hint = false} : vector<128x128xf32>, vector<128x200xf32>, vector<128x200xf32> -> vector<128x200xf32>
    %add3A_381 = arith.addf %dot_general3A_380, %get3A_17 : vector<128x200xf32>
    %max3A_382 = arith.constant 0.000000e+00 : f32
    %max3A_383 = vector.broadcast %max3A_382 : f32 to vector<128x200xf32>
    %max3A_384 = arith.maximumf %add3A_381, %max3A_383 : vector<128x200xf32>
    %swap3A_385 = arith.constant 15 : index
    %swap3A_386 = arith.constant 0 : index
    %swap3A_387 = arith.constant 0 : index
    %swap3A_388 = vector.load %arg10[%swap3A_385, %swap3A_386, %swap3A_387] : memref<50x128x200xf32, #tpu.memory_space<vmem>>, vector<1x128x200xf32>
    %swap3A_389 = vector.shape_cast %swap3A_388 : vector<1x128x200xf32> to vector<128x200xf32>
    %swap3A_390 = vector.shape_cast %max3A_384 : vector<128x200xf32> to vector<1x128x200xf32>
    tpu.vector_store %arg10[%swap3A_385, %swap3A_386, %swap3A_387], %swap3A_390 {strides = array<i32>} : memref<50x128x200xf32, #tpu.memory_space<vmem>>, vector<1x128x200xf32>,
    %get3A_391 = arith.constant 16 : index
    %get3A_392 = arith.constant 0 : index
    %get3A_393 = arith.constant 0 : index
    %get3A_394 = vector.load %arg1[%get3A_391, %get3A_392, %get3A_393] : memref<50x128x200xf32, #tpu.memory_space<vmem>>, vector<1x128x200xf32>
    %get3A_395 = vector.shape_cast %get3A_394 : vector<1x128x200xf32> to vector<128x200xf32>
    %dot_general3A_396 = arith.constant dense<0.000000e+00> : vector<128x200xf32>
    %dot_general3A_397 = tpu.matmul %get3A_8, %get3A_395, %dot_general3A_396 {dimension_numbers = #tpu.dot_dimension_numbers<[1], [0], [0], [1], [0, 0, 1, 1], [], []>, transpose_lhs_hint = false} : vector<128x128xf32>, vector<128x200xf32>, vector<128x200xf32> -> vector<128x200xf32>
    %add3A_398 = arith.addf %dot_general3A_397, %get3A_11 : vector<128x200xf32>
    %max3A_399 = arith.constant 0.000000e+00 : f32
    %max3A_400 = vector.broadcast %max3A_399 : f32 to vector<128x200xf32>
    %max3A_401 = arith.maximumf %add3A_398, %max3A_400 : vector<128x200xf32>
    %dot_general3A_402 = arith.constant dense<0.000000e+00> : vector<128x200xf32>
    %dot_general3A_403 = tpu.matmul %get3A_14, %max3A_401, %dot_general3A_402 {dimension_numbers = #tpu.dot_dimension_numbers<[1], [0], [0], [1], [0, 0, 1, 1], [], []>, transpose_lhs_hint = false} : vector<128x128xf32>, vector<128x200xf32>, vector<128x200xf32> -> vector<128x200xf32>
    %add3A_404 = arith.addf %dot_general3A_403, %get3A_17 : vector<128x200xf32>
    %max3A_405 = arith.constant 0.000000e+00 : f32
    %max3A_406 = vector.broadcast %max3A_405 : f32 to vector<128x200xf32>
    %max3A_407 = arith.maximumf %add3A_404, %max3A_406 : vector<128x200xf32>
    %swap3A_408 = arith.constant 16 : index
    %swap3A_409 = arith.constant 0 : index
    %swap3A_410 = arith.constant 0 : index
    %swap3A_411 = vector.load %arg10[%swap3A_408, %swap3A_409, %swap3A_410] : memref<50x128x200xf32, #tpu.memory_space<vmem>>, vector<1x128x200xf32>
    %swap3A_412 = vector.shape_cast %swap3A_411 : vector<1x128x200xf32> to vector<128x200xf32>
    %swap3A_413 = vector.shape_cast %max3A_407 : vector<128x200xf32> to vector<1x128x200xf32>
    tpu.vector_store %arg10[%swap3A_408, %swap3A_409, %swap3A_410], %swap3A_413 {strides = array<i32>} : memref<50x128x200xf32, #tpu.memory_space<vmem>>, vector<1x128x200xf32>,
    %get3A_414 = arith.constant 17 : index
    %get3A_415 = arith.constant 0 : index
    %get3A_416 = arith.constant 0 : index
    %get3A_417 = vector.load %arg1[%get3A_414, %get3A_415, %get3A_416] : memref<50x128x200xf32, #tpu.memory_space<vmem>>, vector<1x128x200xf32>
    %get3A_418 = vector.shape_cast %get3A_417 : vector<1x128x200xf32> to vector<128x200xf32>
    %dot_general3A_419 = arith.constant dense<0.000000e+00> : vector<128x200xf32>
    %dot_general3A_420 = tpu.matmul %get3A_8, %get3A_418, %dot_general3A_419 {dimension_numbers = #tpu.dot_dimension_numbers<[1], [0], [0], [1], [0, 0, 1, 1], [], []>, transpose_lhs_hint = false} : vector<128x128xf32>, vector<128x200xf32>, vector<128x200xf32> -> vector<128x200xf32>
    %add3A_421 = arith.addf %dot_general3A_420, %get3A_11 : vector<128x200xf32>
    %max3A_422 = arith.constant 0.000000e+00 : f32
    %max3A_423 = vector.broadcast %max3A_422 : f32 to vector<128x200xf32>
    %max3A_424 = arith.maximumf %add3A_421, %max3A_423 : vector<128x200xf32>
    %dot_general3A_425 = arith.constant dense<0.000000e+00> : vector<128x200xf32>
    %dot_general3A_426 = tpu.matmul %get3A_14, %max3A_424, %dot_general3A_425 {dimension_numbers = #tpu.dot_dimension_numbers<[1], [0], [0], [1], [0, 0, 1, 1], [], []>, transpose_lhs_hint = false} : vector<128x128xf32>, vector<128x200xf32>, vector<128x200xf32> -> vector<128x200xf32>
    %add3A_427 = arith.addf %dot_general3A_426, %get3A_17 : vector<128x200xf32>
    %max3A_428 = arith.constant 0.000000e+00 : f32
    %max3A_429 = vector.broadcast %max3A_428 : f32 to vector<128x200xf32>
    %max3A_430 = arith.maximumf %add3A_427, %max3A_429 : vector<128x200xf32>
    %swap3A_431 = arith.constant 17 : index
    %swap3A_432 = arith.constant 0 : index
    %swap3A_433 = arith.constant 0 : index
    %swap3A_434 = vector.load %arg10[%swap3A_431, %swap3A_432, %swap3A_433] : memref<50x128x200xf32, #tpu.memory_space<vmem>>, vector<1x128x200xf32>
    %swap3A_435 = vector.shape_cast %swap3A_434 : vector<1x128x200xf32> to vector<128x200xf32>
    %swap3A_436 = vector.shape_cast %max3A_430 : vector<128x200xf32> to vector<1x128x200xf32>
    tpu.vector_store %arg10[%swap3A_431, %swap3A_432, %swap3A_433], %swap3A_436 {strides = array<i32>} : memref<50x128x200xf32, #tpu.memory_space<vmem>>, vector<1x128x200xf32>,
    %get3A_437 = arith.constant 18 : index
    %get3A_438 = arith.constant 0 : index
    %get3A_439 = arith.constant 0 : index
    %get3A_440 = vector.load %arg1[%get3A_437, %get3A_438, %get3A_439] : memref<50x128x200xf32, #tpu.memory_space<vmem>>, vector<1x128x200xf32>
    %get3A_441 = vector.shape_cast %get3A_440 : vector<1x128x200xf32> to vector<128x200xf32>
    %dot_general3A_442 = arith.constant dense<0.000000e+00> : vector<128x200xf32>
    %dot_general3A_443 = tpu.matmul %get3A_8, %get3A_441, %dot_general3A_442 {dimension_numbers = #tpu.dot_dimension_numbers<[1], [0], [0], [1], [0, 0, 1, 1], [], []>, transpose_lhs_hint = false} : vector<128x128xf32>, vector<128x200xf32>, vector<128x200xf32> -> vector<128x200xf32>
    %add3A_444 = arith.addf %dot_general3A_443, %get3A_11 : vector<128x200xf32>
    %max3A_445 = arith.constant 0.000000e+00 : f32
    %max3A_446 = vector.broadcast %max3A_445 : f32 to vector<128x200xf32>
    %max3A_447 = arith.maximumf %add3A_444, %max3A_446 : vector<128x200xf32>
    %dot_general3A_448 = arith.constant dense<0.000000e+00> : vector<128x200xf32>
    %dot_general3A_449 = tpu.matmul %get3A_14, %max3A_447, %dot_general3A_448 {dimension_numbers = #tpu.dot_dimension_numbers<[1], [0], [0], [1], [0, 0, 1, 1], [], []>, transpose_lhs_hint = false} : vector<128x128xf32>, vector<128x200xf32>, vector<128x200xf32> -> vector<128x200xf32>
    %add3A_450 = arith.addf %dot_general3A_449, %get3A_17 : vector<128x200xf32>
    %max3A_451 = arith.constant 0.000000e+00 : f32
    %max3A_452 = vector.broadcast %max3A_451 : f32 to vector<128x200xf32>
    %max3A_453 = arith.maximumf %add3A_450, %max3A_452 : vector<128x200xf32>
    %swap3A_454 = arith.constant 18 : index
    %swap3A_455 = arith.constant 0 : index
    %swap3A_456 = arith.constant 0 : index
    %swap3A_457 = vector.load %arg10[%swap3A_454, %swap3A_455, %swap3A_456] : memref<50x128x200xf32, #tpu.memory_space<vmem>>, vector<1x128x200xf32>
    %swap3A_458 = vector.shape_cast %swap3A_457 : vector<1x128x200xf32> to vector<128x200xf32>
    %swap3A_459 = vector.shape_cast %max3A_453 : vector<128x200xf32> to vector<1x128x200xf32>
    tpu.vector_store %arg10[%swap3A_454, %swap3A_455, %swap3A_456], %swap3A_459 {strides = array<i32>} : memref<50x128x200xf32, #tpu.memory_space<vmem>>, vector<1x128x200xf32>,
    %get3A_460 = arith.constant 19 : index
    %get3A_461 = arith.constant 0 : index
    %get3A_462 = arith.constant 0 : index
    %get3A_463 = vector.load %arg1[%get3A_460, %get3A_461, %get3A_462] : memref<50x128x200xf32, #tpu.memory_space<vmem>>, vector<1x128x200xf32>
    %get3A_464 = vector.shape_cast %get3A_463 : vector<1x128x200xf32> to vector<128x200xf32>
    %dot_general3A_465 = arith.constant dense<0.000000e+00> : vector<128x200xf32>
    %dot_general3A_466 = tpu.matmul %get3A_8, %get3A_464, %dot_general3A_465 {dimension_numbers = #tpu.dot_dimension_numbers<[1], [0], [0], [1], [0, 0, 1, 1], [], []>, transpose_lhs_hint = false} : vector<128x128xf32>, vector<128x200xf32>, vector<128x200xf32> -> vector<128x200xf32>
    %add3A_467 = arith.addf %dot_general3A_466, %get3A_11 : vector<128x200xf32>
    %max3A_468 = arith.constant 0.000000e+00 : f32
    %max3A_469 = vector.broadcast %max3A_468 : f32 to vector<128x200xf32>
    %max3A_470 = arith.maximumf %add3A_467, %max3A_469 : vector<128x200xf32>
    %dot_general3A_471 = arith.constant dense<0.000000e+00> : vector<128x200xf32>
    %dot_general3A_472 = tpu.matmul %get3A_14, %max3A_470, %dot_general3A_471 {dimension_numbers = #tpu.dot_dimension_numbers<[1], [0], [0], [1], [0, 0, 1, 1], [], []>, transpose_lhs_hint = false} : vector<128x128xf32>, vector<128x200xf32>, vector<128x200xf32> -> vector<128x200xf32>
    %add3A_473 = arith.addf %dot_general3A_472, %get3A_17 : vector<128x200xf32>
    %max3A_474 = arith.constant 0.000000e+00 : f32
    %max3A_475 = vector.broadcast %max3A_474 : f32 to vector<128x200xf32>
    %max3A_476 = arith.maximumf %add3A_473, %max3A_475 : vector<128x200xf32>
    %swap3A_477 = arith.constant 19 : index
    %swap3A_478 = arith.constant 0 : index
    %swap3A_479 = arith.constant 0 : index
    %swap3A_480 = vector.load %arg10[%swap3A_477, %swap3A_478, %swap3A_479] : memref<50x128x200xf32, #tpu.memory_space<vmem>>, vector<1x128x200xf32>
    %swap3A_481 = vector.shape_cast %swap3A_480 : vector<1x128x200xf32> to vector<128x200xf32>
    %swap3A_482 = vector.shape_cast %max3A_476 : vector<128x200xf32> to vector<1x128x200xf32>
    tpu.vector_store %arg10[%swap3A_477, %swap3A_478, %swap3A_479], %swap3A_482 {strides = array<i32>} : memref<50x128x200xf32, #tpu.memory_space<vmem>>, vector<1x128x200xf32>,
    %get3A_483 = arith.constant 20 : index
    %get3A_484 = arith.constant 0 : index
    %get3A_485 = arith.constant 0 : index
    %get3A_486 = vector.load %arg1[%get3A_483, %get3A_484, %get3A_485] : memref<50x128x200xf32, #tpu.memory_space<vmem>>, vector<1x128x200xf32>
    %get3A_487 = vector.shape_cast %get3A_486 : vector<1x128x200xf32> to vector<128x200xf32>
    %dot_general3A_488 = arith.constant dense<0.000000e+00> : vector<128x200xf32>
    %dot_general3A_489 = tpu.matmul %get3A_8, %get3A_487, %dot_general3A_488 {dimension_numbers = #tpu.dot_dimension_numbers<[1], [0], [0], [1], [0, 0, 1, 1], [], []>, transpose_lhs_hint = false} : vector<128x128xf32>, vector<128x200xf32>, vector<128x200xf32> -> vector<128x200xf32>
    %add3A_490 = arith.addf %dot_general3A_489, %get3A_11 : vector<128x200xf32>
    %max3A_491 = arith.constant 0.000000e+00 : f32
    %max3A_492 = vector.broadcast %max3A_491 : f32 to vector<128x200xf32>
    %max3A_493 = arith.maximumf %add3A_490, %max3A_492 : vector<128x200xf32>
    %dot_general3A_494 = arith.constant dense<0.000000e+00> : vector<128x200xf32>
    %dot_general3A_495 = tpu.matmul %get3A_14, %max3A_493, %dot_general3A_494 {dimension_numbers = #tpu.dot_dimension_numbers<[1], [0], [0], [1], [0, 0, 1, 1], [], []>, transpose_lhs_hint = false} : vector<128x128xf32>, vector<128x200xf32>, vector<128x200xf32> -> vector<128x200xf32>
    %add3A_496 = arith.addf %dot_general3A_495, %get3A_17 : vector<128x200xf32>
    %max3A_497 = arith.constant 0.000000e+00 : f32
    %max3A_498 = vector.broadcast %max3A_497 : f32 to vector<128x200xf32>
    %max3A_499 = arith.maximumf %add3A_496, %max3A_498 : vector<128x200xf32>
    %swap3A_500 = arith.constant 20 : index
    %swap3A_501 = arith.constant 0 : index
    %swap3A_502 = arith.constant 0 : index
    %swap3A_503 = vector.load %arg10[%swap3A_500, %swap3A_501, %swap3A_502] : memref<50x128x200xf32, #tpu.memory_space<vmem>>, vector<1x128x200xf32>
    %swap3A_504 = vector.shape_cast %swap3A_503 : vector<1x128x200xf32> to vector<128x200xf32>
    %swap3A_505 = vector.shape_cast %max3A_499 : vector<128x200xf32> to vector<1x128x200xf32>
    tpu.vector_store %arg10[%swap3A_500, %swap3A_501, %swap3A_502], %swap3A_505 {strides = array<i32>} : memref<50x128x200xf32, #tpu.memory_space<vmem>>, vector<1x128x200xf32>,
    %get3A_506 = arith.constant 21 : index
    %get3A_507 = arith.constant 0 : index
    %get3A_508 = arith.constant 0 : index
    %get3A_509 = vector.load %arg1[%get3A_506, %get3A_507, %get3A_508] : memref<50x128x200xf32, #tpu.memory_space<vmem>>, vector<1x128x200xf32>
    %get3A_510 = vector.shape_cast %get3A_509 : vector<1x128x200xf32> to vector<128x200xf32>
    %dot_general3A_511 = arith.constant dense<0.000000e+00> : vector<128x200xf32>
    %dot_general3A_512 = tpu.matmul %get3A_8, %get3A_510, %dot_general3A_511 {dimension_numbers = #tpu.dot_dimension_numbers<[1], [0], [0], [1], [0, 0, 1, 1], [], []>, transpose_lhs_hint = false} : vector<128x128xf32>, vector<128x200xf32>, vector<128x200xf32> -> vector<128x200xf32>
    %add3A_513 = arith.addf %dot_general3A_512, %get3A_11 : vector<128x200xf32>
    %max3A_514 = arith.constant 0.000000e+00 : f32
    %max3A_515 = vector.broadcast %max3A_514 : f32 to vector<128x200xf32>
    %max3A_516 = arith.maximumf %add3A_513, %max3A_515 : vector<128x200xf32>
    %dot_general3A_517 = arith.constant dense<0.000000e+00> : vector<128x200xf32>
    %dot_general3A_518 = tpu.matmul %get3A_14, %max3A_516, %dot_general3A_517 {dimension_numbers = #tpu.dot_dimension_numbers<[1], [0], [0], [1], [0, 0, 1, 1], [], []>, transpose_lhs_hint = false} : vector<128x128xf32>, vector<128x200xf32>, vector<128x200xf32> -> vector<128x200xf32>
    %add3A_519 = arith.addf %dot_general3A_518, %get3A_17 : vector<128x200xf32>
    %max3A_520 = arith.constant 0.000000e+00 : f32
    %max3A_521 = vector.broadcast %max3A_520 : f32 to vector<128x200xf32>
    %max3A_522 = arith.maximumf %add3A_519, %max3A_521 : vector<128x200xf32>
    %swap3A_523 = arith.constant 21 : index
    %swap3A_524 = arith.constant 0 : index
    %swap3A_525 = arith.constant 0 : index
    %swap3A_526 = vector.load %arg10[%swap3A_523, %swap3A_524, %swap3A_525] : memref<50x128x200xf32, #tpu.memory_space<vmem>>, vector<1x128x200xf32>
    %swap3A_527 = vector.shape_cast %swap3A_526 : vector<1x128x200xf32> to vector<128x200xf32>
    %swap3A_528 = vector.shape_cast %max3A_522 : vector<128x200xf32> to vector<1x128x200xf32>
    tpu.vector_store %arg10[%swap3A_523, %swap3A_524, %swap3A_525], %swap3A_528 {strides = array<i32>} : memref<50x128x200xf32, #tpu.memory_space<vmem>>, vector<1x128x200xf32>,
    %get3A_529 = arith.constant 22 : index
    %get3A_530 = arith.constant 0 : index
    %get3A_531 = arith.constant 0 : index
    %get3A_532 = vector.load %arg1[%get3A_529, %get3A_530, %get3A_531] : memref<50x128x200xf32, #tpu.memory_space<vmem>>, vector<1x128x200xf32>
    %get3A_533 = vector.shape_cast %get3A_532 : vector<1x128x200xf32> to vector<128x200xf32>
    %dot_general3A_534 = arith.constant dense<0.000000e+00> : vector<128x200xf32>
    %dot_general3A_535 = tpu.matmul %get3A_8, %get3A_533, %dot_general3A_534 {dimension_numbers = #tpu.dot_dimension_numbers<[1], [0], [0], [1], [0, 0, 1, 1], [], []>, transpose_lhs_hint = false} : vector<128x128xf32>, vector<128x200xf32>, vector<128x200xf32> -> vector<128x200xf32>
    %add3A_536 = arith.addf %dot_general3A_535, %get3A_11 : vector<128x200xf32>
    %max3A_537 = arith.constant 0.000000e+00 : f32
    %max3A_538 = vector.broadcast %max3A_537 : f32 to vector<128x200xf32>
    %max3A_539 = arith.maximumf %add3A_536, %max3A_538 : vector<128x200xf32>
    %dot_general3A_540 = arith.constant dense<0.000000e+00> : vector<128x200xf32>
    %dot_general3A_541 = tpu.matmul %get3A_14, %max3A_539, %dot_general3A_540 {dimension_numbers = #tpu.dot_dimension_numbers<[1], [0], [0], [1], [0, 0, 1, 1], [], []>, transpose_lhs_hint = false} : vector<128x128xf32>, vector<128x200xf32>, vector<128x200xf32> -> vector<128x200xf32>
    %add3A_542 = arith.addf %dot_general3A_541, %get3A_17 : vector<128x200xf32>
    %max3A_543 = arith.constant 0.000000e+00 : f32
    %max3A_544 = vector.broadcast %max3A_543 : f32 to vector<128x200xf32>
    %max3A_545 = arith.maximumf %add3A_542, %max3A_544 : vector<128x200xf32>
    %swap3A_546 = arith.constant 22 : index
    %swap3A_547 = arith.constant 0 : index
    %swap3A_548 = arith.constant 0 : index
    %swap3A_549 = vector.load %arg10[%swap3A_546, %swap3A_547, %swap3A_548] : memref<50x128x200xf32, #tpu.memory_space<vmem>>, vector<1x128x200xf32>
    %swap3A_550 = vector.shape_cast %swap3A_549 : vector<1x128x200xf32> to vector<128x200xf32>
    %swap3A_551 = vector.shape_cast %max3A_545 : vector<128x200xf32> to vector<1x128x200xf32>
    tpu.vector_store %arg10[%swap3A_546, %swap3A_547, %swap3A_548], %swap3A_551 {strides = array<i32>} : memref<50x128x200xf32, #tpu.memory_space<vmem>>, vector<1x128x200xf32>,
    %get3A_552 = arith.constant 23 : index
    %get3A_553 = arith.constant 0 : index
    %get3A_554 = arith.constant 0 : index
    %get3A_555 = vector.load %arg1[%get3A_552, %get3A_553, %get3A_554] : memref<50x128x200xf32, #tpu.memory_space<vmem>>, vector<1x128x200xf32>
    %get3A_556 = vector.shape_cast %get3A_555 : vector<1x128x200xf32> to vector<128x200xf32>
    %dot_general3A_557 = arith.constant dense<0.000000e+00> : vector<128x200xf32>
    %dot_general3A_558 = tpu.matmul %get3A_8, %get3A_556, %dot_general3A_557 {dimension_numbers = #tpu.dot_dimension_numbers<[1], [0], [0], [1], [0, 0, 1, 1], [], []>, transpose_lhs_hint = false} : vector<128x128xf32>, vector<128x200xf32>, vector<128x200xf32> -> vector<128x200xf32>
    %add3A_559 = arith.addf %dot_general3A_558, %get3A_11 : vector<128x200xf32>
    %max3A_560 = arith.constant 0.000000e+00 : f32
    %max3A_561 = vector.broadcast %max3A_560 : f32 to vector<128x200xf32>
    %max3A_562 = arith.maximumf %add3A_559, %max3A_561 : vector<128x200xf32>
    %dot_general3A_563 = arith.constant dense<0.000000e+00> : vector<128x200xf32>
    %dot_general3A_564 = tpu.matmul %get3A_14, %max3A_562, %dot_general3A_563 {dimension_numbers = #tpu.dot_dimension_numbers<[1], [0], [0], [1], [0, 0, 1, 1], [], []>, transpose_lhs_hint = false} : vector<128x128xf32>, vector<128x200xf32>, vector<128x200xf32> -> vector<128x200xf32>
    %add3A_565 = arith.addf %dot_general3A_564, %get3A_17 : vector<128x200xf32>
    %max3A_566 = arith.constant 0.000000e+00 : f32
    %max3A_567 = vector.broadcast %max3A_566 : f32 to vector<128x200xf32>
    %max3A_568 = arith.maximumf %add3A_565, %max3A_567 : vector<128x200xf32>
    %swap3A_569 = arith.constant 23 : index
    %swap3A_570 = arith.constant 0 : index
    %swap3A_571 = arith.constant 0 : index
    %swap3A_572 = vector.load %arg10[%swap3A_569, %swap3A_570, %swap3A_571] : memref<50x128x200xf32, #tpu.memory_space<vmem>>, vector<1x128x200xf32>
    %swap3A_573 = vector.shape_cast %swap3A_572 : vector<1x128x200xf32> to vector<128x200xf32>
    %swap3A_574 = vector.shape_cast %max3A_568 : vector<128x200xf32> to vector<1x128x200xf32>
    tpu.vector_store %arg10[%swap3A_569, %swap3A_570, %swap3A_571], %swap3A_574 {strides = array<i32>} : memref<50x128x200xf32, #tpu.memory_space<vmem>>, vector<1x128x200xf32>,
    %get3A_575 = arith.constant 24 : index
    %get3A_576 = arith.constant 0 : index
    %get3A_577 = arith.constant 0 : index
    %get3A_578 = vector.load %arg1[%get3A_575, %get3A_576, %get3A_577] : memref<50x128x200xf32, #tpu.memory_space<vmem>>, vector<1x128x200xf32>
    %get3A_579 = vector.shape_cast %get3A_578 : vector<1x128x200xf32> to vector<128x200xf32>
    %dot_general3A_580 = arith.constant dense<0.000000e+00> : vector<128x200xf32>
    %dot_general3A_581 = tpu.matmul %get3A_8, %get3A_579, %dot_general3A_580 {dimension_numbers = #tpu.dot_dimension_numbers<[1], [0], [0], [1], [0, 0, 1, 1], [], []>, transpose_lhs_hint = false} : vector<128x128xf32>, vector<128x200xf32>, vector<128x200xf32> -> vector<128x200xf32>
    %add3A_582 = arith.addf %dot_general3A_581, %get3A_11 : vector<128x200xf32>
    %max3A_583 = arith.constant 0.000000e+00 : f32
    %max3A_584 = vector.broadcast %max3A_583 : f32 to vector<128x200xf32>
    %max3A_585 = arith.maximumf %add3A_582, %max3A_584 : vector<128x200xf32>
    %dot_general3A_586 = arith.constant dense<0.000000e+00> : vector<128x200xf32>
    %dot_general3A_587 = tpu.matmul %get3A_14, %max3A_585, %dot_general3A_586 {dimension_numbers = #tpu.dot_dimension_numbers<[1], [0], [0], [1], [0, 0, 1, 1], [], []>, transpose_lhs_hint = false} : vector<128x128xf32>, vector<128x200xf32>, vector<128x200xf32> -> vector<128x200xf32>
    %add3A_588 = arith.addf %dot_general3A_587, %get3A_17 : vector<128x200xf32>
    %max3A_589 = arith.constant 0.000000e+00 : f32
    %max3A_590 = vector.broadcast %max3A_589 : f32 to vector<128x200xf32>
    %max3A_591 = arith.maximumf %add3A_588, %max3A_590 : vector<128x200xf32>
    %swap3A_592 = arith.constant 24 : index
    %swap3A_593 = arith.constant 0 : index
    %swap3A_594 = arith.constant 0 : index
    %swap3A_595 = vector.load %arg10[%swap3A_592, %swap3A_593, %swap3A_594] : memref<50x128x200xf32, #tpu.memory_space<vmem>>, vector<1x128x200xf32>
    %swap3A_596 = vector.shape_cast %swap3A_595 : vector<1x128x200xf32> to vector<128x200xf32>
    %swap3A_597 = vector.shape_cast %max3A_591 : vector<128x200xf32> to vector<1x128x200xf32>
    tpu.vector_store %arg10[%swap3A_592, %swap3A_593, %swap3A_594], %swap3A_597 {strides = array<i32>} : memref<50x128x200xf32, #tpu.memory_space<vmem>>, vector<1x128x200xf32>,
    %get3A_598 = arith.constant 25 : index
    %get3A_599 = arith.constant 0 : index
    %get3A_600 = arith.constant 0 : index
    %get3A_601 = vector.load %arg1[%get3A_598, %get3A_599, %get3A_600] : memref<50x128x200xf32, #tpu.memory_space<vmem>>, vector<1x128x200xf32>
    %get3A_602 = vector.shape_cast %get3A_601 : vector<1x128x200xf32> to vector<128x200xf32>
    %dot_general3A_603 = arith.constant dense<0.000000e+00> : vector<128x200xf32>
    %dot_general3A_604 = tpu.matmul %get3A_8, %get3A_602, %dot_general3A_603 {dimension_numbers = #tpu.dot_dimension_numbers<[1], [0], [0], [1], [0, 0, 1, 1], [], []>, transpose_lhs_hint = false} : vector<128x128xf32>, vector<128x200xf32>, vector<128x200xf32> -> vector<128x200xf32>
    %add3A_605 = arith.addf %dot_general3A_604, %get3A_11 : vector<128x200xf32>
    %max3A_606 = arith.constant 0.000000e+00 : f32
    %max3A_607 = vector.broadcast %max3A_606 : f32 to vector<128x200xf32>
    %max3A_608 = arith.maximumf %add3A_605, %max3A_607 : vector<128x200xf32>
    %dot_general3A_609 = arith.constant dense<0.000000e+00> : vector<128x200xf32>
    %dot_general3A_610 = tpu.matmul %get3A_14, %max3A_608, %dot_general3A_609 {dimension_numbers = #tpu.dot_dimension_numbers<[1], [0], [0], [1], [0, 0, 1, 1], [], []>, transpose_lhs_hint = false} : vector<128x128xf32>, vector<128x200xf32>, vector<128x200xf32> -> vector<128x200xf32>
    %add3A_611 = arith.addf %dot_general3A_610, %get3A_17 : vector<128x200xf32>
    %max3A_612 = arith.constant 0.000000e+00 : f32
    %max3A_613 = vector.broadcast %max3A_612 : f32 to vector<128x200xf32>
    %max3A_614 = arith.maximumf %add3A_611, %max3A_613 : vector<128x200xf32>
    %swap3A_615 = arith.constant 25 : index
    %swap3A_616 = arith.constant 0 : index
    %swap3A_617 = arith.constant 0 : index
    %swap3A_618 = vector.load %arg10[%swap3A_615, %swap3A_616, %swap3A_617] : memref<50x128x200xf32, #tpu.memory_space<vmem>>, vector<1x128x200xf32>
    %swap3A_619 = vector.shape_cast %swap3A_618 : vector<1x128x200xf32> to vector<128x200xf32>
    %swap3A_620 = vector.shape_cast %max3A_614 : vector<128x200xf32> to vector<1x128x200xf32>
    tpu.vector_store %arg10[%swap3A_615, %swap3A_616, %swap3A_617], %swap3A_620 {strides = array<i32>} : memref<50x128x200xf32, #tpu.memory_space<vmem>>, vector<1x128x200xf32>,
    %get3A_621 = arith.constant 26 : index
    %get3A_622 = arith.constant 0 : index
    %get3A_623 = arith.constant 0 : index
    %get3A_624 = vector.load %arg1[%get3A_621, %get3A_622, %get3A_623] : memref<50x128x200xf32, #tpu.memory_space<vmem>>, vector<1x128x200xf32>
    %get3A_625 = vector.shape_cast %get3A_624 : vector<1x128x200xf32> to vector<128x200xf32>
    %dot_general3A_626 = arith.constant dense<0.000000e+00> : vector<128x200xf32>
    %dot_general3A_627 = tpu.matmul %get3A_8, %get3A_625, %dot_general3A_626 {dimension_numbers = #tpu.dot_dimension_numbers<[1], [0], [0], [1], [0, 0, 1, 1], [], []>, transpose_lhs_hint = false} : vector<128x128xf32>, vector<128x200xf32>, vector<128x200xf32> -> vector<128x200xf32>
    %add3A_628 = arith.addf %dot_general3A_627, %get3A_11 : vector<128x200xf32>
    %max3A_629 = arith.constant 0.000000e+00 : f32
    %max3A_630 = vector.broadcast %max3A_629 : f32 to vector<128x200xf32>
    %max3A_631 = arith.maximumf %add3A_628, %max3A_630 : vector<128x200xf32>
    %dot_general3A_632 = arith.constant dense<0.000000e+00> : vector<128x200xf32>
    %dot_general3A_633 = tpu.matmul %get3A_14, %max3A_631, %dot_general3A_632 {dimension_numbers = #tpu.dot_dimension_numbers<[1], [0], [0], [1], [0, 0, 1, 1], [], []>, transpose_lhs_hint = false} : vector<128x128xf32>, vector<128x200xf32>, vector<128x200xf32> -> vector<128x200xf32>
    %add3A_634 = arith.addf %dot_general3A_633, %get3A_17 : vector<128x200xf32>
    %max3A_635 = arith.constant 0.000000e+00 : f32
    %max3A_636 = vector.broadcast %max3A_635 : f32 to vector<128x200xf32>
    %max3A_637 = arith.maximumf %add3A_634, %max3A_636 : vector<128x200xf32>
    %swap3A_638 = arith.constant 26 : index
    %swap3A_639 = arith.constant 0 : index
    %swap3A_640 = arith.constant 0 : index
    %swap3A_641 = vector.load %arg10[%swap3A_638, %swap3A_639, %swap3A_640] : memref<50x128x200xf32, #tpu.memory_space<vmem>>, vector<1x128x200xf32>
    %swap3A_642 = vector.shape_cast %swap3A_641 : vector<1x128x200xf32> to vector<128x200xf32>
    %swap3A_643 = vector.shape_cast %max3A_637 : vector<128x200xf32> to vector<1x128x200xf32>
    tpu.vector_store %arg10[%swap3A_638, %swap3A_639, %swap3A_640], %swap3A_643 {strides = array<i32>} : memref<50x128x200xf32, #tpu.memory_space<vmem>>, vector<1x128x200xf32>,
    %get3A_644 = arith.constant 27 : index
    %get3A_645 = arith.constant 0 : index
    %get3A_646 = arith.constant 0 : index
    %get3A_647 = vector.load %arg1[%get3A_644, %get3A_645, %get3A_646] : memref<50x128x200xf32, #tpu.memory_space<vmem>>, vector<1x128x200xf32>
    %get3A_648 = vector.shape_cast %get3A_647 : vector<1x128x200xf32> to vector<128x200xf32>
    %dot_general3A_649 = arith.constant dense<0.000000e+00> : vector<128x200xf32>
    %dot_general3A_650 = tpu.matmul %get3A_8, %get3A_648, %dot_general3A_649 {dimension_numbers = #tpu.dot_dimension_numbers<[1], [0], [0], [1], [0, 0, 1, 1], [], []>, transpose_lhs_hint = false} : vector<128x128xf32>, vector<128x200xf32>, vector<128x200xf32> -> vector<128x200xf32>
    %add3A_651 = arith.addf %dot_general3A_650, %get3A_11 : vector<128x200xf32>
    %max3A_652 = arith.constant 0.000000e+00 : f32
    %max3A_653 = vector.broadcast %max3A_652 : f32 to vector<128x200xf32>
    %max3A_654 = arith.maximumf %add3A_651, %max3A_653 : vector<128x200xf32>
    %dot_general3A_655 = arith.constant dense<0.000000e+00> : vector<128x200xf32>
    %dot_general3A_656 = tpu.matmul %get3A_14, %max3A_654, %dot_general3A_655 {dimension_numbers = #tpu.dot_dimension_numbers<[1], [0], [0], [1], [0, 0, 1, 1], [], []>, transpose_lhs_hint = false} : vector<128x128xf32>, vector<128x200xf32>, vector<128x200xf32> -> vector<128x200xf32>
    %add3A_657 = arith.addf %dot_general3A_656, %get3A_17 : vector<128x200xf32>
    %max3A_658 = arith.constant 0.000000e+00 : f32
    %max3A_659 = vector.broadcast %max3A_658 : f32 to vector<128x200xf32>
    %max3A_660 = arith.maximumf %add3A_657, %max3A_659 : vector<128x200xf32>
    %swap3A_661 = arith.constant 27 : index
    %swap3A_662 = arith.constant 0 : index
    %swap3A_663 = arith.constant 0 : index
    %swap3A_664 = vector.load %arg10[%swap3A_661, %swap3A_662, %swap3A_663] : memref<50x128x200xf32, #tpu.memory_space<vmem>>, vector<1x128x200xf32>
    %swap3A_665 = vector.shape_cast %swap3A_664 : vector<1x128x200xf32> to vector<128x200xf32>
    %swap3A_666 = vector.shape_cast %max3A_660 : vector<128x200xf32> to vector<1x128x200xf32>
    tpu.vector_store %arg10[%swap3A_661, %swap3A_662, %swap3A_663], %swap3A_666 {strides = array<i32>} : memref<50x128x200xf32, #tpu.memory_space<vmem>>, vector<1x128x200xf32>,
    %get3A_667 = arith.constant 28 : index
    %get3A_668 = arith.constant 0 : index
    %get3A_669 = arith.constant 0 : index
    %get3A_670 = vector.load %arg1[%get3A_667, %get3A_668, %get3A_669] : memref<50x128x200xf32, #tpu.memory_space<vmem>>, vector<1x128x200xf32>
    %get3A_671 = vector.shape_cast %get3A_670 : vector<1x128x200xf32> to vector<128x200xf32>
    %dot_general3A_672 = arith.constant dense<0.000000e+00> : vector<128x200xf32>
    %dot_general3A_673 = tpu.matmul %get3A_8, %get3A_671, %dot_general3A_672 {dimension_numbers = #tpu.dot_dimension_numbers<[1], [0], [0], [1], [0, 0, 1, 1], [], []>, transpose_lhs_hint = false} : vector<128x128xf32>, vector<128x200xf32>, vector<128x200xf32> -> vector<128x200xf32>
    %add3A_674 = arith.addf %dot_general3A_673, %get3A_11 : vector<128x200xf32>
    %max3A_675 = arith.constant 0.000000e+00 : f32
    %max3A_676 = vector.broadcast %max3A_675 : f32 to vector<128x200xf32>
    %max3A_677 = arith.maximumf %add3A_674, %max3A_676 : vector<128x200xf32>
    %dot_general3A_678 = arith.constant dense<0.000000e+00> : vector<128x200xf32>
    %dot_general3A_679 = tpu.matmul %get3A_14, %max3A_677, %dot_general3A_678 {dimension_numbers = #tpu.dot_dimension_numbers<[1], [0], [0], [1], [0, 0, 1, 1], [], []>, transpose_lhs_hint = false} : vector<128x128xf32>, vector<128x200xf32>, vector<128x200xf32> -> vector<128x200xf32>
    %add3A_680 = arith.addf %dot_general3A_679, %get3A_17 : vector<128x200xf32>
    %max3A_681 = arith.constant 0.000000e+00 : f32
    %max3A_682 = vector.broadcast %max3A_681 : f32 to vector<128x200xf32>
    %max3A_683 = arith.maximumf %add3A_680, %max3A_682 : vector<128x200xf32>
    %swap3A_684 = arith.constant 28 : index
    %swap3A_685 = arith.constant 0 : index
    %swap3A_686 = arith.constant 0 : index
    %swap3A_687 = vector.load %arg10[%swap3A_684, %swap3A_685, %swap3A_686] : memref<50x128x200xf32, #tpu.memory_space<vmem>>, vector<1x128x200xf32>
    %swap3A_688 = vector.shape_cast %swap3A_687 : vector<1x128x200xf32> to vector<128x200xf32>
    %swap3A_689 = vector.shape_cast %max3A_683 : vector<128x200xf32> to vector<1x128x200xf32>
    tpu.vector_store %arg10[%swap3A_684, %swap3A_685, %swap3A_686], %swap3A_689 {strides = array<i32>} : memref<50x128x200xf32, #tpu.memory_space<vmem>>, vector<1x128x200xf32>,
    %get3A_690 = arith.constant 29 : index
    %get3A_691 = arith.constant 0 : index
    %get3A_692 = arith.constant 0 : index
    %get3A_693 = vector.load %arg1[%get3A_690, %get3A_691, %get3A_692] : memref<50x128x200xf32, #tpu.memory_space<vmem>>, vector<1x128x200xf32>
    %get3A_694 = vector.shape_cast %get3A_693 : vector<1x128x200xf32> to vector<128x200xf32>
    %dot_general3A_695 = arith.constant dense<0.000000e+00> : vector<128x200xf32>
    %dot_general3A_696 = tpu.matmul %get3A_8, %get3A_694, %dot_general3A_695 {dimension_numbers = #tpu.dot_dimension_numbers<[1], [0], [0], [1], [0, 0, 1, 1], [], []>, transpose_lhs_hint = false} : vector<128x128xf32>, vector<128x200xf32>, vector<128x200xf32> -> vector<128x200xf32>
    %add3A_697 = arith.addf %dot_general3A_696, %get3A_11 : vector<128x200xf32>
    %max3A_698 = arith.constant 0.000000e+00 : f32
    %max3A_699 = vector.broadcast %max3A_698 : f32 to vector<128x200xf32>
    %max3A_700 = arith.maximumf %add3A_697, %max3A_699 : vector<128x200xf32>
    %dot_general3A_701 = arith.constant dense<0.000000e+00> : vector<128x200xf32>
    %dot_general3A_702 = tpu.matmul %get3A_14, %max3A_700, %dot_general3A_701 {dimension_numbers = #tpu.dot_dimension_numbers<[1], [0], [0], [1], [0, 0, 1, 1], [], []>, transpose_lhs_hint = false} : vector<128x128xf32>, vector<128x200xf32>, vector<128x200xf32> -> vector<128x200xf32>
    %add3A_703 = arith.addf %dot_general3A_702, %get3A_17 : vector<128x200xf32>
    %max3A_704 = arith.constant 0.000000e+00 : f32
    %max3A_705 = vector.broadcast %max3A_704 : f32 to vector<128x200xf32>
    %max3A_706 = arith.maximumf %add3A_703, %max3A_705 : vector<128x200xf32>
    %swap3A_707 = arith.constant 29 : index
    %swap3A_708 = arith.constant 0 : index
    %swap3A_709 = arith.constant 0 : index
    %swap3A_710 = vector.load %arg10[%swap3A_707, %swap3A_708, %swap3A_709] : memref<50x128x200xf32, #tpu.memory_space<vmem>>, vector<1x128x200xf32>
    %swap3A_711 = vector.shape_cast %swap3A_710 : vector<1x128x200xf32> to vector<128x200xf32>
    %swap3A_712 = vector.shape_cast %max3A_706 : vector<128x200xf32> to vector<1x128x200xf32>
    tpu.vector_store %arg10[%swap3A_707, %swap3A_708, %swap3A_709], %swap3A_712 {strides = array<i32>} : memref<50x128x200xf32, #tpu.memory_space<vmem>>, vector<1x128x200xf32>,
    %get3A_713 = arith.constant 30 : index
    %get3A_714 = arith.constant 0 : index
    %get3A_715 = arith.constant 0 : index
    %get3A_716 = vector.load %arg1[%get3A_713, %get3A_714, %get3A_715] : memref<50x128x200xf32, #tpu.memory_space<vmem>>, vector<1x128x200xf32>
    %get3A_717 = vector.shape_cast %get3A_716 : vector<1x128x200xf32> to vector<128x200xf32>
    %dot_general3A_718 = arith.constant dense<0.000000e+00> : vector<128x200xf32>
    %dot_general3A_719 = tpu.matmul %get3A_8, %get3A_717, %dot_general3A_718 {dimension_numbers = #tpu.dot_dimension_numbers<[1], [0], [0], [1], [0, 0, 1, 1], [], []>, transpose_lhs_hint = false} : vector<128x128xf32>, vector<128x200xf32>, vector<128x200xf32> -> vector<128x200xf32>
    %add3A_720 = arith.addf %dot_general3A_719, %get3A_11 : vector<128x200xf32>
    %max3A_721 = arith.constant 0.000000e+00 : f32
    %max3A_722 = vector.broadcast %max3A_721 : f32 to vector<128x200xf32>
    %max3A_723 = arith.maximumf %add3A_720, %max3A_722 : vector<128x200xf32>
    %dot_general3A_724 = arith.constant dense<0.000000e+00> : vector<128x200xf32>
    %dot_general3A_725 = tpu.matmul %get3A_14, %max3A_723, %dot_general3A_724 {dimension_numbers = #tpu.dot_dimension_numbers<[1], [0], [0], [1], [0, 0, 1, 1], [], []>, transpose_lhs_hint = false} : vector<128x128xf32>, vector<128x200xf32>, vector<128x200xf32> -> vector<128x200xf32>
    %add3A_726 = arith.addf %dot_general3A_725, %get3A_17 : vector<128x200xf32>
    %max3A_727 = arith.constant 0.000000e+00 : f32
    %max3A_728 = vector.broadcast %max3A_727 : f32 to vector<128x200xf32>
    %max3A_729 = arith.maximumf %add3A_726, %max3A_728 : vector<128x200xf32>
    %swap3A_730 = arith.constant 30 : index
    %swap3A_731 = arith.constant 0 : index
    %swap3A_732 = arith.constant 0 : index
    %swap3A_733 = vector.load %arg10[%swap3A_730, %swap3A_731, %swap3A_732] : memref<50x128x200xf32, #tpu.memory_space<vmem>>, vector<1x128x200xf32>
    %swap3A_734 = vector.shape_cast %swap3A_733 : vector<1x128x200xf32> to vector<128x200xf32>
    %swap3A_735 = vector.shape_cast %max3A_729 : vector<128x200xf32> to vector<1x128x200xf32>
    tpu.vector_store %arg10[%swap3A_730, %swap3A_731, %swap3A_732], %swap3A_735 {strides = array<i32>} : memref<50x128x200xf32, #tpu.memory_space<vmem>>, vector<1x128x200xf32>,
    %get3A_736 = arith.constant 31 : index
    %get3A_737 = arith.constant 0 : index
    %get3A_738 = arith.constant 0 : index
    %get3A_739 = vector.load %arg1[%get3A_736, %get3A_737, %get3A_738] : memref<50x128x200xf32, #tpu.memory_space<vmem>>, vector<1x128x200xf32>
    %get3A_740 = vector.shape_cast %get3A_739 : vector<1x128x200xf32> to vector<128x200xf32>
    %dot_general3A_741 = arith.constant dense<0.000000e+00> : vector<128x200xf32>
    %dot_general3A_742 = tpu.matmul %get3A_8, %get3A_740, %dot_general3A_741 {dimension_numbers = #tpu.dot_dimension_numbers<[1], [0], [0], [1], [0, 0, 1, 1], [], []>, transpose_lhs_hint = false} : vector<128x128xf32>, vector<128x200xf32>, vector<128x200xf32> -> vector<128x200xf32>
    %add3A_743 = arith.addf %dot_general3A_742, %get3A_11 : vector<128x200xf32>
    %max3A_744 = arith.constant 0.000000e+00 : f32
    %max3A_745 = vector.broadcast %max3A_744 : f32 to vector<128x200xf32>
    %max3A_746 = arith.maximumf %add3A_743, %max3A_745 : vector<128x200xf32>
    %dot_general3A_747 = arith.constant dense<0.000000e+00> : vector<128x200xf32>
    %dot_general3A_748 = tpu.matmul %get3A_14, %max3A_746, %dot_general3A_747 {dimension_numbers = #tpu.dot_dimension_numbers<[1], [0], [0], [1], [0, 0, 1, 1], [], []>, transpose_lhs_hint = false} : vector<128x128xf32>, vector<128x200xf32>, vector<128x200xf32> -> vector<128x200xf32>
    %add3A_749 = arith.addf %dot_general3A_748, %get3A_17 : vector<128x200xf32>
    %max3A_750 = arith.constant 0.000000e+00 : f32
    %max3A_751 = vector.broadcast %max3A_750 : f32 to vector<128x200xf32>
    %max3A_752 = arith.maximumf %add3A_749, %max3A_751 : vector<128x200xf32>
    %swap3A_753 = arith.constant 31 : index
    %swap3A_754 = arith.constant 0 : index
    %swap3A_755 = arith.constant 0 : index
    %swap3A_756 = vector.load %arg10[%swap3A_753, %swap3A_754, %swap3A_755] : memref<50x128x200xf32, #tpu.memory_space<vmem>>, vector<1x128x200xf32>
    %swap3A_757 = vector.shape_cast %swap3A_756 : vector<1x128x200xf32> to vector<128x200xf32>
    %swap3A_758 = vector.shape_cast %max3A_752 : vector<128x200xf32> to vector<1x128x200xf32>
    tpu.vector_store %arg10[%swap3A_753, %swap3A_754, %swap3A_755], %swap3A_758 {strides = array<i32>} : memref<50x128x200xf32, #tpu.memory_space<vmem>>, vector<1x128x200xf32>,
    %get3A_759 = arith.constant 32 : index
    %get3A_760 = arith.constant 0 : index
    %get3A_761 = arith.constant 0 : index
    %get3A_762 = vector.load %arg1[%get3A_759, %get3A_760, %get3A_761] : memref<50x128x200xf32, #tpu.memory_space<vmem>>, vector<1x128x200xf32>
    %get3A_763 = vector.shape_cast %get3A_762 : vector<1x128x200xf32> to vector<128x200xf32>
    %dot_general3A_764 = arith.constant dense<0.000000e+00> : vector<128x200xf32>
    %dot_general3A_765 = tpu.matmul %get3A_8, %get3A_763, %dot_general3A_764 {dimension_numbers = #tpu.dot_dimension_numbers<[1], [0], [0], [1], [0, 0, 1, 1], [], []>, transpose_lhs_hint = false} : vector<128x128xf32>, vector<128x200xf32>, vector<128x200xf32> -> vector<128x200xf32>
    %add3A_766 = arith.addf %dot_general3A_765, %get3A_11 : vector<128x200xf32>
    %max3A_767 = arith.constant 0.000000e+00 : f32
    %max3A_768 = vector.broadcast %max3A_767 : f32 to vector<128x200xf32>
    %max3A_769 = arith.maximumf %add3A_766, %max3A_768 : vector<128x200xf32>
    %dot_general3A_770 = arith.constant dense<0.000000e+00> : vector<128x200xf32>
    %dot_general3A_771 = tpu.matmul %get3A_14, %max3A_769, %dot_general3A_770 {dimension_numbers = #tpu.dot_dimension_numbers<[1], [0], [0], [1], [0, 0, 1, 1], [], []>, transpose_lhs_hint = false} : vector<128x128xf32>, vector<128x200xf32>, vector<128x200xf32> -> vector<128x200xf32>
    %add3A_772 = arith.addf %dot_general3A_771, %get3A_17 : vector<128x200xf32>
    %max3A_773 = arith.constant 0.000000e+00 : f32
    %max3A_774 = vector.broadcast %max3A_773 : f32 to vector<128x200xf32>
    %max3A_775 = arith.maximumf %add3A_772, %max3A_774 : vector<128x200xf32>
    %swap3A_776 = arith.constant 32 : index
    %swap3A_777 = arith.constant 0 : index
    %swap3A_778 = arith.constant 0 : index
    %swap3A_779 = vector.load %arg10[%swap3A_776, %swap3A_777, %swap3A_778] : memref<50x128x200xf32, #tpu.memory_space<vmem>>, vector<1x128x200xf32>
    %swap3A_780 = vector.shape_cast %swap3A_779 : vector<1x128x200xf32> to vector<128x200xf32>
    %swap3A_781 = vector.shape_cast %max3A_775 : vector<128x200xf32> to vector<1x128x200xf32>
    tpu.vector_store %arg10[%swap3A_776, %swap3A_777, %swap3A_778], %swap3A_781 {strides = array<i32>} : memref<50x128x200xf32, #tpu.memory_space<vmem>>, vector<1x128x200xf32>,
    %get3A_782 = arith.constant 33 : index
    %get3A_783 = arith.constant 0 : index
    %get3A_784 = arith.constant 0 : index
    %get3A_785 = vector.load %arg1[%get3A_782, %get3A_783, %get3A_784] : memref<50x128x200xf32, #tpu.memory_space<vmem>>, vector<1x128x200xf32>
    %get3A_786 = vector.shape_cast %get3A_785 : vector<1x128x200xf32> to vector<128x200xf32>
    %dot_general3A_787 = arith.constant dense<0.000000e+00> : vector<128x200xf32>
    %dot_general3A_788 = tpu.matmul %get3A_8, %get3A_786, %dot_general3A_787 {dimension_numbers = #tpu.dot_dimension_numbers<[1], [0], [0], [1], [0, 0, 1, 1], [], []>, transpose_lhs_hint = false} : vector<128x128xf32>, vector<128x200xf32>, vector<128x200xf32> -> vector<128x200xf32>
    %add3A_789 = arith.addf %dot_general3A_788, %get3A_11 : vector<128x200xf32>
    %max3A_790 = arith.constant 0.000000e+00 : f32
    %max3A_791 = vector.broadcast %max3A_790 : f32 to vector<128x200xf32>
    %max3A_792 = arith.maximumf %add3A_789, %max3A_791 : vector<128x200xf32>
    %dot_general3A_793 = arith.constant dense<0.000000e+00> : vector<128x200xf32>
    %dot_general3A_794 = tpu.matmul %get3A_14, %max3A_792, %dot_general3A_793 {dimension_numbers = #tpu.dot_dimension_numbers<[1], [0], [0], [1], [0, 0, 1, 1], [], []>, transpose_lhs_hint = false} : vector<128x128xf32>, vector<128x200xf32>, vector<128x200xf32> -> vector<128x200xf32>
    %add3A_795 = arith.addf %dot_general3A_794, %get3A_17 : vector<128x200xf32>
    %max3A_796 = arith.constant 0.000000e+00 : f32
    %max3A_797 = vector.broadcast %max3A_796 : f32 to vector<128x200xf32>
    %max3A_798 = arith.maximumf %add3A_795, %max3A_797 : vector<128x200xf32>
    %swap3A_799 = arith.constant 33 : index
    %swap3A_800 = arith.constant 0 : index
    %swap3A_801 = arith.constant 0 : index
    %swap3A_802 = vector.load %arg10[%swap3A_799, %swap3A_800, %swap3A_801] : memref<50x128x200xf32, #tpu.memory_space<vmem>>, vector<1x128x200xf32>
    %swap3A_803 = vector.shape_cast %swap3A_802 : vector<1x128x200xf32> to vector<128x200xf32>
    %swap3A_804 = vector.shape_cast %max3A_798 : vector<128x200xf32> to vector<1x128x200xf32>
    tpu.vector_store %arg10[%swap3A_799, %swap3A_800, %swap3A_801], %swap3A_804 {strides = array<i32>} : memref<50x128x200xf32, #tpu.memory_space<vmem>>, vector<1x128x200xf32>,
    %get3A_805 = arith.constant 34 : index
    %get3A_806 = arith.constant 0 : index
    %get3A_807 = arith.constant 0 : index
    %get3A_808 = vector.load %arg1[%get3A_805, %get3A_806, %get3A_807] : memref<50x128x200xf32, #tpu.memory_space<vmem>>, vector<1x128x200xf32>
    %get3A_809 = vector.shape_cast %get3A_808 : vector<1x128x200xf32> to vector<128x200xf32>
    %dot_general3A_810 = arith.constant dense<0.000000e+00> : vector<128x200xf32>
    %dot_general3A_811 = tpu.matmul %get3A_8, %get3A_809, %dot_general3A_810 {dimension_numbers = #tpu.dot_dimension_numbers<[1], [0], [0], [1], [0, 0, 1, 1], [], []>, transpose_lhs_hint = false} : vector<128x128xf32>, vector<128x200xf32>, vector<128x200xf32> -> vector<128x200xf32>
    %add3A_812 = arith.addf %dot_general3A_811, %get3A_11 : vector<128x200xf32>
    %max3A_813 = arith.constant 0.000000e+00 : f32
    %max3A_814 = vector.broadcast %max3A_813 : f32 to vector<128x200xf32>
    %max3A_815 = arith.maximumf %add3A_812, %max3A_814 : vector<128x200xf32>
    %dot_general3A_816 = arith.constant dense<0.000000e+00> : vector<128x200xf32>
    %dot_general3A_817 = tpu.matmul %get3A_14, %max3A_815, %dot_general3A_816 {dimension_numbers = #tpu.dot_dimension_numbers<[1], [0], [0], [1], [0, 0, 1, 1], [], []>, transpose_lhs_hint = false} : vector<128x128xf32>, vector<128x200xf32>, vector<128x200xf32> -> vector<128x200xf32>
    %add3A_818 = arith.addf %dot_general3A_817, %get3A_17 : vector<128x200xf32>
    %max3A_819 = arith.constant 0.000000e+00 : f32
    %max3A_820 = vector.broadcast %max3A_819 : f32 to vector<128x200xf32>
    %max3A_821 = arith.maximumf %add3A_818, %max3A_820 : vector<128x200xf32>
    %swap3A_822 = arith.constant 34 : index
    %swap3A_823 = arith.constant 0 : index
    %swap3A_824 = arith.constant 0 : index
    %swap3A_825 = vector.load %arg10[%swap3A_822, %swap3A_823, %swap3A_824] : memref<50x128x200xf32, #tpu.memory_space<vmem>>, vector<1x128x200xf32>
    %swap3A_826 = vector.shape_cast %swap3A_825 : vector<1x128x200xf32> to vector<128x200xf32>
    %swap3A_827 = vector.shape_cast %max3A_821 : vector<128x200xf32> to vector<1x128x200xf32>
    tpu.vector_store %arg10[%swap3A_822, %swap3A_823, %swap3A_824], %swap3A_827 {strides = array<i32>} : memref<50x128x200xf32, #tpu.memory_space<vmem>>, vector<1x128x200xf32>,
    %get3A_828 = arith.constant 35 : index
    %get3A_829 = arith.constant 0 : index
    %get3A_830 = arith.constant 0 : index
    %get3A_831 = vector.load %arg1[%get3A_828, %get3A_829, %get3A_830] : memref<50x128x200xf32, #tpu.memory_space<vmem>>, vector<1x128x200xf32>
    %get3A_832 = vector.shape_cast %get3A_831 : vector<1x128x200xf32> to vector<128x200xf32>
    %dot_general3A_833 = arith.constant dense<0.000000e+00> : vector<128x200xf32>
    %dot_general3A_834 = tpu.matmul %get3A_8, %get3A_832, %dot_general3A_833 {dimension_numbers = #tpu.dot_dimension_numbers<[1], [0], [0], [1], [0, 0, 1, 1], [], []>, transpose_lhs_hint = false} : vector<128x128xf32>, vector<128x200xf32>, vector<128x200xf32> -> vector<128x200xf32>
    %add3A_835 = arith.addf %dot_general3A_834, %get3A_11 : vector<128x200xf32>
    %max3A_836 = arith.constant 0.000000e+00 : f32
    %max3A_837 = vector.broadcast %max3A_836 : f32 to vector<128x200xf32>
    %max3A_838 = arith.maximumf %add3A_835, %max3A_837 : vector<128x200xf32>
    %dot_general3A_839 = arith.constant dense<0.000000e+00> : vector<128x200xf32>
    %dot_general3A_840 = tpu.matmul %get3A_14, %max3A_838, %dot_general3A_839 {dimension_numbers = #tpu.dot_dimension_numbers<[1], [0], [0], [1], [0, 0, 1, 1], [], []>, transpose_lhs_hint = false} : vector<128x128xf32>, vector<128x200xf32>, vector<128x200xf32> -> vector<128x200xf32>
    %add3A_841 = arith.addf %dot_general3A_840, %get3A_17 : vector<128x200xf32>
    %max3A_842 = arith.constant 0.000000e+00 : f32
    %max3A_843 = vector.broadcast %max3A_842 : f32 to vector<128x200xf32>
    %max3A_844 = arith.maximumf %add3A_841, %max3A_843 : vector<128x200xf32>
    %swap3A_845 = arith.constant 35 : index
    %swap3A_846 = arith.constant 0 : index
    %swap3A_847 = arith.constant 0 : index
    %swap3A_848 = vector.load %arg10[%swap3A_845, %swap3A_846, %swap3A_847] : memref<50x128x200xf32, #tpu.memory_space<vmem>>, vector<1x128x200xf32>
    %swap3A_849 = vector.shape_cast %swap3A_848 : vector<1x128x200xf32> to vector<128x200xf32>
    %swap3A_850 = vector.shape_cast %max3A_844 : vector<128x200xf32> to vector<1x128x200xf32>
    tpu.vector_store %arg10[%swap3A_845, %swap3A_846, %swap3A_847], %swap3A_850 {strides = array<i32>} : memref<50x128x200xf32, #tpu.memory_space<vmem>>, vector<1x128x200xf32>,
    %get3A_851 = arith.constant 36 : index
    %get3A_852 = arith.constant 0 : index
    %get3A_853 = arith.constant 0 : index
    %get3A_854 = vector.load %arg1[%get3A_851, %get3A_852, %get3A_853] : memref<50x128x200xf32, #tpu.memory_space<vmem>>, vector<1x128x200xf32>
    %get3A_855 = vector.shape_cast %get3A_854 : vector<1x128x200xf32> to vector<128x200xf32>
    %dot_general3A_856 = arith.constant dense<0.000000e+00> : vector<128x200xf32>
    %dot_general3A_857 = tpu.matmul %get3A_8, %get3A_855, %dot_general3A_856 {dimension_numbers = #tpu.dot_dimension_numbers<[1], [0], [0], [1], [0, 0, 1, 1], [], []>, transpose_lhs_hint = false} : vector<128x128xf32>, vector<128x200xf32>, vector<128x200xf32> -> vector<128x200xf32>
    %add3A_858 = arith.addf %dot_general3A_857, %get3A_11 : vector<128x200xf32>
    %max3A_859 = arith.constant 0.000000e+00 : f32
    %max3A_860 = vector.broadcast %max3A_859 : f32 to vector<128x200xf32>
    %max3A_861 = arith.maximumf %add3A_858, %max3A_860 : vector<128x200xf32>
    %dot_general3A_862 = arith.constant dense<0.000000e+00> : vector<128x200xf32>
    %dot_general3A_863 = tpu.matmul %get3A_14, %max3A_861, %dot_general3A_862 {dimension_numbers = #tpu.dot_dimension_numbers<[1], [0], [0], [1], [0, 0, 1, 1], [], []>, transpose_lhs_hint = false} : vector<128x128xf32>, vector<128x200xf32>, vector<128x200xf32> -> vector<128x200xf32>
    %add3A_864 = arith.addf %dot_general3A_863, %get3A_17 : vector<128x200xf32>
    %max3A_865 = arith.constant 0.000000e+00 : f32
    %max3A_866 = vector.broadcast %max3A_865 : f32 to vector<128x200xf32>
    %max3A_867 = arith.maximumf %add3A_864, %max3A_866 : vector<128x200xf32>
    %swap3A_868 = arith.constant 36 : index
    %swap3A_869 = arith.constant 0 : index
    %swap3A_870 = arith.constant 0 : index
    %swap3A_871 = vector.load %arg10[%swap3A_868, %swap3A_869, %swap3A_870] : memref<50x128x200xf32, #tpu.memory_space<vmem>>, vector<1x128x200xf32>
    %swap3A_872 = vector.shape_cast %swap3A_871 : vector<1x128x200xf32> to vector<128x200xf32>
    %swap3A_873 = vector.shape_cast %max3A_867 : vector<128x200xf32> to vector<1x128x200xf32>
    tpu.vector_store %arg10[%swap3A_868, %swap3A_869, %swap3A_870], %swap3A_873 {strides = array<i32>} : memref<50x128x200xf32, #tpu.memory_space<vmem>>, vector<1x128x200xf32>,
    %get3A_874 = arith.constant 37 : index
    %get3A_875 = arith.constant 0 : index
    %get3A_876 = arith.constant 0 : index
    %get3A_877 = vector.load %arg1[%get3A_874, %get3A_875, %get3A_876] : memref<50x128x200xf32, #tpu.memory_space<vmem>>, vector<1x128x200xf32>
    %get3A_878 = vector.shape_cast %get3A_877 : vector<1x128x200xf32> to vector<128x200xf32>
    %dot_general3A_879 = arith.constant dense<0.000000e+00> : vector<128x200xf32>
    %dot_general3A_880 = tpu.matmul %get3A_8, %get3A_878, %dot_general3A_879 {dimension_numbers = #tpu.dot_dimension_numbers<[1], [0], [0], [1], [0, 0, 1, 1], [], []>, transpose_lhs_hint = false} : vector<128x128xf32>, vector<128x200xf32>, vector<128x200xf32> -> vector<128x200xf32>
    %add3A_881 = arith.addf %dot_general3A_880, %get3A_11 : vector<128x200xf32>
    %max3A_882 = arith.constant 0.000000e+00 : f32
    %max3A_883 = vector.broadcast %max3A_882 : f32 to vector<128x200xf32>
    %max3A_884 = arith.maximumf %add3A_881, %max3A_883 : vector<128x200xf32>
    %dot_general3A_885 = arith.constant dense<0.000000e+00> : vector<128x200xf32>
    %dot_general3A_886 = tpu.matmul %get3A_14, %max3A_884, %dot_general3A_885 {dimension_numbers = #tpu.dot_dimension_numbers<[1], [0], [0], [1], [0, 0, 1, 1], [], []>, transpose_lhs_hint = false} : vector<128x128xf32>, vector<128x200xf32>, vector<128x200xf32> -> vector<128x200xf32>
    %add3A_887 = arith.addf %dot_general3A_886, %get3A_17 : vector<128x200xf32>
    %max3A_888 = arith.constant 0.000000e+00 : f32
    %max3A_889 = vector.broadcast %max3A_888 : f32 to vector<128x200xf32>
    %max3A_890 = arith.maximumf %add3A_887, %max3A_889 : vector<128x200xf32>
    %swap3A_891 = arith.constant 37 : index
    %swap3A_892 = arith.constant 0 : index
    %swap3A_893 = arith.constant 0 : index
    %swap3A_894 = vector.load %arg10[%swap3A_891, %swap3A_892, %swap3A_893] : memref<50x128x200xf32, #tpu.memory_space<vmem>>, vector<1x128x200xf32>
    %swap3A_895 = vector.shape_cast %swap3A_894 : vector<1x128x200xf32> to vector<128x200xf32>
    %swap3A_896 = vector.shape_cast %max3A_890 : vector<128x200xf32> to vector<1x128x200xf32>
    tpu.vector_store %arg10[%swap3A_891, %swap3A_892, %swap3A_893], %swap3A_896 {strides = array<i32>} : memref<50x128x200xf32, #tpu.memory_space<vmem>>, vector<1x128x200xf32>,
    %get3A_897 = arith.constant 38 : index
    %get3A_898 = arith.constant 0 : index
    %get3A_899 = arith.constant 0 : index
    %get3A_900 = vector.load %arg1[%get3A_897, %get3A_898, %get3A_899] : memref<50x128x200xf32, #tpu.memory_space<vmem>>, vector<1x128x200xf32>
    %get3A_901 = vector.shape_cast %get3A_900 : vector<1x128x200xf32> to vector<128x200xf32>
    %dot_general3A_902 = arith.constant dense<0.000000e+00> : vector<128x200xf32>
    %dot_general3A_903 = tpu.matmul %get3A_8, %get3A_901, %dot_general3A_902 {dimension_numbers = #tpu.dot_dimension_numbers<[1], [0], [0], [1], [0, 0, 1, 1], [], []>, transpose_lhs_hint = false} : vector<128x128xf32>, vector<128x200xf32>, vector<128x200xf32> -> vector<128x200xf32>
    %add3A_904 = arith.addf %dot_general3A_903, %get3A_11 : vector<128x200xf32>
    %max3A_905 = arith.constant 0.000000e+00 : f32
    %max3A_906 = vector.broadcast %max3A_905 : f32 to vector<128x200xf32>
    %max3A_907 = arith.maximumf %add3A_904, %max3A_906 : vector<128x200xf32>
    %dot_general3A_908 = arith.constant dense<0.000000e+00> : vector<128x200xf32>
    %dot_general3A_909 = tpu.matmul %get3A_14, %max3A_907, %dot_general3A_908 {dimension_numbers = #tpu.dot_dimension_numbers<[1], [0], [0], [1], [0, 0, 1, 1], [], []>, transpose_lhs_hint = false} : vector<128x128xf32>, vector<128x200xf32>, vector<128x200xf32> -> vector<128x200xf32>
    %add3A_910 = arith.addf %dot_general3A_909, %get3A_17 : vector<128x200xf32>
    %max3A_911 = arith.constant 0.000000e+00 : f32
    %max3A_912 = vector.broadcast %max3A_911 : f32 to vector<128x200xf32>
    %max3A_913 = arith.maximumf %add3A_910, %max3A_912 : vector<128x200xf32>
    %swap3A_914 = arith.constant 38 : index
    %swap3A_915 = arith.constant 0 : index
    %swap3A_916 = arith.constant 0 : index
    %swap3A_917 = vector.load %arg10[%swap3A_914, %swap3A_915, %swap3A_916] : memref<50x128x200xf32, #tpu.memory_space<vmem>>, vector<1x128x200xf32>
    %swap3A_918 = vector.shape_cast %swap3A_917 : vector<1x128x200xf32> to vector<128x200xf32>
    %swap3A_919 = vector.shape_cast %max3A_913 : vector<128x200xf32> to vector<1x128x200xf32>
    tpu.vector_store %arg10[%swap3A_914, %swap3A_915, %swap3A_916], %swap3A_919 {strides = array<i32>} : memref<50x128x200xf32, #tpu.memory_space<vmem>>, vector<1x128x200xf32>,
    %get3A_920 = arith.constant 39 : index
    %get3A_921 = arith.constant 0 : index
    %get3A_922 = arith.constant 0 : index
    %get3A_923 = vector.load %arg1[%get3A_920, %get3A_921, %get3A_922] : memref<50x128x200xf32, #tpu.memory_space<vmem>>, vector<1x128x200xf32>
    %get3A_924 = vector.shape_cast %get3A_923 : vector<1x128x200xf32> to vector<128x200xf32>
    %dot_general3A_925 = arith.constant dense<0.000000e+00> : vector<128x200xf32>
    %dot_general3A_926 = tpu.matmul %get3A_8, %get3A_924, %dot_general3A_925 {dimension_numbers = #tpu.dot_dimension_numbers<[1], [0], [0], [1], [0, 0, 1, 1], [], []>, transpose_lhs_hint = false} : vector<128x128xf32>, vector<128x200xf32>, vector<128x200xf32> -> vector<128x200xf32>
    %add3A_927 = arith.addf %dot_general3A_926, %get3A_11 : vector<128x200xf32>
    %max3A_928 = arith.constant 0.000000e+00 : f32
    %max3A_929 = vector.broadcast %max3A_928 : f32 to vector<128x200xf32>
    %max3A_930 = arith.maximumf %add3A_927, %max3A_929 : vector<128x200xf32>
    %dot_general3A_931 = arith.constant dense<0.000000e+00> : vector<128x200xf32>
    %dot_general3A_932 = tpu.matmul %get3A_14, %max3A_930, %dot_general3A_931 {dimension_numbers = #tpu.dot_dimension_numbers<[1], [0], [0], [1], [0, 0, 1, 1], [], []>, transpose_lhs_hint = false} : vector<128x128xf32>, vector<128x200xf32>, vector<128x200xf32> -> vector<128x200xf32>
    %add3A_933 = arith.addf %dot_general3A_932, %get3A_17 : vector<128x200xf32>
    %max3A_934 = arith.constant 0.000000e+00 : f32
    %max3A_935 = vector.broadcast %max3A_934 : f32 to vector<128x200xf32>
    %max3A_936 = arith.maximumf %add3A_933, %max3A_935 : vector<128x200xf32>
    %swap3A_937 = arith.constant 39 : index
    %swap3A_938 = arith.constant 0 : index
    %swap3A_939 = arith.constant 0 : index
    %swap3A_940 = vector.load %arg10[%swap3A_937, %swap3A_938, %swap3A_939] : memref<50x128x200xf32, #tpu.memory_space<vmem>>, vector<1x128x200xf32>
    %swap3A_941 = vector.shape_cast %swap3A_940 : vector<1x128x200xf32> to vector<128x200xf32>
    %swap3A_942 = vector.shape_cast %max3A_936 : vector<128x200xf32> to vector<1x128x200xf32>
    tpu.vector_store %arg10[%swap3A_937, %swap3A_938, %swap3A_939], %swap3A_942 {strides = array<i32>} : memref<50x128x200xf32, #tpu.memory_space<vmem>>, vector<1x128x200xf32>,
    %get3A_943 = arith.constant 40 : index
    %get3A_944 = arith.constant 0 : index
    %get3A_945 = arith.constant 0 : index
    %get3A_946 = vector.load %arg1[%get3A_943, %get3A_944, %get3A_945] : memref<50x128x200xf32, #tpu.memory_space<vmem>>, vector<1x128x200xf32>
    %get3A_947 = vector.shape_cast %get3A_946 : vector<1x128x200xf32> to vector<128x200xf32>
    %dot_general3A_948 = arith.constant dense<0.000000e+00> : vector<128x200xf32>
    %dot_general3A_949 = tpu.matmul %get3A_8, %get3A_947, %dot_general3A_948 {dimension_numbers = #tpu.dot_dimension_numbers<[1], [0], [0], [1], [0, 0, 1, 1], [], []>, transpose_lhs_hint = false} : vector<128x128xf32>, vector<128x200xf32>, vector<128x200xf32> -> vector<128x200xf32>
    %add3A_950 = arith.addf %dot_general3A_949, %get3A_11 : vector<128x200xf32>
    %max3A_951 = arith.constant 0.000000e+00 : f32
    %max3A_952 = vector.broadcast %max3A_951 : f32 to vector<128x200xf32>
    %max3A_953 = arith.maximumf %add3A_950, %max3A_952 : vector<128x200xf32>
    %dot_general3A_954 = arith.constant dense<0.000000e+00> : vector<128x200xf32>
    %dot_general3A_955 = tpu.matmul %get3A_14, %max3A_953, %dot_general3A_954 {dimension_numbers = #tpu.dot_dimension_numbers<[1], [0], [0], [1], [0, 0, 1, 1], [], []>, transpose_lhs_hint = false} : vector<128x128xf32>, vector<128x200xf32>, vector<128x200xf32> -> vector<128x200xf32>
    %add3A_956 = arith.addf %dot_general3A_955, %get3A_17 : vector<128x200xf32>
    %max3A_957 = arith.constant 0.000000e+00 : f32
    %max3A_958 = vector.broadcast %max3A_957 : f32 to vector<128x200xf32>
    %max3A_959 = arith.maximumf %add3A_956, %max3A_958 : vector<128x200xf32>
    %swap3A_960 = arith.constant 40 : index
    %swap3A_961 = arith.constant 0 : index
    %swap3A_962 = arith.constant 0 : index
    %swap3A_963 = vector.load %arg10[%swap3A_960, %swap3A_961, %swap3A_962] : memref<50x128x200xf32, #tpu.memory_space<vmem>>, vector<1x128x200xf32>
    %swap3A_964 = vector.shape_cast %swap3A_963 : vector<1x128x200xf32> to vector<128x200xf32>
    %swap3A_965 = vector.shape_cast %max3A_959 : vector<128x200xf32> to vector<1x128x200xf32>
    tpu.vector_store %arg10[%swap3A_960, %swap3A_961, %swap3A_962], %swap3A_965 {strides = array<i32>} : memref<50x128x200xf32, #tpu.memory_space<vmem>>, vector<1x128x200xf32>,
    %get3A_966 = arith.constant 41 : index
    %get3A_967 = arith.constant 0 : index
    %get3A_968 = arith.constant 0 : index
    %get3A_969 = vector.load %arg1[%get3A_966, %get3A_967, %get3A_968] : memref<50x128x200xf32, #tpu.memory_space<vmem>>, vector<1x128x200xf32>
    %get3A_970 = vector.shape_cast %get3A_969 : vector<1x128x200xf32> to vector<128x200xf32>
    %dot_general3A_971 = arith.constant dense<0.000000e+00> : vector<128x200xf32>
    %dot_general3A_972 = tpu.matmul %get3A_8, %get3A_970, %dot_general3A_971 {dimension_numbers = #tpu.dot_dimension_numbers<[1], [0], [0], [1], [0, 0, 1, 1], [], []>, transpose_lhs_hint = false} : vector<128x128xf32>, vector<128x200xf32>, vector<128x200xf32> -> vector<128x200xf32>
    %add3A_973 = arith.addf %dot_general3A_972, %get3A_11 : vector<128x200xf32>
    %max3A_974 = arith.constant 0.000000e+00 : f32
    %max3A_975 = vector.broadcast %max3A_974 : f32 to vector<128x200xf32>
    %max3A_976 = arith.maximumf %add3A_973, %max3A_975 : vector<128x200xf32>
    %dot_general3A_977 = arith.constant dense<0.000000e+00> : vector<128x200xf32>
    %dot_general3A_978 = tpu.matmul %get3A_14, %max3A_976, %dot_general3A_977 {dimension_numbers = #tpu.dot_dimension_numbers<[1], [0], [0], [1], [0, 0, 1, 1], [], []>, transpose_lhs_hint = false} : vector<128x128xf32>, vector<128x200xf32>, vector<128x200xf32> -> vector<128x200xf32>
    %add3A_979 = arith.addf %dot_general3A_978, %get3A_17 : vector<128x200xf32>
    %max3A_980 = arith.constant 0.000000e+00 : f32
    %max3A_981 = vector.broadcast %max3A_980 : f32 to vector<128x200xf32>
    %max3A_982 = arith.maximumf %add3A_979, %max3A_981 : vector<128x200xf32>
    %swap3A_983 = arith.constant 41 : index
    %swap3A_984 = arith.constant 0 : index
    %swap3A_985 = arith.constant 0 : index
    %swap3A_986 = vector.load %arg10[%swap3A_983, %swap3A_984, %swap3A_985] : memref<50x128x200xf32, #tpu.memory_space<vmem>>, vector<1x128x200xf32>
    %swap3A_987 = vector.shape_cast %swap3A_986 : vector<1x128x200xf32> to vector<128x200xf32>
    %swap3A_988 = vector.shape_cast %max3A_982 : vector<128x200xf32> to vector<1x128x200xf32>
    tpu.vector_store %arg10[%swap3A_983, %swap3A_984, %swap3A_985], %swap3A_988 {strides = array<i32>} : memref<50x128x200xf32, #tpu.memory_space<vmem>>, vector<1x128x200xf32>,
    %get3A_989 = arith.constant 42 : index
    %get3A_990 = arith.constant 0 : index
    %get3A_991 = arith.constant 0 : index
    %get3A_992 = vector.load %arg1[%get3A_989, %get3A_990, %get3A_991] : memref<50x128x200xf32, #tpu.memory_space<vmem>>, vector<1x128x200xf32>
    %get3A_993 = vector.shape_cast %get3A_992 : vector<1x128x200xf32> to vector<128x200xf32>
    %dot_general3A_994 = arith.constant dense<0.000000e+00> : vector<128x200xf32>
    %dot_general3A_995 = tpu.matmul %get3A_8, %get3A_993, %dot_general3A_994 {dimension_numbers = #tpu.dot_dimension_numbers<[1], [0], [0], [1], [0, 0, 1, 1], [], []>, transpose_lhs_hint = false} : vector<128x128xf32>, vector<128x200xf32>, vector<128x200xf32> -> vector<128x200xf32>
    %add3A_996 = arith.addf %dot_general3A_995, %get3A_11 : vector<128x200xf32>
    %max3A_997 = arith.constant 0.000000e+00 : f32
    %max3A_998 = vector.broadcast %max3A_997 : f32 to vector<128x200xf32>
    %max3A_999 = arith.maximumf %add3A_996, %max3A_998 : vector<128x200xf32>
    %dot_general3A_1000 = arith.constant dense<0.000000e+00> : vector<128x200xf32>
    %dot_general3A_1001 = tpu.matmul %get3A_14, %max3A_999, %dot_general3A_1000 {dimension_numbers = #tpu.dot_dimension_numbers<[1], [0], [0], [1], [0, 0, 1, 1], [], []>, transpose_lhs_hint = false} : vector<128x128xf32>, vector<128x200xf32>, vector<128x200xf32> -> vector<128x200xf32>
    %add3A_1002 = arith.addf %dot_general3A_1001, %get3A_17 : vector<128x200xf32>
    %max3A_1003 = arith.constant 0.000000e+00 : f32
    %max3A_1004 = vector.broadcast %max3A_1003 : f32 to vector<128x200xf32>
    %max3A_1005 = arith.maximumf %add3A_1002, %max3A_1004 : vector<128x200xf32>
    %swap3A_1006 = arith.constant 42 : index
    %swap3A_1007 = arith.constant 0 : index
    %swap3A_1008 = arith.constant 0 : index
    %swap3A_1009 = vector.load %arg10[%swap3A_1006, %swap3A_1007, %swap3A_1008] : memref<50x128x200xf32, #tpu.memory_space<vmem>>, vector<1x128x200xf32>
    %swap3A_1010 = vector.shape_cast %swap3A_1009 : vector<1x128x200xf32> to vector<128x200xf32>
    %swap3A_1011 = vector.shape_cast %max3A_1005 : vector<128x200xf32> to vector<1x128x200xf32>
    tpu.vector_store %arg10[%swap3A_1006, %swap3A_1007, %swap3A_1008], %swap3A_1011 {strides = array<i32>} : memref<50x128x200xf32, #tpu.memory_space<vmem>>, vector<1x128x200xf32>,
    %get3A_1012 = arith.constant 43 : index
    %get3A_1013 = arith.constant 0 : index
    %get3A_1014 = arith.constant 0 : index
    %get3A_1015 = vector.load %arg1[%get3A_1012, %get3A_1013, %get3A_1014] : memref<50x128x200xf32, #tpu.memory_space<vmem>>, vector<1x128x200xf32>
    %get3A_1016 = vector.shape_cast %get3A_1015 : vector<1x128x200xf32> to vector<128x200xf32>
    %dot_general3A_1017 = arith.constant dense<0.000000e+00> : vector<128x200xf32>
    %dot_general3A_1018 = tpu.matmul %get3A_8, %get3A_1016, %dot_general3A_1017 {dimension_numbers = #tpu.dot_dimension_numbers<[1], [0], [0], [1], [0, 0, 1, 1], [], []>, transpose_lhs_hint = false} : vector<128x128xf32>, vector<128x200xf32>, vector<128x200xf32> -> vector<128x200xf32>
    %add3A_1019 = arith.addf %dot_general3A_1018, %get3A_11 : vector<128x200xf32>
    %max3A_1020 = arith.constant 0.000000e+00 : f32
    %max3A_1021 = vector.broadcast %max3A_1020 : f32 to vector<128x200xf32>
    %max3A_1022 = arith.maximumf %add3A_1019, %max3A_1021 : vector<128x200xf32>
    %dot_general3A_1023 = arith.constant dense<0.000000e+00> : vector<128x200xf32>
    %dot_general3A_1024 = tpu.matmul %get3A_14, %max3A_1022, %dot_general3A_1023 {dimension_numbers = #tpu.dot_dimension_numbers<[1], [0], [0], [1], [0, 0, 1, 1], [], []>, transpose_lhs_hint = false} : vector<128x128xf32>, vector<128x200xf32>, vector<128x200xf32> -> vector<128x200xf32>
    %add3A_1025 = arith.addf %dot_general3A_1024, %get3A_17 : vector<128x200xf32>
    %max3A_1026 = arith.constant 0.000000e+00 : f32
    %max3A_1027 = vector.broadcast %max3A_1026 : f32 to vector<128x200xf32>
    %max3A_1028 = arith.maximumf %add3A_1025, %max3A_1027 : vector<128x200xf32>
    %swap3A_1029 = arith.constant 43 : index
    %swap3A_1030 = arith.constant 0 : index
    %swap3A_1031 = arith.constant 0 : index
    %swap3A_1032 = vector.load %arg10[%swap3A_1029, %swap3A_1030, %swap3A_1031] : memref<50x128x200xf32, #tpu.memory_space<vmem>>, vector<1x128x200xf32>
    %swap3A_1033 = vector.shape_cast %swap3A_1032 : vector<1x128x200xf32> to vector<128x200xf32>
    %swap3A_1034 = vector.shape_cast %max3A_1028 : vector<128x200xf32> to vector<1x128x200xf32>
    tpu.vector_store %arg10[%swap3A_1029, %swap3A_1030, %swap3A_1031], %swap3A_1034 {strides = array<i32>} : memref<50x128x200xf32, #tpu.memory_space<vmem>>, vector<1x128x200xf32>,
    %get3A_1035 = arith.constant 44 : index
    %get3A_1036 = arith.constant 0 : index
    %get3A_1037 = arith.constant 0 : index
    %get3A_1038 = vector.load %arg1[%get3A_1035, %get3A_1036, %get3A_1037] : memref<50x128x200xf32, #tpu.memory_space<vmem>>, vector<1x128x200xf32>
    %get3A_1039 = vector.shape_cast %get3A_1038 : vector<1x128x200xf32> to vector<128x200xf32>
    %dot_general3A_1040 = arith.constant dense<0.000000e+00> : vector<128x200xf32>
    %dot_general3A_1041 = tpu.matmul %get3A_8, %get3A_1039, %dot_general3A_1040 {dimension_numbers = #tpu.dot_dimension_numbers<[1], [0], [0], [1], [0, 0, 1, 1], [], []>, transpose_lhs_hint = false} : vector<128x128xf32>, vector<128x200xf32>, vector<128x200xf32> -> vector<128x200xf32>
    %add3A_1042 = arith.addf %dot_general3A_1041, %get3A_11 : vector<128x200xf32>
    %max3A_1043 = arith.constant 0.000000e+00 : f32
    %max3A_1044 = vector.broadcast %max3A_1043 : f32 to vector<128x200xf32>
    %max3A_1045 = arith.maximumf %add3A_1042, %max3A_1044 : vector<128x200xf32>
    %dot_general3A_1046 = arith.constant dense<0.000000e+00> : vector<128x200xf32>
    %dot_general3A_1047 = tpu.matmul %get3A_14, %max3A_1045, %dot_general3A_1046 {dimension_numbers = #tpu.dot_dimension_numbers<[1], [0], [0], [1], [0, 0, 1, 1], [], []>, transpose_lhs_hint = false} : vector<128x128xf32>, vector<128x200xf32>, vector<128x200xf32> -> vector<128x200xf32>
    %add3A_1048 = arith.addf %dot_general3A_1047, %get3A_17 : vector<128x200xf32>
    %max3A_1049 = arith.constant 0.000000e+00 : f32
    %max3A_1050 = vector.broadcast %max3A_1049 : f32 to vector<128x200xf32>
    %max3A_1051 = arith.maximumf %add3A_1048, %max3A_1050 : vector<128x200xf32>
    %swap3A_1052 = arith.constant 44 : index
    %swap3A_1053 = arith.constant 0 : index
    %swap3A_1054 = arith.constant 0 : index
    %swap3A_1055 = vector.load %arg10[%swap3A_1052, %swap3A_1053, %swap3A_1054] : memref<50x128x200xf32, #tpu.memory_space<vmem>>, vector<1x128x200xf32>
    %swap3A_1056 = vector.shape_cast %swap3A_1055 : vector<1x128x200xf32> to vector<128x200xf32>
    %swap3A_1057 = vector.shape_cast %max3A_1051 : vector<128x200xf32> to vector<1x128x200xf32>
    tpu.vector_store %arg10[%swap3A_1052, %swap3A_1053, %swap3A_1054], %swap3A_1057 {strides = array<i32>} : memref<50x128x200xf32, #tpu.memory_space<vmem>>, vector<1x128x200xf32>,
    %get3A_1058 = arith.constant 45 : index
    %get3A_1059 = arith.constant 0 : index
    %get3A_1060 = arith.constant 0 : index
    %get3A_1061 = vector.load %arg1[%get3A_1058, %get3A_1059, %get3A_1060] : memref<50x128x200xf32, #tpu.memory_space<vmem>>, vector<1x128x200xf32>
    %get3A_1062 = vector.shape_cast %get3A_1061 : vector<1x128x200xf32> to vector<128x200xf32>
    %dot_general3A_1063 = arith.constant dense<0.000000e+00> : vector<128x200xf32>
    %dot_general3A_1064 = tpu.matmul %get3A_8, %get3A_1062, %dot_general3A_1063 {dimension_numbers = #tpu.dot_dimension_numbers<[1], [0], [0], [1], [0, 0, 1, 1], [], []>, transpose_lhs_hint = false} : vector<128x128xf32>, vector<128x200xf32>, vector<128x200xf32> -> vector<128x200xf32>
    %add3A_1065 = arith.addf %dot_general3A_1064, %get3A_11 : vector<128x200xf32>
    %max3A_1066 = arith.constant 0.000000e+00 : f32
    %max3A_1067 = vector.broadcast %max3A_1066 : f32 to vector<128x200xf32>
    %max3A_1068 = arith.maximumf %add3A_1065, %max3A_1067 : vector<128x200xf32>
    %dot_general3A_1069 = arith.constant dense<0.000000e+00> : vector<128x200xf32>
    %dot_general3A_1070 = tpu.matmul %get3A_14, %max3A_1068, %dot_general3A_1069 {dimension_numbers = #tpu.dot_dimension_numbers<[1], [0], [0], [1], [0, 0, 1, 1], [], []>, transpose_lhs_hint = false} : vector<128x128xf32>, vector<128x200xf32>, vector<128x200xf32> -> vector<128x200xf32>
    %add3A_1071 = arith.addf %dot_general3A_1070, %get3A_17 : vector<128x200xf32>
    %max3A_1072 = arith.constant 0.000000e+00 : f32
    %max3A_1073 = vector.broadcast %max3A_1072 : f32 to vector<128x200xf32>
    %max3A_1074 = arith.maximumf %add3A_1071, %max3A_1073 : vector<128x200xf32>
    %swap3A_1075 = arith.constant 45 : index
    %swap3A_1076 = arith.constant 0 : index
    %swap3A_1077 = arith.constant 0 : index
    %swap3A_1078 = vector.load %arg10[%swap3A_1075, %swap3A_1076, %swap3A_1077] : memref<50x128x200xf32, #tpu.memory_space<vmem>>, vector<1x128x200xf32>
    %swap3A_1079 = vector.shape_cast %swap3A_1078 : vector<1x128x200xf32> to vector<128x200xf32>
    %swap3A_1080 = vector.shape_cast %max3A_1074 : vector<128x200xf32> to vector<1x128x200xf32>
    tpu.vector_store %arg10[%swap3A_1075, %swap3A_1076, %swap3A_1077], %swap3A_1080 {strides = array<i32>} : memref<50x128x200xf32, #tpu.memory_space<vmem>>, vector<1x128x200xf32>,
    %get3A_1081 = arith.constant 46 : index
    %get3A_1082 = arith.constant 0 : index
    %get3A_1083 = arith.constant 0 : index
    %get3A_1084 = vector.load %arg1[%get3A_1081, %get3A_1082, %get3A_1083] : memref<50x128x200xf32, #tpu.memory_space<vmem>>, vector<1x128x200xf32>
    %get3A_1085 = vector.shape_cast %get3A_1084 : vector<1x128x200xf32> to vector<128x200xf32>
    %dot_general3A_1086 = arith.constant dense<0.000000e+00> : vector<128x200xf32>
    %dot_general3A_1087 = tpu.matmul %get3A_8, %get3A_1085, %dot_general3A_1086 {dimension_numbers = #tpu.dot_dimension_numbers<[1], [0], [0], [1], [0, 0, 1, 1], [], []>, transpose_lhs_hint = false} : vector<128x128xf32>, vector<128x200xf32>, vector<128x200xf32> -> vector<128x200xf32>
    %add3A_1088 = arith.addf %dot_general3A_1087, %get3A_11 : vector<128x200xf32>
    %max3A_1089 = arith.constant 0.000000e+00 : f32
    %max3A_1090 = vector.broadcast %max3A_1089 : f32 to vector<128x200xf32>
    %max3A_1091 = arith.maximumf %add3A_1088, %max3A_1090 : vector<128x200xf32>
    %dot_general3A_1092 = arith.constant dense<0.000000e+00> : vector<128x200xf32>
    %dot_general3A_1093 = tpu.matmul %get3A_14, %max3A_1091, %dot_general3A_1092 {dimension_numbers = #tpu.dot_dimension_numbers<[1], [0], [0], [1], [0, 0, 1, 1], [], []>, transpose_lhs_hint = false} : vector<128x128xf32>, vector<128x200xf32>, vector<128x200xf32> -> vector<128x200xf32>
    %add3A_1094 = arith.addf %dot_general3A_1093, %get3A_17 : vector<128x200xf32>
    %max3A_1095 = arith.constant 0.000000e+00 : f32
    %max3A_1096 = vector.broadcast %max3A_1095 : f32 to vector<128x200xf32>
    %max3A_1097 = arith.maximumf %add3A_1094, %max3A_1096 : vector<128x200xf32>
    %swap3A_1098 = arith.constant 46 : index
    %swap3A_1099 = arith.constant 0 : index
    %swap3A_1100 = arith.constant 0 : index
    %swap3A_1101 = vector.load %arg10[%swap3A_1098, %swap3A_1099, %swap3A_1100] : memref<50x128x200xf32, #tpu.memory_space<vmem>>, vector<1x128x200xf32>
    %swap3A_1102 = vector.shape_cast %swap3A_1101 : vector<1x128x200xf32> to vector<128x200xf32>
    %swap3A_1103 = vector.shape_cast %max3A_1097 : vector<128x200xf32> to vector<1x128x200xf32>
    tpu.vector_store %arg10[%swap3A_1098, %swap3A_1099, %swap3A_1100], %swap3A_1103 {strides = array<i32>} : memref<50x128x200xf32, #tpu.memory_space<vmem>>, vector<1x128x200xf32>,
    %get3A_1104 = arith.constant 47 : index
    %get3A_1105 = arith.constant 0 : index
    %get3A_1106 = arith.constant 0 : index
    %get3A_1107 = vector.load %arg1[%get3A_1104, %get3A_1105, %get3A_1106] : memref<50x128x200xf32, #tpu.memory_space<vmem>>, vector<1x128x200xf32>
    %get3A_1108 = vector.shape_cast %get3A_1107 : vector<1x128x200xf32> to vector<128x200xf32>
    %dot_general3A_1109 = arith.constant dense<0.000000e+00> : vector<128x200xf32>
    %dot_general3A_1110 = tpu.matmul %get3A_8, %get3A_1108, %dot_general3A_1109 {dimension_numbers = #tpu.dot_dimension_numbers<[1], [0], [0], [1], [0, 0, 1, 1], [], []>, transpose_lhs_hint = false} : vector<128x128xf32>, vector<128x200xf32>, vector<128x200xf32> -> vector<128x200xf32>
    %add3A_1111 = arith.addf %dot_general3A_1110, %get3A_11 : vector<128x200xf32>
    %max3A_1112 = arith.constant 0.000000e+00 : f32
    %max3A_1113 = vector.broadcast %max3A_1112 : f32 to vector<128x200xf32>
    %max3A_1114 = arith.maximumf %add3A_1111, %max3A_1113 : vector<128x200xf32>
    %dot_general3A_1115 = arith.constant dense<0.000000e+00> : vector<128x200xf32>
    %dot_general3A_1116 = tpu.matmul %get3A_14, %max3A_1114, %dot_general3A_1115 {dimension_numbers = #tpu.dot_dimension_numbers<[1], [0], [0], [1], [0, 0, 1, 1], [], []>, transpose_lhs_hint = false} : vector<128x128xf32>, vector<128x200xf32>, vector<128x200xf32> -> vector<128x200xf32>
    %add3A_1117 = arith.addf %dot_general3A_1116, %get3A_17 : vector<128x200xf32>
    %max3A_1118 = arith.constant 0.000000e+00 : f32
    %max3A_1119 = vector.broadcast %max3A_1118 : f32 to vector<128x200xf32>
    %max3A_1120 = arith.maximumf %add3A_1117, %max3A_1119 : vector<128x200xf32>
    %swap3A_1121 = arith.constant 47 : index
    %swap3A_1122 = arith.constant 0 : index
    %swap3A_1123 = arith.constant 0 : index
    %swap3A_1124 = vector.load %arg10[%swap3A_1121, %swap3A_1122, %swap3A_1123] : memref<50x128x200xf32, #tpu.memory_space<vmem>>, vector<1x128x200xf32>
    %swap3A_1125 = vector.shape_cast %swap3A_1124 : vector<1x128x200xf32> to vector<128x200xf32>
    %swap3A_1126 = vector.shape_cast %max3A_1120 : vector<128x200xf32> to vector<1x128x200xf32>
    tpu.vector_store %arg10[%swap3A_1121, %swap3A_1122, %swap3A_1123], %swap3A_1126 {strides = array<i32>} : memref<50x128x200xf32, #tpu.memory_space<vmem>>, vector<1x128x200xf32>,
    %get3A_1127 = arith.constant 48 : index
    %get3A_1128 = arith.constant 0 : index
    %get3A_1129 = arith.constant 0 : index
    %get3A_1130 = vector.load %arg1[%get3A_1127, %get3A_1128, %get3A_1129] : memref<50x128x200xf32, #tpu.memory_space<vmem>>, vector<1x128x200xf32>
    %get3A_1131 = vector.shape_cast %get3A_1130 : vector<1x128x200xf32> to vector<128x200xf32>
    %dot_general3A_1132 = arith.constant dense<0.000000e+00> : vector<128x200xf32>
    %dot_general3A_1133 = tpu.matmul %get3A_8, %get3A_1131, %dot_general3A_1132 {dimension_numbers = #tpu.dot_dimension_numbers<[1], [0], [0], [1], [0, 0, 1, 1], [], []>, transpose_lhs_hint = false} : vector<128x128xf32>, vector<128x200xf32>, vector<128x200xf32> -> vector<128x200xf32>
    %add3A_1134 = arith.addf %dot_general3A_1133, %get3A_11 : vector<128x200xf32>
    %max3A_1135 = arith.constant 0.000000e+00 : f32
    %max3A_1136 = vector.broadcast %max3A_1135 : f32 to vector<128x200xf32>
    %max3A_1137 = arith.maximumf %add3A_1134, %max3A_1136 : vector<128x200xf32>
    %dot_general3A_1138 = arith.constant dense<0.000000e+00> : vector<128x200xf32>
    %dot_general3A_1139 = tpu.matmul %get3A_14, %max3A_1137, %dot_general3A_1138 {dimension_numbers = #tpu.dot_dimension_numbers<[1], [0], [0], [1], [0, 0, 1, 1], [], []>, transpose_lhs_hint = false} : vector<128x128xf32>, vector<128x200xf32>, vector<128x200xf32> -> vector<128x200xf32>
    %add3A_1140 = arith.addf %dot_general3A_1139, %get3A_17 : vector<128x200xf32>
    %max3A_1141 = arith.constant 0.000000e+00 : f32
    %max3A_1142 = vector.broadcast %max3A_1141 : f32 to vector<128x200xf32>
    %max3A_1143 = arith.maximumf %add3A_1140, %max3A_1142 : vector<128x200xf32>
    %swap3A_1144 = arith.constant 48 : index
    %swap3A_1145 = arith.constant 0 : index
    %swap3A_1146 = arith.constant 0 : index
    %swap3A_1147 = vector.load %arg10[%swap3A_1144, %swap3A_1145, %swap3A_1146] : memref<50x128x200xf32, #tpu.memory_space<vmem>>, vector<1x128x200xf32>
    %swap3A_1148 = vector.shape_cast %swap3A_1147 : vector<1x128x200xf32> to vector<128x200xf32>
    %swap3A_1149 = vector.shape_cast %max3A_1143 : vector<128x200xf32> to vector<1x128x200xf32>
    tpu.vector_store %arg10[%swap3A_1144, %swap3A_1145, %swap3A_1146], %swap3A_1149 {strides = array<i32>} : memref<50x128x200xf32, #tpu.memory_space<vmem>>, vector<1x128x200xf32>,
    %get3A_1150 = arith.constant 49 : index
    %get3A_1151 = arith.constant 0 : index
    %get3A_1152 = arith.constant 0 : index
    %get3A_1153 = vector.load %arg1[%get3A_1150, %get3A_1151, %get3A_1152] : memref<50x128x200xf32, #tpu.memory_space<vmem>>, vector<1x128x200xf32>
    %get3A_1154 = vector.shape_cast %get3A_1153 : vector<1x128x200xf32> to vector<128x200xf32>
    %dot_general3A_1155 = arith.constant dense<0.000000e+00> : vector<128x200xf32>
    %dot_general3A_1156 = tpu.matmul %get3A_8, %get3A_1154, %dot_general3A_1155 {dimension_numbers = #tpu.dot_dimension_numbers<[1], [0], [0], [1], [0, 0, 1, 1], [], []>, transpose_lhs_hint = false} : vector<128x128xf32>, vector<128x200xf32>, vector<128x200xf32> -> vector<128x200xf32>
    %add3A_1157 = arith.addf %dot_general3A_1156, %get3A_11 : vector<128x200xf32>
    %max3A_1158 = arith.constant 0.000000e+00 : f32
    %max3A_1159 = vector.broadcast %max3A_1158 : f32 to vector<128x200xf32>
    %max3A_1160 = arith.maximumf %add3A_1157, %max3A_1159 : vector<128x200xf32>
    %dot_general3A_1161 = arith.constant dense<0.000000e+00> : vector<128x200xf32>
    %dot_general3A_1162 = tpu.matmul %get3A_14, %max3A_1160, %dot_general3A_1161 {dimension_numbers = #tpu.dot_dimension_numbers<[1], [0], [0], [1], [0, 0, 1, 1], [], []>, transpose_lhs_hint = false} : vector<128x128xf32>, vector<128x200xf32>, vector<128x200xf32> -> vector<128x200xf32>
    %add3A_1163 = arith.addf %dot_general3A_1162, %get3A_17 : vector<128x200xf32>
    %max3A_1164 = arith.constant 0.000000e+00 : f32
    %max3A_1165 = vector.broadcast %max3A_1164 : f32 to vector<128x200xf32>
    %max3A_1166 = arith.maximumf %add3A_1163, %max3A_1165 : vector<128x200xf32>
    %swap3A_1167 = arith.constant 49 : index
    %swap3A_1168 = arith.constant 0 : index
    %swap3A_1169 = arith.constant 0 : index
    %swap3A_1170 = vector.load %arg10[%swap3A_1167, %swap3A_1168, %swap3A_1169] : memref<50x128x200xf32, #tpu.memory_space<vmem>>, vector<1x128x200xf32>
    %swap3A_1171 = vector.shape_cast %swap3A_1170 : vector<1x128x200xf32> to vector<128x200xf32>
    %swap3A_1172 = vector.shape_cast %max3A_1166 : vector<128x200xf32> to vector<1x128x200xf32>
    tpu.vector_store %arg10[%swap3A_1167, %swap3A_1168, %swap3A_1169], %swap3A_1172 {strides = array<i32>} : memref<50x128x200xf32, #tpu.memory_space<vmem>>, vector<1x128x200xf32>,
    %scan3A = arith.constant 0 : i32
    %scan3A_1173 = arith.constant 100 : i32
    %scan3A_1174 = arith.addi %scan3A, %scan3A_1173 : i32
    %scan3A_1175 = arith.constant 1 : i32
    scf.for %scan3A_1177 = %scan3A to %scan3A_1174 step %scan3A_1175  : i32 {
      %lt3A = arith.constant 50 : i32
      %lt3A_1178 = arith.cmpi slt, %scan3A_1177, %lt3A : i32
      %sub3A = arith.constant 99 : i32
      %sub3A_1179 = arith.subi %sub3A, %scan3A_1177 : i32
      %select_n3A = arith.select %lt3A_1178, %scan3A_1177, %sub3A_1179 : i32
      %get3A_1180 = arith.index_cast %scan3A_1177 : i32 to index
      %get3A_1181 = arith.constant 0 : index
      %get3A_1182 = arith.constant 0 : index
      %get3A_1183 = vector.load %arg2[%get3A_1180, %get3A_1181, %get3A_1182] : memref<100x50x256xf32, #tpu.memory_space<vmem>>, vector<1x50x256xf32>
      %squeeze3A = vector.shape_cast %get3A_1183 : vector<1x50x256xf32> to vector<50x256xf32>
      %slice3A = vector.extract_strided_slice %squeeze3A {offsets = [0, 0], sizes = [1, 200], strides = [1, 1]} : vector<50x256xf32> to vector<1x200xf32>
      %get3A_1184 = arith.constant 0 : index
      %get3A_1185 = arith.constant 0 : index
      %get3A_1186 = arith.constant 0 : index
      %get3A_1187 = vector.load %arg10[%get3A_1184, %get3A_1185, %get3A_1186] : memref<50x128x200xf32, #tpu.memory_space<vmem>>, vector<1x128x200xf32>
      %get3A_1188 = vector.shape_cast %get3A_1187 : vector<1x128x200xf32> to vector<128x200xf32>
      %mul3A = vector.broadcast %slice3A : vector<1x200xf32> to vector<128x200xf32>
      %mul3A_1189 = arith.mulf %mul3A, %get3A_1188 : vector<128x200xf32>
      %slice3A_1190 = vector.extract_strided_slice %squeeze3A {offsets = [1, 0], sizes = [1, 200], strides = [1, 1]} : vector<50x256xf32> to vector<1x200xf32>
      %get3A_1191 = arith.constant 1 : index
      %get3A_1192 = arith.constant 0 : index
      %get3A_1193 = arith.constant 0 : index
      %get3A_1194 = vector.load %arg10[%get3A_1191, %get3A_1192, %get3A_1193] : memref<50x128x200xf32, #tpu.memory_space<vmem>>, vector<1x128x200xf32>
      %get3A_1195 = vector.shape_cast %get3A_1194 : vector<1x128x200xf32> to vector<128x200xf32>
      %mul3A_1196 = vector.broadcast %slice3A_1190 : vector<1x200xf32> to vector<128x200xf32>
      %mul3A_1197 = arith.mulf %mul3A_1196, %get3A_1195 : vector<128x200xf32>
      %add3A_1198 = arith.addf %mul3A_1189, %mul3A_1197 : vector<128x200xf32>
      %slice3A_1199 = vector.extract_strided_slice %squeeze3A {offsets = [2, 0], sizes = [1, 200], strides = [1, 1]} : vector<50x256xf32> to vector<1x200xf32>
      %get3A_1200 = arith.constant 2 : index
      %get3A_1201 = arith.constant 0 : index
      %get3A_1202 = arith.constant 0 : index
      %get3A_1203 = vector.load %arg10[%get3A_1200, %get3A_1201, %get3A_1202] : memref<50x128x200xf32, #tpu.memory_space<vmem>>, vector<1x128x200xf32>
      %get3A_1204 = vector.shape_cast %get3A_1203 : vector<1x128x200xf32> to vector<128x200xf32>
      %mul3A_1205 = vector.broadcast %slice3A_1199 : vector<1x200xf32> to vector<128x200xf32>
      %mul3A_1206 = arith.mulf %mul3A_1205, %get3A_1204 : vector<128x200xf32>
      %add3A_1207 = arith.addf %add3A_1198, %mul3A_1206 : vector<128x200xf32>
      %slice3A_1208 = vector.extract_strided_slice %squeeze3A {offsets = [3, 0], sizes = [1, 200], strides = [1, 1]} : vector<50x256xf32> to vector<1x200xf32>
      %get3A_1209 = arith.constant 3 : index
      %get3A_1210 = arith.constant 0 : index
      %get3A_1211 = arith.constant 0 : index
      %get3A_1212 = vector.load %arg10[%get3A_1209, %get3A_1210, %get3A_1211] : memref<50x128x200xf32, #tpu.memory_space<vmem>>, vector<1x128x200xf32>
      %get3A_1213 = vector.shape_cast %get3A_1212 : vector<1x128x200xf32> to vector<128x200xf32>
      %mul3A_1214 = vector.broadcast %slice3A_1208 : vector<1x200xf32> to vector<128x200xf32>
      %mul3A_1215 = arith.mulf %mul3A_1214, %get3A_1213 : vector<128x200xf32>
      %add3A_1216 = arith.addf %add3A_1207, %mul3A_1215 : vector<128x200xf32>
      %slice3A_1217 = vector.extract_strided_slice %squeeze3A {offsets = [4, 0], sizes = [1, 200], strides = [1, 1]} : vector<50x256xf32> to vector<1x200xf32>
      %get3A_1218 = arith.constant 4 : index
      %get3A_1219 = arith.constant 0 : index
      %get3A_1220 = arith.constant 0 : index
      %get3A_1221 = vector.load %arg10[%get3A_1218, %get3A_1219, %get3A_1220] : memref<50x128x200xf32, #tpu.memory_space<vmem>>, vector<1x128x200xf32>
      %get3A_1222 = vector.shape_cast %get3A_1221 : vector<1x128x200xf32> to vector<128x200xf32>
      %mul3A_1223 = vector.broadcast %slice3A_1217 : vector<1x200xf32> to vector<128x200xf32>
      %mul3A_1224 = arith.mulf %mul3A_1223, %get3A_1222 : vector<128x200xf32>
      %add3A_1225 = arith.addf %add3A_1216, %mul3A_1224 : vector<128x200xf32>
      %slice3A_1226 = vector.extract_strided_slice %squeeze3A {offsets = [5, 0], sizes = [1, 200], strides = [1, 1]} : vector<50x256xf32> to vector<1x200xf32>
      %get3A_1227 = arith.constant 5 : index
      %get3A_1228 = arith.constant 0 : index
      %get3A_1229 = arith.constant 0 : index
      %get3A_1230 = vector.load %arg10[%get3A_1227, %get3A_1228, %get3A_1229] : memref<50x128x200xf32, #tpu.memory_space<vmem>>, vector<1x128x200xf32>
      %get3A_1231 = vector.shape_cast %get3A_1230 : vector<1x128x200xf32> to vector<128x200xf32>
      %mul3A_1232 = vector.broadcast %slice3A_1226 : vector<1x200xf32> to vector<128x200xf32>
      %mul3A_1233 = arith.mulf %mul3A_1232, %get3A_1231 : vector<128x200xf32>
      %add3A_1234 = arith.addf %add3A_1225, %mul3A_1233 : vector<128x200xf32>
      %slice3A_1235 = vector.extract_strided_slice %squeeze3A {offsets = [6, 0], sizes = [1, 200], strides = [1, 1]} : vector<50x256xf32> to vector<1x200xf32>
      %get3A_1236 = arith.constant 6 : index
      %get3A_1237 = arith.constant 0 : index
      %get3A_1238 = arith.constant 0 : index
      %get3A_1239 = vector.load %arg10[%get3A_1236, %get3A_1237, %get3A_1238] : memref<50x128x200xf32, #tpu.memory_space<vmem>>, vector<1x128x200xf32>
      %get3A_1240 = vector.shape_cast %get3A_1239 : vector<1x128x200xf32> to vector<128x200xf32>
      %mul3A_1241 = vector.broadcast %slice3A_1235 : vector<1x200xf32> to vector<128x200xf32>
      %mul3A_1242 = arith.mulf %mul3A_1241, %get3A_1240 : vector<128x200xf32>
      %add3A_1243 = arith.addf %add3A_1234, %mul3A_1242 : vector<128x200xf32>
      %slice3A_1244 = vector.extract_strided_slice %squeeze3A {offsets = [7, 0], sizes = [1, 200], strides = [1, 1]} : vector<50x256xf32> to vector<1x200xf32>
      %get3A_1245 = arith.constant 7 : index
      %get3A_1246 = arith.constant 0 : index
      %get3A_1247 = arith.constant 0 : index
      %get3A_1248 = vector.load %arg10[%get3A_1245, %get3A_1246, %get3A_1247] : memref<50x128x200xf32, #tpu.memory_space<vmem>>, vector<1x128x200xf32>
      %get3A_1249 = vector.shape_cast %get3A_1248 : vector<1x128x200xf32> to vector<128x200xf32>
      %mul3A_1250 = vector.broadcast %slice3A_1244 : vector<1x200xf32> to vector<128x200xf32>
      %mul3A_1251 = arith.mulf %mul3A_1250, %get3A_1249 : vector<128x200xf32>
      %add3A_1252 = arith.addf %add3A_1243, %mul3A_1251 : vector<128x200xf32>
      %slice3A_1253 = vector.extract_strided_slice %squeeze3A {offsets = [8, 0], sizes = [1, 200], strides = [1, 1]} : vector<50x256xf32> to vector<1x200xf32>
      %get3A_1254 = arith.constant 8 : index
      %get3A_1255 = arith.constant 0 : index
      %get3A_1256 = arith.constant 0 : index
      %get3A_1257 = vector.load %arg10[%get3A_1254, %get3A_1255, %get3A_1256] : memref<50x128x200xf32, #tpu.memory_space<vmem>>, vector<1x128x200xf32>
      %get3A_1258 = vector.shape_cast %get3A_1257 : vector<1x128x200xf32> to vector<128x200xf32>
      %mul3A_1259 = vector.broadcast %slice3A_1253 : vector<1x200xf32> to vector<128x200xf32>
      %mul3A_1260 = arith.mulf %mul3A_1259, %get3A_1258 : vector<128x200xf32>
      %add3A_1261 = arith.addf %add3A_1252, %mul3A_1260 : vector<128x200xf32>
      %slice3A_1262 = vector.extract_strided_slice %squeeze3A {offsets = [9, 0], sizes = [1, 200], strides = [1, 1]} : vector<50x256xf32> to vector<1x200xf32>
      %get3A_1263 = arith.constant 9 : index
      %get3A_1264 = arith.constant 0 : index
      %get3A_1265 = arith.constant 0 : index
      %get3A_1266 = vector.load %arg10[%get3A_1263, %get3A_1264, %get3A_1265] : memref<50x128x200xf32, #tpu.memory_space<vmem>>, vector<1x128x200xf32>
      %get3A_1267 = vector.shape_cast %get3A_1266 : vector<1x128x200xf32> to vector<128x200xf32>
      %mul3A_1268 = vector.broadcast %slice3A_1262 : vector<1x200xf32> to vector<128x200xf32>
      %mul3A_1269 = arith.mulf %mul3A_1268, %get3A_1267 : vector<128x200xf32>
      %add3A_1270 = arith.addf %add3A_1261, %mul3A_1269 : vector<128x200xf32>
      %slice3A_1271 = vector.extract_strided_slice %squeeze3A {offsets = [10, 0], sizes = [1, 200], strides = [1, 1]} : vector<50x256xf32> to vector<1x200xf32>
      %get3A_1272 = arith.constant 10 : index
      %get3A_1273 = arith.constant 0 : index
      %get3A_1274 = arith.constant 0 : index
      %get3A_1275 = vector.load %arg10[%get3A_1272, %get3A_1273, %get3A_1274] : memref<50x128x200xf32, #tpu.memory_space<vmem>>, vector<1x128x200xf32>
      %get3A_1276 = vector.shape_cast %get3A_1275 : vector<1x128x200xf32> to vector<128x200xf32>
      %mul3A_1277 = vector.broadcast %slice3A_1271 : vector<1x200xf32> to vector<128x200xf32>
      %mul3A_1278 = arith.mulf %mul3A_1277, %get3A_1276 : vector<128x200xf32>
      %add3A_1279 = arith.addf %add3A_1270, %mul3A_1278 : vector<128x200xf32>
      %slice3A_1280 = vector.extract_strided_slice %squeeze3A {offsets = [11, 0], sizes = [1, 200], strides = [1, 1]} : vector<50x256xf32> to vector<1x200xf32>
      %get3A_1281 = arith.constant 11 : index
      %get3A_1282 = arith.constant 0 : index
      %get3A_1283 = arith.constant 0 : index
      %get3A_1284 = vector.load %arg10[%get3A_1281, %get3A_1282, %get3A_1283] : memref<50x128x200xf32, #tpu.memory_space<vmem>>, vector<1x128x200xf32>
      %get3A_1285 = vector.shape_cast %get3A_1284 : vector<1x128x200xf32> to vector<128x200xf32>
      %mul3A_1286 = vector.broadcast %slice3A_1280 : vector<1x200xf32> to vector<128x200xf32>
      %mul3A_1287 = arith.mulf %mul3A_1286, %get3A_1285 : vector<128x200xf32>
      %add3A_1288 = arith.addf %add3A_1279, %mul3A_1287 : vector<128x200xf32>
      %slice3A_1289 = vector.extract_strided_slice %squeeze3A {offsets = [12, 0], sizes = [1, 200], strides = [1, 1]} : vector<50x256xf32> to vector<1x200xf32>
      %get3A_1290 = arith.constant 12 : index
      %get3A_1291 = arith.constant 0 : index
      %get3A_1292 = arith.constant 0 : index
      %get3A_1293 = vector.load %arg10[%get3A_1290, %get3A_1291, %get3A_1292] : memref<50x128x200xf32, #tpu.memory_space<vmem>>, vector<1x128x200xf32>
      %get3A_1294 = vector.shape_cast %get3A_1293 : vector<1x128x200xf32> to vector<128x200xf32>
      %mul3A_1295 = vector.broadcast %slice3A_1289 : vector<1x200xf32> to vector<128x200xf32>
      %mul3A_1296 = arith.mulf %mul3A_1295, %get3A_1294 : vector<128x200xf32>
      %add3A_1297 = arith.addf %add3A_1288, %mul3A_1296 : vector<128x200xf32>
      %slice3A_1298 = vector.extract_strided_slice %squeeze3A {offsets = [13, 0], sizes = [1, 200], strides = [1, 1]} : vector<50x256xf32> to vector<1x200xf32>
      %get3A_1299 = arith.constant 13 : index
      %get3A_1300 = arith.constant 0 : index
      %get3A_1301 = arith.constant 0 : index
      %get3A_1302 = vector.load %arg10[%get3A_1299, %get3A_1300, %get3A_1301] : memref<50x128x200xf32, #tpu.memory_space<vmem>>, vector<1x128x200xf32>
      %get3A_1303 = vector.shape_cast %get3A_1302 : vector<1x128x200xf32> to vector<128x200xf32>
      %mul3A_1304 = vector.broadcast %slice3A_1298 : vector<1x200xf32> to vector<128x200xf32>
      %mul3A_1305 = arith.mulf %mul3A_1304, %get3A_1303 : vector<128x200xf32>
      %add3A_1306 = arith.addf %add3A_1297, %mul3A_1305 : vector<128x200xf32>
      %slice3A_1307 = vector.extract_strided_slice %squeeze3A {offsets = [14, 0], sizes = [1, 200], strides = [1, 1]} : vector<50x256xf32> to vector<1x200xf32>
      %get3A_1308 = arith.constant 14 : index
      %get3A_1309 = arith.constant 0 : index
      %get3A_1310 = arith.constant 0 : index
      %get3A_1311 = vector.load %arg10[%get3A_1308, %get3A_1309, %get3A_1310] : memref<50x128x200xf32, #tpu.memory_space<vmem>>, vector<1x128x200xf32>
      %get3A_1312 = vector.shape_cast %get3A_1311 : vector<1x128x200xf32> to vector<128x200xf32>
      %mul3A_1313 = vector.broadcast %slice3A_1307 : vector<1x200xf32> to vector<128x200xf32>
      %mul3A_1314 = arith.mulf %mul3A_1313, %get3A_1312 : vector<128x200xf32>
      %add3A_1315 = arith.addf %add3A_1306, %mul3A_1314 : vector<128x200xf32>
      %slice3A_1316 = vector.extract_strided_slice %squeeze3A {offsets = [15, 0], sizes = [1, 200], strides = [1, 1]} : vector<50x256xf32> to vector<1x200xf32>
      %get3A_1317 = arith.constant 15 : index
      %get3A_1318 = arith.constant 0 : index
      %get3A_1319 = arith.constant 0 : index
      %get3A_1320 = vector.load %arg10[%get3A_1317, %get3A_1318, %get3A_1319] : memref<50x128x200xf32, #tpu.memory_space<vmem>>, vector<1x128x200xf32>
      %get3A_1321 = vector.shape_cast %get3A_1320 : vector<1x128x200xf32> to vector<128x200xf32>
      %mul3A_1322 = vector.broadcast %slice3A_1316 : vector<1x200xf32> to vector<128x200xf32>
      %mul3A_1323 = arith.mulf %mul3A_1322, %get3A_1321 : vector<128x200xf32>
      %add3A_1324 = arith.addf %add3A_1315, %mul3A_1323 : vector<128x200xf32>
      %slice3A_1325 = vector.extract_strided_slice %squeeze3A {offsets = [16, 0], sizes = [1, 200], strides = [1, 1]} : vector<50x256xf32> to vector<1x200xf32>
      %get3A_1326 = arith.constant 16 : index
      %get3A_1327 = arith.constant 0 : index
      %get3A_1328 = arith.constant 0 : index
      %get3A_1329 = vector.load %arg10[%get3A_1326, %get3A_1327, %get3A_1328] : memref<50x128x200xf32, #tpu.memory_space<vmem>>, vector<1x128x200xf32>
      %get3A_1330 = vector.shape_cast %get3A_1329 : vector<1x128x200xf32> to vector<128x200xf32>
      %mul3A_1331 = vector.broadcast %slice3A_1325 : vector<1x200xf32> to vector<128x200xf32>
      %mul3A_1332 = arith.mulf %mul3A_1331, %get3A_1330 : vector<128x200xf32>
      %add3A_1333 = arith.addf %add3A_1324, %mul3A_1332 : vector<128x200xf32>
      %slice3A_1334 = vector.extract_strided_slice %squeeze3A {offsets = [17, 0], sizes = [1, 200], strides = [1, 1]} : vector<50x256xf32> to vector<1x200xf32>
      %get3A_1335 = arith.constant 17 : index
      %get3A_1336 = arith.constant 0 : index
      %get3A_1337 = arith.constant 0 : index
      %get3A_1338 = vector.load %arg10[%get3A_1335, %get3A_1336, %get3A_1337] : memref<50x128x200xf32, #tpu.memory_space<vmem>>, vector<1x128x200xf32>
      %get3A_1339 = vector.shape_cast %get3A_1338 : vector<1x128x200xf32> to vector<128x200xf32>
      %mul3A_1340 = vector.broadcast %slice3A_1334 : vector<1x200xf32> to vector<128x200xf32>
      %mul3A_1341 = arith.mulf %mul3A_1340, %get3A_1339 : vector<128x200xf32>
      %add3A_1342 = arith.addf %add3A_1333, %mul3A_1341 : vector<128x200xf32>
      %slice3A_1343 = vector.extract_strided_slice %squeeze3A {offsets = [18, 0], sizes = [1, 200], strides = [1, 1]} : vector<50x256xf32> to vector<1x200xf32>
      %get3A_1344 = arith.constant 18 : index
      %get3A_1345 = arith.constant 0 : index
      %get3A_1346 = arith.constant 0 : index
      %get3A_1347 = vector.load %arg10[%get3A_1344, %get3A_1345, %get3A_1346] : memref<50x128x200xf32, #tpu.memory_space<vmem>>, vector<1x128x200xf32>
      %get3A_1348 = vector.shape_cast %get3A_1347 : vector<1x128x200xf32> to vector<128x200xf32>
      %mul3A_1349 = vector.broadcast %slice3A_1343 : vector<1x200xf32> to vector<128x200xf32>
      %mul3A_1350 = arith.mulf %mul3A_1349, %get3A_1348 : vector<128x200xf32>
      %add3A_1351 = arith.addf %add3A_1342, %mul3A_1350 : vector<128x200xf32>
      %slice3A_1352 = vector.extract_strided_slice %squeeze3A {offsets = [19, 0], sizes = [1, 200], strides = [1, 1]} : vector<50x256xf32> to vector<1x200xf32>
      %get3A_1353 = arith.constant 19 : index
      %get3A_1354 = arith.constant 0 : index
      %get3A_1355 = arith.constant 0 : index
      %get3A_1356 = vector.load %arg10[%get3A_1353, %get3A_1354, %get3A_1355] : memref<50x128x200xf32, #tpu.memory_space<vmem>>, vector<1x128x200xf32>
      %get3A_1357 = vector.shape_cast %get3A_1356 : vector<1x128x200xf32> to vector<128x200xf32>
      %mul3A_1358 = vector.broadcast %slice3A_1352 : vector<1x200xf32> to vector<128x200xf32>
      %mul3A_1359 = arith.mulf %mul3A_1358, %get3A_1357 : vector<128x200xf32>
      %add3A_1360 = arith.addf %add3A_1351, %mul3A_1359 : vector<128x200xf32>
      %slice3A_1361 = vector.extract_strided_slice %squeeze3A {offsets = [20, 0], sizes = [1, 200], strides = [1, 1]} : vector<50x256xf32> to vector<1x200xf32>
      %get3A_1362 = arith.constant 20 : index
      %get3A_1363 = arith.constant 0 : index
      %get3A_1364 = arith.constant 0 : index
      %get3A_1365 = vector.load %arg10[%get3A_1362, %get3A_1363, %get3A_1364] : memref<50x128x200xf32, #tpu.memory_space<vmem>>, vector<1x128x200xf32>
      %get3A_1366 = vector.shape_cast %get3A_1365 : vector<1x128x200xf32> to vector<128x200xf32>
      %mul3A_1367 = vector.broadcast %slice3A_1361 : vector<1x200xf32> to vector<128x200xf32>
      %mul3A_1368 = arith.mulf %mul3A_1367, %get3A_1366 : vector<128x200xf32>
      %add3A_1369 = arith.addf %add3A_1360, %mul3A_1368 : vector<128x200xf32>
      %slice3A_1370 = vector.extract_strided_slice %squeeze3A {offsets = [21, 0], sizes = [1, 200], strides = [1, 1]} : vector<50x256xf32> to vector<1x200xf32>
      %get3A_1371 = arith.constant 21 : index
      %get3A_1372 = arith.constant 0 : index
      %get3A_1373 = arith.constant 0 : index
      %get3A_1374 = vector.load %arg10[%get3A_1371, %get3A_1372, %get3A_1373] : memref<50x128x200xf32, #tpu.memory_space<vmem>>, vector<1x128x200xf32>
      %get3A_1375 = vector.shape_cast %get3A_1374 : vector<1x128x200xf32> to vector<128x200xf32>
      %mul3A_1376 = vector.broadcast %slice3A_1370 : vector<1x200xf32> to vector<128x200xf32>
      %mul3A_1377 = arith.mulf %mul3A_1376, %get3A_1375 : vector<128x200xf32>
      %add3A_1378 = arith.addf %add3A_1369, %mul3A_1377 : vector<128x200xf32>
      %slice3A_1379 = vector.extract_strided_slice %squeeze3A {offsets = [22, 0], sizes = [1, 200], strides = [1, 1]} : vector<50x256xf32> to vector<1x200xf32>
      %get3A_1380 = arith.constant 22 : index
      %get3A_1381 = arith.constant 0 : index
      %get3A_1382 = arith.constant 0 : index
      %get3A_1383 = vector.load %arg10[%get3A_1380, %get3A_1381, %get3A_1382] : memref<50x128x200xf32, #tpu.memory_space<vmem>>, vector<1x128x200xf32>
      %get3A_1384 = vector.shape_cast %get3A_1383 : vector<1x128x200xf32> to vector<128x200xf32>
      %mul3A_1385 = vector.broadcast %slice3A_1379 : vector<1x200xf32> to vector<128x200xf32>
      %mul3A_1386 = arith.mulf %mul3A_1385, %get3A_1384 : vector<128x200xf32>
      %add3A_1387 = arith.addf %add3A_1378, %mul3A_1386 : vector<128x200xf32>
      %slice3A_1388 = vector.extract_strided_slice %squeeze3A {offsets = [23, 0], sizes = [1, 200], strides = [1, 1]} : vector<50x256xf32> to vector<1x200xf32>
      %get3A_1389 = arith.constant 23 : index
      %get3A_1390 = arith.constant 0 : index
      %get3A_1391 = arith.constant 0 : index
      %get3A_1392 = vector.load %arg10[%get3A_1389, %get3A_1390, %get3A_1391] : memref<50x128x200xf32, #tpu.memory_space<vmem>>, vector<1x128x200xf32>
      %get3A_1393 = vector.shape_cast %get3A_1392 : vector<1x128x200xf32> to vector<128x200xf32>
      %mul3A_1394 = vector.broadcast %slice3A_1388 : vector<1x200xf32> to vector<128x200xf32>
      %mul3A_1395 = arith.mulf %mul3A_1394, %get3A_1393 : vector<128x200xf32>
      %add3A_1396 = arith.addf %add3A_1387, %mul3A_1395 : vector<128x200xf32>
      %slice3A_1397 = vector.extract_strided_slice %squeeze3A {offsets = [24, 0], sizes = [1, 200], strides = [1, 1]} : vector<50x256xf32> to vector<1x200xf32>
      %get3A_1398 = arith.constant 24 : index
      %get3A_1399 = arith.constant 0 : index
      %get3A_1400 = arith.constant 0 : index
      %get3A_1401 = vector.load %arg10[%get3A_1398, %get3A_1399, %get3A_1400] : memref<50x128x200xf32, #tpu.memory_space<vmem>>, vector<1x128x200xf32>
      %get3A_1402 = vector.shape_cast %get3A_1401 : vector<1x128x200xf32> to vector<128x200xf32>
      %mul3A_1403 = vector.broadcast %slice3A_1397 : vector<1x200xf32> to vector<128x200xf32>
      %mul3A_1404 = arith.mulf %mul3A_1403, %get3A_1402 : vector<128x200xf32>
      %add3A_1405 = arith.addf %add3A_1396, %mul3A_1404 : vector<128x200xf32>
      %slice3A_1406 = vector.extract_strided_slice %squeeze3A {offsets = [25, 0], sizes = [1, 200], strides = [1, 1]} : vector<50x256xf32> to vector<1x200xf32>
      %get3A_1407 = arith.constant 25 : index
      %get3A_1408 = arith.constant 0 : index
      %get3A_1409 = arith.constant 0 : index
      %get3A_1410 = vector.load %arg10[%get3A_1407, %get3A_1408, %get3A_1409] : memref<50x128x200xf32, #tpu.memory_space<vmem>>, vector<1x128x200xf32>
      %get3A_1411 = vector.shape_cast %get3A_1410 : vector<1x128x200xf32> to vector<128x200xf32>
      %mul3A_1412 = vector.broadcast %slice3A_1406 : vector<1x200xf32> to vector<128x200xf32>
      %mul3A_1413 = arith.mulf %mul3A_1412, %get3A_1411 : vector<128x200xf32>
      %add3A_1414 = arith.addf %add3A_1405, %mul3A_1413 : vector<128x200xf32>
      %slice3A_1415 = vector.extract_strided_slice %squeeze3A {offsets = [26, 0], sizes = [1, 200], strides = [1, 1]} : vector<50x256xf32> to vector<1x200xf32>
      %get3A_1416 = arith.constant 26 : index
      %get3A_1417 = arith.constant 0 : index
      %get3A_1418 = arith.constant 0 : index
      %get3A_1419 = vector.load %arg10[%get3A_1416, %get3A_1417, %get3A_1418] : memref<50x128x200xf32, #tpu.memory_space<vmem>>, vector<1x128x200xf32>
      %get3A_1420 = vector.shape_cast %get3A_1419 : vector<1x128x200xf32> to vector<128x200xf32>
      %mul3A_1421 = vector.broadcast %slice3A_1415 : vector<1x200xf32> to vector<128x200xf32>
      %mul3A_1422 = arith.mulf %mul3A_1421, %get3A_1420 : vector<128x200xf32>
      %add3A_1423 = arith.addf %add3A_1414, %mul3A_1422 : vector<128x200xf32>
      %slice3A_1424 = vector.extract_strided_slice %squeeze3A {offsets = [27, 0], sizes = [1, 200], strides = [1, 1]} : vector<50x256xf32> to vector<1x200xf32>
      %get3A_1425 = arith.constant 27 : index
      %get3A_1426 = arith.constant 0 : index
      %get3A_1427 = arith.constant 0 : index
      %get3A_1428 = vector.load %arg10[%get3A_1425, %get3A_1426, %get3A_1427] : memref<50x128x200xf32, #tpu.memory_space<vmem>>, vector<1x128x200xf32>
      %get3A_1429 = vector.shape_cast %get3A_1428 : vector<1x128x200xf32> to vector<128x200xf32>
      %mul3A_1430 = vector.broadcast %slice3A_1424 : vector<1x200xf32> to vector<128x200xf32>
      %mul3A_1431 = arith.mulf %mul3A_1430, %get3A_1429 : vector<128x200xf32>
      %add3A_1432 = arith.addf %add3A_1423, %mul3A_1431 : vector<128x200xf32>
      %slice3A_1433 = vector.extract_strided_slice %squeeze3A {offsets = [28, 0], sizes = [1, 200], strides = [1, 1]} : vector<50x256xf32> to vector<1x200xf32>
      %get3A_1434 = arith.constant 28 : index
      %get3A_1435 = arith.constant 0 : index
      %get3A_1436 = arith.constant 0 : index
      %get3A_1437 = vector.load %arg10[%get3A_1434, %get3A_1435, %get3A_1436] : memref<50x128x200xf32, #tpu.memory_space<vmem>>, vector<1x128x200xf32>
      %get3A_1438 = vector.shape_cast %get3A_1437 : vector<1x128x200xf32> to vector<128x200xf32>
      %mul3A_1439 = vector.broadcast %slice3A_1433 : vector<1x200xf32> to vector<128x200xf32>
      %mul3A_1440 = arith.mulf %mul3A_1439, %get3A_1438 : vector<128x200xf32>
      %add3A_1441 = arith.addf %add3A_1432, %mul3A_1440 : vector<128x200xf32>
      %slice3A_1442 = vector.extract_strided_slice %squeeze3A {offsets = [29, 0], sizes = [1, 200], strides = [1, 1]} : vector<50x256xf32> to vector<1x200xf32>
      %get3A_1443 = arith.constant 29 : index
      %get3A_1444 = arith.constant 0 : index
      %get3A_1445 = arith.constant 0 : index
      %get3A_1446 = vector.load %arg10[%get3A_1443, %get3A_1444, %get3A_1445] : memref<50x128x200xf32, #tpu.memory_space<vmem>>, vector<1x128x200xf32>
      %get3A_1447 = vector.shape_cast %get3A_1446 : vector<1x128x200xf32> to vector<128x200xf32>
      %mul3A_1448 = vector.broadcast %slice3A_1442 : vector<1x200xf32> to vector<128x200xf32>
      %mul3A_1449 = arith.mulf %mul3A_1448, %get3A_1447 : vector<128x200xf32>
      %add3A_1450 = arith.addf %add3A_1441, %mul3A_1449 : vector<128x200xf32>
      %slice3A_1451 = vector.extract_strided_slice %squeeze3A {offsets = [30, 0], sizes = [1, 200], strides = [1, 1]} : vector<50x256xf32> to vector<1x200xf32>
      %get3A_1452 = arith.constant 30 : index
      %get3A_1453 = arith.constant 0 : index
      %get3A_1454 = arith.constant 0 : index
      %get3A_1455 = vector.load %arg10[%get3A_1452, %get3A_1453, %get3A_1454] : memref<50x128x200xf32, #tpu.memory_space<vmem>>, vector<1x128x200xf32>
      %get3A_1456 = vector.shape_cast %get3A_1455 : vector<1x128x200xf32> to vector<128x200xf32>
      %mul3A_1457 = vector.broadcast %slice3A_1451 : vector<1x200xf32> to vector<128x200xf32>
      %mul3A_1458 = arith.mulf %mul3A_1457, %get3A_1456 : vector<128x200xf32>
      %add3A_1459 = arith.addf %add3A_1450, %mul3A_1458 : vector<128x200xf32>
      %slice3A_1460 = vector.extract_strided_slice %squeeze3A {offsets = [31, 0], sizes = [1, 200], strides = [1, 1]} : vector<50x256xf32> to vector<1x200xf32>
      %get3A_1461 = arith.constant 31 : index
      %get3A_1462 = arith.constant 0 : index
      %get3A_1463 = arith.constant 0 : index
      %get3A_1464 = vector.load %arg10[%get3A_1461, %get3A_1462, %get3A_1463] : memref<50x128x200xf32, #tpu.memory_space<vmem>>, vector<1x128x200xf32>
      %get3A_1465 = vector.shape_cast %get3A_1464 : vector<1x128x200xf32> to vector<128x200xf32>
      %mul3A_1466 = vector.broadcast %slice3A_1460 : vector<1x200xf32> to vector<128x200xf32>
      %mul3A_1467 = arith.mulf %mul3A_1466, %get3A_1465 : vector<128x200xf32>
      %add3A_1468 = arith.addf %add3A_1459, %mul3A_1467 : vector<128x200xf32>
      %slice3A_1469 = vector.extract_strided_slice %squeeze3A {offsets = [32, 0], sizes = [1, 200], strides = [1, 1]} : vector<50x256xf32> to vector<1x200xf32>
      %get3A_1470 = arith.constant 32 : index
      %get3A_1471 = arith.constant 0 : index
      %get3A_1472 = arith.constant 0 : index
      %get3A_1473 = vector.load %arg10[%get3A_1470, %get3A_1471, %get3A_1472] : memref<50x128x200xf32, #tpu.memory_space<vmem>>, vector<1x128x200xf32>
      %get3A_1474 = vector.shape_cast %get3A_1473 : vector<1x128x200xf32> to vector<128x200xf32>
      %mul3A_1475 = vector.broadcast %slice3A_1469 : vector<1x200xf32> to vector<128x200xf32>
      %mul3A_1476 = arith.mulf %mul3A_1475, %get3A_1474 : vector<128x200xf32>
      %add3A_1477 = arith.addf %add3A_1468, %mul3A_1476 : vector<128x200xf32>
      %slice3A_1478 = vector.extract_strided_slice %squeeze3A {offsets = [33, 0], sizes = [1, 200], strides = [1, 1]} : vector<50x256xf32> to vector<1x200xf32>
      %get3A_1479 = arith.constant 33 : index
      %get3A_1480 = arith.constant 0 : index
      %get3A_1481 = arith.constant 0 : index
      %get3A_1482 = vector.load %arg10[%get3A_1479, %get3A_1480, %get3A_1481] : memref<50x128x200xf32, #tpu.memory_space<vmem>>, vector<1x128x200xf32>
      %get3A_1483 = vector.shape_cast %get3A_1482 : vector<1x128x200xf32> to vector<128x200xf32>
      %mul3A_1484 = vector.broadcast %slice3A_1478 : vector<1x200xf32> to vector<128x200xf32>
      %mul3A_1485 = arith.mulf %mul3A_1484, %get3A_1483 : vector<128x200xf32>
      %add3A_1486 = arith.addf %add3A_1477, %mul3A_1485 : vector<128x200xf32>
      %slice3A_1487 = vector.extract_strided_slice %squeeze3A {offsets = [34, 0], sizes = [1, 200], strides = [1, 1]} : vector<50x256xf32> to vector<1x200xf32>
      %get3A_1488 = arith.constant 34 : index
      %get3A_1489 = arith.constant 0 : index
      %get3A_1490 = arith.constant 0 : index
      %get3A_1491 = vector.load %arg10[%get3A_1488, %get3A_1489, %get3A_1490] : memref<50x128x200xf32, #tpu.memory_space<vmem>>, vector<1x128x200xf32>
      %get3A_1492 = vector.shape_cast %get3A_1491 : vector<1x128x200xf32> to vector<128x200xf32>
      %mul3A_1493 = vector.broadcast %slice3A_1487 : vector<1x200xf32> to vector<128x200xf32>
      %mul3A_1494 = arith.mulf %mul3A_1493, %get3A_1492 : vector<128x200xf32>
      %add3A_1495 = arith.addf %add3A_1486, %mul3A_1494 : vector<128x200xf32>
      %slice3A_1496 = vector.extract_strided_slice %squeeze3A {offsets = [35, 0], sizes = [1, 200], strides = [1, 1]} : vector<50x256xf32> to vector<1x200xf32>
      %get3A_1497 = arith.constant 35 : index
      %get3A_1498 = arith.constant 0 : index
      %get3A_1499 = arith.constant 0 : index
      %get3A_1500 = vector.load %arg10[%get3A_1497, %get3A_1498, %get3A_1499] : memref<50x128x200xf32, #tpu.memory_space<vmem>>, vector<1x128x200xf32>
      %get3A_1501 = vector.shape_cast %get3A_1500 : vector<1x128x200xf32> to vector<128x200xf32>
      %mul3A_1502 = vector.broadcast %slice3A_1496 : vector<1x200xf32> to vector<128x200xf32>
      %mul3A_1503 = arith.mulf %mul3A_1502, %get3A_1501 : vector<128x200xf32>
      %add3A_1504 = arith.addf %add3A_1495, %mul3A_1503 : vector<128x200xf32>
      %slice3A_1505 = vector.extract_strided_slice %squeeze3A {offsets = [36, 0], sizes = [1, 200], strides = [1, 1]} : vector<50x256xf32> to vector<1x200xf32>
      %get3A_1506 = arith.constant 36 : index
      %get3A_1507 = arith.constant 0 : index
      %get3A_1508 = arith.constant 0 : index
      %get3A_1509 = vector.load %arg10[%get3A_1506, %get3A_1507, %get3A_1508] : memref<50x128x200xf32, #tpu.memory_space<vmem>>, vector<1x128x200xf32>
      %get3A_1510 = vector.shape_cast %get3A_1509 : vector<1x128x200xf32> to vector<128x200xf32>
      %mul3A_1511 = vector.broadcast %slice3A_1505 : vector<1x200xf32> to vector<128x200xf32>
      %mul3A_1512 = arith.mulf %mul3A_1511, %get3A_1510 : vector<128x200xf32>
      %add3A_1513 = arith.addf %add3A_1504, %mul3A_1512 : vector<128x200xf32>
      %slice3A_1514 = vector.extract_strided_slice %squeeze3A {offsets = [37, 0], sizes = [1, 200], strides = [1, 1]} : vector<50x256xf32> to vector<1x200xf32>
      %get3A_1515 = arith.constant 37 : index
      %get3A_1516 = arith.constant 0 : index
      %get3A_1517 = arith.constant 0 : index
      %get3A_1518 = vector.load %arg10[%get3A_1515, %get3A_1516, %get3A_1517] : memref<50x128x200xf32, #tpu.memory_space<vmem>>, vector<1x128x200xf32>
      %get3A_1519 = vector.shape_cast %get3A_1518 : vector<1x128x200xf32> to vector<128x200xf32>
      %mul3A_1520 = vector.broadcast %slice3A_1514 : vector<1x200xf32> to vector<128x200xf32>
      %mul3A_1521 = arith.mulf %mul3A_1520, %get3A_1519 : vector<128x200xf32>
      %add3A_1522 = arith.addf %add3A_1513, %mul3A_1521 : vector<128x200xf32>
      %slice3A_1523 = vector.extract_strided_slice %squeeze3A {offsets = [38, 0], sizes = [1, 200], strides = [1, 1]} : vector<50x256xf32> to vector<1x200xf32>
      %get3A_1524 = arith.constant 38 : index
      %get3A_1525 = arith.constant 0 : index
      %get3A_1526 = arith.constant 0 : index
      %get3A_1527 = vector.load %arg10[%get3A_1524, %get3A_1525, %get3A_1526] : memref<50x128x200xf32, #tpu.memory_space<vmem>>, vector<1x128x200xf32>
      %get3A_1528 = vector.shape_cast %get3A_1527 : vector<1x128x200xf32> to vector<128x200xf32>
      %mul3A_1529 = vector.broadcast %slice3A_1523 : vector<1x200xf32> to vector<128x200xf32>
      %mul3A_1530 = arith.mulf %mul3A_1529, %get3A_1528 : vector<128x200xf32>
      %add3A_1531 = arith.addf %add3A_1522, %mul3A_1530 : vector<128x200xf32>
      %slice3A_1532 = vector.extract_strided_slice %squeeze3A {offsets = [39, 0], sizes = [1, 200], strides = [1, 1]} : vector<50x256xf32> to vector<1x200xf32>
      %get3A_1533 = arith.constant 39 : index
      %get3A_1534 = arith.constant 0 : index
      %get3A_1535 = arith.constant 0 : index
      %get3A_1536 = vector.load %arg10[%get3A_1533, %get3A_1534, %get3A_1535] : memref<50x128x200xf32, #tpu.memory_space<vmem>>, vector<1x128x200xf32>
      %get3A_1537 = vector.shape_cast %get3A_1536 : vector<1x128x200xf32> to vector<128x200xf32>
      %mul3A_1538 = vector.broadcast %slice3A_1532 : vector<1x200xf32> to vector<128x200xf32>
      %mul3A_1539 = arith.mulf %mul3A_1538, %get3A_1537 : vector<128x200xf32>
      %add3A_1540 = arith.addf %add3A_1531, %mul3A_1539 : vector<128x200xf32>
      %slice3A_1541 = vector.extract_strided_slice %squeeze3A {offsets = [40, 0], sizes = [1, 200], strides = [1, 1]} : vector<50x256xf32> to vector<1x200xf32>
      %get3A_1542 = arith.constant 40 : index
      %get3A_1543 = arith.constant 0 : index
      %get3A_1544 = arith.constant 0 : index
      %get3A_1545 = vector.load %arg10[%get3A_1542, %get3A_1543, %get3A_1544] : memref<50x128x200xf32, #tpu.memory_space<vmem>>, vector<1x128x200xf32>
      %get3A_1546 = vector.shape_cast %get3A_1545 : vector<1x128x200xf32> to vector<128x200xf32>
      %mul3A_1547 = vector.broadcast %slice3A_1541 : vector<1x200xf32> to vector<128x200xf32>
      %mul3A_1548 = arith.mulf %mul3A_1547, %get3A_1546 : vector<128x200xf32>
      %add3A_1549 = arith.addf %add3A_1540, %mul3A_1548 : vector<128x200xf32>
      %slice3A_1550 = vector.extract_strided_slice %squeeze3A {offsets = [41, 0], sizes = [1, 200], strides = [1, 1]} : vector<50x256xf32> to vector<1x200xf32>
      %get3A_1551 = arith.constant 41 : index
      %get3A_1552 = arith.constant 0 : index
      %get3A_1553 = arith.constant 0 : index
      %get3A_1554 = vector.load %arg10[%get3A_1551, %get3A_1552, %get3A_1553] : memref<50x128x200xf32, #tpu.memory_space<vmem>>, vector<1x128x200xf32>
      %get3A_1555 = vector.shape_cast %get3A_1554 : vector<1x128x200xf32> to vector<128x200xf32>
      %mul3A_1556 = vector.broadcast %slice3A_1550 : vector<1x200xf32> to vector<128x200xf32>
      %mul3A_1557 = arith.mulf %mul3A_1556, %get3A_1555 : vector<128x200xf32>
      %add3A_1558 = arith.addf %add3A_1549, %mul3A_1557 : vector<128x200xf32>
      %slice3A_1559 = vector.extract_strided_slice %squeeze3A {offsets = [42, 0], sizes = [1, 200], strides = [1, 1]} : vector<50x256xf32> to vector<1x200xf32>
      %get3A_1560 = arith.constant 42 : index
      %get3A_1561 = arith.constant 0 : index
      %get3A_1562 = arith.constant 0 : index
      %get3A_1563 = vector.load %arg10[%get3A_1560, %get3A_1561, %get3A_1562] : memref<50x128x200xf32, #tpu.memory_space<vmem>>, vector<1x128x200xf32>
      %get3A_1564 = vector.shape_cast %get3A_1563 : vector<1x128x200xf32> to vector<128x200xf32>
      %mul3A_1565 = vector.broadcast %slice3A_1559 : vector<1x200xf32> to vector<128x200xf32>
      %mul3A_1566 = arith.mulf %mul3A_1565, %get3A_1564 : vector<128x200xf32>
      %add3A_1567 = arith.addf %add3A_1558, %mul3A_1566 : vector<128x200xf32>
      %slice3A_1568 = vector.extract_strided_slice %squeeze3A {offsets = [43, 0], sizes = [1, 200], strides = [1, 1]} : vector<50x256xf32> to vector<1x200xf32>
      %get3A_1569 = arith.constant 43 : index
      %get3A_1570 = arith.constant 0 : index
      %get3A_1571 = arith.constant 0 : index
      %get3A_1572 = vector.load %arg10[%get3A_1569, %get3A_1570, %get3A_1571] : memref<50x128x200xf32, #tpu.memory_space<vmem>>, vector<1x128x200xf32>
      %get3A_1573 = vector.shape_cast %get3A_1572 : vector<1x128x200xf32> to vector<128x200xf32>
      %mul3A_1574 = vector.broadcast %slice3A_1568 : vector<1x200xf32> to vector<128x200xf32>
      %mul3A_1575 = arith.mulf %mul3A_1574, %get3A_1573 : vector<128x200xf32>
      %add3A_1576 = arith.addf %add3A_1567, %mul3A_1575 : vector<128x200xf32>
      %slice3A_1577 = vector.extract_strided_slice %squeeze3A {offsets = [44, 0], sizes = [1, 200], strides = [1, 1]} : vector<50x256xf32> to vector<1x200xf32>
      %get3A_1578 = arith.constant 44 : index
      %get3A_1579 = arith.constant 0 : index
      %get3A_1580 = arith.constant 0 : index
      %get3A_1581 = vector.load %arg10[%get3A_1578, %get3A_1579, %get3A_1580] : memref<50x128x200xf32, #tpu.memory_space<vmem>>, vector<1x128x200xf32>
      %get3A_1582 = vector.shape_cast %get3A_1581 : vector<1x128x200xf32> to vector<128x200xf32>
      %mul3A_1583 = vector.broadcast %slice3A_1577 : vector<1x200xf32> to vector<128x200xf32>
      %mul3A_1584 = arith.mulf %mul3A_1583, %get3A_1582 : vector<128x200xf32>
      %add3A_1585 = arith.addf %add3A_1576, %mul3A_1584 : vector<128x200xf32>
      %slice3A_1586 = vector.extract_strided_slice %squeeze3A {offsets = [45, 0], sizes = [1, 200], strides = [1, 1]} : vector<50x256xf32> to vector<1x200xf32>
      %get3A_1587 = arith.constant 45 : index
      %get3A_1588 = arith.constant 0 : index
      %get3A_1589 = arith.constant 0 : index
      %get3A_1590 = vector.load %arg10[%get3A_1587, %get3A_1588, %get3A_1589] : memref<50x128x200xf32, #tpu.memory_space<vmem>>, vector<1x128x200xf32>
      %get3A_1591 = vector.shape_cast %get3A_1590 : vector<1x128x200xf32> to vector<128x200xf32>
      %mul3A_1592 = vector.broadcast %slice3A_1586 : vector<1x200xf32> to vector<128x200xf32>
      %mul3A_1593 = arith.mulf %mul3A_1592, %get3A_1591 : vector<128x200xf32>
      %add3A_1594 = arith.addf %add3A_1585, %mul3A_1593 : vector<128x200xf32>
      %slice3A_1595 = vector.extract_strided_slice %squeeze3A {offsets = [46, 0], sizes = [1, 200], strides = [1, 1]} : vector<50x256xf32> to vector<1x200xf32>
      %get3A_1596 = arith.constant 46 : index
      %get3A_1597 = arith.constant 0 : index
      %get3A_1598 = arith.constant 0 : index
      %get3A_1599 = vector.load %arg10[%get3A_1596, %get3A_1597, %get3A_1598] : memref<50x128x200xf32, #tpu.memory_space<vmem>>, vector<1x128x200xf32>
      %get3A_1600 = vector.shape_cast %get3A_1599 : vector<1x128x200xf32> to vector<128x200xf32>
      %mul3A_1601 = vector.broadcast %slice3A_1595 : vector<1x200xf32> to vector<128x200xf32>
      %mul3A_1602 = arith.mulf %mul3A_1601, %get3A_1600 : vector<128x200xf32>
      %add3A_1603 = arith.addf %add3A_1594, %mul3A_1602 : vector<128x200xf32>
      %slice3A_1604 = vector.extract_strided_slice %squeeze3A {offsets = [47, 0], sizes = [1, 200], strides = [1, 1]} : vector<50x256xf32> to vector<1x200xf32>
      %get3A_1605 = arith.constant 47 : index
      %get3A_1606 = arith.constant 0 : index
      %get3A_1607 = arith.constant 0 : index
      %get3A_1608 = vector.load %arg10[%get3A_1605, %get3A_1606, %get3A_1607] : memref<50x128x200xf32, #tpu.memory_space<vmem>>, vector<1x128x200xf32>
      %get3A_1609 = vector.shape_cast %get3A_1608 : vector<1x128x200xf32> to vector<128x200xf32>
      %mul3A_1610 = vector.broadcast %slice3A_1604 : vector<1x200xf32> to vector<128x200xf32>
      %mul3A_1611 = arith.mulf %mul3A_1610, %get3A_1609 : vector<128x200xf32>
      %add3A_1612 = arith.addf %add3A_1603, %mul3A_1611 : vector<128x200xf32>
      %slice3A_1613 = vector.extract_strided_slice %squeeze3A {offsets = [48, 0], sizes = [1, 200], strides = [1, 1]} : vector<50x256xf32> to vector<1x200xf32>
      %get3A_1614 = arith.constant 48 : index
      %get3A_1615 = arith.constant 0 : index
      %get3A_1616 = arith.constant 0 : index
      %get3A_1617 = vector.load %arg10[%get3A_1614, %get3A_1615, %get3A_1616] : memref<50x128x200xf32, #tpu.memory_space<vmem>>, vector<1x128x200xf32>
      %get3A_1618 = vector.shape_cast %get3A_1617 : vector<1x128x200xf32> to vector<128x200xf32>
      %mul3A_1619 = vector.broadcast %slice3A_1613 : vector<1x200xf32> to vector<128x200xf32>
      %mul3A_1620 = arith.mulf %mul3A_1619, %get3A_1618 : vector<128x200xf32>
      %add3A_1621 = arith.addf %add3A_1612, %mul3A_1620 : vector<128x200xf32>
      %slice3A_1622 = vector.extract_strided_slice %squeeze3A {offsets = [49, 0], sizes = [1, 200], strides = [1, 1]} : vector<50x256xf32> to vector<1x200xf32>
      %get3A_1623 = arith.constant 49 : index
      %get3A_1624 = arith.constant 0 : index
      %get3A_1625 = arith.constant 0 : index
      %get3A_1626 = vector.load %arg10[%get3A_1623, %get3A_1624, %get3A_1625] : memref<50x128x200xf32, #tpu.memory_space<vmem>>, vector<1x128x200xf32>
      %get3A_1627 = vector.shape_cast %get3A_1626 : vector<1x128x200xf32> to vector<128x200xf32>
      %mul3A_1628 = vector.broadcast %slice3A_1622 : vector<1x200xf32> to vector<128x200xf32>
      %mul3A_1629 = arith.mulf %mul3A_1628, %get3A_1627 : vector<128x200xf32>
      %add3A_1630 = arith.addf %add3A_1621, %mul3A_1629 : vector<128x200xf32>
      %get3A_1631 = arith.index_cast %select_n3A : i32 to index
      %get3A_1632 = arith.constant 0 : index
      %get3A_1633 = arith.constant 0 : index
      %get3A_1634 = vector.load %arg9[%get3A_1631, %get3A_1632, %get3A_1633] : memref<50x128x200xf32, #tpu.memory_space<vmem>>, vector<1x128x200xf32>
      %squeeze3A_1635 = vector.shape_cast %get3A_1634 : vector<1x128x200xf32> to vector<128x200xf32>
      %concatenate3A = tpu.concatenate %add3A_1630, %squeeze3A_1635 in 0 : vector<128x200xf32>, vector<128x200xf32> -> vector<256x200xf32>
      %dot_general3A_1636 = arith.constant dense<0.000000e+00> : vector<512x200xf32>
      %dot_general3A_1637 = tpu.matmul %get3A_20, %concatenate3A, %dot_general3A_1636 {dimension_numbers = #tpu.dot_dimension_numbers<[1], [0], [0], [1], [0, 0, 1, 1], [], []>, transpose_lhs_hint = false} : vector<512x256xf32>, vector<256x200xf32>, vector<512x200xf32> -> vector<512x200xf32>
      %add3A_1638 = arith.addf %dot_general3A_1637, %get3A_23 : vector<512x200xf32>
      %slice3A_1639 = vector.extract_strided_slice %add3A_1638 {offsets = [0, 0], sizes = [128, 200], strides = [1, 1]} : vector<512x200xf32> to vector<128x200xf32>
      %logistic3A = arith.negf %slice3A_1639 : vector<128x200xf32>
      %logistic3A_1640 = math.exp %logistic3A : vector<128x200xf32>
      %logistic3A_1641 = arith.constant 1.000000e+00 : f32
      %logistic3A_1642 = vector.broadcast %logistic3A_1641 : f32 to vector<128x200xf32>
      %logistic3A_1643 = arith.addf %logistic3A_1642, %logistic3A_1640 : vector<128x200xf32>
      %logistic3A_1644 = arith.divf %logistic3A_1642, %logistic3A_1643 : vector<128x200xf32>
      %slice3A_1645 = vector.extract_strided_slice %add3A_1638 {offsets = [128, 0], sizes = [128, 200], strides = [1, 1]} : vector<512x200xf32> to vector<128x200xf32>
      %logistic3A_1646 = arith.negf %slice3A_1645 : vector<128x200xf32>
      %logistic3A_1647 = math.exp %logistic3A_1646 : vector<128x200xf32>
      %logistic3A_1648 = arith.constant 1.000000e+00 : f32
      %logistic3A_1649 = vector.broadcast %logistic3A_1648 : f32 to vector<128x200xf32>
      %logistic3A_1650 = arith.addf %logistic3A_1649, %logistic3A_1647 : vector<128x200xf32>
      %logistic3A_1651 = arith.divf %logistic3A_1649, %logistic3A_1650 : vector<128x200xf32>
      %slice3A_1652 = vector.extract_strided_slice %add3A_1638 {offsets = [256, 0], sizes = [128, 200], strides = [1, 1]} : vector<512x200xf32> to vector<128x200xf32>
      %slice3A_1653 = vector.extract_strided_slice %add3A_1638 {offsets = [384, 0], sizes = [128, 200], strides = [1, 1]} : vector<512x200xf32> to vector<128x200xf32>
      %mul3A_1654 = arith.mulf %logistic3A_1644, %slice3A_1653 : vector<128x200xf32>
      %add3A_1655 = arith.addf %slice3A_1652, %mul3A_1654 : vector<128x200xf32>
      %tanh3A = math.tanh %add3A_1655 : vector<128x200xf32>
      %sub3A_1656 = arith.constant 1.000000e+00 : f32
      %sub3A_1657 = vector.broadcast %sub3A_1656 : f32 to vector<128x200xf32>
      %sub3A_1658 = arith.subf %sub3A_1657, %logistic3A_1651 : vector<128x200xf32>
      %mul3A_1659 = arith.mulf %sub3A_1658, %tanh3A : vector<128x200xf32>
      %mul3A_1660 = arith.mulf %logistic3A_1651, %squeeze3A_1635 : vector<128x200xf32>
      %add3A_1661 = arith.addf %mul3A_1659, %mul3A_1660 : vector<128x200xf32>
      %lt3A_1662 = arith.cmpi slt, %select_n3A, %get3A_25 : i32
      %select_n3A_1663 = arith.select %lt3A_1662, %add3A_1661, %squeeze3A_1635 : vector<128x200xf32>
      %broadcast_in_dim3A = vector.shape_cast %select_n3A_1663 : vector<128x200xf32> to vector<1x128x200xf32>
      %swap3A_1664 = arith.index_cast %select_n3A : i32 to index
      %swap3A_1665 = arith.constant 0 : index
      %swap3A_1666 = arith.constant 0 : index
      %swap3A_1667 = vector.load %arg9[%swap3A_1664, %swap3A_1665, %swap3A_1666] : memref<50x128x200xf32, #tpu.memory_space<vmem>>, vector<1x128x200xf32>
      tpu.vector_store %arg9[%swap3A_1664, %swap3A_1665, %swap3A_1666], %broadcast_in_dim3A {strides = array<i32>} : memref<50x128x200xf32, #tpu.memory_space<vmem>>, vector<1x128x200xf32>,
      %dot_general3A_1668 = arith.constant dense<0.000000e+00> : vector<128x200xf32>
      %dot_general3A_1669 = tpu.matmul %get3A_8, %select_n3A_1663, %dot_general3A_1668 {dimension_numbers = #tpu.dot_dimension_numbers<[1], [0], [0], [1], [0, 0, 1, 1], [], []>, transpose_lhs_hint = false} : vector<128x128xf32>, vector<128x200xf32>, vector<128x200xf32> -> vector<128x200xf32>
      %add3A_1670 = arith.addf %dot_general3A_1669, %get3A_11 : vector<128x200xf32>
      %max3A_1671 = arith.constant 0.000000e+00 : f32
      %max3A_1672 = vector.broadcast %max3A_1671 : f32 to vector<128x200xf32>
      %max3A_1673 = arith.maximumf %add3A_1670, %max3A_1672 : vector<128x200xf32>
      %dot_general3A_1674 = arith.constant dense<0.000000e+00> : vector<128x200xf32>
      %dot_general3A_1675 = tpu.matmul %get3A_14, %max3A_1673, %dot_general3A_1674 {dimension_numbers = #tpu.dot_dimension_numbers<[1], [0], [0], [1], [0, 0, 1, 1], [], []>, transpose_lhs_hint = false} : vector<128x128xf32>, vector<128x200xf32>, vector<128x200xf32> -> vector<128x200xf32>
      %add3A_1676 = arith.addf %dot_general3A_1675, %get3A_17 : vector<128x200xf32>
      %max3A_1677 = arith.constant 0.000000e+00 : f32
      %max3A_1678 = vector.broadcast %max3A_1677 : f32 to vector<128x200xf32>
      %max3A_1679 = arith.maximumf %add3A_1676, %max3A_1678 : vector<128x200xf32>
      %broadcast_in_dim3A_1680 = vector.shape_cast %max3A_1679 : vector<128x200xf32> to vector<1x128x200xf32>
      %swap3A_1681 = arith.index_cast %select_n3A : i32 to index
      %swap3A_1682 = arith.constant 0 : index
      %swap3A_1683 = arith.constant 0 : index
      %swap3A_1684 = vector.load %arg10[%swap3A_1681, %swap3A_1682, %swap3A_1683] : memref<50x128x200xf32, #tpu.memory_space<vmem>>, vector<1x128x200xf32>
      tpu.vector_store %arg10[%swap3A_1681, %swap3A_1682, %swap3A_1683], %broadcast_in_dim3A_1680 {strides = array<i32>} : memref<50x128x200xf32, #tpu.memory_space<vmem>>, vector<1x128x200xf32>,
    }
    %scan3A_1176 = arith.constant 100 : i32
    return
  }
}

</mosaic_0001>

<sc_bundles>
// kernel: kernel.4.cloned.1.call-start
scs
__scs_entry_jumppad:
0x0: {  	(pc) =	sbr.rel $0x88, $3  }
0x1: {  	(tag) =	ssettag $0x0;
	lr =	simm.s32 $0x1  }
0x2: {  	[smem:$0x3F97] =	sst lr;
	_ =	strace $0xD0000000  }
0x3: {  	_ = 	snop  }
0x4: {  	_ = 	snop  }
0x5: {  	_ = 	snop  }
0x6: {  	_ = 	snop  }
0x7: {  	_ = 	snop  }
__scs_overlays_trampoline_lowered:
0x8: {  	[smem:$0x3FA6] =	sst s0  }
0x9: {  	[smem:$0x3FA7] =	sst s1  }
0xa: {  	[smem:$0x3FA8] =	sst s2  }
0xb: {  	[smem:$0x3FA9] =	sst s3  }
0xc: {  	[smem:$0x3FAA] =	sst s4  }
0xd: {  	[smem:$0x3FAB] =	sst s5  }
0xe: {  	[smem:$0x3FAC] =	sst s6  }
0xf: {  	[smem:$0x3FAD] =	sst s7  }
0x10: {  	[smem:$0x3FAE] =	sst s8  }
0x11: {  	[smem:$0x3FAF] =	sst s9;
	s0 =	simm.s32 @!p0 $0x0  }
0x12: {  	s1 =	sld [smem:$0x3F95];
	s0 =	simm.s32 @p0 $0x1  }
0x13: {  	[smem:$0x3FB0] =	sst s0;
	s0 =	simm.s32 @!p1 $0x0  }
0x14: {  	s2 =	sld [smem:$0x3F94];
	s0 =	simm.s32 @p1 $0x1  }
0x15: {  	[smem:$0x3FB1] =	sst s0;
	s0 =	simm.s32 @!p2 $0x0  }
0x16: {  	s3 =	sld [smem:$0x3FDB];
	s0 =	simm.s32 @p2 $0x1  }
0x17: {  	s4 =	simm.s32 $0x1BF5;
	[smem:$0x3FB3] =	sst s0  }
0x18: {  	s0 =	sld [smem:$0x3F96];
	_ =	swait.ge [sflag:s4], $0x0  }
0x19: {  	s7 =	sld [smem:$0x3F97]  }
0x1a: {  	s8 =	sadd.s32 $0xFFFFE003, lr  }
0x1b: {  	s9 =	sadd.s32 $0xFFFFFEF7, lr;
	s5 =	simm.s32 $0xFFFFFFFF;
	p2 =	slt.u32 s8, $0xFFFFF086  }
0x1c: {  	p1 =	slt.u32 s9, $0xF7A;
	s5 =	simm.s32 @!p2 $0x0  }
0x1d: {  	s5 =	simm.s32 @p1 $0x1;
	p0 =	seq.s32 s7, s2  }
0x1e: {  	s7 =	smul.u32 @!p0 $0xF7A, s2;
	p2 =	seq.s32 @!p0 s5, $0x0  }
0x1f: {  	s9 =	smul.u32 $0xF7A, s1;
	s8 =	simm.s32 @!p0 $0x1BF5;
	p2 =	por !p2, p0  }
0x20: {  	[sflag:s8] =	ssyncset.s32 @!p0 $0xFFFFF086;
	s6 =	sadd.s32 @!p0 s3, s7;
	s7 =	simm.s32 @!p0 $0x108  }
0x21: {  	s3 =	sadd.s32 s3, s9;
	s6 =	sadd.s32 @!p0 $0x88, s6;
	s7 =	simm.s32 @p2 $0x1082  }
0x22: {  	[simem:s7], [sflag:s8] =	dma.local @!p0 [hbm:s6], $0xF7A  }
0x23: {  	s9 =	sor.u32 $0xD0000000, s2;
	s6 =	simm.s32 $0x108;
	_ =	swait.ge @!p0 [sflag:s8], $0x0  }
0x24: {  	s3 =	sadd.s32 $0x88, s3;
	s6 =	simm.s32 @!p1 $0x1082;
	[sflag:s4] =	ssyncset.s32 $0xFFFFF086  }
0x25: {  	[simem:s6], [sflag:s4] =	dma.local [hbm:s3], $0xF7A  }
0x26: {  	[smem:$0x3F97] =	sst s1;
	(tag) =	ssettag s2;
	_ =	strace s9  }
0x27: {  	s1 =	sld [smem:$0x3FA7]  }
0x28: {  	s2 =	sld [smem:$0x3FA8]  }
0x29: {  	s4 =	sld [smem:$0x3FAA]  }
0x2a: {  	p0 =	seq.s32 s5, $0x0;
	s5 =	sld [smem:$0x3FAB]  }
0x2b: {  	s6 =	sld [smem:$0x3FAC]  }
0x2c: {  	s7 =	sld [smem:$0x3FAD]  }
0x2d: {  	s3 =	simm.s32 $0x108;
	s8 =	sld [smem:$0x3FAE]  }
0x2e: {  	s3 =	simm.s32 @!p0 $0x1082;
	s9 =	sld [smem:$0x3FAF]  }
0x2f: {  	lr =	sadd.s32 s0, s3;
	s0 =	sld [smem:$0x3FA6]  }
0x30: {  	s3 =	sld [smem:$0x3FA9]  }
0x31: {  	[smem:$0x3FB2] =	sst s10  }
0x32: {  	s10 =	sld [smem:$0x3FB0];
	_ =	sdelay $0x3  }
0x33: {  	p0 =	seq.s32 s10, $0x1;
	s10 =	sld [smem:$0x3FB2];
	_ =	sdelay $0x3  }
0x34: {  	[smem:$0x3FB2] =	sst s10  }
0x35: {  	s10 =	sld [smem:$0x3FB1];
	_ =	sdelay $0x3  }
0x36: {  	p1 =	seq.s32 s10, $0x1;
	s10 =	sld [smem:$0x3FB2];
	_ =	sdelay $0x3  }
0x37: {  	[smem:$0x3FB2] =	sst s10  }
0x38: {  	s10 =	sld [smem:$0x3FB3]  }
0x39: {  	_ = 	snop;
	(pc) =	sbr.ind lr, $3  }
0x3a: {  	_ = 	snop  }
0x3b: {  	_ = 	snop  }
0x3c: {  	p2 =	seq.s32 s10, $0x1;
	s10 =	sld [smem:$0x3FB2]  }
0x3d: {  	_ =	shalt  }
0x3e: {  	_ =	shalt  }
0x3f: {  	_ =	shalt  }
0x40: {  	_ =	shalt  }
0x41: {  	_ =	shalt  }
0x42: {  	_ =	shalt  }
0x43: {  	_ =	shalt  }
0x44: {  	_ =	shalt  }
0x45: {  	_ =	shalt  }
0x46: {  	_ =	shalt  }
0x47: {  	_ =	shalt  }
0x48: {  	_ =	shalt  }
0x49: {  	_ =	shalt  }
0x4a: {  	_ =	shalt  }
0x4b: {  	_ =	shalt  }
0x4c: {  	_ =	shalt  }
0x4d: {  	_ =	shalt  }
0x4e: {  	_ =	shalt  }
0x4f: {  	_ =	shalt  }
0x50: {  	_ =	shalt  }
0x51: {  	_ =	shalt  }
0x52: {  	_ =	shalt  }
0x53: {  	_ =	shalt  }
0x54: {  	_ =	shalt  }
0x55: {  	_ =	shalt  }
0x56: {  	_ =	shalt  }
0x57: {  	_ =	shalt  }
0x58: {  	_ =	shalt  }
0x59: {  	_ =	shalt  }
0x5a: {  	_ =	shalt  }
0x5b: {  	_ =	shalt  }
0x5c: {  	_ =	shalt  }
0x5d: {  	_ =	shalt  }
0x5e: {  	_ =	shalt  }
0x5f: {  	_ =	shalt  }
0x60: {  	_ =	shalt  }
0x61: {  	_ =	shalt  }
0x62: {  	_ =	shalt  }
0x63: {  	_ =	shalt  }
0x64: {  	_ =	shalt  }
0x65: {  	_ =	shalt  }
0x66: {  	_ =	shalt  }
0x67: {  	_ =	shalt  }
0x68: {  	_ =	shalt  }
0x69: {  	_ =	shalt  }
0x6a: {  	_ =	shalt  }
0x6b: {  	_ =	shalt  }
0x6c: {  	_ =	shalt  }
0x6d: {  	_ =	shalt  }
0x6e: {  	_ =	shalt  }
0x6f: {  	_ =	shalt  }
0x70: {  	_ =	shalt  }
0x71: {  	_ =	shalt  }
0x72: {  	_ =	shalt  }
0x73: {  	_ =	shalt  }
0x74: {  	_ =	shalt  }
0x75: {  	_ =	shalt  }
0x76: {  	_ =	shalt  }
0x77: {  	_ =	shalt  }
0x78: {  	_ =	shalt  }
0x79: {  	_ =	shalt  }
0x7a: {  	_ =	shalt  }
0x7b: {  	_ =	shalt  }
0x7c: {  	_ =	shalt  }
0x7d: {  	_ =	shalt  }
0x7e: {  	_ =	shalt  }
0x7f: {  	_ =	shalt  }
0x80: {  	_ =	shalt  }
0x81: {  	_ =	shalt  }
0x82: {  	_ =	shalt  }
0x83: {  	_ =	shalt  }
0x84: {  	_ =	shalt  }
0x85: {  	_ =	shalt  }
0x86: {  	_ =	shalt  }
0x87: {  	_ =	shalt  }
.Lfunc_end0:
.L_simem_size_0:
called_computation_lowered:
.L_overlay_start_0:
0x88: {  	s2 =	sld [smem:$0x3FD9]  }
0x89: {  	s3 =	sld [smem:$0x3FFE];
	_ =	sdelay $0x1  }
0x8a: {  	s1 =	srdreg.scid  }
0x8b: {  	s0 =	sand.u32 $0x1, s1  }
0x8c: {  	s17 =	sshll.u32 s0, $0xA;
	s2 =	sadd.s32 s3, s2  }
0x8d: {  	s2 =	sadd.s32 s2, s17  }
0x8e: {  	[smem:$0x3FBE] =	sst s2  }
0x8f: {  	_ = 	snop  }
0x90: {  	s2 =	sld [smem:$0x3FD0];
	(tm) =	ssettm $0x1  }
0x91: {  	s18 =	sld [smem:$0x3FFB];
	_ =	sdelay $0x3  }
0x92: {  	_ =	strace s18  }
0x93: {  	s3 =	sld [smem:$0x3FFC];
	_ =	sdelay $0x3  }
0x94: {  	_ =	strace s3  }
0x95: {  	s3 =	sld [smem:$0x3FFD];
	_ =	sdelay $0x3  }
0x96: {  	_ =	strace s3  }
0x97: {  	_ =	strace $0x8FFFFFFF  }
0x98: {  	s19 =	sld [smem:$0x3FDB];
	_ =	sdelay $0x1  }
0x99: {  	s4 =	simm.s32 $_scs_section_size  }
0x9a: {  	s5 =	simm.s32 $_size__tile_overlayer_lowered;
	s6 =	simm.s32 $_tile_overlayer_lowered  }
0x9b: {  	s22 =	simm.s32 $0x1BFF;
	s21 =	sshll.u32 s6, $0x1;
	s3 =	sadd.s32 s4, s19  }
0x9c: {  	s7 =	simm.s32 $0x0;
	s20 =	sshll.u32 s5, $0x1;
	s5 =	sadd.s32 s21, s3  }
0x9d: {  	[timem:s7], [sflag:s22] =	dma.local [hbm:s5], s20  }
0x9e: {  	_ =	swait.ge [sflag:s22], s20  }
0x9f: {  	s4 =	ssub.s32 $0x0, s20;
	[sflag:s22] =	ssyncset.done $0x0  }
0xa0: {  	[sflag:s22] =	ssyncadd.s32 s4;
	_ =	sdelay $0x1  }
0xa1: {  	s23 =	simm.s32 $0x1B8B  }
0xa2: {  	_ =	swait.ge [sflag:s23], $0x1  }
0xa3: {  	[sflag:s23] =	ssyncset.done $0x0  }
0xa4: {  	s25 =	simm.s32 $0x1B8E;
	s24 =	sld [smem:$0x3FFE];
	[sflag:s23] =	ssyncadd.s32 $0xFFFFFFFF  }
0xa5: {  	s26 =	simm.s32 $execute0_lowered;
	[smem:$0x3FD2] =	sst s25  }
0xa6: {  	s5 =	sshll.u32 s26, $0x1;
	_ =	strace $0x80000046;
	[dreg:$0x1] =	wrdreg $0xFFFFFFFF  }
0xa7: {  	s28 =	simm.s32 $_size_execute0_lowered;
	s3 =	sadd.s32 s3, s5;
	[dreg:$0x0] =	wrdreg $0x0  }
0xa8: {  	s5 =	sshll.u32 s28, $0x1;
	[dreg:$0x2] =	wrdreg s3  }
0xa9: {  	[dreg:$0x3] =	wrdreg s5  }
0xaa: {  	[dreg:$0x4] =	wrdreg $0xC0  }
0xab: {  	_ =	task [dreg:s7], $0x5FFFF  }
0xac: {  	[dreg:$0x1] =	wrdreg $0xFFFFFFFF  }
0xad: {  	[dreg:$0x0] =	wrdreg $0x60  }
0xae: {  	[dreg:$0x2] =	wrdreg s24  }
0xaf: {  	[dreg:$0x3] =	wrdreg s2  }
0xb0: {  	[dreg:$0x4] =	wrdreg $0x0  }
0xb1: {  	[dreg:$0x5] =	wrdreg $0x9  }
0xb2: {  	_ =	task.clear_ibuf [dreg:s7], $0x6FFFF;
	_ =	strace $0x90000046  }
0xb3: {  	s29 =	simm.s32 $0x9;
	_ =	strace $0x80000048  }
0xb4: {  	_ =	swait.ge [sflag:s29], $0x1  }
0xb5: {  	[sflag:s29] =	ssyncadd.s32 $0xFFFFFFFF  }
0xb6: {  	_ =	strace $0x90000048  }
0xb7: {  	_ =	sfence  }
0xb8: {  	s30 =	sld [smem:$0x0];
	_ =	sdelay $0x2  }
0xb9: {  	s31 =	sshll.u32 s1, $0xD;
	s1 =	sshrl.u32 s1, $0x2  }
0xba: {  	s3 =	sand.u32 $0x4000, s31;
	s1 =	sadd.s32 s1, s30  }
0xbb: {  	s0 =	sor.u32 s3, s0;
	s1 =	sshll.u32 s1, $0x11  }
0xbc: {  	s0 =	sor.u32 s1, s0  }
0xbd: {  	s0 =	sadd.s32 $0x8F2B, s0  }
0xbe: {  	[sflag:s0] =	ssyncadd.remote.s32 $0x1  }
0xbf: {  	_ =	sfence.sel $0xFFFF  }
0xc0: {  	[dreg:$0x0] =	wrdreg $0xFFFFFFFF;
	(pc) =	sbr.abs _section_cstart, $3  }
0xc1: {  	[dreg:$0x1] =	wrdreg $0xFFFFFFFF  }
0xc2: {  	_ =	task.clear_ibuf [dreg:s7], $0x2FFFF;
	_ =	strace $0x9FFFFFFF  }
0xc3: {  	(tm) =	ssettm $0x7FFFFFFF  }
tec
execute0_lowered:
.L_overlay_start_1:
0x0: {  	(tag) =	ssettag $0x1  }
0x1: {  	s0 =	rddreg [dreg:$0x0]  }
0x2: {  	s1 =	rddreg [dreg:$0x1]  }
0x3: {  	s2 =	rddreg [dreg:$0x2]  }
0x4: {  	s4 =	srdreg.scid;
	s20 =	stileid.u32  }
0x5: {  	s3 =	simm.s32 $0x0;
	s6 =	sand.u32 $0x1, s4;
	s5 =	smul.u32 $0x28000, s20  }
0x6: {  	[smem:$0x7FF] =	sst s3;
	s8 =	smul.u32 $0x1388, s20;
	s4 =	sadd.s32 $0x2400, s0  }
0x7: {  	s16 =	sadd.s32 $0x2430, s0;
	s7 =	ssub.s32 $0x2, s6;
	s10 =	smul.u32 $0x9C400, s6  }
0x8: {  	_ =	strace $0x80000047;
	p0 =	seq.s32 s6, $0x0;
	s6 =	smul.u32 $0x14000, s20  }
0x9: {  	s9 =	sshrl.u32 s7, $0x1;
	s5 =	sshrl.u32 s5, $0x2;
	s13 =	sadd.s32 $0x3A980, s8  }
0xa: {  	s17 =	sadd.s32 $0x4E200, s8;
	s7 =	ssub.s32 s7, s9;
	s9 =	sadd.s32 $0x13880, s8  }
0xb: {  	s11 =	sadd.s32 s10, s8;
	s5 =	sadd.s32 s5, s2;
	s14 =	sadd.s32 s10, s13  }
0xc: {  	s15 =	sadd.s32 s10, s17;
	s12 =	sadd.s32 s10, s9;
	s11 =	sshrl.u32 s11, $0x3  }
0xd: {  	s21 =	sshrl.u32 s14, $0x3;
	s22 =	sshrl.u32 s15, $0x3;
	s15 =	sadd.s32 $0x2420, s0  }
0xe: {  	s28 =	sadd.s32 $0x2800, s5;
	s29 =	sadd.s32 $0x3C00, s5;
	s11 =	sadd.s32 s1, s11  }
0xf: {  	s30 =	sadd.s32 $0x5000, s5;
	s23 =	sadd.s32 s1, s22;
	[dreg:$0x4] =	wrdreg s11  }
0x10: {  	s12 =	sshrl.u32 s12, $0x3;
	s22 =	sadd.s32 s9, s2;
	[dreg:$0x8] =	wrdreg s23  }
0x11: {  	s31 =	sadd.s32 $0x6400, s5;
	s18 =	sadd.s32 s1, s12;
	[dreg:$0xe] =	wrdreg s22  }
0x12: {  	s9 =	simm.s32 $0x80;
	s11 =	sadd.s32 $0x27100, s8;
	[dreg:$0x5] =	wrdreg s18  }
0x13: {  	s19 =	sadd.s32 s10, s11;
	s18 =	sadd.s32 $0x75300, s8;
	s23 =	sadd.s32 s11, s2  }
0x14: {  	s11 =	simm.s32 $0x10480;
	s12 =	sshrl.u32 s19, $0x3;
	s19 =	sadd.s32 $0x88B80, s8  }
0x15: {  	s25 =	sadd.s32 s10, s18;
	[dreg:$0xf] =	wrdreg s23;
	s12 =	sadd.s32 s1, s12  }
0x16: {  	s26 =	sshrl.u32 s25, $0x3;
	s25 =	sadd.s32 s17, s2;
	[dreg:$0x6] =	wrdreg s12  }
0x17: {  	s12 =	sadd.s32 s1, s21;
	s21 =	smax.u32 s7, $0x1;
	[dreg:$0x11] =	wrdreg s25  }
0x18: {  	s25 =	sadd.s32 s19, s2;
	[dreg:$0x7] =	wrdreg s12;
	s12 =	sadd.s32 $0x61A80, s8  }
0x19: {  	s7 =	simm.s32 $0xF080;
	[dreg:$0xd] =	wrdreg s21;
	s24 =	sadd.s32 s10, s12  }
0x1a: {  	s10 =	sadd.s32 s10, s19;
	s14 =	sshrl.u32 s24, $0x3;
	s24 =	sadd.s32 s13, s2  }
0x1b: {  	s10 =	sshrl.u32 s10, $0x3;
	s14 =	sadd.s32 s1, s14;
	[dreg:$0x10] =	wrdreg s24  }
0x1c: {  	s13 =	simm.s32 $0x0;
	[dreg:$0x9] =	wrdreg s14;
	s14 =	sadd.s32 s1, s26  }
0x1d: {  	s24 =	sadd.s32 s18, s2;
	s1 =	sadd.s32 s1, s10;
	[dreg:$0xa] =	wrdreg s14  }
0x1e: {  	s10 =	sadd.s32 s8, s2;
	s26 =	sadd.s32 s12, s2;
	[dreg:$0xb] =	wrdreg s1  }
0x1f: {  	s8 =	simm.s32 $0x1;
	s12 =	simm.s32 $0x2;
	[dreg:$0xc] =	wrdreg s10  }
0x20: {  	s14 =	sadd.s32 $0x2410, s0;
	[dreg:$0x12] =	wrdreg s26;
	s26 =	sadd.s32 $0x1400, s5  }
0x21: {  	v0 =	vimm.f32 $0.0e+00;
	v1 =	vimm.f32 $1.000000000e+00;
	v2 =	vlaneseq.u32;
	s0 =	sadd.s32 $0x7800, s5;
	s1 =	sadd.s32 $0x8C00, s5;
	s10 =	simm.s32 $0xF000  }
.LBB2_1:
0x22: {  	s17 =	simm.s32 $0x40;
	s18 =	simm.s32 $0x0  }
.LBB2_2:
0x23: {  	p1 =	sne.s32 s17, $0x4FC0;
	[tilespmem:s18+$0xF080] =	vst v0;
	s18 =	smov.u32 s17;
	s17 =	sadd.s32 $0x40, s17  }
.Ltmp0:
0x24: {  	(pc) =	sbr.rel @p1 .LBB2_2-.Ltmp0, $2  }
0x25: {  	_ =	sdelay $0x2  }
0x26: {  	s18 =	sshra.s32 s18, $0x2  }
0x27: {  	[tilespmem:s18+$0xF080] =	vst v0  }
0x28: {  	[tilespmem:$0xF000] =	vst v1  }
0x29: {  	[tilespmem:$0xF010] =	vst v1  }
0x2a: {  	[tilespmem:$0xF020] =	vst v1  }
0x2b: {  	[tilespmem:$0xF030] =	vst v1  }
0x2c: {  	[tilespmem:$0xF040] =	vst v1  }
0x2d: {  	[tilespmem:$0xF050] =	vst v1  }
0x2e: {  	[tilespmem:$0xF060] =	vst v1  }
0x2f: {  	[tilespmem:$0xF070] =	vst v1  }
0x30: {  	[spmem:s5] =	stream.linear.scatter [tilespmem:s7], [sflag:$0x1], $0x1400, $0x38;
	[tilespmem:$0x11880] =	vst v63  }
0x31: {  	_ =	swait.ge [sflag:s8], $0x1400  }
0x32: {  	[sflag:s8] =	ssyncset.done $0x0  }
0x33: {  	[sflag:s8] =	ssyncadd.s32 $0xFFFFEC00  }
0x34: {  	[spmem:s26] =	stream.linear.scatter [tilespmem:s7], [sflag:$0x1], $0x1400, $0x38;
	[tilespmem:$0x11880] =	vst v63  }
0x35: {  	_ =	swait.ge [sflag:s8], $0x1400  }
0x36: {  	[sflag:s8] =	ssyncset.done $0x0  }
0x37: {  	[sflag:s8] =	ssyncadd.s32 $0xFFFFEC00  }
0x38: {  	[spmem:s28] =	stream.linear.scatter [tilespmem:s7], [sflag:$0x1], $0x1400, $0x38;
	[tilespmem:$0x11880] =	vst v63  }
0x39: {  	_ =	swait.ge [sflag:s8], $0x1400  }
0x3a: {  	[sflag:s8] =	ssyncset.done $0x0  }
0x3b: {  	[sflag:s8] =	ssyncadd.s32 $0xFFFFEC00  }
0x3c: {  	[spmem:s29] =	stream.linear.scatter [tilespmem:s7], [sflag:$0x1], $0x1400, $0x38;
	[tilespmem:$0x11880] =	vst v63  }
0x3d: {  	_ =	swait.ge [sflag:s8], $0x1400  }
0x3e: {  	[sflag:s8] =	ssyncset.done $0x0  }
0x3f: {  	[sflag:s8] =	ssyncadd.s32 $0xFFFFEC00  }
0x40: {  	[spmem:s30] =	stream.linear.scatter [tilespmem:s7], [sflag:$0x1], $0x1400, $0x38;
	[tilespmem:$0x11880] =	vst v63  }
0x41: {  	_ =	swait.ge [sflag:s8], $0x1400  }
0x42: {  	[sflag:s8] =	ssyncset.done $0x0  }
0x43: {  	[sflag:s8] =	ssyncadd.s32 $0xFFFFEC00  }
0x44: {  	[spmem:s31] =	stream.linear.scatter [tilespmem:s7], [sflag:$0x1], $0x1400, $0x38;
	[tilespmem:$0x11880] =	vst v63  }
0x45: {  	_ =	swait.ge [sflag:s8], $0x1400  }
0x46: {  	[sflag:s8] =	ssyncset.done $0x0  }
0x47: {  	[sflag:s8] =	ssyncadd.s32 $0xFFFFEC00  }
0x48: {  	[spmem:s0] =	stream.linear.scatter [tilespmem:s7], [sflag:$0x1], $0x1400, $0x38;
	[tilespmem:$0x11880] =	vst v63  }
0x49: {  	_ =	swait.ge [sflag:s8], $0x1400  }
0x4a: {  	[sflag:s8] =	ssyncset.done $0x0  }
0x4b: {  	[sflag:s8] =	ssyncadd.s32 $0xFFFFEC00  }
0x4c: {  	[spmem:s1] =	stream.linear.scatter [tilespmem:s7], [sflag:$0x1], $0x1400, $0x38;
	[tilespmem:$0x11880] =	vst v63  }
0x4d: {  	_ =	swait.ge [sflag:s8], $0x1400  }
0x4e: {  	[sflag:s8] =	ssyncset.done $0x0  }
0x4f: {  	[sflag:s8] =	ssyncadd.s32 $0xFFFFEC00  }
0x50: {  	s17 =	simm.s32 $0x0;
	[bflag:$0x0] =	sbarrier.arrive $0xFFFF  }
.LBB2_4:
0x51: {  	s18 =	sshll.u32 s17, $0xE  }
0x52: {  	s18 =	sadd.s32 s6, s18  }
0x53: {  	s18 =	sshrl.u32 s18, $0x3  }
0x54: {  	s20 =	simm.s32 $0xA000;
	s19 =	sadd.s32 s4, s18  }
0x55: {  	s21 =	simm.s32 $0x40;
	s22 =	simm.s32 $0xA200;
	s23 =	sadd.s32 $0x0, s19  }
.LBB2_5:
0x56: {  	[tilespmem:s20], [sflag:$0x1] =	stream.linear.gather [hbm4b:s23+s3], $0x80, $0x38;
	[tilespmem:$0x11880] =	vst v63  }
0x57: {  	s23 =	smov.u32 s21;
	s20 =	smov.u32 s22;
	p1 =	sne.s32 s21, $0x7C0  }
.Ltmp1:
0x58: {  	s21 =	sadd.s32 $0x40, s21;
	(pc) =	sbr.rel @p1 .LBB2_5-.Ltmp1, $2  }
0x59: {  	_ =	sdelay $0x2  }
0x5a: {  	s22 =	sadd.s32 $0x200, s22;
	s23 =	sadd.s32 s23, s19  }
0x5b: {  	[tilespmem:s20], [sflag:$0x1] =	stream.linear.gather [hbm4b:s23+s3], $0x80, $0x38;
	[tilespmem:$0x11880] =	vst v63  }
0x5c: {  	s19 =	sadd.s32 s18, s14;
	_ =	swait.ge [sflag:s8], $0x1000  }
0x5d: {  	s20 =	simm.s32 $0xA080;
	s21 =	simm.s32 $0x40;
	[sflag:s8] =	ssyncset.done $0x0  }
0x5e: {  	s22 =	simm.s32 $0xA280;
	s23 =	sadd.s32 $0x0, s19;
	[sflag:s8] =	ssyncadd.s32 $0xFFFFF000  }
.LBB2_7:
0x5f: {  	[tilespmem:s20], [sflag:$0x1] =	stream.linear.gather [hbm4b:s23+s3], $0x80, $0x38;
	[tilespmem:$0x11880] =	vst v63  }
0x60: {  	s23 =	smov.u32 s21;
	s20 =	smov.u32 s22;
	p1 =	sne.s32 s21, $0x7C0  }
.Ltmp2:
0x61: {  	s21 =	sadd.s32 $0x40, s21;
	(pc) =	sbr.rel @p1 .LBB2_7-.Ltmp2, $2  }
0x62: {  	_ =	sdelay $0x2  }
0x63: {  	s22 =	sadd.s32 $0x200, s22;
	s23 =	sadd.s32 s23, s19  }
0x64: {  	[tilespmem:s20], [sflag:$0x1] =	stream.linear.gather [hbm4b:s23+s3], $0x80, $0x38;
	[tilespmem:$0x11880] =	vst v63  }
0x65: {  	s19 =	sadd.s32 s18, s15;
	_ =	swait.ge [sflag:s8], $0x1000  }
0x66: {  	s20 =	simm.s32 $0xA100;
	s21 =	simm.s32 $0x40;
	[sflag:s8] =	ssyncset.done $0x0  }
0x67: {  	s22 =	simm.s32 $0xA300;
	s23 =	sadd.s32 $0x0, s19;
	[sflag:s8] =	ssyncadd.s32 $0xFFFFF000  }
.LBB2_9:
0x68: {  	[tilespmem:s20], [sflag:$0x1] =	stream.linear.gather [hbm4b:s23+s3], $0x80, $0x38;
	[tilespmem:$0x11880] =	vst v63  }
0x69: {  	s23 =	smov.u32 s21;
	s20 =	smov.u32 s22;
	p1 =	sne.s32 s21, $0x7C0  }
.Ltmp3:
0x6a: {  	s21 =	sadd.s32 $0x40, s21;
	(pc) =	sbr.rel @p1 .LBB2_9-.Ltmp3, $2  }
0x6b: {  	_ =	sdelay $0x2  }
0x6c: {  	s22 =	sadd.s32 $0x200, s22;
	s23 =	sadd.s32 s23, s19  }
0x6d: {  	[tilespmem:s20], [sflag:$0x1] =	stream.linear.gather [hbm4b:s23+s3], $0x80, $0x38;
	[tilespmem:$0x11880] =	vst v63  }
0x6e: {  	s18 =	sadd.s32 s18, s16;
	_ =	swait.ge [sflag:s8], $0x1000  }
0x6f: {  	s19 =	simm.s32 $0xA180;
	s20 =	simm.s32 $0x40;
	[sflag:s8] =	ssyncset.done $0x0  }
0x70: {  	s21 =	simm.s32 $0xA380;
	s22 =	sadd.s32 $0x0, s18;
	[sflag:s8] =	ssyncadd.s32 $0xFFFFF000  }
.LBB2_11:
0x71: {  	[tilespmem:s19], [sflag:$0x1] =	stream.linear.gather [hbm4b:s22+s3], $0x80, $0x38;
	[tilespmem:$0x11880] =	vst v63  }
0x72: {  	s22 =	smov.u32 s20;
	s19 =	smov.u32 s21;
	p1 =	sne.s32 s20, $0x7C0  }
.Ltmp4:
0x73: {  	s20 =	sadd.s32 $0x40, s20;
	(pc) =	sbr.rel @p1 .LBB2_11-.Ltmp4, $2  }
0x74: {  	_ =	sdelay $0x2  }
0x75: {  	s21 =	sadd.s32 $0x200, s21;
	s22 =	sadd.s32 s22, s18  }
0x76: {  	[tilespmem:s19], [sflag:$0x1] =	stream.linear.gather [hbm4b:s22+s3], $0x80, $0x38;
	[tilespmem:$0x11880] =	vst v63  }
0x77: {  	_ =	swait.ge [sflag:s8], $0x1000  }
0x78: {  	[sflag:s8] =	ssyncset.done $0x0  }
0x79: {  	s18 =	simm.s32 $0xA100;
	[sflag:s8] =	ssyncadd.s32 $0xFFFFF000  }
0x7a: {  	v3 =	vld [tilespmem:s18+$0xFFFFFF00]  }
0x7b: {  	v4 =	vld [tilespmem:s18+$0xFFFFFF80];
	_ =	sdelay $0x2  }
0x7c: {  	v5 =	vld [tilespmem:s18+$0x80]  }
0x7d: {  	v6 =	vld [tilespmem:s18+$0x0];
	v7 =	vsub.s32 $0x31, v3  }
0x7e: {  	v7 =	vpsel p0, v4, v7  }
0x7f: {  	v3 =	vpsel p0, v3, v4;
	v4 =	vmul.u32 $0x3200, v7  }
0x80: {  	v3 =	vshll.u32 v3, $0x8  }
0x81: {  	s23 =	simm.s32 $0x9C400;
	v3 =	vadd.s32 v3, v4  }
0x82: {  	vm0 =	veq.s32 v6, $0x1;
	v4 =	vor.u32 s23, v2;
	v3 =	vadd.s32 v5, v3  }
0x83: {  	s18 =	simm.s32 $0xE000;
	v3 =	vsel vm0, v3, v4  }
0x84: {  	s20 =	simm.s32 $0xA110;
	[tilespmem:s18+$0x0] =	vst v3  }
0x85: {  	s19 =	simm.s32 $0x9C410;
	s21 =	simm.s32 $0x9C420;
	v3 =	vld [tilespmem:s20+$0xFFFFFF00]  }
.LBB2_13:
0x86: {  	p1 =	sne.s32 s21, $0x9C470;
	v4 =	vld [tilespmem:s20+$0xFFFFFF80];
	_ =	sdelay $0x2  }
0x87: {  	v5 =	vld [tilespmem:s20+$0x80]  }
0x88: {  	v6 =	vld [tilespmem:s20+$0x0];
	v7 =	vsub.s32 $0x31, v3  }
0x89: {  	v7 =	vpsel p0, v4, v7  }
0x8a: {  	v3 =	vpsel p0, v3, v4;
	v4 =	vmul.u32 $0x3200, v7  }
0x8b: {  	v3 =	vshll.u32 v3, $0x8  }
.Ltmp5:
0x8c: {  	v3 =	vadd.s32 v3, v4;
	(pc) =	sbr.rel @p1 .LBB2_13-.Ltmp5, $4  }
0x8d: {  	v4 =	vor.u32 s19, v2;
	s19 =	smov.u32 s21;
	v3 =	vadd.s32 v5, v3;
	vm0 =	veq.s32 v6, $0x1  }
0x8e: {  	s18 =	sadd.s32 $0x10, s18;
	v3 =	vsel vm0, v3, v4  }
0x8f: {  	s20 =	sadd.s32 $0x10, s20;
	[tilespmem:s18+$0x0] =	vst v3  }
0x90: {  	s21 =	sadd.s32 $0x10, s21;
	v3 =	vld [tilespmem:s20+$0xFFFFFF00]  }
0x91: {  	v4 =	vld [tilespmem:s20+$0xFFFFFF80];
	_ =	sdelay $0x2  }
0x92: {  	v5 =	vld [tilespmem:s20+$0x80]  }
0x93: {  	v6 =	vld [tilespmem:s20+$0x0];
	v7 =	vsub.s32 $0x31, v3  }
0x94: {  	v7 =	vpsel p0, v4, v7  }
0x95: {  	v3 =	vpsel p0, v3, v4;
	v4 =	vmul.u32 $0x3200, v7  }
0x96: {  	v3 =	vshll.u32 v3, $0x8  }
0x97: {  	v3 =	vadd.s32 v3, v4  }
0x98: {  	vm0 =	veq.s32 v6, $0x1;
	v4 =	vor.u32 s19, v2;
	v3 =	vadd.s32 v5, v3  }
0x99: {  	s18 =	sadd.s32 $0x10, s18;
	v3 =	vsel vm0, v3, v4  }
0x9a: {  	s22 =	simm.s32 $0xA380;
	[tilespmem:s18+$0x0] =	vst v3  }
0x9b: {  	v3 =	vld [tilespmem:s22+$0xFFFFFE80]  }
0x9c: {  	v4 =	vld [tilespmem:s22+$0xFFFFFF00];
	_ =	sdelay $0x2  }
0x9d: {  	v5 =	vld [tilespmem:s22+$0x0]  }
0x9e: {  	v62 =	vld [tilespmem:s22+$0xFFFFFF80];
	v63 =	vsub.s32 $0x31, v3  }
0x9f: {  	v7 =	vpsel p0, v4, v63  }
0xa0: {  	v3 =	vpsel p0, v3, v4;
	v4 =	vmul.u32 $0x3200, v7  }
0xa1: {  	v3 =	vshll.u32 v3, $0x8  }
0xa2: {  	s23 =	simm.s32 $0x9C480;
	v3 =	vadd.s32 v3, v4  }
0xa3: {  	vm15 =	veq.s32 v62, $0x1;
	v4 =	vor.u32 s23, v2;
	v3 =	vadd.s32 v5, v3  }
0xa4: {  	s18 =	simm.s32 $0xE080;
	v3 =	vsel vm15, v3, v4  }
0xa5: {  	s20 =	simm.s32 $0xA390;
	[tilespmem:s18+$0x0] =	vst v3  }
0xa6: {  	s21 =	simm.s32 $0x9C4A0;
	s19 =	simm.s32 $0x9C490;
	v3 =	vld [tilespmem:s20+$0xFFFFFE80]  }
.LBB2_15:
0xa7: {  	p1 =	sne.s32 s21, $0x9C4F0;
	v4 =	vld [tilespmem:s20+$0xFFFFFF00];
	_ =	sdelay $0x2  }
0xa8: {  	v5 =	vld [tilespmem:s20+$0x0]  }
0xa9: {  	v6 =	vld [tilespmem:s20+$0xFFFFFF80];
	v7 =	vsub.s32 $0x31, v3  }
0xaa: {  	v7 =	vpsel p0, v4, v7  }
0xab: {  	v3 =	vpsel p0, v3, v4;
	v4 =	vmul.u32 $0x3200, v7  }
0xac: {  	v3 =	vshll.u32 v3, $0x8  }
.Ltmp6:
0xad: {  	v3 =	vadd.s32 v3, v4;
	(pc) =	sbr.rel @p1 .LBB2_15-.Ltmp6, $4  }
0xae: {  	v4 =	vor.u32 s19, v2;
	s19 =	smov.u32 s21;
	v3 =	vadd.s32 v5, v3;
	vm0 =	veq.s32 v6, $0x1  }
0xaf: {  	s18 =	sadd.s32 $0x10, s18;
	v3 =	vsel vm0, v3, v4  }
0xb0: {  	s20 =	sadd.s32 $0x10, s20;
	[tilespmem:s18+$0x0] =	vst v3  }
0xb1: {  	s21 =	sadd.s32 $0x10, s21;
	v3 =	vld [tilespmem:s20+$0xFFFFFE80]  }
0xb2: {  	v4 =	vld [tilespmem:s20+$0xFFFFFF00];
	_ =	sdelay $0x2  }
0xb3: {  	v5 =	vld [tilespmem:s20+$0x0]  }
0xb4: {  	v6 =	vld [tilespmem:s20+$0xFFFFFF80];
	v7 =	vsub.s32 $0x31, v3  }
0xb5: {  	v7 =	vpsel p0, v4, v7  }
0xb6: {  	v3 =	vpsel p0, v3, v4;
	v4 =	vmul.u32 $0x3200, v7  }
0xb7: {  	v3 =	vshll.u32 v3, $0x8  }
0xb8: {  	v3 =	vadd.s32 v3, v4  }
0xb9: {  	vm0 =	veq.s32 v6, $0x1;
	v4 =	vor.u32 s19, v2;
	v3 =	vadd.s32 v5, v3  }
0xba: {  	s18 =	sadd.s32 $0x10, s18;
	v3 =	vsel vm0, v3, v4  }
0xbb: {  	s22 =	simm.s32 $0xA580;
	[tilespmem:s18+$0x0] =	vst v3  }
0xbc: {  	v3 =	vld [tilespmem:s22+$0xFFFFFE80]  }
0xbd: {  	v4 =	vld [tilespmem:s22+$0xFFFFFF00];
	_ =	sdelay $0x2  }
0xbe: {  	v5 =	vld [tilespmem:s22+$0x0]  }
0xbf: {  	v62 =	vld [tilespmem:s22+$0xFFFFFF80];
	v63 =	vsub.s32 $0x31, v3  }
0xc0: {  	v7 =	vpsel p0, v4, v63  }
0xc1: {  	v3 =	vpsel p0, v3, v4;
	v4 =	vmul.u32 $0x3200, v7  }
0xc2: {  	v3 =	vshll.u32 v3, $0x8  }
0xc3: {  	s23 =	simm.s32 $0x9C500;
	v3 =	vadd.s32 v3, v4  }
0xc4: {  	vm15 =	veq.s32 v62, $0x1;
	v4 =	vor.u32 s23, v2;
	v3 =	vadd.s32 v5, v3  }
0xc5: {  	s18 =	simm.s32 $0xE100;
	v3 =	vsel vm15, v3, v4  }
0xc6: {  	s20 =	simm.s32 $0xA590;
	[tilespmem:s18+$0x0] =	vst v3  }
0xc7: {  	s21 =	simm.s32 $0x9C520;
	s19 =	simm.s32 $0x9C510;
	v3 =	vld [tilespmem:s20+$0xFFFFFE80]  }
.LBB2_17:
0xc8: {  	p1 =	sne.s32 s21, $0x9C570;
	v4 =	vld [tilespmem:s20+$0xFFFFFF00];
	_ =	sdelay $0x2  }
0xc9: {  	v5 =	vld [tilespmem:s20+$0x0]  }
0xca: {  	v6 =	vld [tilespmem:s20+$0xFFFFFF80];
	v7 =	vsub.s32 $0x31, v3  }
0xcb: {  	v7 =	vpsel p0, v4, v7  }
0xcc: {  	v3 =	vpsel p0, v3, v4;
	v4 =	vmul.u32 $0x3200, v7  }
0xcd: {  	v3 =	vshll.u32 v3, $0x8  }
.Ltmp7:
0xce: {  	v3 =	vadd.s32 v3, v4;
	(pc) =	sbr.rel @p1 .LBB2_17-.Ltmp7, $4  }
0xcf: {  	v4 =	vor.u32 s19, v2;
	s19 =	smov.u32 s21;
	v3 =	vadd.s32 v5, v3;
	vm0 =	veq.s32 v6, $0x1  }
0xd0: {  	s18 =	sadd.s32 $0x10, s18;
	v3 =	vsel vm0, v3, v4  }
0xd1: {  	s20 =	sadd.s32 $0x10, s20;
	[tilespmem:s18+$0x0] =	vst v3  }
0xd2: {  	s21 =	sadd.s32 $0x10, s21;
	v3 =	vld [tilespmem:s20+$0xFFFFFE80]  }
0xd3: {  	v4 =	vld [tilespmem:s20+$0xFFFFFF00];
	_ =	sdelay $0x2  }
0xd4: {  	v5 =	vld [tilespmem:s20+$0x0]  }
0xd5: {  	v6 =	vld [tilespmem:s20+$0xFFFFFF80];
	v7 =	vsub.s32 $0x31, v3  }
0xd6: {  	v7 =	vpsel p0, v4, v7  }
0xd7: {  	v3 =	vpsel p0, v3, v4;
	v4 =	vmul.u32 $0x3200, v7  }
0xd8: {  	v3 =	vshll.u32 v3, $0x8  }
0xd9: {  	v3 =	vadd.s32 v3, v4  }
0xda: {  	vm0 =	veq.s32 v6, $0x1;
	v4 =	vor.u32 s19, v2;
	v3 =	vadd.s32 v5, v3  }
0xdb: {  	s18 =	sadd.s32 $0x10, s18;
	v3 =	vsel vm0, v3, v4  }
0xdc: {  	s22 =	simm.s32 $0xA780;
	[tilespmem:s18+$0x0] =	vst v3  }
0xdd: {  	v3 =	vld [tilespmem:s22+$0xFFFFFE80]  }
0xde: {  	v4 =	vld [tilespmem:s22+$0xFFFFFF00];
	_ =	sdelay $0x2  }
0xdf: {  	v5 =	vld [tilespmem:s22+$0x0]  }
0xe0: {  	v62 =	vld [tilespmem:s22+$0xFFFFFF80];
	v63 =	vsub.s32 $0x31, v3  }
0xe1: {  	v7 =	vpsel p0, v4, v63  }
0xe2: {  	v3 =	vpsel p0, v3, v4;
	v4 =	vmul.u32 $0x3200, v7  }
0xe3: {  	v3 =	vshll.u32 v3, $0x8  }
0xe4: {  	s23 =	simm.s32 $0x9C580;
	v3 =	vadd.s32 v3, v4  }
0xe5: {  	vm15 =	veq.s32 v62, $0x1;
	v4 =	vor.u32 s23, v2;
	v3 =	vadd.s32 v5, v3  }
0xe6: {  	s18 =	simm.s32 $0xE180;
	v3 =	vsel vm15, v3, v4  }
0xe7: {  	s20 =	simm.s32 $0xA790;
	[tilespmem:s18+$0x0] =	vst v3  }
0xe8: {  	s21 =	simm.s32 $0x9C5A0;
	s19 =	simm.s32 $0x9C590;
	v3 =	vld [tilespmem:s20+$0xFFFFFE80]  }
.LBB2_19:
0xe9: {  	p1 =	sne.s32 s21, $0x9C5F0;
	v4 =	vld [tilespmem:s20+$0xFFFFFF00];
	_ =	sdelay $0x2  }
0xea: {  	v5 =	vld [tilespmem:s20+$0x0]  }
0xeb: {  	v6 =	vld [tilespmem:s20+$0xFFFFFF80];
	v7 =	vsub.s32 $0x31, v3  }
0xec: {  	v7 =	vpsel p0, v4, v7  }
0xed: {  	v3 =	vpsel p0, v3, v4;
	v4 =	vmul.u32 $0x3200, v7  }
0xee: {  	v3 =	vshll.u32 v3, $0x8  }
.Ltmp8:
0xef: {  	v3 =	vadd.s32 v3, v4;
	(pc) =	sbr.rel @p1 .LBB2_19-.Ltmp8, $4  }
0xf0: {  	v4 =	vor.u32 s19, v2;
	s19 =	smov.u32 s21;
	v3 =	vadd.s32 v5, v3;
	vm0 =	veq.s32 v6, $0x1  }
0xf1: {  	s18 =	sadd.s32 $0x10, s18;
	v3 =	vsel vm0, v3, v4  }
0xf2: {  	s20 =	sadd.s32 $0x10, s20;
	[tilespmem:s18+$0x0] =	vst v3  }
0xf3: {  	s21 =	sadd.s32 $0x10, s21;
	v3 =	vld [tilespmem:s20+$0xFFFFFE80]  }
0xf4: {  	v4 =	vld [tilespmem:s20+$0xFFFFFF00];
	_ =	sdelay $0x2  }
0xf5: {  	v5 =	vld [tilespmem:s20+$0x0]  }
0xf6: {  	v6 =	vld [tilespmem:s20+$0xFFFFFF80];
	v7 =	vsub.s32 $0x31, v3  }
0xf7: {  	v7 =	vpsel p0, v4, v7  }
0xf8: {  	v3 =	vpsel p0, v3, v4;
	v4 =	vmul.u32 $0x3200, v7  }
0xf9: {  	v3 =	vshll.u32 v3, $0x8  }
0xfa: {  	v3 =	vadd.s32 v3, v4  }
0xfb: {  	vm0 =	veq.s32 v6, $0x1;
	v4 =	vor.u32 s19, v2;
	v3 =	vadd.s32 v5, v3  }
0xfc: {  	s18 =	sadd.s32 $0x10, s18;
	v3 =	vsel vm0, v3, v4  }
0xfd: {  	s22 =	simm.s32 $0xA980;
	[tilespmem:s18+$0x0] =	vst v3  }
0xfe: {  	v3 =	vld [tilespmem:s22+$0xFFFFFE80]  }
0xff: {  	v4 =	vld [tilespmem:s22+$0xFFFFFF00];
	_ =	sdelay $0x2  }
0x100: {  	v5 =	vld [tilespmem:s22+$0x0]  }
0x101: {  	v62 =	vld [tilespmem:s22+$0xFFFFFF80];
	v63 =	vsub.s32 $0x31, v3  }
0x102: {  	v7 =	vpsel p0, v4, v63  }
0x103: {  	v3 =	vpsel p0, v3, v4;
	v4 =	vmul.u32 $0x3200, v7  }
0x104: {  	v3 =	vshll.u32 v3, $0x8  }
0x105: {  	s23 =	simm.s32 $0x9C600;
	v3 =	vadd.s32 v3, v4  }
0x106: {  	vm15 =	veq.s32 v62, $0x1;
	v4 =	vor.u32 s23, v2;
	v3 =	vadd.s32 v5, v3  }
0x107: {  	s18 =	simm.s32 $0xE200;
	v3 =	vsel vm15, v3, v4  }
0x108: {  	s20 =	simm.s32 $0xA990;
	[tilespmem:s18+$0x0] =	vst v3  }
0x109: {  	s21 =	simm.s32 $0x9C620;
	s19 =	simm.s32 $0x9C610;
	v3 =	vld [tilespmem:s20+$0xFFFFFE80]  }
.LBB2_21:
0x10a: {  	p1 =	sne.s32 s21, $0x9C670;
	v4 =	vld [tilespmem:s20+$0xFFFFFF00];
	_ =	sdelay $0x2  }
0x10b: {  	v5 =	vld [tilespmem:s20+$0x0]  }
0x10c: {  	v6 =	vld [tilespmem:s20+$0xFFFFFF80];
	v7 =	vsub.s32 $0x31, v3  }
0x10d: {  	v7 =	vpsel p0, v4, v7  }
0x10e: {  	v3 =	vpsel p0, v3, v4;
	v4 =	vmul.u32 $0x3200, v7  }
0x10f: {  	v3 =	vshll.u32 v3, $0x8  }
.Ltmp9:
0x110: {  	v3 =	vadd.s32 v3, v4;
	(pc) =	sbr.rel @p1 .LBB2_21-.Ltmp9, $4  }
0x111: {  	v4 =	vor.u32 s19, v2;
	s19 =	smov.u32 s21;
	v3 =	vadd.s32 v5, v3;
	vm0 =	veq.s32 v6, $0x1  }
0x112: {  	s18 =	sadd.s32 $0x10, s18;
	v3 =	vsel vm0, v3, v4  }
0x113: {  	s20 =	sadd.s32 $0x10, s20;
	[tilespmem:s18+$0x0] =	vst v3  }
0x114: {  	s21 =	sadd.s32 $0x10, s21;
	v3 =	vld [tilespmem:s20+$0xFFFFFE80]  }
0x115: {  	v4 =	vld [tilespmem:s20+$0xFFFFFF00];
	_ =	sdelay $0x2  }
0x116: {  	v5 =	vld [tilespmem:s20+$0x0]  }
0x117: {  	v6 =	vld [tilespmem:s20+$0xFFFFFF80];
	v7 =	vsub.s32 $0x31, v3  }
0x118: {  	v7 =	vpsel p0, v4, v7  }
0x119: {  	v3 =	vpsel p0, v3, v4;
	v4 =	vmul.u32 $0x3200, v7  }
0x11a: {  	v3 =	vshll.u32 v3, $0x8  }
0x11b: {  	v3 =	vadd.s32 v3, v4  }
0x11c: {  	vm0 =	veq.s32 v6, $0x1;
	v4 =	vor.u32 s19, v2;
	v3 =	vadd.s32 v5, v3  }
0x11d: {  	s18 =	sadd.s32 $0x10, s18;
	v3 =	vsel vm0, v3, v4  }
0x11e: {  	s22 =	simm.s32 $0xAB80;
	[tilespmem:s18+$0x0] =	vst v3  }
0x11f: {  	v3 =	vld [tilespmem:s22+$0xFFFFFE80]  }
0x120: {  	v4 =	vld [tilespmem:s22+$0xFFFFFF00];
	_ =	sdelay $0x2  }
0x121: {  	v5 =	vld [tilespmem:s22+$0x0]  }
0x122: {  	v62 =	vld [tilespmem:s22+$0xFFFFFF80];
	v63 =	vsub.s32 $0x31, v3  }
0x123: {  	v7 =	vpsel p0, v4, v63  }
0x124: {  	v3 =	vpsel p0, v3, v4;
	v4 =	vmul.u32 $0x3200, v7  }
0x125: {  	v3 =	vshll.u32 v3, $0x8  }
0x126: {  	s23 =	simm.s32 $0x9C680;
	v3 =	vadd.s32 v3, v4  }
0x127: {  	vm15 =	veq.s32 v62, $0x1;
	v4 =	vor.u32 s23, v2;
	v3 =	vadd.s32 v5, v3  }
0x128: {  	s18 =	simm.s32 $0xE280;
	v3 =	vsel vm15, v3, v4  }
0x129: {  	s20 =	simm.s32 $0xAB90;
	[tilespmem:s18+$0x0] =	vst v3  }
0x12a: {  	s21 =	simm.s32 $0x9C6A0;
	s19 =	simm.s32 $0x9C690;
	v3 =	vld [tilespmem:s20+$0xFFFFFE80]  }
.LBB2_23:
0x12b: {  	p1 =	sne.s32 s21, $0x9C6F0;
	v4 =	vld [tilespmem:s20+$0xFFFFFF00];
	_ =	sdelay $0x2  }
0x12c: {  	v5 =	vld [tilespmem:s20+$0x0]  }
0x12d: {  	v6 =	vld [tilespmem:s20+$0xFFFFFF80];
	v7 =	vsub.s32 $0x31, v3  }
0x12e: {  	v7 =	vpsel p0, v4, v7  }
0x12f: {  	v3 =	vpsel p0, v3, v4;
	v4 =	vmul.u32 $0x3200, v7  }
0x130: {  	v3 =	vshll.u32 v3, $0x8  }
.Ltmp10:
0x131: {  	v3 =	vadd.s32 v3, v4;
	(pc) =	sbr.rel @p1 .LBB2_23-.Ltmp10, $4  }
0x132: {  	v4 =	vor.u32 s19, v2;
	s19 =	smov.u32 s21;
	v3 =	vadd.s32 v5, v3;
	vm0 =	veq.s32 v6, $0x1  }
0x133: {  	s18 =	sadd.s32 $0x10, s18;
	v3 =	vsel vm0, v3, v4  }
0x134: {  	s20 =	sadd.s32 $0x10, s20;
	[tilespmem:s18+$0x0] =	vst v3  }
0x135: {  	s21 =	sadd.s32 $0x10, s21;
	v3 =	vld [tilespmem:s20+$0xFFFFFE80]  }
0x136: {  	v4 =	vld [tilespmem:s20+$0xFFFFFF00];
	_ =	sdelay $0x2  }
0x137: {  	v5 =	vld [tilespmem:s20+$0x0]  }
0x138: {  	v6 =	vld [tilespmem:s20+$0xFFFFFF80];
	v7 =	vsub.s32 $0x31, v3  }
0x139: {  	v7 =	vpsel p0, v4, v7  }
0x13a: {  	v3 =	vpsel p0, v3, v4;
	v4 =	vmul.u32 $0x3200, v7  }
0x13b: {  	v3 =	vshll.u32 v3, $0x8  }
0x13c: {  	v3 =	vadd.s32 v3, v4  }
0x13d: {  	vm0 =	veq.s32 v6, $0x1;
	v4 =	vor.u32 s19, v2;
	v3 =	vadd.s32 v5, v3  }
0x13e: {  	s18 =	sadd.s32 $0x10, s18;
	v3 =	vsel vm0, v3, v4  }
0x13f: {  	s22 =	simm.s32 $0xAD80;
	[tilespmem:s18+$0x0] =	vst v3  }
0x140: {  	v3 =	vld [tilespmem:s22+$0xFFFFFE80]  }
0x141: {  	v4 =	vld [tilespmem:s22+$0xFFFFFF00];
	_ =	sdelay $0x2  }
0x142: {  	v5 =	vld [tilespmem:s22+$0x0]  }
0x143: {  	v62 =	vld [tilespmem:s22+$0xFFFFFF80];
	v63 =	vsub.s32 $0x31, v3  }
0x144: {  	v7 =	vpsel p0, v4, v63  }
0x145: {  	v3 =	vpsel p0, v3, v4;
	v4 =	vmul.u32 $0x3200, v7  }
0x146: {  	v3 =	vshll.u32 v3, $0x8  }
0x147: {  	s23 =	simm.s32 $0x9C700;
	v3 =	vadd.s32 v3, v4  }
0x148: {  	vm15 =	veq.s32 v62, $0x1;
	v4 =	vor.u32 s23, v2;
	v3 =	vadd.s32 v5, v3  }
0x149: {  	s18 =	simm.s32 $0xE300;
	v3 =	vsel vm15, v3, v4  }
0x14a: {  	s20 =	simm.s32 $0xAD90;
	[tilespmem:s18+$0x0] =	vst v3  }
0x14b: {  	s21 =	simm.s32 $0x9C720;
	s19 =	simm.s32 $0x9C710;
	v3 =	vld [tilespmem:s20+$0xFFFFFE80]  }
.LBB2_25:
0x14c: {  	p1 =	sne.s32 s21, $0x9C770;
	v4 =	vld [tilespmem:s20+$0xFFFFFF00];
	_ =	sdelay $0x2  }
0x14d: {  	v5 =	vld [tilespmem:s20+$0x0]  }
0x14e: {  	v6 =	vld [tilespmem:s20+$0xFFFFFF80];
	v7 =	vsub.s32 $0x31, v3  }
0x14f: {  	v7 =	vpsel p0, v4, v7  }
0x150: {  	v3 =	vpsel p0, v3, v4;
	v4 =	vmul.u32 $0x3200, v7  }
0x151: {  	v3 =	vshll.u32 v3, $0x8  }
.Ltmp11:
0x152: {  	v3 =	vadd.s32 v3, v4;
	(pc) =	sbr.rel @p1 .LBB2_25-.Ltmp11, $4  }
0x153: {  	v4 =	vor.u32 s19, v2;
	s19 =	smov.u32 s21;
	v3 =	vadd.s32 v5, v3;
	vm0 =	veq.s32 v6, $0x1  }
0x154: {  	s18 =	sadd.s32 $0x10, s18;
	v3 =	vsel vm0, v3, v4  }
0x155: {  	s20 =	sadd.s32 $0x10, s20;
	[tilespmem:s18+$0x0] =	vst v3  }
0x156: {  	s21 =	sadd.s32 $0x10, s21;
	v3 =	vld [tilespmem:s20+$0xFFFFFE80]  }
0x157: {  	v4 =	vld [tilespmem:s20+$0xFFFFFF00];
	_ =	sdelay $0x2  }
0x158: {  	v5 =	vld [tilespmem:s20+$0x0]  }
0x159: {  	v6 =	vld [tilespmem:s20+$0xFFFFFF80];
	v7 =	vsub.s32 $0x31, v3  }
0x15a: {  	v7 =	vpsel p0, v4, v7  }
0x15b: {  	v3 =	vpsel p0, v3, v4;
	v4 =	vmul.u32 $0x3200, v7  }
0x15c: {  	v3 =	vshll.u32 v3, $0x8  }
0x15d: {  	v3 =	vadd.s32 v3, v4  }
0x15e: {  	vm0 =	veq.s32 v6, $0x1;
	v4 =	vor.u32 s19, v2;
	v3 =	vadd.s32 v5, v3  }
0x15f: {  	s18 =	sadd.s32 $0x10, s18;
	v3 =	vsel vm0, v3, v4  }
0x160: {  	s22 =	simm.s32 $0xAF80;
	[tilespmem:s18+$0x0] =	vst v3  }
0x161: {  	v3 =	vld [tilespmem:s22+$0xFFFFFE80]  }
0x162: {  	v4 =	vld [tilespmem:s22+$0xFFFFFF00];
	_ =	sdelay $0x2  }
0x163: {  	v5 =	vld [tilespmem:s22+$0x0]  }
0x164: {  	v62 =	vld [tilespmem:s22+$0xFFFFFF80];
	v63 =	vsub.s32 $0x31, v3  }
0x165: {  	v7 =	vpsel p0, v4, v63  }
0x166: {  	v3 =	vpsel p0, v3, v4;
	v4 =	vmul.u32 $0x3200, v7  }
0x167: {  	v3 =	vshll.u32 v3, $0x8  }
0x168: {  	s23 =	simm.s32 $0x9C780;
	v3 =	vadd.s32 v3, v4  }
0x169: {  	vm15 =	veq.s32 v62, $0x1;
	v4 =	vor.u32 s23, v2;
	v3 =	vadd.s32 v5, v3  }
0x16a: {  	s18 =	simm.s32 $0xE380;
	v3 =	vsel vm15, v3, v4  }
0x16b: {  	s20 =	simm.s32 $0xAF90;
	[tilespmem:s18+$0x0] =	vst v3  }
0x16c: {  	s21 =	simm.s32 $0x9C7A0;
	s19 =	simm.s32 $0x9C790;
	v3 =	vld [tilespmem:s20+$0xFFFFFE80]  }
.LBB2_27:
0x16d: {  	p1 =	sne.s32 s21, $0x9C7F0;
	v4 =	vld [tilespmem:s20+$0xFFFFFF00];
	_ =	sdelay $0x2  }
0x16e: {  	v5 =	vld [tilespmem:s20+$0x0]  }
0x16f: {  	v6 =	vld [tilespmem:s20+$0xFFFFFF80];
	v7 =	vsub.s32 $0x31, v3  }
0x170: {  	v7 =	vpsel p0, v4, v7  }
0x171: {  	v3 =	vpsel p0, v3, v4;
	v4 =	vmul.u32 $0x3200, v7  }
0x172: {  	v3 =	vshll.u32 v3, $0x8  }
.Ltmp12:
0x173: {  	v3 =	vadd.s32 v3, v4;
	(pc) =	sbr.rel @p1 .LBB2_27-.Ltmp12, $4  }
0x174: {  	v4 =	vor.u32 s19, v2;
	s19 =	smov.u32 s21;
	v3 =	vadd.s32 v5, v3;
	vm0 =	veq.s32 v6, $0x1  }
0x175: {  	s18 =	sadd.s32 $0x10, s18;
	v3 =	vsel vm0, v3, v4  }
0x176: {  	s20 =	sadd.s32 $0x10, s20;
	[tilespmem:s18+$0x0] =	vst v3  }
0x177: {  	s21 =	sadd.s32 $0x10, s21;
	v3 =	vld [tilespmem:s20+$0xFFFFFE80]  }
0x178: {  	v4 =	vld [tilespmem:s20+$0xFFFFFF00];
	_ =	sdelay $0x2  }
0x179: {  	v5 =	vld [tilespmem:s20+$0x0]  }
0x17a: {  	v6 =	vld [tilespmem:s20+$0xFFFFFF80];
	v7 =	vsub.s32 $0x31, v3  }
0x17b: {  	v7 =	vpsel p0, v4, v7  }
0x17c: {  	v3 =	vpsel p0, v3, v4;
	v4 =	vmul.u32 $0x3200, v7  }
0x17d: {  	v3 =	vshll.u32 v3, $0x8  }
0x17e: {  	v3 =	vadd.s32 v3, v4  }
0x17f: {  	vm0 =	veq.s32 v6, $0x1;
	v4 =	vor.u32 s19, v2;
	v3 =	vadd.s32 v5, v3  }
0x180: {  	s18 =	sadd.s32 $0x10, s18;
	v3 =	vsel vm0, v3, v4  }
0x181: {  	s22 =	simm.s32 $0xB180;
	[tilespmem:s18+$0x0] =	vst v3  }
0x182: {  	v3 =	vld [tilespmem:s22+$0xFFFFFE80]  }
0x183: {  	v4 =	vld [tilespmem:s22+$0xFFFFFF00];
	_ =	sdelay $0x2  }
0x184: {  	v5 =	vld [tilespmem:s22+$0x0]  }
0x185: {  	v62 =	vld [tilespmem:s22+$0xFFFFFF80];
	v63 =	vsub.s32 $0x31, v3  }
0x186: {  	v7 =	vpsel p0, v4, v63  }
0x187: {  	v3 =	vpsel p0, v3, v4;
	v4 =	vmul.u32 $0x3200, v7  }
0x188: {  	v3 =	vshll.u32 v3, $0x8  }
0x189: {  	s23 =	simm.s32 $0x9C800;
	v3 =	vadd.s32 v3, v4  }
0x18a: {  	vm15 =	veq.s32 v62, $0x1;
	v4 =	vor.u32 s23, v2;
	v3 =	vadd.s32 v5, v3  }
0x18b: {  	s18 =	simm.s32 $0xE400;
	v3 =	vsel vm15, v3, v4  }
0x18c: {  	s20 =	simm.s32 $0xB190;
	[tilespmem:s18+$0x0] =	vst v3  }
0x18d: {  	s21 =	simm.s32 $0x9C820;
	s19 =	simm.s32 $0x9C810;
	v3 =	vld [tilespmem:s20+$0xFFFFFE80]  }
.LBB2_29:
0x18e: {  	p1 =	sne.s32 s21, $0x9C870;
	v4 =	vld [tilespmem:s20+$0xFFFFFF00];
	_ =	sdelay $0x2  }
0x18f: {  	v5 =	vld [tilespmem:s20+$0x0]  }
0x190: {  	v6 =	vld [tilespmem:s20+$0xFFFFFF80];
	v7 =	vsub.s32 $0x31, v3  }
0x191: {  	v7 =	vpsel p0, v4, v7  }
0x192: {  	v3 =	vpsel p0, v3, v4;
	v4 =	vmul.u32 $0x3200, v7  }
0x193: {  	v3 =	vshll.u32 v3, $0x8  }
.Ltmp13:
0x194: {  	v3 =	vadd.s32 v3, v4;
	(pc) =	sbr.rel @p1 .LBB2_29-.Ltmp13, $4  }
0x195: {  	v4 =	vor.u32 s19, v2;
	s19 =	smov.u32 s21;
	v3 =	vadd.s32 v5, v3;
	vm0 =	veq.s32 v6, $0x1  }
0x196: {  	s18 =	sadd.s32 $0x10, s18;
	v3 =	vsel vm0, v3, v4  }
0x197: {  	s20 =	sadd.s32 $0x10, s20;
	[tilespmem:s18+$0x0] =	vst v3  }
0x198: {  	s21 =	sadd.s32 $0x10, s21;
	v3 =	vld [tilespmem:s20+$0xFFFFFE80]  }
0x199: {  	v4 =	vld [tilespmem:s20+$0xFFFFFF00];
	_ =	sdelay $0x2  }
0x19a: {  	v5 =	vld [tilespmem:s20+$0x0]  }
0x19b: {  	v6 =	vld [tilespmem:s20+$0xFFFFFF80];
	v7 =	vsub.s32 $0x31, v3  }
0x19c: {  	v7 =	vpsel p0, v4, v7  }
0x19d: {  	v3 =	vpsel p0, v3, v4;
	v4 =	vmul.u32 $0x3200, v7  }
0x19e: {  	v3 =	vshll.u32 v3, $0x8  }
0x19f: {  	v3 =	vadd.s32 v3, v4  }
0x1a0: {  	vm0 =	veq.s32 v6, $0x1;
	v4 =	vor.u32 s19, v2;
	v3 =	vadd.s32 v5, v3  }
0x1a1: {  	s18 =	sadd.s32 $0x10, s18;
	v3 =	vsel vm0, v3, v4  }
0x1a2: {  	s22 =	simm.s32 $0xB380;
	[tilespmem:s18+$0x0] =	vst v3  }
0x1a3: {  	v3 =	vld [tilespmem:s22+$0xFFFFFE80]  }
0x1a4: {  	v4 =	vld [tilespmem:s22+$0xFFFFFF00];
	_ =	sdelay $0x2  }
0x1a5: {  	v5 =	vld [tilespmem:s22+$0x0]  }
0x1a6: {  	v62 =	vld [tilespmem:s22+$0xFFFFFF80];
	v63 =	vsub.s32 $0x31, v3  }
0x1a7: {  	v7 =	vpsel p0, v4, v63  }
0x1a8: {  	v3 =	vpsel p0, v3, v4;
	v4 =	vmul.u32 $0x3200, v7  }
0x1a9: {  	v3 =	vshll.u32 v3, $0x8  }
0x1aa: {  	s23 =	simm.s32 $0x9C880;
	v3 =	vadd.s32 v3, v4  }
0x1ab: {  	vm15 =	veq.s32 v62, $0x1;
	v4 =	vor.u32 s23, v2;
	v3 =	vadd.s32 v5, v3  }
0x1ac: {  	s18 =	simm.s32 $0xE480;
	v3 =	vsel vm15, v3, v4  }
0x1ad: {  	s20 =	simm.s32 $0xB390;
	[tilespmem:s18+$0x0] =	vst v3  }
0x1ae: {  	s21 =	simm.s32 $0x9C8A0;
	s19 =	simm.s32 $0x9C890;
	v3 =	vld [tilespmem:s20+$0xFFFFFE80]  }
.LBB2_31:
0x1af: {  	p1 =	sne.s32 s21, $0x9C8F0;
	v4 =	vld [tilespmem:s20+$0xFFFFFF00];
	_ =	sdelay $0x2  }
0x1b0: {  	v5 =	vld [tilespmem:s20+$0x0]  }
0x1b1: {  	v6 =	vld [tilespmem:s20+$0xFFFFFF80];
	v7 =	vsub.s32 $0x31, v3  }
0x1b2: {  	v7 =	vpsel p0, v4, v7  }
0x1b3: {  	v3 =	vpsel p0, v3, v4;
	v4 =	vmul.u32 $0x3200, v7  }
0x1b4: {  	v3 =	vshll.u32 v3, $0x8  }
.Ltmp14:
0x1b5: {  	v3 =	vadd.s32 v3, v4;
	(pc) =	sbr.rel @p1 .LBB2_31-.Ltmp14, $4  }
0x1b6: {  	v4 =	vor.u32 s19, v2;
	s19 =	smov.u32 s21;
	v3 =	vadd.s32 v5, v3;
	vm0 =	veq.s32 v6, $0x1  }
0x1b7: {  	s18 =	sadd.s32 $0x10, s18;
	v3 =	vsel vm0, v3, v4  }
0x1b8: {  	s20 =	sadd.s32 $0x10, s20;
	[tilespmem:s18+$0x0] =	vst v3  }
0x1b9: {  	s21 =	sadd.s32 $0x10, s21;
	v3 =	vld [tilespmem:s20+$0xFFFFFE80]  }
0x1ba: {  	v4 =	vld [tilespmem:s20+$0xFFFFFF00];
	_ =	sdelay $0x2  }
0x1bb: {  	v5 =	vld [tilespmem:s20+$0x0]  }
0x1bc: {  	v6 =	vld [tilespmem:s20+$0xFFFFFF80];
	v7 =	vsub.s32 $0x31, v3  }
0x1bd: {  	v7 =	vpsel p0, v4, v7  }
0x1be: {  	v3 =	vpsel p0, v3, v4;
	v4 =	vmul.u32 $0x3200, v7  }
0x1bf: {  	v3 =	vshll.u32 v3, $0x8  }
0x1c0: {  	v3 =	vadd.s32 v3, v4  }
0x1c1: {  	vm0 =	veq.s32 v6, $0x1;
	v4 =	vor.u32 s19, v2;
	v3 =	vadd.s32 v5, v3  }
0x1c2: {  	s18 =	sadd.s32 $0x10, s18;
	v3 =	vsel vm0, v3, v4  }
0x1c3: {  	s22 =	simm.s32 $0xB580;
	[tilespmem:s18+$0x0] =	vst v3  }
0x1c4: {  	v3 =	vld [tilespmem:s22+$0xFFFFFE80]  }
0x1c5: {  	v4 =	vld [tilespmem:s22+$0xFFFFFF00];
	_ =	sdelay $0x2  }
0x1c6: {  	v5 =	vld [tilespmem:s22+$0x0]  }
0x1c7: {  	v62 =	vld [tilespmem:s22+$0xFFFFFF80];
	v63 =	vsub.s32 $0x31, v3  }
0x1c8: {  	v7 =	vpsel p0, v4, v63  }
0x1c9: {  	v3 =	vpsel p0, v3, v4;
	v4 =	vmul.u32 $0x3200, v7  }
0x1ca: {  	v3 =	vshll.u32 v3, $0x8  }
0x1cb: {  	s23 =	simm.s32 $0x9C900;
	v3 =	vadd.s32 v3, v4  }
0x1cc: {  	vm15 =	veq.s32 v62, $0x1;
	v4 =	vor.u32 s23, v2;
	v3 =	vadd.s32 v5, v3  }
0x1cd: {  	s18 =	simm.s32 $0xE500;
	v3 =	vsel vm15, v3, v4  }
0x1ce: {  	s20 =	simm.s32 $0xB590;
	[tilespmem:s18+$0x0] =	vst v3  }
0x1cf: {  	s21 =	simm.s32 $0x9C920;
	s19 =	simm.s32 $0x9C910;
	v3 =	vld [tilespmem:s20+$0xFFFFFE80]  }
.LBB2_33:
0x1d0: {  	p1 =	sne.s32 s21, $0x9C970;
	v4 =	vld [tilespmem:s20+$0xFFFFFF00];
	_ =	sdelay $0x2  }
0x1d1: {  	v5 =	vld [tilespmem:s20+$0x0]  }
0x1d2: {  	v6 =	vld [tilespmem:s20+$0xFFFFFF80];
	v7 =	vsub.s32 $0x31, v3  }
0x1d3: {  	v7 =	vpsel p0, v4, v7  }
0x1d4: {  	v3 =	vpsel p0, v3, v4;
	v4 =	vmul.u32 $0x3200, v7  }
0x1d5: {  	v3 =	vshll.u32 v3, $0x8  }
.Ltmp15:
0x1d6: {  	v3 =	vadd.s32 v3, v4;
	(pc) =	sbr.rel @p1 .LBB2_33-.Ltmp15, $4  }
0x1d7: {  	v4 =	vor.u32 s19, v2;
	s19 =	smov.u32 s21;
	v3 =	vadd.s32 v5, v3;
	vm0 =	veq.s32 v6, $0x1  }
0x1d8: {  	s18 =	sadd.s32 $0x10, s18;
	v3 =	vsel vm0, v3, v4  }
0x1d9: {  	s20 =	sadd.s32 $0x10, s20;
	[tilespmem:s18+$0x0] =	vst v3  }
0x1da: {  	s21 =	sadd.s32 $0x10, s21;
	v3 =	vld [tilespmem:s20+$0xFFFFFE80]  }
0x1db: {  	v4 =	vld [tilespmem:s20+$0xFFFFFF00];
	_ =	sdelay $0x2  }
0x1dc: {  	v5 =	vld [tilespmem:s20+$0x0]  }
0x1dd: {  	v6 =	vld [tilespmem:s20+$0xFFFFFF80];
	v7 =	vsub.s32 $0x31, v3  }
0x1de: {  	v7 =	vpsel p0, v4, v7  }
0x1df: {  	v3 =	vpsel p0, v3, v4;
	v4 =	vmul.u32 $0x3200, v7  }
0x1e0: {  	v3 =	vshll.u32 v3, $0x8  }
0x1e1: {  	v3 =	vadd.s32 v3, v4  }
0x1e2: {  	vm0 =	veq.s32 v6, $0x1;
	v4 =	vor.u32 s19, v2;
	v3 =	vadd.s32 v5, v3  }
0x1e3: {  	s18 =	sadd.s32 $0x10, s18;
	v3 =	vsel vm0, v3, v4  }
0x1e4: {  	s22 =	simm.s32 $0xB780;
	[tilespmem:s18+$0x0] =	vst v3  }
0x1e5: {  	v3 =	vld [tilespmem:s22+$0xFFFFFE80]  }
0x1e6: {  	v4 =	vld [tilespmem:s22+$0xFFFFFF00];
	_ =	sdelay $0x2  }
0x1e7: {  	v5 =	vld [tilespmem:s22+$0x0]  }
0x1e8: {  	v62 =	vld [tilespmem:s22+$0xFFFFFF80];
	v63 =	vsub.s32 $0x31, v3  }
0x1e9: {  	v7 =	vpsel p0, v4, v63  }
0x1ea: {  	v3 =	vpsel p0, v3, v4;
	v4 =	vmul.u32 $0x3200, v7  }
0x1eb: {  	v3 =	vshll.u32 v3, $0x8  }
0x1ec: {  	s23 =	simm.s32 $0x9C980;
	v3 =	vadd.s32 v3, v4  }
0x1ed: {  	vm15 =	veq.s32 v62, $0x1;
	v4 =	vor.u32 s23, v2;
	v3 =	vadd.s32 v5, v3  }
0x1ee: {  	s18 =	simm.s32 $0xE580;
	v3 =	vsel vm15, v3, v4  }
0x1ef: {  	s20 =	simm.s32 $0xB790;
	[tilespmem:s18+$0x0] =	vst v3  }
0x1f0: {  	s21 =	simm.s32 $0x9C9A0;
	s19 =	simm.s32 $0x9C990;
	v3 =	vld [tilespmem:s20+$0xFFFFFE80]  }
.LBB2_35:
0x1f1: {  	p1 =	sne.s32 s21, $0x9C9F0;
	v4 =	vld [tilespmem:s20+$0xFFFFFF00];
	_ =	sdelay $0x2  }
0x1f2: {  	v5 =	vld [tilespmem:s20+$0x0]  }
0x1f3: {  	v6 =	vld [tilespmem:s20+$0xFFFFFF80];
	v7 =	vsub.s32 $0x31, v3  }
0x1f4: {  	v7 =	vpsel p0, v4, v7  }
0x1f5: {  	v3 =	vpsel p0, v3, v4;
	v4 =	vmul.u32 $0x3200, v7  }
0x1f6: {  	v3 =	vshll.u32 v3, $0x8  }
.Ltmp16:
0x1f7: {  	v3 =	vadd.s32 v3, v4;
	(pc) =	sbr.rel @p1 .LBB2_35-.Ltmp16, $4  }
0x1f8: {  	v4 =	vor.u32 s19, v2;
	s19 =	smov.u32 s21;
	v3 =	vadd.s32 v5, v3;
	vm0 =	veq.s32 v6, $0x1  }
0x1f9: {  	s18 =	sadd.s32 $0x10, s18;
	v3 =	vsel vm0, v3, v4  }
0x1fa: {  	s20 =	sadd.s32 $0x10, s20;
	[tilespmem:s18+$0x0] =	vst v3  }
0x1fb: {  	s21 =	sadd.s32 $0x10, s21;
	v3 =	vld [tilespmem:s20+$0xFFFFFE80]  }
0x1fc: {  	v4 =	vld [tilespmem:s20+$0xFFFFFF00];
	_ =	sdelay $0x2  }
0x1fd: {  	v5 =	vld [tilespmem:s20+$0x0]  }
0x1fe: {  	v6 =	vld [tilespmem:s20+$0xFFFFFF80];
	v7 =	vsub.s32 $0x31, v3  }
0x1ff: {  	v7 =	vpsel p0, v4, v7  }
0x200: {  	v3 =	vpsel p0, v3, v4;
	v4 =	vmul.u32 $0x3200, v7  }
0x201: {  	v3 =	vshll.u32 v3, $0x8  }
0x202: {  	v3 =	vadd.s32 v3, v4  }
0x203: {  	vm0 =	veq.s32 v6, $0x1;
	v4 =	vor.u32 s19, v2;
	v3 =	vadd.s32 v5, v3  }
0x204: {  	s18 =	sadd.s32 $0x10, s18;
	v3 =	vsel vm0, v3, v4  }
0x205: {  	s22 =	simm.s32 $0xB980;
	[tilespmem:s18+$0x0] =	vst v3  }
0x206: {  	v3 =	vld [tilespmem:s22+$0xFFFFFE80]  }
0x207: {  	v4 =	vld [tilespmem:s22+$0xFFFFFF00];
	_ =	sdelay $0x2  }
0x208: {  	v5 =	vld [tilespmem:s22+$0x0]  }
0x209: {  	v62 =	vld [tilespmem:s22+$0xFFFFFF80];
	v63 =	vsub.s32 $0x31, v3  }
0x20a: {  	v7 =	vpsel p0, v4, v63  }
0x20b: {  	v3 =	vpsel p0, v3, v4;
	v4 =	vmul.u32 $0x3200, v7  }
0x20c: {  	v3 =	vshll.u32 v3, $0x8  }
0x20d: {  	s23 =	simm.s32 $0x9CA00;
	v3 =	vadd.s32 v3, v4  }
0x20e: {  	vm15 =	veq.s32 v62, $0x1;
	v4 =	vor.u32 s23, v2;
	v3 =	vadd.s32 v5, v3  }
0x20f: {  	s18 =	simm.s32 $0xE600;
	v3 =	vsel vm15, v3, v4  }
0x210: {  	s20 =	simm.s32 $0xB990;
	[tilespmem:s18+$0x0] =	vst v3  }
0x211: {  	s21 =	simm.s32 $0x9CA20;
	s19 =	simm.s32 $0x9CA10;
	v3 =	vld [tilespmem:s20+$0xFFFFFE80]  }
.LBB2_37:
0x212: {  	p1 =	sne.s32 s21, $0x9CA70;
	v4 =	vld [tilespmem:s20+$0xFFFFFF00];
	_ =	sdelay $0x2  }
0x213: {  	v5 =	vld [tilespmem:s20+$0x0]  }
0x214: {  	v6 =	vld [tilespmem:s20+$0xFFFFFF80];
	v7 =	vsub.s32 $0x31, v3  }
0x215: {  	v7 =	vpsel p0, v4, v7  }
0x216: {  	v3 =	vpsel p0, v3, v4;
	v4 =	vmul.u32 $0x3200, v7  }
0x217: {  	v3 =	vshll.u32 v3, $0x8  }
.Ltmp17:
0x218: {  	v3 =	vadd.s32 v3, v4;
	(pc) =	sbr.rel @p1 .LBB2_37-.Ltmp17, $4  }
0x219: {  	v4 =	vor.u32 s19, v2;
	s19 =	smov.u32 s21;
	v3 =	vadd.s32 v5, v3;
	vm0 =	veq.s32 v6, $0x1  }
0x21a: {  	s18 =	sadd.s32 $0x10, s18;
	v3 =	vsel vm0, v3, v4  }
0x21b: {  	s20 =	sadd.s32 $0x10, s20;
	[tilespmem:s18+$0x0] =	vst v3  }
0x21c: {  	s21 =	sadd.s32 $0x10, s21;
	v3 =	vld [tilespmem:s20+$0xFFFFFE80]  }
0x21d: {  	v4 =	vld [tilespmem:s20+$0xFFFFFF00];
	_ =	sdelay $0x2  }
0x21e: {  	v5 =	vld [tilespmem:s20+$0x0]  }
0x21f: {  	v6 =	vld [tilespmem:s20+$0xFFFFFF80];
	v7 =	vsub.s32 $0x31, v3  }
0x220: {  	v7 =	vpsel p0, v4, v7  }
0x221: {  	v3 =	vpsel p0, v3, v4;
	v4 =	vmul.u32 $0x3200, v7  }
0x222: {  	v3 =	vshll.u32 v3, $0x8  }
0x223: {  	v3 =	vadd.s32 v3, v4  }
0x224: {  	vm0 =	veq.s32 v6, $0x1;
	v4 =	vor.u32 s19, v2;
	v3 =	vadd.s32 v5, v3  }
0x225: {  	s18 =	sadd.s32 $0x10, s18;
	v3 =	vsel vm0, v3, v4  }
0x226: {  	s22 =	simm.s32 $0xBB80;
	[tilespmem:s18+$0x0] =	vst v3  }
0x227: {  	v3 =	vld [tilespmem:s22+$0xFFFFFE80]  }
0x228: {  	v4 =	vld [tilespmem:s22+$0xFFFFFF00];
	_ =	sdelay $0x2  }
0x229: {  	v5 =	vld [tilespmem:s22+$0x0]  }
0x22a: {  	v62 =	vld [tilespmem:s22+$0xFFFFFF80];
	v63 =	vsub.s32 $0x31, v3  }
0x22b: {  	v7 =	vpsel p0, v4, v63  }
0x22c: {  	v3 =	vpsel p0, v3, v4;
	v4 =	vmul.u32 $0x3200, v7  }
0x22d: {  	v3 =	vshll.u32 v3, $0x8  }
0x22e: {  	s23 =	simm.s32 $0x9CA80;
	v3 =	vadd.s32 v3, v4  }
0x22f: {  	vm15 =	veq.s32 v62, $0x1;
	v4 =	vor.u32 s23, v2;
	v3 =	vadd.s32 v5, v3  }
0x230: {  	s18 =	simm.s32 $0xE680;
	v3 =	vsel vm15, v3, v4  }
0x231: {  	s20 =	simm.s32 $0xBB90;
	[tilespmem:s18+$0x0] =	vst v3  }
0x232: {  	s21 =	simm.s32 $0x9CAA0;
	s19 =	simm.s32 $0x9CA90;
	v3 =	vld [tilespmem:s20+$0xFFFFFE80]  }
.LBB2_39:
0x233: {  	p1 =	sne.s32 s21, $0x9CAF0;
	v4 =	vld [tilespmem:s20+$0xFFFFFF00];
	_ =	sdelay $0x2  }
0x234: {  	v5 =	vld [tilespmem:s20+$0x0]  }
0x235: {  	v6 =	vld [tilespmem:s20+$0xFFFFFF80];
	v7 =	vsub.s32 $0x31, v3  }
0x236: {  	v7 =	vpsel p0, v4, v7  }
0x237: {  	v3 =	vpsel p0, v3, v4;
	v4 =	vmul.u32 $0x3200, v7  }
0x238: {  	v3 =	vshll.u32 v3, $0x8  }
.Ltmp18:
0x239: {  	v3 =	vadd.s32 v3, v4;
	(pc) =	sbr.rel @p1 .LBB2_39-.Ltmp18, $4  }
0x23a: {  	v4 =	vor.u32 s19, v2;
	s19 =	smov.u32 s21;
	v3 =	vadd.s32 v5, v3;
	vm0 =	veq.s32 v6, $0x1  }
0x23b: {  	s18 =	sadd.s32 $0x10, s18;
	v3 =	vsel vm0, v3, v4  }
0x23c: {  	s20 =	sadd.s32 $0x10, s20;
	[tilespmem:s18+$0x0] =	vst v3  }
0x23d: {  	s21 =	sadd.s32 $0x10, s21;
	v3 =	vld [tilespmem:s20+$0xFFFFFE80]  }
0x23e: {  	v4 =	vld [tilespmem:s20+$0xFFFFFF00];
	_ =	sdelay $0x2  }
0x23f: {  	v5 =	vld [tilespmem:s20+$0x0]  }
0x240: {  	v6 =	vld [tilespmem:s20+$0xFFFFFF80];
	v7 =	vsub.s32 $0x31, v3  }
0x241: {  	v7 =	vpsel p0, v4, v7  }
0x242: {  	v3 =	vpsel p0, v3, v4;
	v4 =	vmul.u32 $0x3200, v7  }
0x243: {  	v3 =	vshll.u32 v3, $0x8  }
0x244: {  	v3 =	vadd.s32 v3, v4  }
0x245: {  	vm0 =	veq.s32 v6, $0x1;
	v4 =	vor.u32 s19, v2;
	v3 =	vadd.s32 v5, v3  }
0x246: {  	s18 =	sadd.s32 $0x10, s18;
	v3 =	vsel vm0, v3, v4  }
0x247: {  	s22 =	simm.s32 $0xBD80;
	[tilespmem:s18+$0x0] =	vst v3  }
0x248: {  	v3 =	vld [tilespmem:s22+$0xFFFFFE80]  }
0x249: {  	v4 =	vld [tilespmem:s22+$0xFFFFFF00];
	_ =	sdelay $0x2  }
0x24a: {  	v5 =	vld [tilespmem:s22+$0x0]  }
0x24b: {  	v62 =	vld [tilespmem:s22+$0xFFFFFF80];
	v63 =	vsub.s32 $0x31, v3  }
0x24c: {  	v7 =	vpsel p0, v4, v63  }
0x24d: {  	v3 =	vpsel p0, v3, v4;
	v4 =	vmul.u32 $0x3200, v7  }
0x24e: {  	v3 =	vshll.u32 v3, $0x8  }
0x24f: {  	s23 =	simm.s32 $0x9CB00;
	v3 =	vadd.s32 v3, v4  }
0x250: {  	vm15 =	veq.s32 v62, $0x1;
	v4 =	vor.u32 s23, v2;
	v3 =	vadd.s32 v5, v3  }
0x251: {  	s18 =	simm.s32 $0xE700;
	v3 =	vsel vm15, v3, v4  }
0x252: {  	s20 =	simm.s32 $0xBD90;
	[tilespmem:s18+$0x0] =	vst v3  }
0x253: {  	s21 =	simm.s32 $0x9CB20;
	s19 =	simm.s32 $0x9CB10;
	v3 =	vld [tilespmem:s20+$0xFFFFFE80]  }
.LBB2_41:
0x254: {  	p1 =	sne.s32 s21, $0x9CB70;
	v4 =	vld [tilespmem:s20+$0xFFFFFF00];
	_ =	sdelay $0x2  }
0x255: {  	v5 =	vld [tilespmem:s20+$0x0]  }
0x256: {  	v6 =	vld [tilespmem:s20+$0xFFFFFF80];
	v7 =	vsub.s32 $0x31, v3  }
0x257: {  	v7 =	vpsel p0, v4, v7  }
0x258: {  	v3 =	vpsel p0, v3, v4;
	v4 =	vmul.u32 $0x3200, v7  }
0x259: {  	v3 =	vshll.u32 v3, $0x8  }
.Ltmp19:
0x25a: {  	v3 =	vadd.s32 v3, v4;
	(pc) =	sbr.rel @p1 .LBB2_41-.Ltmp19, $4  }
0x25b: {  	v4 =	vor.u32 s19, v2;
	s19 =	smov.u32 s21;
	v3 =	vadd.s32 v5, v3;
	vm0 =	veq.s32 v6, $0x1  }
0x25c: {  	s18 =	sadd.s32 $0x10, s18;
	v3 =	vsel vm0, v3, v4  }
0x25d: {  	s20 =	sadd.s32 $0x10, s20;
	[tilespmem:s18+$0x0] =	vst v3  }
0x25e: {  	s21 =	sadd.s32 $0x10, s21;
	v3 =	vld [tilespmem:s20+$0xFFFFFE80]  }
0x25f: {  	v4 =	vld [tilespmem:s20+$0xFFFFFF00];
	_ =	sdelay $0x2  }
0x260: {  	v5 =	vld [tilespmem:s20+$0x0]  }
0x261: {  	v6 =	vld [tilespmem:s20+$0xFFFFFF80];
	v7 =	vsub.s32 $0x31, v3  }
0x262: {  	v7 =	vpsel p0, v4, v7  }
0x263: {  	v3 =	vpsel p0, v3, v4;
	v4 =	vmul.u32 $0x3200, v7  }
0x264: {  	v3 =	vshll.u32 v3, $0x8  }
0x265: {  	v3 =	vadd.s32 v3, v4  }
0x266: {  	vm0 =	veq.s32 v6, $0x1;
	v4 =	vor.u32 s19, v2;
	v3 =	vadd.s32 v5, v3  }
0x267: {  	s18 =	sadd.s32 $0x10, s18;
	v3 =	vsel vm0, v3, v4  }
0x268: {  	s22 =	simm.s32 $0xBF80;
	[tilespmem:s18+$0x0] =	vst v3  }
0x269: {  	v3 =	vld [tilespmem:s22+$0xFFFFFE80]  }
0x26a: {  	v4 =	vld [tilespmem:s22+$0xFFFFFF00];
	_ =	sdelay $0x2  }
0x26b: {  	v5 =	vld [tilespmem:s22+$0x0]  }
0x26c: {  	v62 =	vld [tilespmem:s22+$0xFFFFFF80];
	v63 =	vsub.s32 $0x31, v3  }
0x26d: {  	v7 =	vpsel p0, v4, v63  }
0x26e: {  	v3 =	vpsel p0, v3, v4;
	v4 =	vmul.u32 $0x3200, v7  }
0x26f: {  	v3 =	vshll.u32 v3, $0x8  }
0x270: {  	s23 =	simm.s32 $0x9CB80;
	v3 =	vadd.s32 v3, v4  }
0x271: {  	vm15 =	veq.s32 v62, $0x1;
	v4 =	vor.u32 s23, v2;
	v3 =	vadd.s32 v5, v3  }
0x272: {  	s18 =	simm.s32 $0xE780;
	v3 =	vsel vm15, v3, v4  }
0x273: {  	s20 =	simm.s32 $0xBF90;
	[tilespmem:s18+$0x0] =	vst v3  }
0x274: {  	s21 =	simm.s32 $0x9CBA0;
	s19 =	simm.s32 $0x9CB90;
	v3 =	vld [tilespmem:s20+$0xFFFFFE80]  }
.LBB2_43:
0x275: {  	p1 =	sne.s32 s21, $0x9CBF0;
	v4 =	vld [tilespmem:s20+$0xFFFFFF00];
	_ =	sdelay $0x2  }
0x276: {  	v5 =	vld [tilespmem:s20+$0x0]  }
0x277: {  	v6 =	vld [tilespmem:s20+$0xFFFFFF80];
	v7 =	vsub.s32 $0x31, v3  }
0x278: {  	v7 =	vpsel p0, v4, v7  }
0x279: {  	v3 =	vpsel p0, v3, v4;
	v4 =	vmul.u32 $0x3200, v7  }
0x27a: {  	v3 =	vshll.u32 v3, $0x8  }
.Ltmp20:
0x27b: {  	v3 =	vadd.s32 v3, v4;
	(pc) =	sbr.rel @p1 .LBB2_43-.Ltmp20, $4  }
0x27c: {  	v4 =	vor.u32 s19, v2;
	s19 =	smov.u32 s21;
	v3 =	vadd.s32 v5, v3;
	vm0 =	veq.s32 v6, $0x1  }
0x27d: {  	s18 =	sadd.s32 $0x10, s18;
	v3 =	vsel vm0, v3, v4  }
0x27e: {  	s20 =	sadd.s32 $0x10, s20;
	[tilespmem:s18+$0x0] =	vst v3  }
0x27f: {  	s21 =	sadd.s32 $0x10, s21;
	v3 =	vld [tilespmem:s20+$0xFFFFFE80]  }
0x280: {  	v4 =	vld [tilespmem:s20+$0xFFFFFF00];
	_ =	sdelay $0x2  }
0x281: {  	v5 =	vld [tilespmem:s20+$0x0]  }
0x282: {  	v6 =	vld [tilespmem:s20+$0xFFFFFF80];
	v7 =	vsub.s32 $0x31, v3  }
0x283: {  	v7 =	vpsel p0, v4, v7  }
0x284: {  	v3 =	vpsel p0, v3, v4;
	v4 =	vmul.u32 $0x3200, v7  }
0x285: {  	v3 =	vshll.u32 v3, $0x8  }
0x286: {  	v3 =	vadd.s32 v3, v4  }
0x287: {  	vm0 =	veq.s32 v6, $0x1;
	v4 =	vor.u32 s19, v2;
	v3 =	vadd.s32 v5, v3  }
0x288: {  	s18 =	sadd.s32 $0x10, s18;
	v3 =	vsel vm0, v3, v4  }
0x289: {  	s22 =	simm.s32 $0xC180;
	[tilespmem:s18+$0x0] =	vst v3  }
0x28a: {  	v3 =	vld [tilespmem:s22+$0xFFFFFE80]  }
0x28b: {  	v4 =	vld [tilespmem:s22+$0xFFFFFF00];
	_ =	sdelay $0x2  }
0x28c: {  	v5 =	vld [tilespmem:s22+$0x0]  }
0x28d: {  	v62 =	vld [tilespmem:s22+$0xFFFFFF80];
	v63 =	vsub.s32 $0x31, v3  }
0x28e: {  	v7 =	vpsel p0, v4, v63  }
0x28f: {  	v3 =	vpsel p0, v3, v4;
	v4 =	vmul.u32 $0x3200, v7  }
0x290: {  	v3 =	vshll.u32 v3, $0x8  }
0x291: {  	s23 =	simm.s32 $0x9CC00;
	v3 =	vadd.s32 v3, v4  }
0x292: {  	vm15 =	veq.s32 v62, $0x1;
	v4 =	vor.u32 s23, v2;
	v3 =	vadd.s32 v5, v3  }
0x293: {  	s18 =	simm.s32 $0xE800;
	v3 =	vsel vm15, v3, v4  }
0x294: {  	s20 =	simm.s32 $0xC190;
	[tilespmem:s18+$0x0] =	vst v3  }
0x295: {  	s21 =	simm.s32 $0x9CC20;
	s19 =	simm.s32 $0x9CC10;
	v3 =	vld [tilespmem:s20+$0xFFFFFE80]  }
.LBB2_45:
0x296: {  	p1 =	sne.s32 s21, $0x9CC70;
	v4 =	vld [tilespmem:s20+$0xFFFFFF00];
	_ =	sdelay $0x2  }
0x297: {  	v5 =	vld [tilespmem:s20+$0x0]  }
0x298: {  	v6 =	vld [tilespmem:s20+$0xFFFFFF80];
	v7 =	vsub.s32 $0x31, v3  }
0x299: {  	v7 =	vpsel p0, v4, v7  }
0x29a: {  	v3 =	vpsel p0, v3, v4;
	v4 =	vmul.u32 $0x3200, v7  }
0x29b: {  	v3 =	vshll.u32 v3, $0x8  }
.Ltmp21:
0x29c: {  	v3 =	vadd.s32 v3, v4;
	(pc) =	sbr.rel @p1 .LBB2_45-.Ltmp21, $4  }
0x29d: {  	v4 =	vor.u32 s19, v2;
	s19 =	smov.u32 s21;
	v3 =	vadd.s32 v5, v3;
	vm0 =	veq.s32 v6, $0x1  }
0x29e: {  	s18 =	sadd.s32 $0x10, s18;
	v3 =	vsel vm0, v3, v4  }
0x29f: {  	s20 =	sadd.s32 $0x10, s20;
	[tilespmem:s18+$0x0] =	vst v3  }
0x2a0: {  	s21 =	sadd.s32 $0x10, s21;
	v3 =	vld [tilespmem:s20+$0xFFFFFE80]  }
0x2a1: {  	v4 =	vld [tilespmem:s20+$0xFFFFFF00];
	_ =	sdelay $0x2  }
0x2a2: {  	v5 =	vld [tilespmem:s20+$0x0]  }
0x2a3: {  	v6 =	vld [tilespmem:s20+$0xFFFFFF80];
	v7 =	vsub.s32 $0x31, v3  }
0x2a4: {  	v7 =	vpsel p0, v4, v7  }
0x2a5: {  	v3 =	vpsel p0, v3, v4;
	v4 =	vmul.u32 $0x3200, v7  }
0x2a6: {  	v3 =	vshll.u32 v3, $0x8  }
0x2a7: {  	v3 =	vadd.s32 v3, v4  }
0x2a8: {  	vm0 =	veq.s32 v6, $0x1;
	v4 =	vor.u32 s19, v2;
	v3 =	vadd.s32 v5, v3  }
0x2a9: {  	s18 =	sadd.s32 $0x10, s18;
	v3 =	vsel vm0, v3, v4  }
0x2aa: {  	s22 =	simm.s32 $0xC380;
	[tilespmem:s18+$0x0] =	vst v3  }
0x2ab: {  	v3 =	vld [tilespmem:s22+$0xFFFFFE80]  }
0x2ac: {  	v4 =	vld [tilespmem:s22+$0xFFFFFF00];
	_ =	sdelay $0x2  }
0x2ad: {  	v5 =	vld [tilespmem:s22+$0x0]  }
0x2ae: {  	v62 =	vld [tilespmem:s22+$0xFFFFFF80];
	v63 =	vsub.s32 $0x31, v3  }
0x2af: {  	v7 =	vpsel p0, v4, v63  }
0x2b0: {  	v3 =	vpsel p0, v3, v4;
	v4 =	vmul.u32 $0x3200, v7  }
0x2b1: {  	v3 =	vshll.u32 v3, $0x8  }
0x2b2: {  	s23 =	simm.s32 $0x9CC80;
	v3 =	vadd.s32 v3, v4  }
0x2b3: {  	vm15 =	veq.s32 v62, $0x1;
	v4 =	vor.u32 s23, v2;
	v3 =	vadd.s32 v5, v3  }
0x2b4: {  	s18 =	simm.s32 $0xE880;
	v3 =	vsel vm15, v3, v4  }
0x2b5: {  	s20 =	simm.s32 $0xC390;
	[tilespmem:s18+$0x0] =	vst v3  }
0x2b6: {  	s21 =	simm.s32 $0x9CCA0;
	s19 =	simm.s32 $0x9CC90;
	v3 =	vld [tilespmem:s20+$0xFFFFFE80]  }
.LBB2_47:
0x2b7: {  	p1 =	sne.s32 s21, $0x9CCF0;
	v4 =	vld [tilespmem:s20+$0xFFFFFF00];
	_ =	sdelay $0x2  }
0x2b8: {  	v5 =	vld [tilespmem:s20+$0x0]  }
0x2b9: {  	v6 =	vld [tilespmem:s20+$0xFFFFFF80];
	v7 =	vsub.s32 $0x31, v3  }
0x2ba: {  	v7 =	vpsel p0, v4, v7  }
0x2bb: {  	v3 =	vpsel p0, v3, v4;
	v4 =	vmul.u32 $0x3200, v7  }
0x2bc: {  	v3 =	vshll.u32 v3, $0x8  }
.Ltmp22:
0x2bd: {  	v3 =	vadd.s32 v3, v4;
	(pc) =	sbr.rel @p1 .LBB2_47-.Ltmp22, $4  }
0x2be: {  	v4 =	vor.u32 s19, v2;
	s19 =	smov.u32 s21;
	v3 =	vadd.s32 v5, v3;
	vm0 =	veq.s32 v6, $0x1  }
0x2bf: {  	s18 =	sadd.s32 $0x10, s18;
	v3 =	vsel vm0, v3, v4  }
0x2c0: {  	s20 =	sadd.s32 $0x10, s20;
	[tilespmem:s18+$0x0] =	vst v3  }
0x2c1: {  	s21 =	sadd.s32 $0x10, s21;
	v3 =	vld [tilespmem:s20+$0xFFFFFE80]  }
0x2c2: {  	v4 =	vld [tilespmem:s20+$0xFFFFFF00];
	_ =	sdelay $0x2  }
0x2c3: {  	v5 =	vld [tilespmem:s20+$0x0]  }
0x2c4: {  	v6 =	vld [tilespmem:s20+$0xFFFFFF80];
	v7 =	vsub.s32 $0x31, v3  }
0x2c5: {  	v7 =	vpsel p0, v4, v7  }
0x2c6: {  	v3 =	vpsel p0, v3, v4;
	v4 =	vmul.u32 $0x3200, v7  }
0x2c7: {  	v3 =	vshll.u32 v3, $0x8  }
0x2c8: {  	v3 =	vadd.s32 v3, v4  }
0x2c9: {  	vm0 =	veq.s32 v6, $0x1;
	v4 =	vor.u32 s19, v2;
	v3 =	vadd.s32 v5, v3  }
0x2ca: {  	s18 =	sadd.s32 $0x10, s18;
	v3 =	vsel vm0, v3, v4  }
0x2cb: {  	s22 =	simm.s32 $0xC580;
	[tilespmem:s18+$0x0] =	vst v3  }
0x2cc: {  	v3 =	vld [tilespmem:s22+$0xFFFFFE80]  }
0x2cd: {  	v4 =	vld [tilespmem:s22+$0xFFFFFF00];
	_ =	sdelay $0x2  }
0x2ce: {  	v5 =	vld [tilespmem:s22+$0x0]  }
0x2cf: {  	v62 =	vld [tilespmem:s22+$0xFFFFFF80];
	v63 =	vsub.s32 $0x31, v3  }
0x2d0: {  	v7 =	vpsel p0, v4, v63  }
0x2d1: {  	v3 =	vpsel p0, v3, v4;
	v4 =	vmul.u32 $0x3200, v7  }
0x2d2: {  	v3 =	vshll.u32 v3, $0x8  }
0x2d3: {  	s23 =	simm.s32 $0x9CD00;
	v3 =	vadd.s32 v3, v4  }
0x2d4: {  	vm15 =	veq.s32 v62, $0x1;
	v4 =	vor.u32 s23, v2;
	v3 =	vadd.s32 v5, v3  }
0x2d5: {  	s18 =	simm.s32 $0xE900;
	v3 =	vsel vm15, v3, v4  }
0x2d6: {  	s20 =	simm.s32 $0xC590;
	[tilespmem:s18+$0x0] =	vst v3  }
0x2d7: {  	s21 =	simm.s32 $0x9CD20;
	s19 =	simm.s32 $0x9CD10;
	v3 =	vld [tilespmem:s20+$0xFFFFFE80]  }
.LBB2_49:
0x2d8: {  	p1 =	sne.s32 s21, $0x9CD70;
	v4 =	vld [tilespmem:s20+$0xFFFFFF00];
	_ =	sdelay $0x2  }
0x2d9: {  	v5 =	vld [tilespmem:s20+$0x0]  }
0x2da: {  	v6 =	vld [tilespmem:s20+$0xFFFFFF80];
	v7 =	vsub.s32 $0x31, v3  }
0x2db: {  	v7 =	vpsel p0, v4, v7  }
0x2dc: {  	v3 =	vpsel p0, v3, v4;
	v4 =	vmul.u32 $0x3200, v7  }
0x2dd: {  	v3 =	vshll.u32 v3, $0x8  }
.Ltmp23:
0x2de: {  	v3 =	vadd.s32 v3, v4;
	(pc) =	sbr.rel @p1 .LBB2_49-.Ltmp23, $4  }
0x2df: {  	v4 =	vor.u32 s19, v2;
	s19 =	smov.u32 s21;
	v3 =	vadd.s32 v5, v3;
	vm0 =	veq.s32 v6, $0x1  }
0x2e0: {  	s18 =	sadd.s32 $0x10, s18;
	v3 =	vsel vm0, v3, v4  }
0x2e1: {  	s20 =	sadd.s32 $0x10, s20;
	[tilespmem:s18+$0x0] =	vst v3  }
0x2e2: {  	s21 =	sadd.s32 $0x10, s21;
	v3 =	vld [tilespmem:s20+$0xFFFFFE80]  }
0x2e3: {  	v4 =	vld [tilespmem:s20+$0xFFFFFF00];
	_ =	sdelay $0x2  }
0x2e4: {  	v5 =	vld [tilespmem:s20+$0x0]  }
0x2e5: {  	v6 =	vld [tilespmem:s20+$0xFFFFFF80];
	v7 =	vsub.s32 $0x31, v3  }
0x2e6: {  	v7 =	vpsel p0, v4, v7  }
0x2e7: {  	v3 =	vpsel p0, v3, v4;
	v4 =	vmul.u32 $0x3200, v7  }
0x2e8: {  	v3 =	vshll.u32 v3, $0x8  }
0x2e9: {  	v3 =	vadd.s32 v3, v4  }
0x2ea: {  	vm0 =	veq.s32 v6, $0x1;
	v4 =	vor.u32 s19, v2;
	v3 =	vadd.s32 v5, v3  }
0x2eb: {  	s18 =	sadd.s32 $0x10, s18;
	v3 =	vsel vm0, v3, v4  }
0x2ec: {  	s22 =	simm.s32 $0xC780;
	[tilespmem:s18+$0x0] =	vst v3  }
0x2ed: {  	v3 =	vld [tilespmem:s22+$0xFFFFFE80]  }
0x2ee: {  	v4 =	vld [tilespmem:s22+$0xFFFFFF00];
	_ =	sdelay $0x2  }
0x2ef: {  	v5 =	vld [tilespmem:s22+$0x0]  }
0x2f0: {  	v62 =	vld [tilespmem:s22+$0xFFFFFF80];
	v63 =	vsub.s32 $0x31, v3  }
0x2f1: {  	v7 =	vpsel p0, v4, v63  }
0x2f2: {  	v3 =	vpsel p0, v3, v4;
	v4 =	vmul.u32 $0x3200, v7  }
0x2f3: {  	v3 =	vshll.u32 v3, $0x8  }
0x2f4: {  	s23 =	simm.s32 $0x9CD80;
	v3 =	vadd.s32 v3, v4  }
0x2f5: {  	vm15 =	veq.s32 v62, $0x1;
	v4 =	vor.u32 s23, v2;
	v3 =	vadd.s32 v5, v3  }
0x2f6: {  	s18 =	simm.s32 $0xE980;
	v3 =	vsel vm15, v3, v4  }
0x2f7: {  	s20 =	simm.s32 $0xC790;
	[tilespmem:s18+$0x0] =	vst v3  }
0x2f8: {  	s21 =	simm.s32 $0x9CDA0;
	s19 =	simm.s32 $0x9CD90;
	v3 =	vld [tilespmem:s20+$0xFFFFFE80]  }
.LBB2_51:
0x2f9: {  	p1 =	sne.s32 s21, $0x9CDF0;
	v4 =	vld [tilespmem:s20+$0xFFFFFF00];
	_ =	sdelay $0x2  }
0x2fa: {  	v5 =	vld [tilespmem:s20+$0x0]  }
0x2fb: {  	v6 =	vld [tilespmem:s20+$0xFFFFFF80];
	v7 =	vsub.s32 $0x31, v3  }
0x2fc: {  	v7 =	vpsel p0, v4, v7  }
0x2fd: {  	v3 =	vpsel p0, v3, v4;
	v4 =	vmul.u32 $0x3200, v7  }
0x2fe: {  	v3 =	vshll.u32 v3, $0x8  }
.Ltmp24:
0x2ff: {  	v3 =	vadd.s32 v3, v4;
	(pc) =	sbr.rel @p1 .LBB2_51-.Ltmp24, $4  }
0x300: {  	v4 =	vor.u32 s19, v2;
	s19 =	smov.u32 s21;
	v3 =	vadd.s32 v5, v3;
	vm0 =	veq.s32 v6, $0x1  }
0x301: {  	s18 =	sadd.s32 $0x10, s18;
	v3 =	vsel vm0, v3, v4  }
0x302: {  	s20 =	sadd.s32 $0x10, s20;
	[tilespmem:s18+$0x0] =	vst v3  }
0x303: {  	s21 =	sadd.s32 $0x10, s21;
	v3 =	vld [tilespmem:s20+$0xFFFFFE80]  }
0x304: {  	v4 =	vld [tilespmem:s20+$0xFFFFFF00];
	_ =	sdelay $0x2  }
0x305: {  	v5 =	vld [tilespmem:s20+$0x0]  }
0x306: {  	v6 =	vld [tilespmem:s20+$0xFFFFFF80];
	v7 =	vsub.s32 $0x31, v3  }
0x307: {  	v7 =	vpsel p0, v4, v7  }
0x308: {  	v3 =	vpsel p0, v3, v4;
	v4 =	vmul.u32 $0x3200, v7  }
0x309: {  	v3 =	vshll.u32 v3, $0x8  }
0x30a: {  	v3 =	vadd.s32 v3, v4  }
0x30b: {  	vm0 =	veq.s32 v6, $0x1;
	v4 =	vor.u32 s19, v2;
	v3 =	vadd.s32 v5, v3  }
0x30c: {  	s18 =	sadd.s32 $0x10, s18;
	v3 =	vsel vm0, v3, v4  }
0x30d: {  	s22 =	simm.s32 $0xC980;
	[tilespmem:s18+$0x0] =	vst v3  }
0x30e: {  	v3 =	vld [tilespmem:s22+$0xFFFFFE80]  }
0x30f: {  	v4 =	vld [tilespmem:s22+$0xFFFFFF00];
	_ =	sdelay $0x2  }
0x310: {  	v5 =	vld [tilespmem:s22+$0x0]  }
0x311: {  	v62 =	vld [tilespmem:s22+$0xFFFFFF80];
	v63 =	vsub.s32 $0x31, v3  }
0x312: {  	v7 =	vpsel p0, v4, v63  }
0x313: {  	v3 =	vpsel p0, v3, v4;
	v4 =	vmul.u32 $0x3200, v7  }
0x314: {  	v3 =	vshll.u32 v3, $0x8  }
0x315: {  	s23 =	simm.s32 $0x9CE00;
	v3 =	vadd.s32 v3, v4  }
0x316: {  	vm15 =	veq.s32 v62, $0x1;
	v4 =	vor.u32 s23, v2;
	v3 =	vadd.s32 v5, v3  }
0x317: {  	s18 =	simm.s32 $0xEA00;
	v3 =	vsel vm15, v3, v4  }
0x318: {  	s20 =	simm.s32 $0xC990;
	[tilespmem:s18+$0x0] =	vst v3  }
0x319: {  	s21 =	simm.s32 $0x9CE20;
	s19 =	simm.s32 $0x9CE10;
	v3 =	vld [tilespmem:s20+$0xFFFFFE80]  }
.LBB2_53:
0x31a: {  	p1 =	sne.s32 s21, $0x9CE70;
	v4 =	vld [tilespmem:s20+$0xFFFFFF00];
	_ =	sdelay $0x2  }
0x31b: {  	v5 =	vld [tilespmem:s20+$0x0]  }
0x31c: {  	v6 =	vld [tilespmem:s20+$0xFFFFFF80];
	v7 =	vsub.s32 $0x31, v3  }
0x31d: {  	v7 =	vpsel p0, v4, v7  }
0x31e: {  	v3 =	vpsel p0, v3, v4;
	v4 =	vmul.u32 $0x3200, v7  }
0x31f: {  	v3 =	vshll.u32 v3, $0x8  }
.Ltmp25:
0x320: {  	v3 =	vadd.s32 v3, v4;
	(pc) =	sbr.rel @p1 .LBB2_53-.Ltmp25, $4  }
0x321: {  	v4 =	vor.u32 s19, v2;
	s19 =	smov.u32 s21;
	v3 =	vadd.s32 v5, v3;
	vm0 =	veq.s32 v6, $0x1  }
0x322: {  	s18 =	sadd.s32 $0x10, s18;
	v3 =	vsel vm0, v3, v4  }
0x323: {  	s20 =	sadd.s32 $0x10, s20;
	[tilespmem:s18+$0x0] =	vst v3  }
0x324: {  	s21 =	sadd.s32 $0x10, s21;
	v3 =	vld [tilespmem:s20+$0xFFFFFE80]  }
0x325: {  	v4 =	vld [tilespmem:s20+$0xFFFFFF00];
	_ =	sdelay $0x2  }
0x326: {  	v5 =	vld [tilespmem:s20+$0x0]  }
0x327: {  	v6 =	vld [tilespmem:s20+$0xFFFFFF80];
	v7 =	vsub.s32 $0x31, v3  }
0x328: {  	v7 =	vpsel p0, v4, v7  }
0x329: {  	v3 =	vpsel p0, v3, v4;
	v4 =	vmul.u32 $0x3200, v7  }
0x32a: {  	v3 =	vshll.u32 v3, $0x8  }
0x32b: {  	v3 =	vadd.s32 v3, v4  }
0x32c: {  	vm0 =	veq.s32 v6, $0x1;
	v4 =	vor.u32 s19, v2;
	v3 =	vadd.s32 v5, v3  }
0x32d: {  	s18 =	sadd.s32 $0x10, s18;
	v3 =	vsel vm0, v3, v4  }
0x32e: {  	s22 =	simm.s32 $0xCB80;
	[tilespmem:s18+$0x0] =	vst v3  }
0x32f: {  	v3 =	vld [tilespmem:s22+$0xFFFFFE80]  }
0x330: {  	v4 =	vld [tilespmem:s22+$0xFFFFFF00];
	_ =	sdelay $0x2  }
0x331: {  	v5 =	vld [tilespmem:s22+$0x0]  }
0x332: {  	v62 =	vld [tilespmem:s22+$0xFFFFFF80];
	v63 =	vsub.s32 $0x31, v3  }
0x333: {  	v7 =	vpsel p0, v4, v63  }
0x334: {  	v3 =	vpsel p0, v3, v4;
	v4 =	vmul.u32 $0x3200, v7  }
0x335: {  	v3 =	vshll.u32 v3, $0x8  }
0x336: {  	s23 =	simm.s32 $0x9CE80;
	v3 =	vadd.s32 v3, v4  }
0x337: {  	vm15 =	veq.s32 v62, $0x1;
	v4 =	vor.u32 s23, v2;
	v3 =	vadd.s32 v5, v3  }
0x338: {  	s18 =	simm.s32 $0xEA80;
	v3 =	vsel vm15, v3, v4  }
0x339: {  	s20 =	simm.s32 $0xCB90;
	[tilespmem:s18+$0x0] =	vst v3  }
0x33a: {  	s21 =	simm.s32 $0x9CEA0;
	s19 =	simm.s32 $0x9CE90;
	v3 =	vld [tilespmem:s20+$0xFFFFFE80]  }
.LBB2_55:
0x33b: {  	p1 =	sne.s32 s21, $0x9CEF0;
	v4 =	vld [tilespmem:s20+$0xFFFFFF00];
	_ =	sdelay $0x2  }
0x33c: {  	v5 =	vld [tilespmem:s20+$0x0]  }
0x33d: {  	v6 =	vld [tilespmem:s20+$0xFFFFFF80];
	v7 =	vsub.s32 $0x31, v3  }
0x33e: {  	v7 =	vpsel p0, v4, v7  }
0x33f: {  	v3 =	vpsel p0, v3, v4;
	v4 =	vmul.u32 $0x3200, v7  }
0x340: {  	v3 =	vshll.u32 v3, $0x8  }
.Ltmp26:
0x341: {  	v3 =	vadd.s32 v3, v4;
	(pc) =	sbr.rel @p1 .LBB2_55-.Ltmp26, $4  }
0x342: {  	v4 =	vor.u32 s19, v2;
	s19 =	smov.u32 s21;
	v3 =	vadd.s32 v5, v3;
	vm0 =	veq.s32 v6, $0x1  }
0x343: {  	s18 =	sadd.s32 $0x10, s18;
	v3 =	vsel vm0, v3, v4  }
0x344: {  	s20 =	sadd.s32 $0x10, s20;
	[tilespmem:s18+$0x0] =	vst v3  }
0x345: {  	s21 =	sadd.s32 $0x10, s21;
	v3 =	vld [tilespmem:s20+$0xFFFFFE80]  }
0x346: {  	v4 =	vld [tilespmem:s20+$0xFFFFFF00];
	_ =	sdelay $0x2  }
0x347: {  	v5 =	vld [tilespmem:s20+$0x0]  }
0x348: {  	v6 =	vld [tilespmem:s20+$0xFFFFFF80];
	v7 =	vsub.s32 $0x31, v3  }
0x349: {  	v7 =	vpsel p0, v4, v7  }
0x34a: {  	v3 =	vpsel p0, v3, v4;
	v4 =	vmul.u32 $0x3200, v7  }
0x34b: {  	v3 =	vshll.u32 v3, $0x8  }
0x34c: {  	v3 =	vadd.s32 v3, v4  }
0x34d: {  	vm0 =	veq.s32 v6, $0x1;
	v4 =	vor.u32 s19, v2;
	v3 =	vadd.s32 v5, v3  }
0x34e: {  	s18 =	sadd.s32 $0x10, s18;
	v3 =	vsel vm0, v3, v4  }
0x34f: {  	s22 =	simm.s32 $0xCD80;
	[tilespmem:s18+$0x0] =	vst v3  }
0x350: {  	v3 =	vld [tilespmem:s22+$0xFFFFFE80]  }
0x351: {  	v4 =	vld [tilespmem:s22+$0xFFFFFF00];
	_ =	sdelay $0x2  }
0x352: {  	v5 =	vld [tilespmem:s22+$0x0]  }
0x353: {  	v62 =	vld [tilespmem:s22+$0xFFFFFF80];
	v63 =	vsub.s32 $0x31, v3  }
0x354: {  	v7 =	vpsel p0, v4, v63  }
0x355: {  	v3 =	vpsel p0, v3, v4;
	v4 =	vmul.u32 $0x3200, v7  }
0x356: {  	v3 =	vshll.u32 v3, $0x8  }
0x357: {  	s23 =	simm.s32 $0x9CF00;
	v3 =	vadd.s32 v3, v4  }
0x358: {  	vm15 =	veq.s32 v62, $0x1;
	v4 =	vor.u32 s23, v2;
	v3 =	vadd.s32 v5, v3  }
0x359: {  	s18 =	simm.s32 $0xEB00;
	v3 =	vsel vm15, v3, v4  }
0x35a: {  	s20 =	simm.s32 $0xCD90;
	[tilespmem:s18+$0x0] =	vst v3  }
0x35b: {  	s21 =	simm.s32 $0x9CF20;
	s19 =	simm.s32 $0x9CF10;
	v3 =	vld [tilespmem:s20+$0xFFFFFE80]  }
.LBB2_57:
0x35c: {  	p1 =	sne.s32 s21, $0x9CF70;
	v4 =	vld [tilespmem:s20+$0xFFFFFF00];
	_ =	sdelay $0x2  }
0x35d: {  	v5 =	vld [tilespmem:s20+$0x0]  }
0x35e: {  	v6 =	vld [tilespmem:s20+$0xFFFFFF80];
	v7 =	vsub.s32 $0x31, v3  }
0x35f: {  	v7 =	vpsel p0, v4, v7  }
0x360: {  	v3 =	vpsel p0, v3, v4;
	v4 =	vmul.u32 $0x3200, v7  }
0x361: {  	v3 =	vshll.u32 v3, $0x8  }
.Ltmp27:
0x362: {  	v3 =	vadd.s32 v3, v4;
	(pc) =	sbr.rel @p1 .LBB2_57-.Ltmp27, $4  }
0x363: {  	v4 =	vor.u32 s19, v2;
	s19 =	smov.u32 s21;
	v3 =	vadd.s32 v5, v3;
	vm0 =	veq.s32 v6, $0x1  }
0x364: {  	s18 =	sadd.s32 $0x10, s18;
	v3 =	vsel vm0, v3, v4  }
0x365: {  	s20 =	sadd.s32 $0x10, s20;
	[tilespmem:s18+$0x0] =	vst v3  }
0x366: {  	s21 =	sadd.s32 $0x10, s21;
	v3 =	vld [tilespmem:s20+$0xFFFFFE80]  }
0x367: {  	v4 =	vld [tilespmem:s20+$0xFFFFFF00];
	_ =	sdelay $0x2  }
0x368: {  	v5 =	vld [tilespmem:s20+$0x0]  }
0x369: {  	v6 =	vld [tilespmem:s20+$0xFFFFFF80];
	v7 =	vsub.s32 $0x31, v3  }
0x36a: {  	v7 =	vpsel p0, v4, v7  }
0x36b: {  	v3 =	vpsel p0, v3, v4;
	v4 =	vmul.u32 $0x3200, v7  }
0x36c: {  	v3 =	vshll.u32 v3, $0x8  }
0x36d: {  	v3 =	vadd.s32 v3, v4  }
0x36e: {  	vm0 =	veq.s32 v6, $0x1;
	v4 =	vor.u32 s19, v2;
	v3 =	vadd.s32 v5, v3  }
0x36f: {  	s18 =	sadd.s32 $0x10, s18;
	v3 =	vsel vm0, v3, v4  }
0x370: {  	s22 =	simm.s32 $0xCF80;
	[tilespmem:s18+$0x0] =	vst v3  }
0x371: {  	v3 =	vld [tilespmem:s22+$0xFFFFFE80]  }
0x372: {  	v4 =	vld [tilespmem:s22+$0xFFFFFF00];
	_ =	sdelay $0x2  }
0x373: {  	v5 =	vld [tilespmem:s22+$0x0]  }
0x374: {  	v62 =	vld [tilespmem:s22+$0xFFFFFF80];
	v63 =	vsub.s32 $0x31, v3  }
0x375: {  	v7 =	vpsel p0, v4, v63  }
0x376: {  	v3 =	vpsel p0, v3, v4;
	v4 =	vmul.u32 $0x3200, v7  }
0x377: {  	v3 =	vshll.u32 v3, $0x8  }
0x378: {  	s23 =	simm.s32 $0x9CF80;
	v3 =	vadd.s32 v3, v4  }
0x379: {  	vm15 =	veq.s32 v62, $0x1;
	v4 =	vor.u32 s23, v2;
	v3 =	vadd.s32 v5, v3  }
0x37a: {  	s18 =	simm.s32 $0xEB80;
	v3 =	vsel vm15, v3, v4  }
0x37b: {  	s20 =	simm.s32 $0xCF90;
	[tilespmem:s18+$0x0] =	vst v3  }
0x37c: {  	s21 =	simm.s32 $0x9CFA0;
	s19 =	simm.s32 $0x9CF90;
	v3 =	vld [tilespmem:s20+$0xFFFFFE80]  }
.LBB2_59:
0x37d: {  	p1 =	sne.s32 s21, $0x9CFF0;
	v4 =	vld [tilespmem:s20+$0xFFFFFF00];
	_ =	sdelay $0x2  }
0x37e: {  	v5 =	vld [tilespmem:s20+$0x0]  }
0x37f: {  	v6 =	vld [tilespmem:s20+$0xFFFFFF80];
	v7 =	vsub.s32 $0x31, v3  }
0x380: {  	v7 =	vpsel p0, v4, v7  }
0x381: {  	v3 =	vpsel p0, v3, v4;
	v4 =	vmul.u32 $0x3200, v7  }
0x382: {  	v3 =	vshll.u32 v3, $0x8  }
.Ltmp28:
0x383: {  	v3 =	vadd.s32 v3, v4;
	(pc) =	sbr.rel @p1 .LBB2_59-.Ltmp28, $4  }
0x384: {  	v4 =	vor.u32 s19, v2;
	s19 =	smov.u32 s21;
	v3 =	vadd.s32 v5, v3;
	vm0 =	veq.s32 v6, $0x1  }
0x385: {  	s18 =	sadd.s32 $0x10, s18;
	v3 =	vsel vm0, v3, v4  }
0x386: {  	s20 =	sadd.s32 $0x10, s20;
	[tilespmem:s18+$0x0] =	vst v3  }
0x387: {  	s21 =	sadd.s32 $0x10, s21;
	v3 =	vld [tilespmem:s20+$0xFFFFFE80]  }
0x388: {  	v4 =	vld [tilespmem:s20+$0xFFFFFF00];
	_ =	sdelay $0x2  }
0x389: {  	v5 =	vld [tilespmem:s20+$0x0]  }
0x38a: {  	v6 =	vld [tilespmem:s20+$0xFFFFFF80];
	v7 =	vsub.s32 $0x31, v3  }
0x38b: {  	v7 =	vpsel p0, v4, v7  }
0x38c: {  	v3 =	vpsel p0, v3, v4;
	v4 =	vmul.u32 $0x3200, v7  }
0x38d: {  	v3 =	vshll.u32 v3, $0x8  }
0x38e: {  	v3 =	vadd.s32 v3, v4  }
0x38f: {  	vm0 =	veq.s32 v6, $0x1;
	v4 =	vor.u32 s19, v2;
	v3 =	vadd.s32 v5, v3  }
0x390: {  	s18 =	sadd.s32 $0x10, s18;
	v3 =	vsel vm0, v3, v4  }
0x391: {  	s22 =	simm.s32 $0xD180;
	[tilespmem:s18+$0x0] =	vst v3  }
0x392: {  	v3 =	vld [tilespmem:s22+$0xFFFFFE80]  }
0x393: {  	v4 =	vld [tilespmem:s22+$0xFFFFFF00];
	_ =	sdelay $0x2  }
0x394: {  	v5 =	vld [tilespmem:s22+$0x0]  }
0x395: {  	v62 =	vld [tilespmem:s22+$0xFFFFFF80];
	v63 =	vsub.s32 $0x31, v3  }
0x396: {  	v7 =	vpsel p0, v4, v63  }
0x397: {  	v3 =	vpsel p0, v3, v4;
	v4 =	vmul.u32 $0x3200, v7  }
0x398: {  	v3 =	vshll.u32 v3, $0x8  }
0x399: {  	s23 =	simm.s32 $0x9D000;
	v3 =	vadd.s32 v3, v4  }
0x39a: {  	vm15 =	veq.s32 v62, $0x1;
	v4 =	vor.u32 s23, v2;
	v3 =	vadd.s32 v5, v3  }
0x39b: {  	s18 =	simm.s32 $0xEC00;
	v3 =	vsel vm15, v3, v4  }
0x39c: {  	s20 =	simm.s32 $0xD190;
	[tilespmem:s18+$0x0] =	vst v3  }
0x39d: {  	s21 =	simm.s32 $0x9D020;
	s19 =	simm.s32 $0x9D010;
	v3 =	vld [tilespmem:s20+$0xFFFFFE80]  }
.LBB2_61:
0x39e: {  	p1 =	sne.s32 s21, $0x9D070;
	v4 =	vld [tilespmem:s20+$0xFFFFFF00];
	_ =	sdelay $0x2  }
0x39f: {  	v5 =	vld [tilespmem:s20+$0x0]  }
0x3a0: {  	v6 =	vld [tilespmem:s20+$0xFFFFFF80];
	v7 =	vsub.s32 $0x31, v3  }
0x3a1: {  	v7 =	vpsel p0, v4, v7  }
0x3a2: {  	v3 =	vpsel p0, v3, v4;
	v4 =	vmul.u32 $0x3200, v7  }
0x3a3: {  	v3 =	vshll.u32 v3, $0x8  }
.Ltmp29:
0x3a4: {  	v3 =	vadd.s32 v3, v4;
	(pc) =	sbr.rel @p1 .LBB2_61-.Ltmp29, $4  }
0x3a5: {  	v4 =	vor.u32 s19, v2;
	s19 =	smov.u32 s21;
	v3 =	vadd.s32 v5, v3;
	vm0 =	veq.s32 v6, $0x1  }
0x3a6: {  	s18 =	sadd.s32 $0x10, s18;
	v3 =	vsel vm0, v3, v4  }
0x3a7: {  	s20 =	sadd.s32 $0x10, s20;
	[tilespmem:s18+$0x0] =	vst v3  }
0x3a8: {  	s21 =	sadd.s32 $0x10, s21;
	v3 =	vld [tilespmem:s20+$0xFFFFFE80]  }
0x3a9: {  	v4 =	vld [tilespmem:s20+$0xFFFFFF00];
	_ =	sdelay $0x2  }
0x3aa: {  	v5 =	vld [tilespmem:s20+$0x0]  }
0x3ab: {  	v6 =	vld [tilespmem:s20+$0xFFFFFF80];
	v7 =	vsub.s32 $0x31, v3  }
0x3ac: {  	v7 =	vpsel p0, v4, v7  }
0x3ad: {  	v3 =	vpsel p0, v3, v4;
	v4 =	vmul.u32 $0x3200, v7  }
0x3ae: {  	v3 =	vshll.u32 v3, $0x8  }
0x3af: {  	v3 =	vadd.s32 v3, v4  }
0x3b0: {  	vm0 =	veq.s32 v6, $0x1;
	v4 =	vor.u32 s19, v2;
	v3 =	vadd.s32 v5, v3  }
0x3b1: {  	s18 =	sadd.s32 $0x10, s18;
	v3 =	vsel vm0, v3, v4  }
0x3b2: {  	s22 =	simm.s32 $0xD380;
	[tilespmem:s18+$0x0] =	vst v3  }
0x3b3: {  	v3 =	vld [tilespmem:s22+$0xFFFFFE80]  }
0x3b4: {  	v4 =	vld [tilespmem:s22+$0xFFFFFF00];
	_ =	sdelay $0x2  }
0x3b5: {  	v5 =	vld [tilespmem:s22+$0x0]  }
0x3b6: {  	v62 =	vld [tilespmem:s22+$0xFFFFFF80];
	v63 =	vsub.s32 $0x31, v3  }
0x3b7: {  	v7 =	vpsel p0, v4, v63  }
0x3b8: {  	v3 =	vpsel p0, v3, v4;
	v4 =	vmul.u32 $0x3200, v7  }
0x3b9: {  	v3 =	vshll.u32 v3, $0x8  }
0x3ba: {  	s23 =	simm.s32 $0x9D080;
	v3 =	vadd.s32 v3, v4  }
0x3bb: {  	vm15 =	veq.s32 v62, $0x1;
	v4 =	vor.u32 s23, v2;
	v3 =	vadd.s32 v5, v3  }
0x3bc: {  	s18 =	simm.s32 $0xEC80;
	v3 =	vsel vm15, v3, v4  }
0x3bd: {  	s20 =	simm.s32 $0xD390;
	[tilespmem:s18+$0x0] =	vst v3  }
0x3be: {  	s21 =	simm.s32 $0x9D0A0;
	s19 =	simm.s32 $0x9D090;
	v3 =	vld [tilespmem:s20+$0xFFFFFE80]  }
.LBB2_63:
0x3bf: {  	p1 =	sne.s32 s21, $0x9D0F0;
	v4 =	vld [tilespmem:s20+$0xFFFFFF00];
	_ =	sdelay $0x2  }
0x3c0: {  	v5 =	vld [tilespmem:s20+$0x0]  }
0x3c1: {  	v6 =	vld [tilespmem:s20+$0xFFFFFF80];
	v7 =	vsub.s32 $0x31, v3  }
0x3c2: {  	v7 =	vpsel p0, v4, v7  }
0x3c3: {  	v3 =	vpsel p0, v3, v4;
	v4 =	vmul.u32 $0x3200, v7  }
0x3c4: {  	v3 =	vshll.u32 v3, $0x8  }
.Ltmp30:
0x3c5: {  	v3 =	vadd.s32 v3, v4;
	(pc) =	sbr.rel @p1 .LBB2_63-.Ltmp30, $4  }
0x3c6: {  	v4 =	vor.u32 s19, v2;
	s19 =	smov.u32 s21;
	v3 =	vadd.s32 v5, v3;
	vm0 =	veq.s32 v6, $0x1  }
0x3c7: {  	s18 =	sadd.s32 $0x10, s18;
	v3 =	vsel vm0, v3, v4  }
0x3c8: {  	s20 =	sadd.s32 $0x10, s20;
	[tilespmem:s18+$0x0] =	vst v3  }
0x3c9: {  	s21 =	sadd.s32 $0x10, s21;
	v3 =	vld [tilespmem:s20+$0xFFFFFE80]  }
0x3ca: {  	v4 =	vld [tilespmem:s20+$0xFFFFFF00];
	_ =	sdelay $0x2  }
0x3cb: {  	v5 =	vld [tilespmem:s20+$0x0]  }
0x3cc: {  	v6 =	vld [tilespmem:s20+$0xFFFFFF80];
	v7 =	vsub.s32 $0x31, v3  }
0x3cd: {  	v7 =	vpsel p0, v4, v7  }
0x3ce: {  	v3 =	vpsel p0, v3, v4;
	v4 =	vmul.u32 $0x3200, v7  }
0x3cf: {  	v3 =	vshll.u32 v3, $0x8  }
0x3d0: {  	v3 =	vadd.s32 v3, v4  }
0x3d1: {  	vm0 =	veq.s32 v6, $0x1;
	v4 =	vor.u32 s19, v2;
	v3 =	vadd.s32 v5, v3  }
0x3d2: {  	s18 =	sadd.s32 $0x10, s18;
	v3 =	vsel vm0, v3, v4  }
0x3d3: {  	s22 =	simm.s32 $0xD580;
	[tilespmem:s18+$0x0] =	vst v3  }
0x3d4: {  	v3 =	vld [tilespmem:s22+$0xFFFFFE80]  }
0x3d5: {  	v4 =	vld [tilespmem:s22+$0xFFFFFF00];
	_ =	sdelay $0x2  }
0x3d6: {  	v5 =	vld [tilespmem:s22+$0x0]  }
0x3d7: {  	v62 =	vld [tilespmem:s22+$0xFFFFFF80];
	v63 =	vsub.s32 $0x31, v3  }
0x3d8: {  	v7 =	vpsel p0, v4, v63  }
0x3d9: {  	v3 =	vpsel p0, v3, v4;
	v4 =	vmul.u32 $0x3200, v7  }
0x3da: {  	v3 =	vshll.u32 v3, $0x8  }
0x3db: {  	s23 =	simm.s32 $0x9D100;
	v3 =	vadd.s32 v3, v4  }
0x3dc: {  	vm15 =	veq.s32 v62, $0x1;
	v4 =	vor.u32 s23, v2;
	v3 =	vadd.s32 v5, v3  }
0x3dd: {  	s18 =	simm.s32 $0xED00;
	v3 =	vsel vm15, v3, v4  }
0x3de: {  	s20 =	simm.s32 $0xD590;
	[tilespmem:s18+$0x0] =	vst v3  }
0x3df: {  	s21 =	simm.s32 $0x9D120;
	s19 =	simm.s32 $0x9D110;
	v3 =	vld [tilespmem:s20+$0xFFFFFE80]  }
.LBB2_65:
0x3e0: {  	p1 =	sne.s32 s21, $0x9D170;
	v4 =	vld [tilespmem:s20+$0xFFFFFF00];
	_ =	sdelay $0x2  }
0x3e1: {  	v5 =	vld [tilespmem:s20+$0x0]  }
0x3e2: {  	v6 =	vld [tilespmem:s20+$0xFFFFFF80];
	v7 =	vsub.s32 $0x31, v3  }
0x3e3: {  	v7 =	vpsel p0, v4, v7  }
0x3e4: {  	v3 =	vpsel p0, v3, v4;
	v4 =	vmul.u32 $0x3200, v7  }
0x3e5: {  	v3 =	vshll.u32 v3, $0x8  }
.Ltmp31:
0x3e6: {  	v3 =	vadd.s32 v3, v4;
	(pc) =	sbr.rel @p1 .LBB2_65-.Ltmp31, $4  }
0x3e7: {  	v4 =	vor.u32 s19, v2;
	s19 =	smov.u32 s21;
	v3 =	vadd.s32 v5, v3;
	vm0 =	veq.s32 v6, $0x1  }
0x3e8: {  	s18 =	sadd.s32 $0x10, s18;
	v3 =	vsel vm0, v3, v4  }
0x3e9: {  	s20 =	sadd.s32 $0x10, s20;
	[tilespmem:s18+$0x0] =	vst v3  }
0x3ea: {  	s21 =	sadd.s32 $0x10, s21;
	v3 =	vld [tilespmem:s20+$0xFFFFFE80]  }
0x3eb: {  	v4 =	vld [tilespmem:s20+$0xFFFFFF00];
	_ =	sdelay $0x2  }
0x3ec: {  	v5 =	vld [tilespmem:s20+$0x0]  }
0x3ed: {  	v6 =	vld [tilespmem:s20+$0xFFFFFF80];
	v7 =	vsub.s32 $0x31, v3  }
0x3ee: {  	v7 =	vpsel p0, v4, v7  }
0x3ef: {  	v3 =	vpsel p0, v3, v4;
	v4 =	vmul.u32 $0x3200, v7  }
0x3f0: {  	v3 =	vshll.u32 v3, $0x8  }
0x3f1: {  	v3 =	vadd.s32 v3, v4  }
0x3f2: {  	vm0 =	veq.s32 v6, $0x1;
	v4 =	vor.u32 s19, v2;
	v3 =	vadd.s32 v5, v3  }
0x3f3: {  	s18 =	sadd.s32 $0x10, s18;
	v3 =	vsel vm0, v3, v4  }
0x3f4: {  	s22 =	simm.s32 $0xD780;
	[tilespmem:s18+$0x0] =	vst v3  }
0x3f5: {  	v3 =	vld [tilespmem:s22+$0xFFFFFE80]  }
0x3f6: {  	v4 =	vld [tilespmem:s22+$0xFFFFFF00];
	_ =	sdelay $0x2  }
0x3f7: {  	v5 =	vld [tilespmem:s22+$0x0]  }
0x3f8: {  	v62 =	vld [tilespmem:s22+$0xFFFFFF80];
	v63 =	vsub.s32 $0x31, v3  }
0x3f9: {  	v7 =	vpsel p0, v4, v63  }
0x3fa: {  	v3 =	vpsel p0, v3, v4;
	v4 =	vmul.u32 $0x3200, v7  }
0x3fb: {  	v3 =	vshll.u32 v3, $0x8  }
0x3fc: {  	s23 =	simm.s32 $0x9D180;
	v3 =	vadd.s32 v3, v4  }
0x3fd: {  	vm15 =	veq.s32 v62, $0x1;
	v4 =	vor.u32 s23, v2;
	v3 =	vadd.s32 v5, v3  }
0x3fe: {  	s18 =	simm.s32 $0xED80;
	v3 =	vsel vm15, v3, v4  }
0x3ff: {  	s20 =	simm.s32 $0xD790;
	[tilespmem:s18+$0x0] =	vst v3  }
0x400: {  	s21 =	simm.s32 $0x9D1A0;
	s19 =	simm.s32 $0x9D190;
	v3 =	vld [tilespmem:s20+$0xFFFFFE80]  }
.LBB2_67:
0x401: {  	p1 =	sne.s32 s21, $0x9D1F0;
	v4 =	vld [tilespmem:s20+$0xFFFFFF00];
	_ =	sdelay $0x2  }
0x402: {  	v5 =	vld [tilespmem:s20+$0x0]  }
0x403: {  	v6 =	vld [tilespmem:s20+$0xFFFFFF80];
	v7 =	vsub.s32 $0x31, v3  }
0x404: {  	v7 =	vpsel p0, v4, v7  }
0x405: {  	v3 =	vpsel p0, v3, v4;
	v4 =	vmul.u32 $0x3200, v7  }
0x406: {  	v3 =	vshll.u32 v3, $0x8  }
.Ltmp32:
0x407: {  	v3 =	vadd.s32 v3, v4;
	(pc) =	sbr.rel @p1 .LBB2_67-.Ltmp32, $4  }
0x408: {  	v4 =	vor.u32 s19, v2;
	s19 =	smov.u32 s21;
	v3 =	vadd.s32 v5, v3;
	vm0 =	veq.s32 v6, $0x1  }
0x409: {  	s18 =	sadd.s32 $0x10, s18;
	v3 =	vsel vm0, v3, v4  }
0x40a: {  	s20 =	sadd.s32 $0x10, s20;
	[tilespmem:s18+$0x0] =	vst v3  }
0x40b: {  	s21 =	sadd.s32 $0x10, s21;
	v3 =	vld [tilespmem:s20+$0xFFFFFE80]  }
0x40c: {  	v4 =	vld [tilespmem:s20+$0xFFFFFF00];
	_ =	sdelay $0x2  }
0x40d: {  	v5 =	vld [tilespmem:s20+$0x0]  }
0x40e: {  	v6 =	vld [tilespmem:s20+$0xFFFFFF80];
	v7 =	vsub.s32 $0x31, v3  }
0x40f: {  	v7 =	vpsel p0, v4, v7  }
0x410: {  	v3 =	vpsel p0, v3, v4;
	v4 =	vmul.u32 $0x3200, v7  }
0x411: {  	v3 =	vshll.u32 v3, $0x8  }
0x412: {  	v3 =	vadd.s32 v3, v4  }
0x413: {  	vm0 =	veq.s32 v6, $0x1;
	v4 =	vor.u32 s19, v2;
	v3 =	vadd.s32 v5, v3  }
0x414: {  	s18 =	sadd.s32 $0x10, s18;
	v3 =	vsel vm0, v3, v4  }
0x415: {  	s22 =	simm.s32 $0xD980;
	[tilespmem:s18+$0x0] =	vst v3  }
0x416: {  	v3 =	vld [tilespmem:s22+$0xFFFFFE80]  }
0x417: {  	v4 =	vld [tilespmem:s22+$0xFFFFFF00];
	_ =	sdelay $0x2  }
0x418: {  	v5 =	vld [tilespmem:s22+$0x0]  }
0x419: {  	v62 =	vld [tilespmem:s22+$0xFFFFFF80];
	v63 =	vsub.s32 $0x31, v3  }
0x41a: {  	v7 =	vpsel p0, v4, v63  }
0x41b: {  	v3 =	vpsel p0, v3, v4;
	v4 =	vmul.u32 $0x3200, v7  }
0x41c: {  	v3 =	vshll.u32 v3, $0x8  }
0x41d: {  	s23 =	simm.s32 $0x9D200;
	v3 =	vadd.s32 v3, v4  }
0x41e: {  	vm15 =	veq.s32 v62, $0x1;
	v4 =	vor.u32 s23, v2;
	v3 =	vadd.s32 v5, v3  }
0x41f: {  	s18 =	simm.s32 $0xEE00;
	v3 =	vsel vm15, v3, v4  }
0x420: {  	s20 =	simm.s32 $0xD990;
	[tilespmem:s18+$0x0] =	vst v3  }
0x421: {  	s21 =	simm.s32 $0x9D220;
	s19 =	simm.s32 $0x9D210;
	v3 =	vld [tilespmem:s20+$0xFFFFFE80]  }
.LBB2_69:
0x422: {  	p1 =	sne.s32 s21, $0x9D270;
	v4 =	vld [tilespmem:s20+$0xFFFFFF00];
	_ =	sdelay $0x2  }
0x423: {  	v5 =	vld [tilespmem:s20+$0x0]  }
0x424: {  	v6 =	vld [tilespmem:s20+$0xFFFFFF80];
	v7 =	vsub.s32 $0x31, v3  }
0x425: {  	v7 =	vpsel p0, v4, v7  }
0x426: {  	v3 =	vpsel p0, v3, v4;
	v4 =	vmul.u32 $0x3200, v7  }
0x427: {  	v3 =	vshll.u32 v3, $0x8  }
.Ltmp33:
0x428: {  	v3 =	vadd.s32 v3, v4;
	(pc) =	sbr.rel @p1 .LBB2_69-.Ltmp33, $4  }
0x429: {  	v4 =	vor.u32 s19, v2;
	s19 =	smov.u32 s21;
	v3 =	vadd.s32 v5, v3;
	vm0 =	veq.s32 v6, $0x1  }
0x42a: {  	s18 =	sadd.s32 $0x10, s18;
	v3 =	vsel vm0, v3, v4  }
0x42b: {  	s20 =	sadd.s32 $0x10, s20;
	[tilespmem:s18+$0x0] =	vst v3  }
0x42c: {  	s21 =	sadd.s32 $0x10, s21;
	v3 =	vld [tilespmem:s20+$0xFFFFFE80]  }
0x42d: {  	v4 =	vld [tilespmem:s20+$0xFFFFFF00];
	_ =	sdelay $0x2  }
0x42e: {  	v5 =	vld [tilespmem:s20+$0x0]  }
0x42f: {  	v6 =	vld [tilespmem:s20+$0xFFFFFF80];
	v7 =	vsub.s32 $0x31, v3  }
0x430: {  	v7 =	vpsel p0, v4, v7  }
0x431: {  	v3 =	vpsel p0, v3, v4;
	v4 =	vmul.u32 $0x3200, v7  }
0x432: {  	v3 =	vshll.u32 v3, $0x8  }
0x433: {  	v3 =	vadd.s32 v3, v4  }
0x434: {  	vm0 =	veq.s32 v6, $0x1;
	v4 =	vor.u32 s19, v2;
	v3 =	vadd.s32 v5, v3  }
0x435: {  	s18 =	sadd.s32 $0x10, s18;
	v3 =	vsel vm0, v3, v4  }
0x436: {  	s22 =	simm.s32 $0xDB80;
	[tilespmem:s18+$0x0] =	vst v3  }
0x437: {  	v3 =	vld [tilespmem:s22+$0xFFFFFE80]  }
0x438: {  	v4 =	vld [tilespmem:s22+$0xFFFFFF00];
	_ =	sdelay $0x2  }
0x439: {  	v5 =	vld [tilespmem:s22+$0x0]  }
0x43a: {  	v62 =	vld [tilespmem:s22+$0xFFFFFF80];
	v63 =	vsub.s32 $0x31, v3  }
0x43b: {  	v7 =	vpsel p0, v4, v63  }
0x43c: {  	v3 =	vpsel p0, v3, v4;
	v4 =	vmul.u32 $0x3200, v7  }
0x43d: {  	v3 =	vshll.u32 v3, $0x8  }
0x43e: {  	s23 =	simm.s32 $0x9D280;
	v3 =	vadd.s32 v3, v4  }
0x43f: {  	vm15 =	veq.s32 v62, $0x1;
	v4 =	vor.u32 s23, v2;
	v3 =	vadd.s32 v5, v3  }
0x440: {  	s18 =	simm.s32 $0xEE80;
	v3 =	vsel vm15, v3, v4  }
0x441: {  	s20 =	simm.s32 $0xDB90;
	[tilespmem:s18+$0x0] =	vst v3  }
0x442: {  	s21 =	simm.s32 $0x9D2A0;
	s19 =	simm.s32 $0x9D290;
	v3 =	vld [tilespmem:s20+$0xFFFFFE80]  }
.LBB2_71:
0x443: {  	p1 =	sne.s32 s21, $0x9D2F0;
	v4 =	vld [tilespmem:s20+$0xFFFFFF00];
	_ =	sdelay $0x2  }
0x444: {  	v5 =	vld [tilespmem:s20+$0x0]  }
0x445: {  	v6 =	vld [tilespmem:s20+$0xFFFFFF80];
	v7 =	vsub.s32 $0x31, v3  }
0x446: {  	v7 =	vpsel p0, v4, v7  }
0x447: {  	v3 =	vpsel p0, v3, v4;
	v4 =	vmul.u32 $0x3200, v7  }
0x448: {  	v3 =	vshll.u32 v3, $0x8  }
.Ltmp34:
0x449: {  	v3 =	vadd.s32 v3, v4;
	(pc) =	sbr.rel @p1 .LBB2_71-.Ltmp34, $4  }
0x44a: {  	v4 =	vor.u32 s19, v2;
	s19 =	smov.u32 s21;
	v3 =	vadd.s32 v5, v3;
	vm0 =	veq.s32 v6, $0x1  }
0x44b: {  	s18 =	sadd.s32 $0x10, s18;
	v3 =	vsel vm0, v3, v4  }
0x44c: {  	s20 =	sadd.s32 $0x10, s20;
	[tilespmem:s18+$0x0] =	vst v3  }
0x44d: {  	s21 =	sadd.s32 $0x10, s21;
	v3 =	vld [tilespmem:s20+$0xFFFFFE80]  }
0x44e: {  	v4 =	vld [tilespmem:s20+$0xFFFFFF00];
	_ =	sdelay $0x2  }
0x44f: {  	v5 =	vld [tilespmem:s20+$0x0]  }
0x450: {  	v6 =	vld [tilespmem:s20+$0xFFFFFF80];
	v7 =	vsub.s32 $0x31, v3  }
0x451: {  	v7 =	vpsel p0, v4, v7  }
0x452: {  	v3 =	vpsel p0, v3, v4;
	v4 =	vmul.u32 $0x3200, v7  }
0x453: {  	v3 =	vshll.u32 v3, $0x8  }
0x454: {  	v3 =	vadd.s32 v3, v4  }
0x455: {  	vm0 =	veq.s32 v6, $0x1;
	v4 =	vor.u32 s19, v2;
	v3 =	vadd.s32 v5, v3  }
0x456: {  	s18 =	sadd.s32 $0x10, s18;
	v3 =	vsel vm0, v3, v4  }
0x457: {  	s22 =	simm.s32 $0xDD80;
	[tilespmem:s18+$0x0] =	vst v3  }
0x458: {  	v3 =	vld [tilespmem:s22+$0xFFFFFE80]  }
0x459: {  	v4 =	vld [tilespmem:s22+$0xFFFFFF00];
	_ =	sdelay $0x2  }
0x45a: {  	v5 =	vld [tilespmem:s22+$0x0]  }
0x45b: {  	v62 =	vld [tilespmem:s22+$0xFFFFFF80];
	v63 =	vsub.s32 $0x31, v3  }
0x45c: {  	v7 =	vpsel p0, v4, v63  }
0x45d: {  	v3 =	vpsel p0, v3, v4;
	v4 =	vmul.u32 $0x3200, v7  }
0x45e: {  	v3 =	vshll.u32 v3, $0x8  }
0x45f: {  	s23 =	simm.s32 $0x9D300;
	v3 =	vadd.s32 v3, v4  }
0x460: {  	vm15 =	veq.s32 v62, $0x1;
	v4 =	vor.u32 s23, v2;
	v3 =	vadd.s32 v5, v3  }
0x461: {  	s18 =	simm.s32 $0xEF00;
	v3 =	vsel vm15, v3, v4  }
0x462: {  	s20 =	simm.s32 $0xDD90;
	[tilespmem:s18+$0x0] =	vst v3  }
0x463: {  	s21 =	simm.s32 $0x9D320;
	s19 =	simm.s32 $0x9D310;
	v3 =	vld [tilespmem:s20+$0xFFFFFE80]  }
.LBB2_73:
0x464: {  	p1 =	sne.s32 s21, $0x9D370;
	v4 =	vld [tilespmem:s20+$0xFFFFFF00];
	_ =	sdelay $0x2  }
0x465: {  	v5 =	vld [tilespmem:s20+$0x0]  }
0x466: {  	v6 =	vld [tilespmem:s20+$0xFFFFFF80];
	v7 =	vsub.s32 $0x31, v3  }
0x467: {  	v7 =	vpsel p0, v4, v7  }
0x468: {  	v3 =	vpsel p0, v3, v4;
	v4 =	vmul.u32 $0x3200, v7  }
0x469: {  	v3 =	vshll.u32 v3, $0x8  }
.Ltmp35:
0x46a: {  	v3 =	vadd.s32 v3, v4;
	(pc) =	sbr.rel @p1 .LBB2_73-.Ltmp35, $4  }
0x46b: {  	v4 =	vor.u32 s19, v2;
	s19 =	smov.u32 s21;
	v3 =	vadd.s32 v5, v3;
	vm0 =	veq.s32 v6, $0x1  }
0x46c: {  	s18 =	sadd.s32 $0x10, s18;
	v3 =	vsel vm0, v3, v4  }
0x46d: {  	s20 =	sadd.s32 $0x10, s20;
	[tilespmem:s18+$0x0] =	vst v3  }
0x46e: {  	s21 =	sadd.s32 $0x10, s21;
	v3 =	vld [tilespmem:s20+$0xFFFFFE80]  }
0x46f: {  	v4 =	vld [tilespmem:s20+$0xFFFFFF00];
	_ =	sdelay $0x2  }
0x470: {  	v5 =	vld [tilespmem:s20+$0x0]  }
0x471: {  	v6 =	vld [tilespmem:s20+$0xFFFFFF80];
	v7 =	vsub.s32 $0x31, v3  }
0x472: {  	v7 =	vpsel p0, v4, v7  }
0x473: {  	v3 =	vpsel p0, v3, v4;
	v4 =	vmul.u32 $0x3200, v7  }
0x474: {  	v3 =	vshll.u32 v3, $0x8  }
0x475: {  	v3 =	vadd.s32 v3, v4  }
0x476: {  	vm0 =	veq.s32 v6, $0x1;
	v4 =	vor.u32 s19, v2;
	v3 =	vadd.s32 v5, v3  }
0x477: {  	s18 =	sadd.s32 $0x10, s18;
	v3 =	vsel vm0, v3, v4  }
0x478: {  	s22 =	simm.s32 $0xDF80;
	[tilespmem:s18+$0x0] =	vst v3  }
0x479: {  	v3 =	vld [tilespmem:s22+$0xFFFFFE80]  }
0x47a: {  	v4 =	vld [tilespmem:s22+$0xFFFFFF00];
	_ =	sdelay $0x2  }
0x47b: {  	v5 =	vld [tilespmem:s22+$0x0]  }
0x47c: {  	v62 =	vld [tilespmem:s22+$0xFFFFFF80];
	v63 =	vsub.s32 $0x31, v3  }
0x47d: {  	v7 =	vpsel p0, v4, v63  }
0x47e: {  	v3 =	vpsel p0, v3, v4;
	v4 =	vmul.u32 $0x3200, v7  }
0x47f: {  	v3 =	vshll.u32 v3, $0x8  }
0x480: {  	s23 =	simm.s32 $0x9D380;
	v3 =	vadd.s32 v3, v4  }
0x481: {  	vm15 =	veq.s32 v62, $0x1;
	v4 =	vor.u32 s23, v2;
	v3 =	vadd.s32 v5, v3  }
0x482: {  	s18 =	simm.s32 $0xEF80;
	v3 =	vsel vm15, v3, v4  }
0x483: {  	s20 =	simm.s32 $0xDF90;
	[tilespmem:s18+$0x0] =	vst v3  }
0x484: {  	s21 =	simm.s32 $0x9D3A0;
	s19 =	simm.s32 $0x9D390;
	v3 =	vld [tilespmem:s20+$0xFFFFFE80]  }
.LBB2_75:
0x485: {  	p1 =	sne.s32 s21, $0x9D3F0;
	v4 =	vld [tilespmem:s20+$0xFFFFFF00];
	_ =	sdelay $0x2  }
0x486: {  	v5 =	vld [tilespmem:s20+$0x0]  }
0x487: {  	v6 =	vld [tilespmem:s20+$0xFFFFFF80];
	v7 =	vsub.s32 $0x31, v3  }
0x488: {  	v7 =	vpsel p0, v4, v7  }
0x489: {  	v3 =	vpsel p0, v3, v4;
	v4 =	vmul.u32 $0x3200, v7  }
0x48a: {  	v3 =	vshll.u32 v3, $0x8  }
.Ltmp36:
0x48b: {  	v3 =	vadd.s32 v3, v4;
	(pc) =	sbr.rel @p1 .LBB2_75-.Ltmp36, $4  }
0x48c: {  	v4 =	vor.u32 s19, v2;
	s19 =	smov.u32 s21;
	v3 =	vadd.s32 v5, v3;
	vm0 =	veq.s32 v6, $0x1  }
0x48d: {  	s18 =	sadd.s32 $0x10, s18;
	v3 =	vsel vm0, v3, v4  }
0x48e: {  	s20 =	sadd.s32 $0x10, s20;
	[tilespmem:s18+$0x0] =	vst v3  }
0x48f: {  	s21 =	sadd.s32 $0x10, s21;
	v3 =	vld [tilespmem:s20+$0xFFFFFE80]  }
0x490: {  	v4 =	vld [tilespmem:s20+$0xFFFFFF00];
	_ =	sdelay $0x2  }
0x491: {  	v5 =	vld [tilespmem:s20+$0x0]  }
0x492: {  	v6 =	vld [tilespmem:s20+$0xFFFFFF80];
	v7 =	vsub.s32 $0x31, v3  }
0x493: {  	v7 =	vpsel p0, v4, v7  }
0x494: {  	v3 =	vpsel p0, v3, v4;
	v62 =	vmul.u32 $0x3200, v7  }
0x495: {  	v3 =	vshll.u32 v3, $0x8  }
0x496: {  	v3 =	vadd.s32 v3, v62  }
0x497: {  	v63 =	vor.u32 s19, v2;
	vm0 =	veq.s32 v6, $0x1;
	v3 =	vadd.s32 v5, v3  }
0x498: {  	s18 =	sadd.s32 $0x10, s18;
	v3 =	vsel vm0, v3, v63  }
0x499: {  	s23 =	simm.s32 $0xE000;
	[tilespmem:s18+$0x0] =	vst v3  }
0x49a: {  	[spmem:s2] =	stream.indirect.scatter.add.f32 [tilespmem:s10], [sflag:$0x1], $0x1, s23, s9, $0xb8;
	[tilespmem:$0x11880] =	vst v63  }
0x49b: {  	s18 =	simm.s32 $0x200;
	_ =	swait.ge [sflag:s8], $0x80  }
.LBB2_77:
0x49c: {  	s19 =	sshra.s32 s18, $0x2;
	[sflag:s8] =	ssyncset.done $0x0;
	p1 =	sne.s32 s18, $0x3E00  }
.Ltmp37:
0x49d: {  	s19 =	sadd.s32 $0xE000, s19;
	[sflag:s8] =	ssyncadd.s32 $0xFFFFFF80;
	(pc) =	sbr.rel @p1 .LBB2_77-.Ltmp37, $3  }
0x49e: {  	[spmem:s2] =	stream.indirect.scatter.add.f32 [tilespmem:s10], [sflag:$0x1], $0x1, s19, s9, $0xb8;
	[tilespmem:$0x11880] =	vst v63  }
0x49f: {  	s18 =	sadd.s32 $0x200, s18;
	_ =	sdelay $0x1  }
0x4a0: {  	_ =	swait.ge [sflag:s8], $0x80  }
0x4a1: {  	s17 =	sadd.s32 $0x1, s17  }
0x4a2: {  	p1 =	sne.s32 s17, $0x5  }
.Ltmp38:
0x4a3: {  	_ = 	snop;
	(pc) =	sbr.rel @p1 .LBB2_4-.Ltmp38, $3  }
0x4a4: {  	_ =	sdelay $0x1  }
0x4a5: {  	[sflag:s8] =	ssyncset.done $0x0  }
0x4a6: {  	[sflag:s8] =	ssyncadd.s32 $0xFFFFFF80  }
0x4a7: {  	[bflag:$0x0] =	sbarrier.arrive $0xFFFF  }
0x4a8: {  	s17 =	rddreg [dreg:$0xc]  }
0x4a9: {  	[tilespmem:s11], [sflag:$0x2] =	stream.linear.gather [spmem:s17], $0x1388, $0x38;
	[tilespmem:$0x11880] =	vst v63  }
0x4aa: {  	_ =	swait.ge [sflag:s12], $0x1388  }
0x4ab: {  	[sflag:s12] =	ssyncset.done $0x0  }
0x4ac: {  	s22 =	rddreg [dreg:$0x4];
	[sflag:s12] =	ssyncadd.s32 $0xFFFFEC78  }
0x4ad: {  	[hbm4b:s22+s3] =	stream.linear.scatter [tilespmem:s11], [sflag:$0x1], $0x1388, $0x38;
	[tilespmem:$0x11880] =	vst v63  }
0x4ae: {  	_ =	swait.ge [sflag:s8], $0x1388  }
0x4af: {  	[sflag:s8] =	ssyncset.done $0x0  }
0x4b0: {  	s23 =	rddreg [dreg:$0xe];
	[sflag:s8] =	ssyncadd.s32 $0xFFFFEC78  }
0x4b1: {  	[tilespmem:s11], [sflag:$0x2] =	stream.linear.gather [spmem:s23], $0x1388, $0x38;
	[tilespmem:$0x11880] =	vst v63  }
0x4b2: {  	_ =	swait.ge [sflag:s12], $0x1388  }
0x4b3: {  	[sflag:s12] =	ssyncset.done $0x0  }
0x4b4: {  	s18 =	rddreg [dreg:$0x5];
	[sflag:s12] =	ssyncadd.s32 $0xFFFFEC78  }
0x4b5: {  	[hbm4b:s18+s3] =	stream.linear.scatter [tilespmem:s11], [sflag:$0x1], $0x1388, $0x38;
	[tilespmem:$0x11880] =	vst v63  }
0x4b6: {  	_ =	swait.ge [sflag:s8], $0x1388  }
0x4b7: {  	[sflag:s8] =	ssyncset.done $0x0  }
0x4b8: {  	s19 =	rddreg [dreg:$0xf];
	[sflag:s8] =	ssyncadd.s32 $0xFFFFEC78  }
0x4b9: {  	[tilespmem:s11], [sflag:$0x2] =	stream.linear.gather [spmem:s19], $0x1388, $0x38;
	[tilespmem:$0x11880] =	vst v63  }
0x4ba: {  	_ =	swait.ge [sflag:s12], $0x1388  }
0x4bb: {  	[sflag:s12] =	ssyncset.done $0x0  }
0x4bc: {  	s20 =	rddreg [dreg:$0x6];
	[sflag:s12] =	ssyncadd.s32 $0xFFFFEC78  }
0x4bd: {  	[hbm4b:s20+s3] =	stream.linear.scatter [tilespmem:s11], [sflag:$0x1], $0x1388, $0x38;
	[tilespmem:$0x11880] =	vst v63  }
0x4be: {  	_ =	swait.ge [sflag:s8], $0x1388  }
0x4bf: {  	[sflag:s8] =	ssyncset.done $0x0  }
0x4c0: {  	s21 =	rddreg [dreg:$0x10];
	[sflag:s8] =	ssyncadd.s32 $0xFFFFEC78  }
0x4c1: {  	[tilespmem:s11], [sflag:$0x2] =	stream.linear.gather [spmem:s21], $0x1388, $0x38;
	[tilespmem:$0x11880] =	vst v63  }
0x4c2: {  	_ =	swait.ge [sflag:s12], $0x1388  }
0x4c3: {  	[sflag:s12] =	ssyncset.done $0x0  }
0x4c4: {  	s22 =	rddreg [dreg:$0x7];
	[sflag:s12] =	ssyncadd.s32 $0xFFFFEC78  }
0x4c5: {  	[hbm4b:s22+s3] =	stream.linear.scatter [tilespmem:s11], [sflag:$0x1], $0x1388, $0x38;
	[tilespmem:$0x11880] =	vst v63  }
0x4c6: {  	_ =	swait.ge [sflag:s8], $0x1388  }
0x4c7: {  	[sflag:s8] =	ssyncset.done $0x0  }
0x4c8: {  	s23 =	rddreg [dreg:$0x11];
	[sflag:s8] =	ssyncadd.s32 $0xFFFFEC78  }
0x4c9: {  	[tilespmem:s11], [sflag:$0x2] =	stream.linear.gather [spmem:s23], $0x1388, $0x38;
	[tilespmem:$0x11880] =	vst v63  }
0x4ca: {  	_ =	swait.ge [sflag:s12], $0x1388  }
0x4cb: {  	[sflag:s12] =	ssyncset.done $0x0  }
0x4cc: {  	s18 =	rddreg [dreg:$0x8];
	[sflag:s12] =	ssyncadd.s32 $0xFFFFEC78  }
0x4cd: {  	[hbm4b:s18+s3] =	stream.linear.scatter [tilespmem:s11], [sflag:$0x1], $0x1388, $0x38;
	[tilespmem:$0x11880] =	vst v63  }
0x4ce: {  	_ =	swait.ge [sflag:s8], $0x1388  }
0x4cf: {  	[sflag:s8] =	ssyncset.done $0x0  }
0x4d0: {  	s19 =	rddreg [dreg:$0x12];
	[sflag:s8] =	ssyncadd.s32 $0xFFFFEC78  }
0x4d1: {  	[tilespmem:s11], [sflag:$0x2] =	stream.linear.gather [spmem:s19], $0x1388, $0x38;
	[tilespmem:$0x11880] =	vst v63  }
0x4d2: {  	_ =	swait.ge [sflag:s12], $0x1388  }
0x4d3: {  	[sflag:s12] =	ssyncset.done $0x0  }
0x4d4: {  	s20 =	rddreg [dreg:$0x9];
	[sflag:s12] =	ssyncadd.s32 $0xFFFFEC78  }
0x4d5: {  	[hbm4b:s20+s3] =	stream.linear.scatter [tilespmem:s11], [sflag:$0x1], $0x1388, $0x38;
	[tilespmem:$0x11880] =	vst v63  }
0x4d6: {  	_ =	swait.ge [sflag:s8], $0x1388  }
0x4d7: {  	[sflag:s8] =	ssyncset.done $0x0  }
0x4d8: {  	[sflag:s8] =	ssyncadd.s32 $0xFFFFEC78  }
0x4d9: {  	[tilespmem:s11], [sflag:$0x2] =	stream.linear.gather [spmem:s24], $0x1388, $0x38;
	[tilespmem:$0x11880] =	vst v63  }
0x4da: {  	_ =	swait.ge [sflag:s12], $0x1388  }
0x4db: {  	[sflag:s12] =	ssyncset.done $0x0  }
0x4dc: {  	s21 =	rddreg [dreg:$0xa];
	[sflag:s12] =	ssyncadd.s32 $0xFFFFEC78  }
0x4dd: {  	[hbm4b:s21+s3] =	stream.linear.scatter [tilespmem:s11], [sflag:$0x1], $0x1388, $0x38;
	[tilespmem:$0x11880] =	vst v63  }
0x4de: {  	_ =	swait.ge [sflag:s8], $0x1388  }
0x4df: {  	[sflag:s8] =	ssyncset.done $0x0  }
0x4e0: {  	[sflag:s8] =	ssyncadd.s32 $0xFFFFEC78  }
0x4e1: {  	[tilespmem:s11], [sflag:$0x2] =	stream.linear.gather [spmem:s25], $0x1388, $0x38;
	[tilespmem:$0x11880] =	vst v63  }
0x4e2: {  	_ =	swait.ge [sflag:s12], $0x1388  }
0x4e3: {  	[sflag:s12] =	ssyncset.done $0x0  }
0x4e4: {  	s22 =	rddreg [dreg:$0xb];
	[sflag:s12] =	ssyncadd.s32 $0xFFFFEC78  }
0x4e5: {  	[hbm4b:s22+s3] =	stream.linear.scatter [tilespmem:s11], [sflag:$0x1], $0x1388, $0x38;
	[tilespmem:$0x11880] =	vst v63  }
0x4e6: {  	_ =	swait.ge [sflag:s8], $0x1388  }
0x4e7: {  	s13 =	sadd.s32 $0x1, s13;
	s23 =	rddreg [dreg:$0xd]  }
0x4e8: {  	p1 =	sne.s32 s13, s23  }
.Ltmp39:
0x4e9: {  	_ = 	snop;
	(pc) =	sbr.rel @p1 .LBB2_1-.Ltmp39, $3  }
0x4ea: {  	_ =	sdelay $0x1  }
0x4eb: {  	[sflag:s8] =	ssyncset.done $0x0  }
0x4ec: {  	[sflag:s8] =	ssyncadd.s32 $0xFFFFEC78  }
0x4ed: {  	_ =	sfence.sel $0x180000  }
0x4ee: {  	[bflag:$0x0] =	sbarrier.arrive $0xFFFF  }
0x4ef: {  	_ =	strace $0x90000047  }
0x4f0: {  	s0 =	stileid.u32;
	[bflag:$0x2] =	sbarrier.arrive $0xFFFF  }
0x4f1: {  	p0 =	sne.s32 s0, $0x0;
	s0 =	rddreg [dreg:$0x3]  }
0x4f2: {  	s0 =	sadd.s32 @!p0 $0x100000, s0  }
0x4f3: {  	[sflag:s0] =	ssyncadd.tile.s32 @!p0 $0x1;
	_ =	shalt  }
.Lfunc_end2:
_tile_overlayer_lowered:
.L_overlay_start_2:
0x4f4: {  	(tag) =	ssettag $0x2  }
0x4f5: {  	s0 =	rddreg [dreg:$0x0];
	s2 =	stileid.u32  }
0x4f6: {  	s1 =	rddreg [dreg:$0x1];
	p0 =	sne.s32 s2, $0x0  }
0x4f7: {  	s3 =	rddreg [dreg:$0x2];
	[bflag:$0x3] =	sbarrier.arrive $0xFFFF;
	s2 =	simm.s32 @!p0 $0x1C01  }
0x4f8: {  	[timem:s3], [sflag:s2] =	dma.local @!p0 [hbm:s0], s1  }
0x4f9: {  	s0 =	simm.s32 @!p0 $0x1  }
0x4fa: {  	_ =	swait.ge @!p0 [sflag:s0], s1  }
0x4fb: {  	s1 =	ssub.s32 @!p0 $0x0, s1;
	[sflag:s0] =	ssyncset.done @!p0 $0x0  }
0x4fc: {  	[sflag:s0] =	ssyncadd.s32 @!p0 s1  }
0x4fd: {  	[bflag:$0x3] =	sbarrier.arrive $0xFFFF  }
0x4fe: {  	_ =	shalt  }

</sc_bundles>
